<compile_context>
chip_gen: v7x
topology: tpu7x:2x2x1
jax: 0.10.2.dev20260603
libtpu: 0.0.44.dev20260713+nightly
codegen_flags: <defaults>
</compile_context>

<pallas_src>
import functools

import jax
import jax.numpy as jnp
from jax import lax
from jax.experimental import pallas as pl
from jax.experimental.pallas import tpu as pltpu
from jax.experimental.pallas import tpu_sc as plsc

BR = 256
BC = 4096
G = 16
K = 16

F32_INF = float("inf")
I32_BIG = 1 << 30


def _group_body(x_test_ref, x_train_ref, dist_ref, grp_ref,
                gm_scratch, a2_scratch, b2_scratch):
    r = pl.program_id(0)
    c = pl.program_id(1)
    n_groups = gm_scratch.shape[1]
    gpb = BC // G

    a = x_test_ref[...]
    b = x_train_ref[...]

    @pl.when(c == 0)
    def _a_norms():
        a2_scratch[...] = jnp.sum(a * a, axis=1, keepdims=True)

    @pl.when(r == 0)
    def _b_norms():
        b2_scratch[:, pl.ds(c * BC, BC)] = jnp.sum(b * b, axis=1)[None, :]

    a2 = a2_scratch[...]
    b2 = b2_scratch[:, pl.ds(c * BC, BC)]
    mm = lax.dot_general(a, b, (((1,), (1,)), ((), ())),
                         preferred_element_type=jnp.float32)
    d2 = (a2 + b2) - 2.0 * mm
    dist = jnp.sqrt(jnp.maximum(d2, 0.0))
    dist_ref[...] = dist

    m = dist
    for s in (1, 2, 4, 8):
        m = jnp.minimum(m, pltpu.roll(m, BC - s, 1))
    io_l = lax.broadcasted_iota(jnp.int32, (BC, gpb), 0)
    io_g = lax.broadcasted_iota(jnp.int32, (BC, gpb), 1)
    sel = (io_l == G * io_g).astype(jnp.float32)
    gm = lax.dot_general(m, sel, (((1,), (0,)), ((), ())),
                         precision=lax.Precision.HIGHEST,
                         preferred_element_type=jnp.float32)
    gm_scratch[:, pl.ds(c * gpb, gpb)] = gm

    @pl.when(c == pl.num_programs(1) - 1)
    def _select():
        g = gm_scratch[...]
        iota_g = lax.broadcasted_iota(jnp.int32, (BR, n_groups), 1)
        thr = jnp.full((BR, 1), -F32_INF, jnp.float32)
        last = jnp.full((BR, 1), -1, jnp.int32)
        cols = []
        for _k in range(K):
            elig = (g > thr) | ((g == thr) & (iota_g > last))
            v = jnp.where(elig, g, F32_INF)
            cm = jnp.min(v, axis=1, keepdims=True)
            cmi = jnp.min(jnp.where(v == cm, iota_g, I32_BIG),
                          axis=1, keepdims=True)
            thr, last = cm, cmi
            cols.append(cmi)
        grp_ref[...] = jnp.concatenate(cols, axis=1)


def _topk_groups(x_train, x_test):
    n_test, d = x_test.shape
    n_train = x_train.shape[0]
    grid = (n_test // BR, n_train // BC)
    return pl.pallas_call(
        _group_body,
        grid=grid,
        in_specs=[
            pl.BlockSpec((BR, d), lambda r, c: (r, 0)),
            pl.BlockSpec((BC, d), lambda r, c: (c, 0)),
        ],
        out_specs=[
            pl.BlockSpec((BR, BC), lambda r, c: (r, c)),
            pl.BlockSpec((BR, K), lambda r, c: (r, 0)),
        ],
        out_shape=[
            jax.ShapeDtypeStruct((n_test, n_train), jnp.float32),
            jax.ShapeDtypeStruct((n_test, K), jnp.int32),
        ],
        scratch_shapes=[
            pltpu.VMEM((BR, n_train // G), jnp.float32),
            pltpu.VMEM((BR, 1), jnp.float32),
            pltpu.VMEM((1, n_train), jnp.float32),
        ],
        compiler_params=pltpu.CompilerParams(
            dimension_semantics=("arbitrary", "arbitrary")),
    )(x_test, x_train)


def _vote_argmax(y_train, w_train, grp_flat, dist, n_test, n_bins):
    info = plsc.get_sparse_core_info()
    nc, ns, nl = info.num_cores, info.num_subcores, info.num_lanes
    nw = nc * ns
    rows_per_w = n_test // nw
    n_train = y_train.shape[0]
    mesh = plsc.VectorSubcoreMesh(core_axis_name="c", subcore_axis_name="s")

    @functools.partial(
        pl.kernel, mesh=mesh,
        out_type=jax.ShapeDtypeStruct((n_test,), jnp.int32),
        compiler_params=pltpu.CompilerParams(needs_layout_passes=False),
        scratch_types=[
            pltpu.VMEM((n_train,), jnp.int32),
            pltpu.VMEM((n_train,), jnp.float32),
            pltpu.VMEM((rows_per_w * K,), jnp.int32),
            pltpu.VMEM((4, n_train), jnp.float32),
            pltpu.VMEM((n_bins,), jnp.float32),
            pltpu.VMEM((rows_per_w,), jnp.int32),
        ],
    )
    def sc_kernel(y_hbm, w_hbm, grp_hbm, dist_hbm, out_hbm,
                  y_v, w_v, grp_v, row_v, vote_v, res_v):
        wid = lax.axis_index("s") * nc + lax.axis_index("c")
        base = wid * rows_per_w
        pltpu.sync_copy(y_hbm, y_v)
        pltpu.sync_copy(w_hbm, w_v)
        pltpu.sync_copy(grp_hbm.at[pl.ds(base * K, rows_per_w * K)], grp_v)

        zeros16 = jnp.zeros((nl,), jnp.float32)
        lane = lax.broadcasted_iota(jnp.int32, (nl,), 0)

        def batch_body(bt, bcarry):
            pltpu.sync_copy(dist_hbm.at[pl.ds(base + bt * 4, 4)], row_v)
            lax.fori_loop(0, 4, lambda q, c2: row_body(bt * 4 + q, q, c2), 0)
            return bcarry

        def row_body(r, q, carry):
            def zero_body(i, zc):
                vote_v[pl.ds(i * nl, nl)] = zeros16
                return zc

            lax.fori_loop(0, n_bins // nl, zero_body, 0)

            tvecs, vals = [], []
            for j in range(K):
                gb = plsc.load_gather(
                    grp_v, [jnp.full((nl,), r * K + j, jnp.int32)])
                tvec = gb * G + lane
                tvecs.append(tvec)
                vals.append(plsc.load_gather(
                    row_v, [jnp.full((nl,), q, jnp.int32), tvec]))

            acc, _ = plsc.sort_key_val(vals[0], vals[0])
            cnt = jnp.zeros((nl,), jnp.int32)
            for j in range(1, K):
                cj, _ = plsc.sort_key_val(vals[j], vals[j])
                mrg = jnp.minimum(acc, lax.rev(cj, (0,)))
                acc, _ = plsc.sort_key_val(mrg, mrg)
            t = jnp.max(acc)

            for j in range(K):
                cnt = cnt + plsc.all_reduce_population_count(vals[j] <= t)
            n_le = jnp.max(cnt)

            @pl.when(n_le == K)
            def _common():
                for j in range(K):
                    lab = plsc.load_gather(y_v, [tvecs[j]])
                    wt = plsc.load_gather(w_v, [tvecs[j]])
                    plsc.addupdate_scatter(vote_v, [lab], wt,
                                           mask=vals[j] <= t)

            @pl.when(n_le != K)
            def _rare():
                def ext_body(_k, ecarry):
                    thr, lastg = ecarry
                    bv = jnp.full((nl,), F32_INF, jnp.float32)
                    bi = jnp.full((nl,), I32_BIG, jnp.int32)
                    for j in range(K):
                        v = vals[j]
                        tvec = tvecs[j]
                        elig = (v > thr) | ((v == thr) & (tvec > lastg))
                        vv = jnp.where(elig, v, F32_INF)
                        mv = jnp.min(vv)
                        mi = jnp.min(jnp.where(vv == mv, tvec, I32_BIG))
                        take = (mv < bv) | ((mv == bv) & (mi < bi))
                        bv = jnp.where(take, mv, bv)
                        bi = jnp.where(take, mi, bi)
                    lab = plsc.load_gather(y_v, [bi])
                    wt = plsc.load_gather(w_v, [bi])
                    plsc.addupdate_scatter(vote_v, [lab], wt,
                                           mask=lane == 0)
                    return (bv, bi)

                lax.fori_loop(0, K, ext_body,
                              (jnp.full((nl,), -F32_INF, jnp.float32),
                               jnp.full((nl,), -1, jnp.int32)))

            def amax_body(cb, mcarry):
                m, mi = mcarry
                v = vote_v[pl.ds(cb * nl, nl)]
                io = lane + cb * nl
                upd = v > m
                return (jnp.where(upd, v, m), jnp.where(upd, io, mi))

            m, mi = lax.fori_loop(
                0, n_bins // nl, amax_body,
                (jnp.full((nl,), -F32_INF, jnp.float32),
                 jnp.full((nl,), I32_BIG, jnp.int32)))
            best = jnp.min(jnp.where(m == jnp.max(m), mi, I32_BIG))
            plsc.store_scatter(res_v, [jnp.full((nl,), r, jnp.int32)],
                               jnp.full((nl,), best, jnp.int32),
                               mask=lane == 0)
            return carry

        lax.fori_loop(0, rows_per_w // 4, batch_body, 0)
        pltpu.sync_copy(res_v, out_hbm.at[pl.ds(base, rows_per_w)])

    return sc_kernel(y_train, w_train, grp_flat, dist)


def kernel(x_train, y_train, x_test, w_train):
    n = x_test.shape[0]
    h = n // 2
    outs = []
    for lo in (0, h):
        dist, grp = _topk_groups(x_train, lax.slice(x_test, (lo, 0),
                                                    (lo + h, x_test.shape[1])))
        outs.append(_vote_argmax(y_train, w_train, grp.reshape(-1), dist,
                                 h, 1024))
    return jnp.concatenate(outs)

# --- scband reference (transcript-rebuilt; emitter-appended) ---
"""Pipeline reference for scband-knn-55473797595560 (READ-ONLY COPY).

The authoritative reference and input builder live on the scoring server;
editing this copy changes nothing except your own understanding.
"""

import jax, jax.numpy as jnp
import numpy as np

K = 16
N_TRAIN = 16384
N_TEST = 1024
D = 256
N_CLASSES = 1000


def _cdist(a, b):
    a2 = jnp.sum(a * a, axis=1, keepdims=True)
    b2 = jnp.sum(b * b, axis=1, keepdims=True)
    d2 = a2 + b2.T - 2.0 * (a @ b.T)
    return jnp.sqrt(jnp.maximum(d2, 0.0))


def setup_inputs(seed: int = 0) -> dict:
    key = jax.random.key(seed)
    k1, k2, k3, k4 = jax.random.split(key, 4)
    return {
        "x_train": jax.random.normal(k1, (N_TRAIN, D), dtype=jnp.float32),
        "y_train": jax.random.randint(k2, (N_TRAIN,), 0, N_CLASSES, dtype=jnp.int32),
        "x_test": jax.random.normal(k3, (N_TEST, D), dtype=jnp.float32),
        "w_train": jax.random.uniform(k4, (N_TRAIN,), dtype=jnp.float32),
    }


def reference(x_train, y_train, x_test, w_train):
    dists = _cdist(x_test, x_train)
    _, indices = jax.lax.top_k(-dists, K)  # k smallest distances
    knn_labels = y_train[indices]  # computed in original forward (unused in output)
    n_test = x_test.shape[0]
    n_train = x_train.shape[0]
    rows = jnp.broadcast_to(jnp.arange(n_test)[:, None], indices.shape)
    labels = y_train[indices]
    weights = w_train[indices]
    vote_pool = jnp.zeros((n_test, n_train), dtype=jnp.float32).at[rows, labels].add(weights)
    max_indices = jnp.argmax(vote_pool, axis=1)
    return max_indices

if __name__ == "__main__":
    import jax
    _d = setup_inputs()
    print(jax.jit(kernel)(*tuple(_d.values())))

</pallas_src>

<mosaic_0001>
#map = affine_map<(d0, d1) -> (0)>
#map1 = affine_map<(d0, d1) -> (0, 0)>
module attributes {stable_mosaic.version = 14 : i64} {
  func.func @sc_kernel(%arg0: i32, %arg1: i32, %arg2: memref<16384xi32, #tpu.memory_space<hbm>>, %arg3: memref<16384xf32, #tpu.memory_space<hbm>>, %arg4: memref<8192xi32, #tpu.memory_space<hbm>>, %arg5: memref<512x16384xf32, #tpu.memory_space<hbm>>, %arg6: memref<512xi32, #tpu.memory_space<hbm>>, %arg7: memref<16384xi32, #tpu.memory_space<vmem>>, %arg8: memref<16384xf32, #tpu.memory_space<vmem>>, %arg9: memref<256xi32, #tpu.memory_space<vmem>>, %arg10: memref<4x16384xf32, #tpu.memory_space<vmem>>, %arg11: memref<1024xf32, #tpu.memory_space<vmem>>, %arg12: memref<16xi32, #tpu.memory_space<vmem>>) attributes {dimension_semantics = [#tpu.dimension_semantics<core_parallel>, #tpu.dimension_semantics<subcore_parallel>], iteration_bounds = array<i64: 2, 16>, scalar_prefetch = 0 : i64, scratch_operands = 6 : i64, tpu.core_type = #tpu.core_type<sc_vector_subcore>, window_params = [{transform_indices = #map}, {transform_indices = #map}, {transform_indices = #map}, {transform_indices = #map1}, {transform_indices = #map}]} {
    %mul3A = arith.constant 2 : i32
    %mul3A_0 = arith.muli %arg1, %mul3A : i32
    %add3A = arith.addi %mul3A_0, %arg0 : i32
    %mul3A_1 = arith.constant 16 : i32
    %mul3A_2 = arith.muli %add3A, %mul3A_1 : i32
    "tpu.region"() ({
      %run_scoped3A = tpu.sem_alloc : memref<!tpu.dma_semaphore, #tpu.memory_space<semaphore_mem>>
      tpu.enqueue_dma source(%arg2 : memref<16384xi32, #tpu.memory_space<hbm>>) target(%arg7 : memref<16384xi32, #tpu.memory_space<vmem>>) target_semaphore(%run_scoped3A : memref<!tpu.dma_semaphore, #tpu.memory_space<semaphore_mem>>)
      tpu.wait_dma2 semaphore(%run_scoped3A : memref<!tpu.dma_semaphore, #tpu.memory_space<semaphore_mem>>) src(%arg2 : memref<16384xi32, #tpu.memory_space<hbm>>) dst(%arg7 : memref<16384xi32, #tpu.memory_space<vmem>>)
      tpu.yield
    }) : () -> ()
    "tpu.region"() ({
      %run_scoped3A = tpu.sem_alloc : memref<!tpu.dma_semaphore, #tpu.memory_space<semaphore_mem>>
      tpu.enqueue_dma source(%arg3 : memref<16384xf32, #tpu.memory_space<hbm>>) target(%arg8 : memref<16384xf32, #tpu.memory_space<vmem>>) target_semaphore(%run_scoped3A : memref<!tpu.dma_semaphore, #tpu.memory_space<semaphore_mem>>)
      tpu.wait_dma2 semaphore(%run_scoped3A : memref<!tpu.dma_semaphore, #tpu.memory_space<semaphore_mem>>) src(%arg3 : memref<16384xf32, #tpu.memory_space<hbm>>) dst(%arg8 : memref<16384xf32, #tpu.memory_space<vmem>>)
      tpu.yield
    }) : () -> ()
    %mul3A_3 = arith.constant 16 : i32
    %mul3A_4 = arith.muli %mul3A_2, %mul3A_3 : i32
    "tpu.region"() ({
      %run_scoped3A = tpu.sem_alloc : memref<!tpu.dma_semaphore, #tpu.memory_space<semaphore_mem>>
      %dma_start3A = tpu.memref_slice %arg4[%mul3A_4] : memref<8192xi32, #tpu.memory_space<hbm>> -> memref<256xi32, #tpu.memory_space<hbm>>
      %dma_start3A_11 = tpu.memref_slice %arg4[%mul3A_4] : memref<8192xi32, #tpu.memory_space<hbm>> -> memref<256xi32, #tpu.memory_space<hbm>>
      tpu.enqueue_dma source(%dma_start3A_11 : memref<256xi32, #tpu.memory_space<hbm>>) target(%arg9 : memref<256xi32, #tpu.memory_space<vmem>>) target_semaphore(%run_scoped3A : memref<!tpu.dma_semaphore, #tpu.memory_space<semaphore_mem>>)
      %dma_wait3A = tpu.memref_slice %arg4[%mul3A_4] : memref<8192xi32, #tpu.memory_space<hbm>> -> memref<256xi32, #tpu.memory_space<hbm>>
      %dma_wait3A_12 = tpu.memref_slice %arg4[%mul3A_4] : memref<8192xi32, #tpu.memory_space<hbm>> -> memref<256xi32, #tpu.memory_space<hbm>>
      tpu.wait_dma2 semaphore(%run_scoped3A : memref<!tpu.dma_semaphore, #tpu.memory_space<semaphore_mem>>) src(%dma_wait3A_12 : memref<256xi32, #tpu.memory_space<hbm>>) dst(%arg9 : memref<256xi32, #tpu.memory_space<vmem>>)
      tpu.yield
    }) : () -> ()
    %broadcast_in_dim3A = arith.constant 0.000000e+00 : f32
    %broadcast_in_dim3A_5 = vector.broadcast %broadcast_in_dim3A : f32 to vector<16xf32>
    %iota3A = tpu.iota {dimensions = array<i32: 0>} : vector<16xi32>
    %scan3A = arith.constant 0 : i32
    %scan3A_6 = arith.constant 0 : i32
    %scan3A_7 = arith.constant 4 : i32
    %scan3A_8 = arith.addi %scan3A_6, %scan3A_7 : i32
    %scan3A_9 = arith.constant 1 : i32
    scf.for %scan3A_11 = %scan3A_6 to %scan3A_8 step %scan3A_9  : i32 {
      %mul3A_12 = arith.constant 4 : i32
      %mul3A_13 = arith.muli %scan3A_11, %mul3A_12 : i32
      %add3A_14 = arith.addi %mul3A_2, %mul3A_13 : i32
      "tpu.region"() ({
        %run_scoped3A = tpu.sem_alloc : memref<!tpu.dma_semaphore, #tpu.memory_space<semaphore_mem>>
        %dma_start3A = arith.constant 0 : i32
        %dma_start3A_21 = tpu.memref_slice %arg5[%add3A_14, %dma_start3A] : memref<512x16384xf32, #tpu.memory_space<hbm>> -> memref<4x16384xf32, #tpu.memory_space<hbm>>
        %dma_start3A_22 = arith.constant 0 : i32
        %dma_start3A_23 = tpu.memref_slice %arg5[%add3A_14, %dma_start3A_22] : memref<512x16384xf32, #tpu.memory_space<hbm>> -> memref<4x16384xf32, #tpu.memory_space<hbm>>
        tpu.enqueue_dma source(%dma_start3A_23 : memref<4x16384xf32, #tpu.memory_space<hbm>>) target(%arg10 : memref<4x16384xf32, #tpu.memory_space<vmem>>) target_semaphore(%run_scoped3A : memref<!tpu.dma_semaphore, #tpu.memory_space<semaphore_mem>>)
        %dma_wait3A = arith.constant 0 : i32
        %dma_wait3A_24 = tpu.memref_slice %arg5[%add3A_14, %dma_wait3A] : memref<512x16384xf32, #tpu.memory_space<hbm>> -> memref<4x16384xf32, #tpu.memory_space<hbm>>
        %dma_wait3A_25 = arith.constant 0 : i32
        %dma_wait3A_26 = tpu.memref_slice %arg5[%add3A_14, %dma_wait3A_25] : memref<512x16384xf32, #tpu.memory_space<hbm>> -> memref<4x16384xf32, #tpu.memory_space<hbm>>
        tpu.wait_dma2 semaphore(%run_scoped3A : memref<!tpu.dma_semaphore, #tpu.memory_space<semaphore_mem>>) src(%dma_wait3A_26 : memref<4x16384xf32, #tpu.memory_space<hbm>>) dst(%arg10 : memref<4x16384xf32, #tpu.memory_space<vmem>>)
        tpu.yield
      }) : () -> ()
      %scan3A_15 = arith.constant 0 : i32
      %scan3A_16 = arith.constant 0 : i32
      %scan3A_17 = arith.constant 4 : i32
      %scan3A_18 = arith.addi %scan3A_16, %scan3A_17 : i32
      %scan3A_19 = arith.constant 1 : i32
      scf.for %scan3A_21 = %scan3A_16 to %scan3A_18 step %scan3A_19  : i32 {
        %mul3A_22 = arith.constant 4 : i32
        %mul3A_23 = arith.muli %scan3A_11, %mul3A_22 : i32
        %add3A_24 = arith.addi %mul3A_23, %scan3A_21 : i32
        %scan3A_25 = arith.constant 0 : i32
        %scan3A_26 = arith.constant 0 : i32
        %scan3A_27 = arith.constant 64 : i32
        %scan3A_28 = arith.addi %scan3A_26, %scan3A_27 : i32
        %scan3A_29 = arith.constant 1 : i32
        scf.for %scan3A_543 = %scan3A_26 to %scan3A_28 step %scan3A_29  : i32 {
          %mul3A_544 = arith.constant 16 : i32
          %mul3A_545 = arith.muli %scan3A_543, %mul3A_544 : i32
          %swap3A = arith.index_cast %mul3A_545 : i32 to index
          %swap3A_546 = tpu.vector_load %arg11[%swap3A] {strides = array<i32>} : memref<1024xf32, #tpu.memory_space<vmem>>, vector<16xf32>,
          tpu.vector_store %arg11[%swap3A], %broadcast_in_dim3A_5 {strides = array<i32>} : memref<1024xf32, #tpu.memory_space<vmem>>, vector<16xf32>,
        }
        %scan3A_30 = arith.constant 64 : i32
        %mul3A_31 = arith.constant 16 : i32
        %mul3A_32 = arith.muli %add3A_24, %mul3A_31 : i32
        %add3A_33 = arith.constant 0 : i32
        %add3A_34 = arith.addi %mul3A_32, %add3A_33 : i32
        %broadcast_in_dim3A_35 = vector.broadcast %add3A_34 : i32 to vector<16xi32>
        %gather3A = tpu.vector_load_idx %arg9[%broadcast_in_dim3A_35] : memref<256xi32, #tpu.memory_space<vmem>>[vector<16xi32>], vector<16xi32>,
        %mul3A_36 = arith.constant 16 : i32
        %mul3A_37 = vector.broadcast %mul3A_36 : i32 to vector<16xi32>
        %mul3A_38 = arith.muli %gather3A, %mul3A_37 : vector<16xi32>
        %add3A_39 = arith.addi %mul3A_38, %iota3A : vector<16xi32>
        %broadcast_in_dim3A_40 = vector.broadcast %scan3A_21 : i32 to vector<16xi32>
        %gather3A_41 = tpu.vector_load_idx %arg10[%broadcast_in_dim3A_40, %add3A_39] : memref<4x16384xf32, #tpu.memory_space<vmem>>[vector<16xi32>, vector<16xi32>], vector<16xf32>,
        %mul3A_42 = arith.constant 16 : i32
        %mul3A_43 = arith.muli %add3A_24, %mul3A_42 : i32
        %add3A_44 = arith.constant 1 : i32
        %add3A_45 = arith.addi %mul3A_43, %add3A_44 : i32
        %broadcast_in_dim3A_46 = vector.broadcast %add3A_45 : i32 to vector<16xi32>
        %gather3A_47 = tpu.vector_load_idx %arg9[%broadcast_in_dim3A_46] : memref<256xi32, #tpu.memory_space<vmem>>[vector<16xi32>], vector<16xi32>,
        %mul3A_48 = arith.constant 16 : i32
        %mul3A_49 = vector.broadcast %mul3A_48 : i32 to vector<16xi32>
        %mul3A_50 = arith.muli %gather3A_47, %mul3A_49 : vector<16xi32>
        %add3A_51 = arith.addi %mul3A_50, %iota3A : vector<16xi32>
        %broadcast_in_dim3A_52 = vector.broadcast %scan3A_21 : i32 to vector<16xi32>
        %gather3A_53 = tpu.vector_load_idx %arg10[%broadcast_in_dim3A_52, %add3A_51] : memref<4x16384xf32, #tpu.memory_space<vmem>>[vector<16xi32>, vector<16xi32>], vector<16xf32>,
        %mul3A_54 = arith.constant 16 : i32
        %mul3A_55 = arith.muli %add3A_24, %mul3A_54 : i32
        %add3A_56 = arith.constant 2 : i32
        %add3A_57 = arith.addi %mul3A_55, %add3A_56 : i32
        %broadcast_in_dim3A_58 = vector.broadcast %add3A_57 : i32 to vector<16xi32>
        %gather3A_59 = tpu.vector_load_idx %arg9[%broadcast_in_dim3A_58] : memref<256xi32, #tpu.memory_space<vmem>>[vector<16xi32>], vector<16xi32>,
        %mul3A_60 = arith.constant 16 : i32
        %mul3A_61 = vector.broadcast %mul3A_60 : i32 to vector<16xi32>
        %mul3A_62 = arith.muli %gather3A_59, %mul3A_61 : vector<16xi32>
        %add3A_63 = arith.addi %mul3A_62, %iota3A : vector<16xi32>
        %broadcast_in_dim3A_64 = vector.broadcast %scan3A_21 : i32 to vector<16xi32>
        %gather3A_65 = tpu.vector_load_idx %arg10[%broadcast_in_dim3A_64, %add3A_63] : memref<4x16384xf32, #tpu.memory_space<vmem>>[vector<16xi32>, vector<16xi32>], vector<16xf32>,
        %mul3A_66 = arith.constant 16 : i32
        %mul3A_67 = arith.muli %add3A_24, %mul3A_66 : i32
        %add3A_68 = arith.constant 3 : i32
        %add3A_69 = arith.addi %mul3A_67, %add3A_68 : i32
        %broadcast_in_dim3A_70 = vector.broadcast %add3A_69 : i32 to vector<16xi32>
        %gather3A_71 = tpu.vector_load_idx %arg9[%broadcast_in_dim3A_70] : memref<256xi32, #tpu.memory_space<vmem>>[vector<16xi32>], vector<16xi32>,
        %mul3A_72 = arith.constant 16 : i32
        %mul3A_73 = vector.broadcast %mul3A_72 : i32 to vector<16xi32>
        %mul3A_74 = arith.muli %gather3A_71, %mul3A_73 : vector<16xi32>
        %add3A_75 = arith.addi %mul3A_74, %iota3A : vector<16xi32>
        %broadcast_in_dim3A_76 = vector.broadcast %scan3A_21 : i32 to vector<16xi32>
        %gather3A_77 = tpu.vector_load_idx %arg10[%broadcast_in_dim3A_76, %add3A_75] : memref<4x16384xf32, #tpu.memory_space<vmem>>[vector<16xi32>, vector<16xi32>], vector<16xf32>,
        %mul3A_78 = arith.constant 16 : i32
        %mul3A_79 = arith.muli %add3A_24, %mul3A_78 : i32
        %add3A_80 = arith.constant 4 : i32
        %add3A_81 = arith.addi %mul3A_79, %add3A_80 : i32
        %broadcast_in_dim3A_82 = vector.broadcast %add3A_81 : i32 to vector<16xi32>
        %gather3A_83 = tpu.vector_load_idx %arg9[%broadcast_in_dim3A_82] : memref<256xi32, #tpu.memory_space<vmem>>[vector<16xi32>], vector<16xi32>,
        %mul3A_84 = arith.constant 16 : i32
        %mul3A_85 = vector.broadcast %mul3A_84 : i32 to vector<16xi32>
        %mul3A_86 = arith.muli %gather3A_83, %mul3A_85 : vector<16xi32>
        %add3A_87 = arith.addi %mul3A_86, %iota3A : vector<16xi32>
        %broadcast_in_dim3A_88 = vector.broadcast %scan3A_21 : i32 to vector<16xi32>
        %gather3A_89 = tpu.vector_load_idx %arg10[%broadcast_in_dim3A_88, %add3A_87] : memref<4x16384xf32, #tpu.memory_space<vmem>>[vector<16xi32>, vector<16xi32>], vector<16xf32>,
        %mul3A_90 = arith.constant 16 : i32
        %mul3A_91 = arith.muli %add3A_24, %mul3A_90 : i32
        %add3A_92 = arith.constant 5 : i32
        %add3A_93 = arith.addi %mul3A_91, %add3A_92 : i32
        %broadcast_in_dim3A_94 = vector.broadcast %add3A_93 : i32 to vector<16xi32>
        %gather3A_95 = tpu.vector_load_idx %arg9[%broadcast_in_dim3A_94] : memref<256xi32, #tpu.memory_space<vmem>>[vector<16xi32>], vector<16xi32>,
        %mul3A_96 = arith.constant 16 : i32
        %mul3A_97 = vector.broadcast %mul3A_96 : i32 to vector<16xi32>
        %mul3A_98 = arith.muli %gather3A_95, %mul3A_97 : vector<16xi32>
        %add3A_99 = arith.addi %mul3A_98, %iota3A : vector<16xi32>
        %broadcast_in_dim3A_100 = vector.broadcast %scan3A_21 : i32 to vector<16xi32>
        %gather3A_101 = tpu.vector_load_idx %arg10[%broadcast_in_dim3A_100, %add3A_99] : memref<4x16384xf32, #tpu.memory_space<vmem>>[vector<16xi32>, vector<16xi32>], vector<16xf32>,
        %mul3A_102 = arith.constant 16 : i32
        %mul3A_103 = arith.muli %add3A_24, %mul3A_102 : i32
        %add3A_104 = arith.constant 6 : i32
        %add3A_105 = arith.addi %mul3A_103, %add3A_104 : i32
        %broadcast_in_dim3A_106 = vector.broadcast %add3A_105 : i32 to vector<16xi32>
        %gather3A_107 = tpu.vector_load_idx %arg9[%broadcast_in_dim3A_106] : memref<256xi32, #tpu.memory_space<vmem>>[vector<16xi32>], vector<16xi32>,
        %mul3A_108 = arith.constant 16 : i32
        %mul3A_109 = vector.broadcast %mul3A_108 : i32 to vector<16xi32>
        %mul3A_110 = arith.muli %gather3A_107, %mul3A_109 : vector<16xi32>
        %add3A_111 = arith.addi %mul3A_110, %iota3A : vector<16xi32>
        %broadcast_in_dim3A_112 = vector.broadcast %scan3A_21 : i32 to vector<16xi32>
        %gather3A_113 = tpu.vector_load_idx %arg10[%broadcast_in_dim3A_112, %add3A_111] : memref<4x16384xf32, #tpu.memory_space<vmem>>[vector<16xi32>, vector<16xi32>], vector<16xf32>,
        %mul3A_114 = arith.constant 16 : i32
        %mul3A_115 = arith.muli %add3A_24, %mul3A_114 : i32
        %add3A_116 = arith.constant 7 : i32
        %add3A_117 = arith.addi %mul3A_115, %add3A_116 : i32
        %broadcast_in_dim3A_118 = vector.broadcast %add3A_117 : i32 to vector<16xi32>
        %gather3A_119 = tpu.vector_load_idx %arg9[%broadcast_in_dim3A_118] : memref<256xi32, #tpu.memory_space<vmem>>[vector<16xi32>], vector<16xi32>,
        %mul3A_120 = arith.constant 16 : i32
        %mul3A_121 = vector.broadcast %mul3A_120 : i32 to vector<16xi32>
        %mul3A_122 = arith.muli %gather3A_119, %mul3A_121 : vector<16xi32>
        %add3A_123 = arith.addi %mul3A_122, %iota3A : vector<16xi32>
        %broadcast_in_dim3A_124 = vector.broadcast %scan3A_21 : i32 to vector<16xi32>
        %gather3A_125 = tpu.vector_load_idx %arg10[%broadcast_in_dim3A_124, %add3A_123] : memref<4x16384xf32, #tpu.memory_space<vmem>>[vector<16xi32>, vector<16xi32>], vector<16xf32>,
        %mul3A_126 = arith.constant 16 : i32
        %mul3A_127 = arith.muli %add3A_24, %mul3A_126 : i32
        %add3A_128 = arith.constant 8 : i32
        %add3A_129 = arith.addi %mul3A_127, %add3A_128 : i32
        %broadcast_in_dim3A_130 = vector.broadcast %add3A_129 : i32 to vector<16xi32>
        %gather3A_131 = tpu.vector_load_idx %arg9[%broadcast_in_dim3A_130] : memref<256xi32, #tpu.memory_space<vmem>>[vector<16xi32>], vector<16xi32>,
        %mul3A_132 = arith.constant 16 : i32
        %mul3A_133 = vector.broadcast %mul3A_132 : i32 to vector<16xi32>
        %mul3A_134 = arith.muli %gather3A_131, %mul3A_133 : vector<16xi32>
        %add3A_135 = arith.addi %mul3A_134, %iota3A : vector<16xi32>
        %broadcast_in_dim3A_136 = vector.broadcast %scan3A_21 : i32 to vector<16xi32>
        %gather3A_137 = tpu.vector_load_idx %arg10[%broadcast_in_dim3A_136, %add3A_135] : memref<4x16384xf32, #tpu.memory_space<vmem>>[vector<16xi32>, vector<16xi32>], vector<16xf32>,
        %mul3A_138 = arith.constant 16 : i32
        %mul3A_139 = arith.muli %add3A_24, %mul3A_138 : i32
        %add3A_140 = arith.constant 9 : i32
        %add3A_141 = arith.addi %mul3A_139, %add3A_140 : i32
        %broadcast_in_dim3A_142 = vector.broadcast %add3A_141 : i32 to vector<16xi32>
        %gather3A_143 = tpu.vector_load_idx %arg9[%broadcast_in_dim3A_142] : memref<256xi32, #tpu.memory_space<vmem>>[vector<16xi32>], vector<16xi32>,
        %mul3A_144 = arith.constant 16 : i32
        %mul3A_145 = vector.broadcast %mul3A_144 : i32 to vector<16xi32>
        %mul3A_146 = arith.muli %gather3A_143, %mul3A_145 : vector<16xi32>
        %add3A_147 = arith.addi %mul3A_146, %iota3A : vector<16xi32>
        %broadcast_in_dim3A_148 = vector.broadcast %scan3A_21 : i32 to vector<16xi32>
        %gather3A_149 = tpu.vector_load_idx %arg10[%broadcast_in_dim3A_148, %add3A_147] : memref<4x16384xf32, #tpu.memory_space<vmem>>[vector<16xi32>, vector<16xi32>], vector<16xf32>,
        %mul3A_150 = arith.constant 16 : i32
        %mul3A_151 = arith.muli %add3A_24, %mul3A_150 : i32
        %add3A_152 = arith.constant 10 : i32
        %add3A_153 = arith.addi %mul3A_151, %add3A_152 : i32
        %broadcast_in_dim3A_154 = vector.broadcast %add3A_153 : i32 to vector<16xi32>
        %gather3A_155 = tpu.vector_load_idx %arg9[%broadcast_in_dim3A_154] : memref<256xi32, #tpu.memory_space<vmem>>[vector<16xi32>], vector<16xi32>,
        %mul3A_156 = arith.constant 16 : i32
        %mul3A_157 = vector.broadcast %mul3A_156 : i32 to vector<16xi32>
        %mul3A_158 = arith.muli %gather3A_155, %mul3A_157 : vector<16xi32>
        %add3A_159 = arith.addi %mul3A_158, %iota3A : vector<16xi32>
        %broadcast_in_dim3A_160 = vector.broadcast %scan3A_21 : i32 to vector<16xi32>
        %gather3A_161 = tpu.vector_load_idx %arg10[%broadcast_in_dim3A_160, %add3A_159] : memref<4x16384xf32, #tpu.memory_space<vmem>>[vector<16xi32>, vector<16xi32>], vector<16xf32>,
        %mul3A_162 = arith.constant 16 : i32
        %mul3A_163 = arith.muli %add3A_24, %mul3A_162 : i32
        %add3A_164 = arith.constant 11 : i32
        %add3A_165 = arith.addi %mul3A_163, %add3A_164 : i32
        %broadcast_in_dim3A_166 = vector.broadcast %add3A_165 : i32 to vector<16xi32>
        %gather3A_167 = tpu.vector_load_idx %arg9[%broadcast_in_dim3A_166] : memref<256xi32, #tpu.memory_space<vmem>>[vector<16xi32>], vector<16xi32>,
        %mul3A_168 = arith.constant 16 : i32
        %mul3A_169 = vector.broadcast %mul3A_168 : i32 to vector<16xi32>
        %mul3A_170 = arith.muli %gather3A_167, %mul3A_169 : vector<16xi32>
        %add3A_171 = arith.addi %mul3A_170, %iota3A : vector<16xi32>
        %broadcast_in_dim3A_172 = vector.broadcast %scan3A_21 : i32 to vector<16xi32>
        %gather3A_173 = tpu.vector_load_idx %arg10[%broadcast_in_dim3A_172, %add3A_171] : memref<4x16384xf32, #tpu.memory_space<vmem>>[vector<16xi32>, vector<16xi32>], vector<16xf32>,
        %mul3A_174 = arith.constant 16 : i32
        %mul3A_175 = arith.muli %add3A_24, %mul3A_174 : i32
        %add3A_176 = arith.constant 12 : i32
        %add3A_177 = arith.addi %mul3A_175, %add3A_176 : i32
        %broadcast_in_dim3A_178 = vector.broadcast %add3A_177 : i32 to vector<16xi32>
        %gather3A_179 = tpu.vector_load_idx %arg9[%broadcast_in_dim3A_178] : memref<256xi32, #tpu.memory_space<vmem>>[vector<16xi32>], vector<16xi32>,
        %mul3A_180 = arith.constant 16 : i32
        %mul3A_181 = vector.broadcast %mul3A_180 : i32 to vector<16xi32>
        %mul3A_182 = arith.muli %gather3A_179, %mul3A_181 : vector<16xi32>
        %add3A_183 = arith.addi %mul3A_182, %iota3A : vector<16xi32>
        %broadcast_in_dim3A_184 = vector.broadcast %scan3A_21 : i32 to vector<16xi32>
        %gather3A_185 = tpu.vector_load_idx %arg10[%broadcast_in_dim3A_184, %add3A_183] : memref<4x16384xf32, #tpu.memory_space<vmem>>[vector<16xi32>, vector<16xi32>], vector<16xf32>,
        %mul3A_186 = arith.constant 16 : i32
        %mul3A_187 = arith.muli %add3A_24, %mul3A_186 : i32
        %add3A_188 = arith.constant 13 : i32
        %add3A_189 = arith.addi %mul3A_187, %add3A_188 : i32
        %broadcast_in_dim3A_190 = vector.broadcast %add3A_189 : i32 to vector<16xi32>
        %gather3A_191 = tpu.vector_load_idx %arg9[%broadcast_in_dim3A_190] : memref<256xi32, #tpu.memory_space<vmem>>[vector<16xi32>], vector<16xi32>,
        %mul3A_192 = arith.constant 16 : i32
        %mul3A_193 = vector.broadcast %mul3A_192 : i32 to vector<16xi32>
        %mul3A_194 = arith.muli %gather3A_191, %mul3A_193 : vector<16xi32>
        %add3A_195 = arith.addi %mul3A_194, %iota3A : vector<16xi32>
        %broadcast_in_dim3A_196 = vector.broadcast %scan3A_21 : i32 to vector<16xi32>
        %gather3A_197 = tpu.vector_load_idx %arg10[%broadcast_in_dim3A_196, %add3A_195] : memref<4x16384xf32, #tpu.memory_space<vmem>>[vector<16xi32>, vector<16xi32>], vector<16xf32>,
        %mul3A_198 = arith.constant 16 : i32
        %mul3A_199 = arith.muli %add3A_24, %mul3A_198 : i32
        %add3A_200 = arith.constant 14 : i32
        %add3A_201 = arith.addi %mul3A_199, %add3A_200 : i32
        %broadcast_in_dim3A_202 = vector.broadcast %add3A_201 : i32 to vector<16xi32>
        %gather3A_203 = tpu.vector_load_idx %arg9[%broadcast_in_dim3A_202] : memref<256xi32, #tpu.memory_space<vmem>>[vector<16xi32>], vector<16xi32>,
        %mul3A_204 = arith.constant 16 : i32
        %mul3A_205 = vector.broadcast %mul3A_204 : i32 to vector<16xi32>
        %mul3A_206 = arith.muli %gather3A_203, %mul3A_205 : vector<16xi32>
        %add3A_207 = arith.addi %mul3A_206, %iota3A : vector<16xi32>
        %broadcast_in_dim3A_208 = vector.broadcast %scan3A_21 : i32 to vector<16xi32>
        %gather3A_209 = tpu.vector_load_idx %arg10[%broadcast_in_dim3A_208, %add3A_207] : memref<4x16384xf32, #tpu.memory_space<vmem>>[vector<16xi32>, vector<16xi32>], vector<16xf32>,
        %mul3A_210 = arith.constant 16 : i32
        %mul3A_211 = arith.muli %add3A_24, %mul3A_210 : i32
        %add3A_212 = arith.constant 15 : i32
        %add3A_213 = arith.addi %mul3A_211, %add3A_212 : i32
        %broadcast_in_dim3A_214 = vector.broadcast %add3A_213 : i32 to vector<16xi32>
        %gather3A_215 = tpu.vector_load_idx %arg9[%broadcast_in_dim3A_214] : memref<256xi32, #tpu.memory_space<vmem>>[vector<16xi32>], vector<16xi32>,
        %mul3A_216 = arith.constant 16 : i32
        %mul3A_217 = vector.broadcast %mul3A_216 : i32 to vector<16xi32>
        %mul3A_218 = arith.muli %gather3A_215, %mul3A_217 : vector<16xi32>
        %add3A_219 = arith.addi %mul3A_218, %iota3A : vector<16xi32>
        %broadcast_in_dim3A_220 = vector.broadcast %scan3A_21 : i32 to vector<16xi32>
        %gather3A_221 = tpu.vector_load_idx %arg10[%broadcast_in_dim3A_220, %add3A_219] : memref<4x16384xf32, #tpu.memory_space<vmem>>[vector<16xi32>, vector<16xi32>], vector<16xf32>,
        %masked_sort3A = arith.constant dense<true> : vector<16xi1>
        %masked_sort3A_222, %masked_sort3A_223, %masked_sort3A_224 = tpu.sort %gather3A_41, %gather3A_41 masked %masked_sort3A : (vector<16xf32>, vector<16xf32>, vector<16xi1>) -> (vector<16xi1>, vector<16xf32>, vector<16xf32>)
        %broadcast_in_dim3A_225 = arith.constant 0 : i32
        %broadcast_in_dim3A_226 = vector.broadcast %broadcast_in_dim3A_225 : i32 to vector<16xi32>
        %masked_sort3A_227 = arith.constant dense<true> : vector<16xi1>
        %masked_sort3A_228, %masked_sort3A_229, %masked_sort3A_230 = tpu.sort %gather3A_53, %gather3A_53 masked %masked_sort3A_227 : (vector<16xf32>, vector<16xf32>, vector<16xi1>) -> (vector<16xi1>, vector<16xf32>, vector<16xf32>)
        %rev3A = arith.constant 15 : i32
        %rev3A_231 = vector.broadcast %rev3A : i32 to vector<16xi32>
        %rev3A_232 = tpu.iota {dimensions = array<i32: 0>} : vector<16xi32>
        %rev3A_233 = arith.subi %rev3A_231, %rev3A_232 : vector<16xi32>
        %rev3A_234 = tpu.dynamic_gather %masked_sort3A_229[%rev3A_233] in [0] : vector<16xf32>, vector<16xi32> -> vector<16xf32>
        %min3A = arith.minimumf %masked_sort3A_223, %rev3A_234 : vector<16xf32>
        %masked_sort3A_235 = arith.constant dense<true> : vector<16xi1>
        %masked_sort3A_236, %masked_sort3A_237, %masked_sort3A_238 = tpu.sort %min3A, %min3A masked %masked_sort3A_235 : (vector<16xf32>, vector<16xf32>, vector<16xi1>) -> (vector<16xi1>, vector<16xf32>, vector<16xf32>)
        %masked_sort3A_239 = arith.constant dense<true> : vector<16xi1>
        %masked_sort3A_240, %masked_sort3A_241, %masked_sort3A_242 = tpu.sort %gather3A_65, %gather3A_65 masked %masked_sort3A_239 : (vector<16xf32>, vector<16xf32>, vector<16xi1>) -> (vector<16xi1>, vector<16xf32>, vector<16xf32>)
        %rev3A_243 = arith.constant 15 : i32
        %rev3A_244 = vector.broadcast %rev3A_243 : i32 to vector<16xi32>
        %rev3A_245 = tpu.iota {dimensions = array<i32: 0>} : vector<16xi32>
        %rev3A_246 = arith.subi %rev3A_244, %rev3A_245 : vector<16xi32>
        %rev3A_247 = tpu.dynamic_gather %masked_sort3A_241[%rev3A_246] in [0] : vector<16xf32>, vector<16xi32> -> vector<16xf32>
        %min3A_248 = arith.minimumf %masked_sort3A_237, %rev3A_247 : vector<16xf32>
        %masked_sort3A_249 = arith.constant dense<true> : vector<16xi1>
        %masked_sort3A_250, %masked_sort3A_251, %masked_sort3A_252 = tpu.sort %min3A_248, %min3A_248 masked %masked_sort3A_249 : (vector<16xf32>, vector<16xf32>, vector<16xi1>) -> (vector<16xi1>, vector<16xf32>, vector<16xf32>)
        %masked_sort3A_253 = arith.constant dense<true> : vector<16xi1>
        %masked_sort3A_254, %masked_sort3A_255, %masked_sort3A_256 = tpu.sort %gather3A_77, %gather3A_77 masked %masked_sort3A_253 : (vector<16xf32>, vector<16xf32>, vector<16xi1>) -> (vector<16xi1>, vector<16xf32>, vector<16xf32>)
        %rev3A_257 = arith.constant 15 : i32
        %rev3A_258 = vector.broadcast %rev3A_257 : i32 to vector<16xi32>
        %rev3A_259 = tpu.iota {dimensions = array<i32: 0>} : vector<16xi32>
        %rev3A_260 = arith.subi %rev3A_258, %rev3A_259 : vector<16xi32>
        %rev3A_261 = tpu.dynamic_gather %masked_sort3A_255[%rev3A_260] in [0] : vector<16xf32>, vector<16xi32> -> vector<16xf32>
        %min3A_262 = arith.minimumf %masked_sort3A_251, %rev3A_261 : vector<16xf32>
        %masked_sort3A_263 = arith.constant dense<true> : vector<16xi1>
        %masked_sort3A_264, %masked_sort3A_265, %masked_sort3A_266 = tpu.sort %min3A_262, %min3A_262 masked %masked_sort3A_263 : (vector<16xf32>, vector<16xf32>, vector<16xi1>) -> (vector<16xi1>, vector<16xf32>, vector<16xf32>)
        %masked_sort3A_267 = arith.constant dense<true> : vector<16xi1>
        %masked_sort3A_268, %masked_sort3A_269, %masked_sort3A_270 = tpu.sort %gather3A_89, %gather3A_89 masked %masked_sort3A_267 : (vector<16xf32>, vector<16xf32>, vector<16xi1>) -> (vector<16xi1>, vector<16xf32>, vector<16xf32>)
        %rev3A_271 = arith.constant 15 : i32
        %rev3A_272 = vector.broadcast %rev3A_271 : i32 to vector<16xi32>
        %rev3A_273 = tpu.iota {dimensions = array<i32: 0>} : vector<16xi32>
        %rev3A_274 = arith.subi %rev3A_272, %rev3A_273 : vector<16xi32>
        %rev3A_275 = tpu.dynamic_gather %masked_sort3A_269[%rev3A_274] in [0] : vector<16xf32>, vector<16xi32> -> vector<16xf32>
        %min3A_276 = arith.minimumf %masked_sort3A_265, %rev3A_275 : vector<16xf32>
        %masked_sort3A_277 = arith.constant dense<true> : vector<16xi1>
        %masked_sort3A_278, %masked_sort3A_279, %masked_sort3A_280 = tpu.sort %min3A_276, %min3A_276 masked %masked_sort3A_277 : (vector<16xf32>, vector<16xf32>, vector<16xi1>) -> (vector<16xi1>, vector<16xf32>, vector<16xf32>)
        %masked_sort3A_281 = arith.constant dense<true> : vector<16xi1>
        %masked_sort3A_282, %masked_sort3A_283, %masked_sort3A_284 = tpu.sort %gather3A_101, %gather3A_101 masked %masked_sort3A_281 : (vector<16xf32>, vector<16xf32>, vector<16xi1>) -> (vector<16xi1>, vector<16xf32>, vector<16xf32>)
        %rev3A_285 = arith.constant 15 : i32
        %rev3A_286 = vector.broadcast %rev3A_285 : i32 to vector<16xi32>
        %rev3A_287 = tpu.iota {dimensions = array<i32: 0>} : vector<16xi32>
        %rev3A_288 = arith.subi %rev3A_286, %rev3A_287 : vector<16xi32>
        %rev3A_289 = tpu.dynamic_gather %masked_sort3A_283[%rev3A_288] in [0] : vector<16xf32>, vector<16xi32> -> vector<16xf32>
        %min3A_290 = arith.minimumf %masked_sort3A_279, %rev3A_289 : vector<16xf32>
        %masked_sort3A_291 = arith.constant dense<true> : vector<16xi1>
        %masked_sort3A_292, %masked_sort3A_293, %masked_sort3A_294 = tpu.sort %min3A_290, %min3A_290 masked %masked_sort3A_291 : (vector<16xf32>, vector<16xf32>, vector<16xi1>) -> (vector<16xi1>, vector<16xf32>, vector<16xf32>)
        %masked_sort3A_295 = arith.constant dense<true> : vector<16xi1>
        %masked_sort3A_296, %masked_sort3A_297, %masked_sort3A_298 = tpu.sort %gather3A_113, %gather3A_113 masked %masked_sort3A_295 : (vector<16xf32>, vector<16xf32>, vector<16xi1>) -> (vector<16xi1>, vector<16xf32>, vector<16xf32>)
        %rev3A_299 = arith.constant 15 : i32
        %rev3A_300 = vector.broadcast %rev3A_299 : i32 to vector<16xi32>
        %rev3A_301 = tpu.iota {dimensions = array<i32: 0>} : vector<16xi32>
        %rev3A_302 = arith.subi %rev3A_300, %rev3A_301 : vector<16xi32>
        %rev3A_303 = tpu.dynamic_gather %masked_sort3A_297[%rev3A_302] in [0] : vector<16xf32>, vector<16xi32> -> vector<16xf32>
        %min3A_304 = arith.minimumf %masked_sort3A_293, %rev3A_303 : vector<16xf32>
        %masked_sort3A_305 = arith.constant dense<true> : vector<16xi1>
        %masked_sort3A_306, %masked_sort3A_307, %masked_sort3A_308 = tpu.sort %min3A_304, %min3A_304 masked %masked_sort3A_305 : (vector<16xf32>, vector<16xf32>, vector<16xi1>) -> (vector<16xi1>, vector<16xf32>, vector<16xf32>)
        %masked_sort3A_309 = arith.constant dense<true> : vector<16xi1>
        %masked_sort3A_310, %masked_sort3A_311, %masked_sort3A_312 = tpu.sort %gather3A_125, %gather3A_125 masked %masked_sort3A_309 : (vector<16xf32>, vector<16xf32>, vector<16xi1>) -> (vector<16xi1>, vector<16xf32>, vector<16xf32>)
        %rev3A_313 = arith.constant 15 : i32
        %rev3A_314 = vector.broadcast %rev3A_313 : i32 to vector<16xi32>
        %rev3A_315 = tpu.iota {dimensions = array<i32: 0>} : vector<16xi32>
        %rev3A_316 = arith.subi %rev3A_314, %rev3A_315 : vector<16xi32>
        %rev3A_317 = tpu.dynamic_gather %masked_sort3A_311[%rev3A_316] in [0] : vector<16xf32>, vector<16xi32> -> vector<16xf32>
        %min3A_318 = arith.minimumf %masked_sort3A_307, %rev3A_317 : vector<16xf32>
        %masked_sort3A_319 = arith.constant dense<true> : vector<16xi1>
        %masked_sort3A_320, %masked_sort3A_321, %masked_sort3A_322 = tpu.sort %min3A_318, %min3A_318 masked %masked_sort3A_319 : (vector<16xf32>, vector<16xf32>, vector<16xi1>) -> (vector<16xi1>, vector<16xf32>, vector<16xf32>)
        %masked_sort3A_323 = arith.constant dense<true> : vector<16xi1>
        %masked_sort3A_324, %masked_sort3A_325, %masked_sort3A_326 = tpu.sort %gather3A_137, %gather3A_137 masked %masked_sort3A_323 : (vector<16xf32>, vector<16xf32>, vector<16xi1>) -> (vector<16xi1>, vector<16xf32>, vector<16xf32>)
        %rev3A_327 = arith.constant 15 : i32
        %rev3A_328 = vector.broadcast %rev3A_327 : i32 to vector<16xi32>
        %rev3A_329 = tpu.iota {dimensions = array<i32: 0>} : vector<16xi32>
        %rev3A_330 = arith.subi %rev3A_328, %rev3A_329 : vector<16xi32>
        %rev3A_331 = tpu.dynamic_gather %masked_sort3A_325[%rev3A_330] in [0] : vector<16xf32>, vector<16xi32> -> vector<16xf32>
        %min3A_332 = arith.minimumf %masked_sort3A_321, %rev3A_331 : vector<16xf32>
        %masked_sort3A_333 = arith.constant dense<true> : vector<16xi1>
        %masked_sort3A_334, %masked_sort3A_335, %masked_sort3A_336 = tpu.sort %min3A_332, %min3A_332 masked %masked_sort3A_333 : (vector<16xf32>, vector<16xf32>, vector<16xi1>) -> (vector<16xi1>, vector<16xf32>, vector<16xf32>)
        %masked_sort3A_337 = arith.constant dense<true> : vector<16xi1>
        %masked_sort3A_338, %masked_sort3A_339, %masked_sort3A_340 = tpu.sort %gather3A_149, %gather3A_149 masked %masked_sort3A_337 : (vector<16xf32>, vector<16xf32>, vector<16xi1>) -> (vector<16xi1>, vector<16xf32>, vector<16xf32>)
        %rev3A_341 = arith.constant 15 : i32
        %rev3A_342 = vector.broadcast %rev3A_341 : i32 to vector<16xi32>
        %rev3A_343 = tpu.iota {dimensions = array<i32: 0>} : vector<16xi32>
        %rev3A_344 = arith.subi %rev3A_342, %rev3A_343 : vector<16xi32>
        %rev3A_345 = tpu.dynamic_gather %masked_sort3A_339[%rev3A_344] in [0] : vector<16xf32>, vector<16xi32> -> vector<16xf32>
        %min3A_346 = arith.minimumf %masked_sort3A_335, %rev3A_345 : vector<16xf32>
        %masked_sort3A_347 = arith.constant dense<true> : vector<16xi1>
        %masked_sort3A_348, %masked_sort3A_349, %masked_sort3A_350 = tpu.sort %min3A_346, %min3A_346 masked %masked_sort3A_347 : (vector<16xf32>, vector<16xf32>, vector<16xi1>) -> (vector<16xi1>, vector<16xf32>, vector<16xf32>)
        %masked_sort3A_351 = arith.constant dense<true> : vector<16xi1>
        %masked_sort3A_352, %masked_sort3A_353, %masked_sort3A_354 = tpu.sort %gather3A_161, %gather3A_161 masked %masked_sort3A_351 : (vector<16xf32>, vector<16xf32>, vector<16xi1>) -> (vector<16xi1>, vector<16xf32>, vector<16xf32>)
        %rev3A_355 = arith.constant 15 : i32
        %rev3A_356 = vector.broadcast %rev3A_355 : i32 to vector<16xi32>
        %rev3A_357 = tpu.iota {dimensions = array<i32: 0>} : vector<16xi32>
        %rev3A_358 = arith.subi %rev3A_356, %rev3A_357 : vector<16xi32>
        %rev3A_359 = tpu.dynamic_gather %masked_sort3A_353[%rev3A_358] in [0] : vector<16xf32>, vector<16xi32> -> vector<16xf32>
        %min3A_360 = arith.minimumf %masked_sort3A_349, %rev3A_359 : vector<16xf32>
        %masked_sort3A_361 = arith.constant dense<true> : vector<16xi1>
        %masked_sort3A_362, %masked_sort3A_363, %masked_sort3A_364 = tpu.sort %min3A_360, %min3A_360 masked %masked_sort3A_361 : (vector<16xf32>, vector<16xf32>, vector<16xi1>) -> (vector<16xi1>, vector<16xf32>, vector<16xf32>)
        %masked_sort3A_365 = arith.constant dense<true> : vector<16xi1>
        %masked_sort3A_366, %masked_sort3A_367, %masked_sort3A_368 = tpu.sort %gather3A_173, %gather3A_173 masked %masked_sort3A_365 : (vector<16xf32>, vector<16xf32>, vector<16xi1>) -> (vector<16xi1>, vector<16xf32>, vector<16xf32>)
        %rev3A_369 = arith.constant 15 : i32
        %rev3A_370 = vector.broadcast %rev3A_369 : i32 to vector<16xi32>
        %rev3A_371 = tpu.iota {dimensions = array<i32: 0>} : vector<16xi32>
        %rev3A_372 = arith.subi %rev3A_370, %rev3A_371 : vector<16xi32>
        %rev3A_373 = tpu.dynamic_gather %masked_sort3A_367[%rev3A_372] in [0] : vector<16xf32>, vector<16xi32> -> vector<16xf32>
        %min3A_374 = arith.minimumf %masked_sort3A_363, %rev3A_373 : vector<16xf32>
        %masked_sort3A_375 = arith.constant dense<true> : vector<16xi1>
        %masked_sort3A_376, %masked_sort3A_377, %masked_sort3A_378 = tpu.sort %min3A_374, %min3A_374 masked %masked_sort3A_375 : (vector<16xf32>, vector<16xf32>, vector<16xi1>) -> (vector<16xi1>, vector<16xf32>, vector<16xf32>)
        %masked_sort3A_379 = arith.constant dense<true> : vector<16xi1>
        %masked_sort3A_380, %masked_sort3A_381, %masked_sort3A_382 = tpu.sort %gather3A_185, %gather3A_185 masked %masked_sort3A_379 : (vector<16xf32>, vector<16xf32>, vector<16xi1>) -> (vector<16xi1>, vector<16xf32>, vector<16xf32>)
        %rev3A_383 = arith.constant 15 : i32
        %rev3A_384 = vector.broadcast %rev3A_383 : i32 to vector<16xi32>
        %rev3A_385 = tpu.iota {dimensions = array<i32: 0>} : vector<16xi32>
        %rev3A_386 = arith.subi %rev3A_384, %rev3A_385 : vector<16xi32>
        %rev3A_387 = tpu.dynamic_gather %masked_sort3A_381[%rev3A_386] in [0] : vector<16xf32>, vector<16xi32> -> vector<16xf32>
        %min3A_388 = arith.minimumf %masked_sort3A_377, %rev3A_387 : vector<16xf32>
        %masked_sort3A_389 = arith.constant dense<true> : vector<16xi1>
        %masked_sort3A_390, %masked_sort3A_391, %masked_sort3A_392 = tpu.sort %min3A_388, %min3A_388 masked %masked_sort3A_389 : (vector<16xf32>, vector<16xf32>, vector<16xi1>) -> (vector<16xi1>, vector<16xf32>, vector<16xf32>)
        %masked_sort3A_393 = arith.constant dense<true> : vector<16xi1>
        %masked_sort3A_394, %masked_sort3A_395, %masked_sort3A_396 = tpu.sort %gather3A_197, %gather3A_197 masked %masked_sort3A_393 : (vector<16xf32>, vector<16xf32>, vector<16xi1>) -> (vector<16xi1>, vector<16xf32>, vector<16xf32>)
        %rev3A_397 = arith.constant 15 : i32
        %rev3A_398 = vector.broadcast %rev3A_397 : i32 to vector<16xi32>
        %rev3A_399 = tpu.iota {dimensions = array<i32: 0>} : vector<16xi32>
        %rev3A_400 = arith.subi %rev3A_398, %rev3A_399 : vector<16xi32>
        %rev3A_401 = tpu.dynamic_gather %masked_sort3A_395[%rev3A_400] in [0] : vector<16xf32>, vector<16xi32> -> vector<16xf32>
        %min3A_402 = arith.minimumf %masked_sort3A_391, %rev3A_401 : vector<16xf32>
        %masked_sort3A_403 = arith.constant dense<true> : vector<16xi1>
        %masked_sort3A_404, %masked_sort3A_405, %masked_sort3A_406 = tpu.sort %min3A_402, %min3A_402 masked %masked_sort3A_403 : (vector<16xf32>, vector<16xf32>, vector<16xi1>) -> (vector<16xi1>, vector<16xf32>, vector<16xf32>)
        %masked_sort3A_407 = arith.constant dense<true> : vector<16xi1>
        %masked_sort3A_408, %masked_sort3A_409, %masked_sort3A_410 = tpu.sort %gather3A_209, %gather3A_209 masked %masked_sort3A_407 : (vector<16xf32>, vector<16xf32>, vector<16xi1>) -> (vector<16xi1>, vector<16xf32>, vector<16xf32>)
        %rev3A_411 = arith.constant 15 : i32
        %rev3A_412 = vector.broadcast %rev3A_411 : i32 to vector<16xi32>
        %rev3A_413 = tpu.iota {dimensions = array<i32: 0>} : vector<16xi32>
        %rev3A_414 = arith.subi %rev3A_412, %rev3A_413 : vector<16xi32>
        %rev3A_415 = tpu.dynamic_gather %masked_sort3A_409[%rev3A_414] in [0] : vector<16xf32>, vector<16xi32> -> vector<16xf32>
        %min3A_416 = arith.minimumf %masked_sort3A_405, %rev3A_415 : vector<16xf32>
        %masked_sort3A_417 = arith.constant dense<true> : vector<16xi1>
        %masked_sort3A_418, %masked_sort3A_419, %masked_sort3A_420 = tpu.sort %min3A_416, %min3A_416 masked %masked_sort3A_417 : (vector<16xf32>, vector<16xf32>, vector<16xi1>) -> (vector<16xi1>, vector<16xf32>, vector<16xf32>)
        %masked_sort3A_421 = arith.constant dense<true> : vector<16xi1>
        %masked_sort3A_422, %masked_sort3A_423, %masked_sort3A_424 = tpu.sort %gather3A_221, %gather3A_221 masked %masked_sort3A_421 : (vector<16xf32>, vector<16xf32>, vector<16xi1>) -> (vector<16xi1>, vector<16xf32>, vector<16xf32>)
        %rev3A_425 = arith.constant 15 : i32
        %rev3A_426 = vector.broadcast %rev3A_425 : i32 to vector<16xi32>
        %rev3A_427 = tpu.iota {dimensions = array<i32: 0>} : vector<16xi32>
        %rev3A_428 = arith.subi %rev3A_426, %rev3A_427 : vector<16xi32>
        %rev3A_429 = tpu.dynamic_gather %masked_sort3A_423[%rev3A_428] in [0] : vector<16xf32>, vector<16xi32> -> vector<16xf32>
        %min3A_430 = arith.minimumf %masked_sort3A_419, %rev3A_429 : vector<16xf32>
        %masked_sort3A_431 = arith.constant dense<true> : vector<16xi1>
        %masked_sort3A_432, %masked_sort3A_433, %masked_sort3A_434 = tpu.sort %min3A_430, %min3A_430 masked %masked_sort3A_431 : (vector<16xf32>, vector<16xf32>, vector<16xi1>) -> (vector<16xi1>, vector<16xf32>, vector<16xf32>)
        %reduce_max3A = arith.constant true
        %reduce_max3A_435 = vector.broadcast %reduce_max3A : i1 to vector<16xi1>
        %reduce_max3A_436 = tpu.scan <max>, %masked_sort3A_433 masked %reduce_max3A_435 : vector<16xf32>, vector<16xi1> -> vector<16xf32>
        %reduce_max3A_437 = vector.extract %reduce_max3A_436[15] : f32 from vector<16xf32>
        %le3A = vector.broadcast %reduce_max3A_437 : f32 to vector<16xf32>
        %le3A_438 = arith.cmpf ole, %gather3A_41, %le3A : vector<16xf32>
        %all_reduce_population_count3A = tpu.all_reduce %le3A_438 {dim = 0 : i64, kind = #tpu.reduction_kind<sum>} : vector<16xi1> -> vector<16xi32>
        %add3A_439 = arith.addi %broadcast_in_dim3A_226, %all_reduce_population_count3A : vector<16xi32>
        %le3A_440 = vector.broadcast %reduce_max3A_437 : f32 to vector<16xf32>
        %le3A_441 = arith.cmpf ole, %gather3A_53, %le3A_440 : vector<16xf32>
        %all_reduce_population_count3A_442 = tpu.all_reduce %le3A_441 {dim = 0 : i64, kind = #tpu.reduction_kind<sum>} : vector<16xi1> -> vector<16xi32>
        %add3A_443 = arith.addi %add3A_439, %all_reduce_population_count3A_442 : vector<16xi32>
        %le3A_444 = vector.broadcast %reduce_max3A_437 : f32 to vector<16xf32>
        %le3A_445 = arith.cmpf ole, %gather3A_65, %le3A_444 : vector<16xf32>
        %all_reduce_population_count3A_446 = tpu.all_reduce %le3A_445 {dim = 0 : i64, kind = #tpu.reduction_kind<sum>} : vector<16xi1> -> vector<16xi32>
        %add3A_447 = arith.addi %add3A_443, %all_reduce_population_count3A_446 : vector<16xi32>
        %le3A_448 = vector.broadcast %reduce_max3A_437 : f32 to vector<16xf32>
        %le3A_449 = arith.cmpf ole, %gather3A_77, %le3A_448 : vector<16xf32>
        %all_reduce_population_count3A_450 = tpu.all_reduce %le3A_449 {dim = 0 : i64, kind = #tpu.reduction_kind<sum>} : vector<16xi1> -> vector<16xi32>
        %add3A_451 = arith.addi %add3A_447, %all_reduce_population_count3A_450 : vector<16xi32>
        %le3A_452 = vector.broadcast %reduce_max3A_437 : f32 to vector<16xf32>
        %le3A_453 = arith.cmpf ole, %gather3A_89, %le3A_452 : vector<16xf32>
        %all_reduce_population_count3A_454 = tpu.all_reduce %le3A_453 {dim = 0 : i64, kind = #tpu.reduction_kind<sum>} : vector<16xi1> -> vector<16xi32>
        %add3A_455 = arith.addi %add3A_451, %all_reduce_population_count3A_454 : vector<16xi32>
        %le3A_456 = vector.broadcast %reduce_max3A_437 : f32 to vector<16xf32>
        %le3A_457 = arith.cmpf ole, %gather3A_101, %le3A_456 : vector<16xf32>
        %all_reduce_population_count3A_458 = tpu.all_reduce %le3A_457 {dim = 0 : i64, kind = #tpu.reduction_kind<sum>} : vector<16xi1> -> vector<16xi32>
        %add3A_459 = arith.addi %add3A_455, %all_reduce_population_count3A_458 : vector<16xi32>
        %le3A_460 = vector.broadcast %reduce_max3A_437 : f32 to vector<16xf32>
        %le3A_461 = arith.cmpf ole, %gather3A_113, %le3A_460 : vector<16xf32>
        %all_reduce_population_count3A_462 = tpu.all_reduce %le3A_461 {dim = 0 : i64, kind = #tpu.reduction_kind<sum>} : vector<16xi1> -> vector<16xi32>
        %add3A_463 = arith.addi %add3A_459, %all_reduce_population_count3A_462 : vector<16xi32>
        %le3A_464 = vector.broadcast %reduce_max3A_437 : f32 to vector<16xf32>
        %le3A_465 = arith.cmpf ole, %gather3A_125, %le3A_464 : vector<16xf32>
        %all_reduce_population_count3A_466 = tpu.all_reduce %le3A_465 {dim = 0 : i64, kind = #tpu.reduction_kind<sum>} : vector<16xi1> -> vector<16xi32>
        %add3A_467 = arith.addi %add3A_463, %all_reduce_population_count3A_466 : vector<16xi32>
        %le3A_468 = vector.broadcast %reduce_max3A_437 : f32 to vector<16xf32>
        %le3A_469 = arith.cmpf ole, %gather3A_137, %le3A_468 : vector<16xf32>
        %all_reduce_population_count3A_470 = tpu.all_reduce %le3A_469 {dim = 0 : i64, kind = #tpu.reduction_kind<sum>} : vector<16xi1> -> vector<16xi32>
        %add3A_471 = arith.addi %add3A_467, %all_reduce_population_count3A_470 : vector<16xi32>
        %le3A_472 = vector.broadcast %reduce_max3A_437 : f32 to vector<16xf32>
        %le3A_473 = arith.cmpf ole, %gather3A_149, %le3A_472 : vector<16xf32>
        %all_reduce_population_count3A_474 = tpu.all_reduce %le3A_473 {dim = 0 : i64, kind = #tpu.reduction_kind<sum>} : vector<16xi1> -> vector<16xi32>
        %add3A_475 = arith.addi %add3A_471, %all_reduce_population_count3A_474 : vector<16xi32>
        %le3A_476 = vector.broadcast %reduce_max3A_437 : f32 to vector<16xf32>
        %le3A_477 = arith.cmpf ole, %gather3A_161, %le3A_476 : vector<16xf32>
        %all_reduce_population_count3A_478 = tpu.all_reduce %le3A_477 {dim = 0 : i64, kind = #tpu.reduction_kind<sum>} : vector<16xi1> -> vector<16xi32>
        %add3A_479 = arith.addi %add3A_475, %all_reduce_population_count3A_478 : vector<16xi32>
        %le3A_480 = vector.broadcast %reduce_max3A_437 : f32 to vector<16xf32>
        %le3A_481 = arith.cmpf ole, %gather3A_173, %le3A_480 : vector<16xf32>
        %all_reduce_population_count3A_482 = tpu.all_reduce %le3A_481 {dim = 0 : i64, kind = #tpu.reduction_kind<sum>} : vector<16xi1> -> vector<16xi32>
        %add3A_483 = arith.addi %add3A_479, %all_reduce_population_count3A_482 : vector<16xi32>
        %le3A_484 = vector.broadcast %reduce_max3A_437 : f32 to vector<16xf32>
        %le3A_485 = arith.cmpf ole, %gather3A_185, %le3A_484 : vector<16xf32>
        %all_reduce_population_count3A_486 = tpu.all_reduce %le3A_485 {dim = 0 : i64, kind = #tpu.reduction_kind<sum>} : vector<16xi1> -> vector<16xi32>
        %add3A_487 = arith.addi %add3A_483, %all_reduce_population_count3A_486 : vector<16xi32>
        %le3A_488 = vector.broadcast %reduce_max3A_437 : f32 to vector<16xf32>
        %le3A_489 = arith.cmpf ole, %gather3A_197, %le3A_488 : vector<16xf32>
        %all_reduce_population_count3A_490 = tpu.all_reduce %le3A_489 {dim = 0 : i64, kind = #tpu.reduction_kind<sum>} : vector<16xi1> -> vector<16xi32>
        %add3A_491 = arith.addi %add3A_487, %all_reduce_population_count3A_490 : vector<16xi32>
        %le3A_492 = vector.broadcast %reduce_max3A_437 : f32 to vector<16xf32>
        %le3A_493 = arith.cmpf ole, %gather3A_209, %le3A_492 : vector<16xf32>
        %all_reduce_population_count3A_494 = tpu.all_reduce %le3A_493 {dim = 0 : i64, kind = #tpu.reduction_kind<sum>} : vector<16xi1> -> vector<16xi32>
        %add3A_495 = arith.addi %add3A_491, %all_reduce_population_count3A_494 : vector<16xi32>
        %le3A_496 = vector.broadcast %reduce_max3A_437 : f32 to vector<16xf32>
        %le3A_497 = arith.cmpf ole, %gather3A_221, %le3A_496 : vector<16xf32>
        %all_reduce_population_count3A_498 = tpu.all_reduce %le3A_497 {dim = 0 : i64, kind = #tpu.reduction_kind<sum>} : vector<16xi1> -> vector<16xi32>
        %add3A_499 = arith.addi %add3A_495, %all_reduce_population_count3A_498 : vector<16xi32>
        %reduce_max3A_500 = arith.constant true
        %reduce_max3A_501 = vector.broadcast %reduce_max3A_500 : i1 to vector<16xi1>
        %reduce_max3A_502 = arith.constant -2147483648 : i32
        %reduce_max3A_503 = vector.broadcast %reduce_max3A_502 : i32 to vector<16xi32>
        %reduce_max3A_504 = arith.xori %add3A_499, %reduce_max3A_503 : vector<16xi32>
        %reduce_max3A_505 = tpu.scan <max>, %reduce_max3A_504 masked %reduce_max3A_501 : vector<16xi32>, vector<16xi1> -> vector<16xi32>
        %reduce_max3A_506 = arith.xori %reduce_max3A_505, %reduce_max3A_503 : vector<16xi32>
        %reduce_max3A_507 = vector.extract %reduce_max3A_506[15] : i32 from vector<16xi32>
        %eq3A = arith.constant 16 : i32
        %eq3A_508 = arith.cmpi eq, %reduce_max3A_507, %eq3A : i32
        %convert_element_type3A = arith.extui %eq3A_508 : i1 to i32
        %cond3A = arith.constant 0 : i32
        %cond3A_509 = arith.cmpi ne, %convert_element_type3A, %cond3A : i32
        scf.if %cond3A_509 {
          %gather3A_543 = tpu.vector_load_idx %arg7[%add3A_39] : memref<16384xi32, #tpu.memory_space<vmem>>[vector<16xi32>], vector<16xi32>,
          %gather3A_544 = tpu.vector_load_idx %arg8[%add3A_39] : memref<16384xf32, #tpu.memory_space<vmem>>[vector<16xi32>], vector<16xf32>,
          %le3A_545 = vector.broadcast %reduce_max3A_437 : f32 to vector<16xf32>
          %le3A_546 = arith.cmpf ole, %gather3A_41, %le3A_545 : vector<16xf32>
          tpu.vector_store_idx %arg11[%gather3A_543], %gather3A_544 masked %le3A_546 {add = true} : memref<1024xf32, #tpu.memory_space<vmem>>[vector<16xi32>], vector<16xf32>, vector<16xi1>
          %gather3A_547 = tpu.vector_load_idx %arg7[%add3A_51] : memref<16384xi32, #tpu.memory_space<vmem>>[vector<16xi32>], vector<16xi32>,
          %gather3A_548 = tpu.vector_load_idx %arg8[%add3A_51] : memref<16384xf32, #tpu.memory_space<vmem>>[vector<16xi32>], vector<16xf32>,
          %le3A_549 = vector.broadcast %reduce_max3A_437 : f32 to vector<16xf32>
          %le3A_550 = arith.cmpf ole, %gather3A_53, %le3A_549 : vector<16xf32>
          tpu.vector_store_idx %arg11[%gather3A_547], %gather3A_548 masked %le3A_550 {add = true} : memref<1024xf32, #tpu.memory_space<vmem>>[vector<16xi32>], vector<16xf32>, vector<16xi1>
          %gather3A_551 = tpu.vector_load_idx %arg7[%add3A_63] : memref<16384xi32, #tpu.memory_space<vmem>>[vector<16xi32>], vector<16xi32>,
          %gather3A_552 = tpu.vector_load_idx %arg8[%add3A_63] : memref<16384xf32, #tpu.memory_space<vmem>>[vector<16xi32>], vector<16xf32>,
          %le3A_553 = vector.broadcast %reduce_max3A_437 : f32 to vector<16xf32>
          %le3A_554 = arith.cmpf ole, %gather3A_65, %le3A_553 : vector<16xf32>
          tpu.vector_store_idx %arg11[%gather3A_551], %gather3A_552 masked %le3A_554 {add = true} : memref<1024xf32, #tpu.memory_space<vmem>>[vector<16xi32>], vector<16xf32>, vector<16xi1>
          %gather3A_555 = tpu.vector_load_idx %arg7[%add3A_75] : memref<16384xi32, #tpu.memory_space<vmem>>[vector<16xi32>], vector<16xi32>,
          %gather3A_556 = tpu.vector_load_idx %arg8[%add3A_75] : memref<16384xf32, #tpu.memory_space<vmem>>[vector<16xi32>], vector<16xf32>,
          %le3A_557 = vector.broadcast %reduce_max3A_437 : f32 to vector<16xf32>
          %le3A_558 = arith.cmpf ole, %gather3A_77, %le3A_557 : vector<16xf32>
          tpu.vector_store_idx %arg11[%gather3A_555], %gather3A_556 masked %le3A_558 {add = true} : memref<1024xf32, #tpu.memory_space<vmem>>[vector<16xi32>], vector<16xf32>, vector<16xi1>
          %gather3A_559 = tpu.vector_load_idx %arg7[%add3A_87] : memref<16384xi32, #tpu.memory_space<vmem>>[vector<16xi32>], vector<16xi32>,
          %gather3A_560 = tpu.vector_load_idx %arg8[%add3A_87] : memref<16384xf32, #tpu.memory_space<vmem>>[vector<16xi32>], vector<16xf32>,
          %le3A_561 = vector.broadcast %reduce_max3A_437 : f32 to vector<16xf32>
          %le3A_562 = arith.cmpf ole, %gather3A_89, %le3A_561 : vector<16xf32>
          tpu.vector_store_idx %arg11[%gather3A_559], %gather3A_560 masked %le3A_562 {add = true} : memref<1024xf32, #tpu.memory_space<vmem>>[vector<16xi32>], vector<16xf32>, vector<16xi1>
          %gather3A_563 = tpu.vector_load_idx %arg7[%add3A_99] : memref<16384xi32, #tpu.memory_space<vmem>>[vector<16xi32>], vector<16xi32>,
          %gather3A_564 = tpu.vector_load_idx %arg8[%add3A_99] : memref<16384xf32, #tpu.memory_space<vmem>>[vector<16xi32>], vector<16xf32>,
          %le3A_565 = vector.broadcast %reduce_max3A_437 : f32 to vector<16xf32>
          %le3A_566 = arith.cmpf ole, %gather3A_101, %le3A_565 : vector<16xf32>
          tpu.vector_store_idx %arg11[%gather3A_563], %gather3A_564 masked %le3A_566 {add = true} : memref<1024xf32, #tpu.memory_space<vmem>>[vector<16xi32>], vector<16xf32>, vector<16xi1>
          %gather3A_567 = tpu.vector_load_idx %arg7[%add3A_111] : memref<16384xi32, #tpu.memory_space<vmem>>[vector<16xi32>], vector<16xi32>,
          %gather3A_568 = tpu.vector_load_idx %arg8[%add3A_111] : memref<16384xf32, #tpu.memory_space<vmem>>[vector<16xi32>], vector<16xf32>,
          %le3A_569 = vector.broadcast %reduce_max3A_437 : f32 to vector<16xf32>
          %le3A_570 = arith.cmpf ole, %gather3A_113, %le3A_569 : vector<16xf32>
          tpu.vector_store_idx %arg11[%gather3A_567], %gather3A_568 masked %le3A_570 {add = true} : memref<1024xf32, #tpu.memory_space<vmem>>[vector<16xi32>], vector<16xf32>, vector<16xi1>
          %gather3A_571 = tpu.vector_load_idx %arg7[%add3A_123] : memref<16384xi32, #tpu.memory_space<vmem>>[vector<16xi32>], vector<16xi32>,
          %gather3A_572 = tpu.vector_load_idx %arg8[%add3A_123] : memref<16384xf32, #tpu.memory_space<vmem>>[vector<16xi32>], vector<16xf32>,
          %le3A_573 = vector.broadcast %reduce_max3A_437 : f32 to vector<16xf32>
          %le3A_574 = arith.cmpf ole, %gather3A_125, %le3A_573 : vector<16xf32>
          tpu.vector_store_idx %arg11[%gather3A_571], %gather3A_572 masked %le3A_574 {add = true} : memref<1024xf32, #tpu.memory_space<vmem>>[vector<16xi32>], vector<16xf32>, vector<16xi1>
          %gather3A_575 = tpu.vector_load_idx %arg7[%add3A_135] : memref<16384xi32, #tpu.memory_space<vmem>>[vector<16xi32>], vector<16xi32>,
          %gather3A_576 = tpu.vector_load_idx %arg8[%add3A_135] : memref<16384xf32, #tpu.memory_space<vmem>>[vector<16xi32>], vector<16xf32>,
          %le3A_577 = vector.broadcast %reduce_max3A_437 : f32 to vector<16xf32>
          %le3A_578 = arith.cmpf ole, %gather3A_137, %le3A_577 : vector<16xf32>
          tpu.vector_store_idx %arg11[%gather3A_575], %gather3A_576 masked %le3A_578 {add = true} : memref<1024xf32, #tpu.memory_space<vmem>>[vector<16xi32>], vector<16xf32>, vector<16xi1>
          %gather3A_579 = tpu.vector_load_idx %arg7[%add3A_147] : memref<16384xi32, #tpu.memory_space<vmem>>[vector<16xi32>], vector<16xi32>,
          %gather3A_580 = tpu.vector_load_idx %arg8[%add3A_147] : memref<16384xf32, #tpu.memory_space<vmem>>[vector<16xi32>], vector<16xf32>,
          %le3A_581 = vector.broadcast %reduce_max3A_437 : f32 to vector<16xf32>
          %le3A_582 = arith.cmpf ole, %gather3A_149, %le3A_581 : vector<16xf32>
          tpu.vector_store_idx %arg11[%gather3A_579], %gather3A_580 masked %le3A_582 {add = true} : memref<1024xf32, #tpu.memory_space<vmem>>[vector<16xi32>], vector<16xf32>, vector<16xi1>
          %gather3A_583 = tpu.vector_load_idx %arg7[%add3A_159] : memref<16384xi32, #tpu.memory_space<vmem>>[vector<16xi32>], vector<16xi32>,
          %gather3A_584 = tpu.vector_load_idx %arg8[%add3A_159] : memref<16384xf32, #tpu.memory_space<vmem>>[vector<16xi32>], vector<16xf32>,
          %le3A_585 = vector.broadcast %reduce_max3A_437 : f32 to vector<16xf32>
          %le3A_586 = arith.cmpf ole, %gather3A_161, %le3A_585 : vector<16xf32>
          tpu.vector_store_idx %arg11[%gather3A_583], %gather3A_584 masked %le3A_586 {add = true} : memref<1024xf32, #tpu.memory_space<vmem>>[vector<16xi32>], vector<16xf32>, vector<16xi1>
          %gather3A_587 = tpu.vector_load_idx %arg7[%add3A_171] : memref<16384xi32, #tpu.memory_space<vmem>>[vector<16xi32>], vector<16xi32>,
          %gather3A_588 = tpu.vector_load_idx %arg8[%add3A_171] : memref<16384xf32, #tpu.memory_space<vmem>>[vector<16xi32>], vector<16xf32>,
          %le3A_589 = vector.broadcast %reduce_max3A_437 : f32 to vector<16xf32>
          %le3A_590 = arith.cmpf ole, %gather3A_173, %le3A_589 : vector<16xf32>
          tpu.vector_store_idx %arg11[%gather3A_587], %gather3A_588 masked %le3A_590 {add = true} : memref<1024xf32, #tpu.memory_space<vmem>>[vector<16xi32>], vector<16xf32>, vector<16xi1>
          %gather3A_591 = tpu.vector_load_idx %arg7[%add3A_183] : memref<16384xi32, #tpu.memory_space<vmem>>[vector<16xi32>], vector<16xi32>,
          %gather3A_592 = tpu.vector_load_idx %arg8[%add3A_183] : memref<16384xf32, #tpu.memory_space<vmem>>[vector<16xi32>], vector<16xf32>,
          %le3A_593 = vector.broadcast %reduce_max3A_437 : f32 to vector<16xf32>
          %le3A_594 = arith.cmpf ole, %gather3A_185, %le3A_593 : vector<16xf32>
          tpu.vector_store_idx %arg11[%gather3A_591], %gather3A_592 masked %le3A_594 {add = true} : memref<1024xf32, #tpu.memory_space<vmem>>[vector<16xi32>], vector<16xf32>, vector<16xi1>
          %gather3A_595 = tpu.vector_load_idx %arg7[%add3A_195] : memref<16384xi32, #tpu.memory_space<vmem>>[vector<16xi32>], vector<16xi32>,
          %gather3A_596 = tpu.vector_load_idx %arg8[%add3A_195] : memref<16384xf32, #tpu.memory_space<vmem>>[vector<16xi32>], vector<16xf32>,
          %le3A_597 = vector.broadcast %reduce_max3A_437 : f32 to vector<16xf32>
          %le3A_598 = arith.cmpf ole, %gather3A_197, %le3A_597 : vector<16xf32>
          tpu.vector_store_idx %arg11[%gather3A_595], %gather3A_596 masked %le3A_598 {add = true} : memref<1024xf32, #tpu.memory_space<vmem>>[vector<16xi32>], vector<16xf32>, vector<16xi1>
          %gather3A_599 = tpu.vector_load_idx %arg7[%add3A_207] : memref<16384xi32, #tpu.memory_space<vmem>>[vector<16xi32>], vector<16xi32>,
          %gather3A_600 = tpu.vector_load_idx %arg8[%add3A_207] : memref<16384xf32, #tpu.memory_space<vmem>>[vector<16xi32>], vector<16xf32>,
          %le3A_601 = vector.broadcast %reduce_max3A_437 : f32 to vector<16xf32>
          %le3A_602 = arith.cmpf ole, %gather3A_209, %le3A_601 : vector<16xf32>
          tpu.vector_store_idx %arg11[%gather3A_599], %gather3A_600 masked %le3A_602 {add = true} : memref<1024xf32, #tpu.memory_space<vmem>>[vector<16xi32>], vector<16xf32>, vector<16xi1>
          %gather3A_603 = tpu.vector_load_idx %arg7[%add3A_219] : memref<16384xi32, #tpu.memory_space<vmem>>[vector<16xi32>], vector<16xi32>,
          %gather3A_604 = tpu.vector_load_idx %arg8[%add3A_219] : memref<16384xf32, #tpu.memory_space<vmem>>[vector<16xi32>], vector<16xf32>,
          %le3A_605 = vector.broadcast %reduce_max3A_437 : f32 to vector<16xf32>
          %le3A_606 = arith.cmpf ole, %gather3A_221, %le3A_605 : vector<16xf32>
          tpu.vector_store_idx %arg11[%gather3A_603], %gather3A_604 masked %le3A_606 {add = true} : memref<1024xf32, #tpu.memory_space<vmem>>[vector<16xi32>], vector<16xf32>, vector<16xi1>
        } else {
        }
        %ne3A = arith.constant 16 : i32
        %ne3A_510 = arith.cmpi ne, %reduce_max3A_507, %ne3A : i32
        %convert_element_type3A_511 = arith.extui %ne3A_510 : i1 to i32
        %cond3A_512 = arith.constant 0 : i32
        %cond3A_513 = arith.cmpi ne, %convert_element_type3A_511, %cond3A_512 : i32
        scf.if %cond3A_513 {
          %broadcast_in_dim3A_543 = arith.constant 0xFF800000 : f32
          %broadcast_in_dim3A_544 = vector.broadcast %broadcast_in_dim3A_543 : f32 to vector<16xf32>
          %broadcast_in_dim3A_545 = arith.constant -1 : i32
          %broadcast_in_dim3A_546 = vector.broadcast %broadcast_in_dim3A_545 : i32 to vector<16xi32>
          %scan3A_547 = arith.constant 0 : i32
          %scan3A_548 = arith.constant 16 : i32
          %scan3A_549 = arith.addi %scan3A_547, %scan3A_548 : i32
          %scan3A_550 = arith.constant 1 : i32
          %scan3A_551:2 = scf.for %scan3A_553 = %scan3A_547 to %scan3A_549 step %scan3A_550 iter_args(%scan3A_554 = %broadcast_in_dim3A_544, %scan3A_555 = %broadcast_in_dim3A_546) -> (vector<16xf32>, vector<16xi32>)  : i32 {
            %broadcast_in_dim3A_556 = arith.constant 0x7F800000 : f32
            %broadcast_in_dim3A_557 = vector.broadcast %broadcast_in_dim3A_556 : f32 to vector<16xf32>
            %broadcast_in_dim3A_558 = arith.constant 1073741824 : i32
            %broadcast_in_dim3A_559 = vector.broadcast %broadcast_in_dim3A_558 : i32 to vector<16xi32>
            %gt3A = arith.cmpf ogt, %gather3A_41, %scan3A_554 : vector<16xf32>
            %eq3A_560 = arith.cmpf oeq, %gather3A_41, %scan3A_554 : vector<16xf32>
            %gt3A_561 = arith.cmpi sgt, %add3A_39, %scan3A_555 : vector<16xi32>
            %and3A = arith.andi %eq3A_560, %gt3A_561 : vector<16xi1>
            %or3A = arith.ori %gt3A, %and3A : vector<16xi1>
            %jit3A_562 = arith.constant 0x7F800000 : f32
            %broadcast_in_dim3A_563 = vector.broadcast %jit3A_562 : f32 to vector<16xf32>
            %select_n3A_564 = arith.select %or3A, %gather3A_41, %broadcast_in_dim3A_563 : vector<16xi1>, vector<16xf32>
            %reduce_min3A_565 = arith.constant true
            %reduce_min3A_566 = vector.broadcast %reduce_min3A_565 : i1 to vector<16xi1>
            %reduce_min3A_567 = tpu.scan <min>, %select_n3A_564 masked %reduce_min3A_566 : vector<16xf32>, vector<16xi1> -> vector<16xf32>
            %reduce_min3A_568 = vector.extract %reduce_min3A_567[15] : f32 from vector<16xf32>
            %eq3A_569 = vector.broadcast %reduce_min3A_568 : f32 to vector<16xf32>
            %eq3A_570 = arith.cmpf oeq, %select_n3A_564, %eq3A_569 : vector<16xf32>
            %jit3A_571 = arith.constant 1073741824 : i32
            %broadcast_in_dim3A_572 = vector.broadcast %jit3A_571 : i32 to vector<16xi32>
            %select_n3A_573 = arith.select %eq3A_570, %add3A_39, %broadcast_in_dim3A_572 : vector<16xi1>, vector<16xi32>
            %reduce_min3A_574 = arith.constant true
            %reduce_min3A_575 = vector.broadcast %reduce_min3A_574 : i1 to vector<16xi1>
            %reduce_min3A_576 = arith.constant -2147483648 : i32
            %reduce_min3A_577 = vector.broadcast %reduce_min3A_576 : i32 to vector<16xi32>
            %reduce_min3A_578 = arith.xori %select_n3A_573, %reduce_min3A_577 : vector<16xi32>
            %reduce_min3A_579 = tpu.scan <min>, %reduce_min3A_578 masked %reduce_min3A_575 : vector<16xi32>, vector<16xi1> -> vector<16xi32>
            %reduce_min3A_580 = arith.xori %reduce_min3A_579, %reduce_min3A_577 : vector<16xi32>
            %reduce_min3A_581 = vector.extract %reduce_min3A_580[15] : i32 from vector<16xi32>
            %lt3A = vector.broadcast %reduce_min3A_568 : f32 to vector<16xf32>
            %lt3A_582 = arith.cmpf olt, %lt3A, %broadcast_in_dim3A_557 : vector<16xf32>
            %eq3A_583 = vector.broadcast %reduce_min3A_568 : f32 to vector<16xf32>
            %eq3A_584 = arith.cmpf oeq, %eq3A_583, %broadcast_in_dim3A_557 : vector<16xf32>
            %lt3A_585 = vector.broadcast %reduce_min3A_581 : i32 to vector<16xi32>
            %lt3A_586 = arith.cmpi slt, %lt3A_585, %broadcast_in_dim3A_559 : vector<16xi32>
            %and3A_587 = arith.andi %eq3A_584, %lt3A_586 : vector<16xi1>
            %or3A_588 = arith.ori %lt3A_582, %and3A_587 : vector<16xi1>
            %broadcast_in_dim3A_589 = vector.broadcast %reduce_min3A_568 : f32 to vector<16xf32>
            %select_n3A_590 = arith.select %or3A_588, %broadcast_in_dim3A_589, %broadcast_in_dim3A_557 : vector<16xi1>, vector<16xf32>
            %broadcast_in_dim3A_591 = vector.broadcast %reduce_min3A_581 : i32 to vector<16xi32>
            %select_n3A_592 = arith.select %or3A_588, %broadcast_in_dim3A_591, %broadcast_in_dim3A_559 : vector<16xi1>, vector<16xi32>
            %gt3A_593 = arith.cmpf ogt, %gather3A_53, %scan3A_554 : vector<16xf32>
            %eq3A_594 = arith.cmpf oeq, %gather3A_53, %scan3A_554 : vector<16xf32>
            %gt3A_595 = arith.cmpi sgt, %add3A_51, %scan3A_555 : vector<16xi32>
            %and3A_596 = arith.andi %eq3A_594, %gt3A_595 : vector<16xi1>
            %or3A_597 = arith.ori %gt3A_593, %and3A_596 : vector<16xi1>
            %jit3A_598 = arith.constant 0x7F800000 : f32
            %broadcast_in_dim3A_599 = vector.broadcast %jit3A_598 : f32 to vector<16xf32>
            %select_n3A_600 = arith.select %or3A_597, %gather3A_53, %broadcast_in_dim3A_599 : vector<16xi1>, vector<16xf32>
            %reduce_min3A_601 = arith.constant true
            %reduce_min3A_602 = vector.broadcast %reduce_min3A_601 : i1 to vector<16xi1>
            %reduce_min3A_603 = tpu.scan <min>, %select_n3A_600 masked %reduce_min3A_602 : vector<16xf32>, vector<16xi1> -> vector<16xf32>
            %reduce_min3A_604 = vector.extract %reduce_min3A_603[15] : f32 from vector<16xf32>
            %eq3A_605 = vector.broadcast %reduce_min3A_604 : f32 to vector<16xf32>
            %eq3A_606 = arith.cmpf oeq, %select_n3A_600, %eq3A_605 : vector<16xf32>
            %jit3A_607 = arith.constant 1073741824 : i32
            %broadcast_in_dim3A_608 = vector.broadcast %jit3A_607 : i32 to vector<16xi32>
            %select_n3A_609 = arith.select %eq3A_606, %add3A_51, %broadcast_in_dim3A_608 : vector<16xi1>, vector<16xi32>
            %reduce_min3A_610 = arith.constant true
            %reduce_min3A_611 = vector.broadcast %reduce_min3A_610 : i1 to vector<16xi1>
            %reduce_min3A_612 = arith.constant -2147483648 : i32
            %reduce_min3A_613 = vector.broadcast %reduce_min3A_612 : i32 to vector<16xi32>
            %reduce_min3A_614 = arith.xori %select_n3A_609, %reduce_min3A_613 : vector<16xi32>
            %reduce_min3A_615 = tpu.scan <min>, %reduce_min3A_614 masked %reduce_min3A_611 : vector<16xi32>, vector<16xi1> -> vector<16xi32>
            %reduce_min3A_616 = arith.xori %reduce_min3A_615, %reduce_min3A_613 : vector<16xi32>
            %reduce_min3A_617 = vector.extract %reduce_min3A_616[15] : i32 from vector<16xi32>
            %lt3A_618 = vector.broadcast %reduce_min3A_604 : f32 to vector<16xf32>
            %lt3A_619 = arith.cmpf olt, %lt3A_618, %select_n3A_590 : vector<16xf32>
            %eq3A_620 = vector.broadcast %reduce_min3A_604 : f32 to vector<16xf32>
            %eq3A_621 = arith.cmpf oeq, %eq3A_620, %select_n3A_590 : vector<16xf32>
            %lt3A_622 = vector.broadcast %reduce_min3A_617 : i32 to vector<16xi32>
            %lt3A_623 = arith.cmpi slt, %lt3A_622, %select_n3A_592 : vector<16xi32>
            %and3A_624 = arith.andi %eq3A_621, %lt3A_623 : vector<16xi1>
            %or3A_625 = arith.ori %lt3A_619, %and3A_624 : vector<16xi1>
            %broadcast_in_dim3A_626 = vector.broadcast %reduce_min3A_604 : f32 to vector<16xf32>
            %select_n3A_627 = arith.select %or3A_625, %broadcast_in_dim3A_626, %select_n3A_590 : vector<16xi1>, vector<16xf32>
            %broadcast_in_dim3A_628 = vector.broadcast %reduce_min3A_617 : i32 to vector<16xi32>
            %select_n3A_629 = arith.select %or3A_625, %broadcast_in_dim3A_628, %select_n3A_592 : vector<16xi1>, vector<16xi32>
            %gt3A_630 = arith.cmpf ogt, %gather3A_65, %scan3A_554 : vector<16xf32>
            %eq3A_631 = arith.cmpf oeq, %gather3A_65, %scan3A_554 : vector<16xf32>
            %gt3A_632 = arith.cmpi sgt, %add3A_63, %scan3A_555 : vector<16xi32>
            %and3A_633 = arith.andi %eq3A_631, %gt3A_632 : vector<16xi1>
            %or3A_634 = arith.ori %gt3A_630, %and3A_633 : vector<16xi1>
            %jit3A_635 = arith.constant 0x7F800000 : f32
            %broadcast_in_dim3A_636 = vector.broadcast %jit3A_635 : f32 to vector<16xf32>
            %select_n3A_637 = arith.select %or3A_634, %gather3A_65, %broadcast_in_dim3A_636 : vector<16xi1>, vector<16xf32>
            %reduce_min3A_638 = arith.constant true
            %reduce_min3A_639 = vector.broadcast %reduce_min3A_638 : i1 to vector<16xi1>
            %reduce_min3A_640 = tpu.scan <min>, %select_n3A_637 masked %reduce_min3A_639 : vector<16xf32>, vector<16xi1> -> vector<16xf32>
            %reduce_min3A_641 = vector.extract %reduce_min3A_640[15] : f32 from vector<16xf32>
            %eq3A_642 = vector.broadcast %reduce_min3A_641 : f32 to vector<16xf32>
            %eq3A_643 = arith.cmpf oeq, %select_n3A_637, %eq3A_642 : vector<16xf32>
            %jit3A_644 = arith.constant 1073741824 : i32
            %broadcast_in_dim3A_645 = vector.broadcast %jit3A_644 : i32 to vector<16xi32>
            %select_n3A_646 = arith.select %eq3A_643, %add3A_63, %broadcast_in_dim3A_645 : vector<16xi1>, vector<16xi32>
            %reduce_min3A_647 = arith.constant true
            %reduce_min3A_648 = vector.broadcast %reduce_min3A_647 : i1 to vector<16xi1>
            %reduce_min3A_649 = arith.constant -2147483648 : i32
            %reduce_min3A_650 = vector.broadcast %reduce_min3A_649 : i32 to vector<16xi32>
            %reduce_min3A_651 = arith.xori %select_n3A_646, %reduce_min3A_650 : vector<16xi32>
            %reduce_min3A_652 = tpu.scan <min>, %reduce_min3A_651 masked %reduce_min3A_648 : vector<16xi32>, vector<16xi1> -> vector<16xi32>
            %reduce_min3A_653 = arith.xori %reduce_min3A_652, %reduce_min3A_650 : vector<16xi32>
            %reduce_min3A_654 = vector.extract %reduce_min3A_653[15] : i32 from vector<16xi32>
            %lt3A_655 = vector.broadcast %reduce_min3A_641 : f32 to vector<16xf32>
            %lt3A_656 = arith.cmpf olt, %lt3A_655, %select_n3A_627 : vector<16xf32>
            %eq3A_657 = vector.broadcast %reduce_min3A_641 : f32 to vector<16xf32>
            %eq3A_658 = arith.cmpf oeq, %eq3A_657, %select_n3A_627 : vector<16xf32>
            %lt3A_659 = vector.broadcast %reduce_min3A_654 : i32 to vector<16xi32>
            %lt3A_660 = arith.cmpi slt, %lt3A_659, %select_n3A_629 : vector<16xi32>
            %and3A_661 = arith.andi %eq3A_658, %lt3A_660 : vector<16xi1>
            %or3A_662 = arith.ori %lt3A_656, %and3A_661 : vector<16xi1>
            %broadcast_in_dim3A_663 = vector.broadcast %reduce_min3A_641 : f32 to vector<16xf32>
            %select_n3A_664 = arith.select %or3A_662, %broadcast_in_dim3A_663, %select_n3A_627 : vector<16xi1>, vector<16xf32>
            %broadcast_in_dim3A_665 = vector.broadcast %reduce_min3A_654 : i32 to vector<16xi32>
            %select_n3A_666 = arith.select %or3A_662, %broadcast_in_dim3A_665, %select_n3A_629 : vector<16xi1>, vector<16xi32>
            %gt3A_667 = arith.cmpf ogt, %gather3A_77, %scan3A_554 : vector<16xf32>
            %eq3A_668 = arith.cmpf oeq, %gather3A_77, %scan3A_554 : vector<16xf32>
            %gt3A_669 = arith.cmpi sgt, %add3A_75, %scan3A_555 : vector<16xi32>
            %and3A_670 = arith.andi %eq3A_668, %gt3A_669 : vector<16xi1>
            %or3A_671 = arith.ori %gt3A_667, %and3A_670 : vector<16xi1>
            %jit3A_672 = arith.constant 0x7F800000 : f32
            %broadcast_in_dim3A_673 = vector.broadcast %jit3A_672 : f32 to vector<16xf32>
            %select_n3A_674 = arith.select %or3A_671, %gather3A_77, %broadcast_in_dim3A_673 : vector<16xi1>, vector<16xf32>
            %reduce_min3A_675 = arith.constant true
            %reduce_min3A_676 = vector.broadcast %reduce_min3A_675 : i1 to vector<16xi1>
            %reduce_min3A_677 = tpu.scan <min>, %select_n3A_674 masked %reduce_min3A_676 : vector<16xf32>, vector<16xi1> -> vector<16xf32>
            %reduce_min3A_678 = vector.extract %reduce_min3A_677[15] : f32 from vector<16xf32>
            %eq3A_679 = vector.broadcast %reduce_min3A_678 : f32 to vector<16xf32>
            %eq3A_680 = arith.cmpf oeq, %select_n3A_674, %eq3A_679 : vector<16xf32>
            %jit3A_681 = arith.constant 1073741824 : i32
            %broadcast_in_dim3A_682 = vector.broadcast %jit3A_681 : i32 to vector<16xi32>
            %select_n3A_683 = arith.select %eq3A_680, %add3A_75, %broadcast_in_dim3A_682 : vector<16xi1>, vector<16xi32>
            %reduce_min3A_684 = arith.constant true
            %reduce_min3A_685 = vector.broadcast %reduce_min3A_684 : i1 to vector<16xi1>
            %reduce_min3A_686 = arith.constant -2147483648 : i32
            %reduce_min3A_687 = vector.broadcast %reduce_min3A_686 : i32 to vector<16xi32>
            %reduce_min3A_688 = arith.xori %select_n3A_683, %reduce_min3A_687 : vector<16xi32>
            %reduce_min3A_689 = tpu.scan <min>, %reduce_min3A_688 masked %reduce_min3A_685 : vector<16xi32>, vector<16xi1> -> vector<16xi32>
            %reduce_min3A_690 = arith.xori %reduce_min3A_689, %reduce_min3A_687 : vector<16xi32>
            %reduce_min3A_691 = vector.extract %reduce_min3A_690[15] : i32 from vector<16xi32>
            %lt3A_692 = vector.broadcast %reduce_min3A_678 : f32 to vector<16xf32>
            %lt3A_693 = arith.cmpf olt, %lt3A_692, %select_n3A_664 : vector<16xf32>
            %eq3A_694 = vector.broadcast %reduce_min3A_678 : f32 to vector<16xf32>
            %eq3A_695 = arith.cmpf oeq, %eq3A_694, %select_n3A_664 : vector<16xf32>
            %lt3A_696 = vector.broadcast %reduce_min3A_691 : i32 to vector<16xi32>
            %lt3A_697 = arith.cmpi slt, %lt3A_696, %select_n3A_666 : vector<16xi32>
            %and3A_698 = arith.andi %eq3A_695, %lt3A_697 : vector<16xi1>
            %or3A_699 = arith.ori %lt3A_693, %and3A_698 : vector<16xi1>
            %broadcast_in_dim3A_700 = vector.broadcast %reduce_min3A_678 : f32 to vector<16xf32>
            %select_n3A_701 = arith.select %or3A_699, %broadcast_in_dim3A_700, %select_n3A_664 : vector<16xi1>, vector<16xf32>
            %broadcast_in_dim3A_702 = vector.broadcast %reduce_min3A_691 : i32 to vector<16xi32>
            %select_n3A_703 = arith.select %or3A_699, %broadcast_in_dim3A_702, %select_n3A_666 : vector<16xi1>, vector<16xi32>
            %gt3A_704 = arith.cmpf ogt, %gather3A_89, %scan3A_554 : vector<16xf32>
            %eq3A_705 = arith.cmpf oeq, %gather3A_89, %scan3A_554 : vector<16xf32>
            %gt3A_706 = arith.cmpi sgt, %add3A_87, %scan3A_555 : vector<16xi32>
            %and3A_707 = arith.andi %eq3A_705, %gt3A_706 : vector<16xi1>
            %or3A_708 = arith.ori %gt3A_704, %and3A_707 : vector<16xi1>
            %jit3A_709 = arith.constant 0x7F800000 : f32
            %broadcast_in_dim3A_710 = vector.broadcast %jit3A_709 : f32 to vector<16xf32>
            %select_n3A_711 = arith.select %or3A_708, %gather3A_89, %broadcast_in_dim3A_710 : vector<16xi1>, vector<16xf32>
            %reduce_min3A_712 = arith.constant true
            %reduce_min3A_713 = vector.broadcast %reduce_min3A_712 : i1 to vector<16xi1>
            %reduce_min3A_714 = tpu.scan <min>, %select_n3A_711 masked %reduce_min3A_713 : vector<16xf32>, vector<16xi1> -> vector<16xf32>
            %reduce_min3A_715 = vector.extract %reduce_min3A_714[15] : f32 from vector<16xf32>
            %eq3A_716 = vector.broadcast %reduce_min3A_715 : f32 to vector<16xf32>
            %eq3A_717 = arith.cmpf oeq, %select_n3A_711, %eq3A_716 : vector<16xf32>
            %jit3A_718 = arith.constant 1073741824 : i32
            %broadcast_in_dim3A_719 = vector.broadcast %jit3A_718 : i32 to vector<16xi32>
            %select_n3A_720 = arith.select %eq3A_717, %add3A_87, %broadcast_in_dim3A_719 : vector<16xi1>, vector<16xi32>
            %reduce_min3A_721 = arith.constant true
            %reduce_min3A_722 = vector.broadcast %reduce_min3A_721 : i1 to vector<16xi1>
            %reduce_min3A_723 = arith.constant -2147483648 : i32
            %reduce_min3A_724 = vector.broadcast %reduce_min3A_723 : i32 to vector<16xi32>
            %reduce_min3A_725 = arith.xori %select_n3A_720, %reduce_min3A_724 : vector<16xi32>
            %reduce_min3A_726 = tpu.scan <min>, %reduce_min3A_725 masked %reduce_min3A_722 : vector<16xi32>, vector<16xi1> -> vector<16xi32>
            %reduce_min3A_727 = arith.xori %reduce_min3A_726, %reduce_min3A_724 : vector<16xi32>
            %reduce_min3A_728 = vector.extract %reduce_min3A_727[15] : i32 from vector<16xi32>
            %lt3A_729 = vector.broadcast %reduce_min3A_715 : f32 to vector<16xf32>
            %lt3A_730 = arith.cmpf olt, %lt3A_729, %select_n3A_701 : vector<16xf32>
            %eq3A_731 = vector.broadcast %reduce_min3A_715 : f32 to vector<16xf32>
            %eq3A_732 = arith.cmpf oeq, %eq3A_731, %select_n3A_701 : vector<16xf32>
            %lt3A_733 = vector.broadcast %reduce_min3A_728 : i32 to vector<16xi32>
            %lt3A_734 = arith.cmpi slt, %lt3A_733, %select_n3A_703 : vector<16xi32>
            %and3A_735 = arith.andi %eq3A_732, %lt3A_734 : vector<16xi1>
            %or3A_736 = arith.ori %lt3A_730, %and3A_735 : vector<16xi1>
            %broadcast_in_dim3A_737 = vector.broadcast %reduce_min3A_715 : f32 to vector<16xf32>
            %select_n3A_738 = arith.select %or3A_736, %broadcast_in_dim3A_737, %select_n3A_701 : vector<16xi1>, vector<16xf32>
            %broadcast_in_dim3A_739 = vector.broadcast %reduce_min3A_728 : i32 to vector<16xi32>
            %select_n3A_740 = arith.select %or3A_736, %broadcast_in_dim3A_739, %select_n3A_703 : vector<16xi1>, vector<16xi32>
            %gt3A_741 = arith.cmpf ogt, %gather3A_101, %scan3A_554 : vector<16xf32>
            %eq3A_742 = arith.cmpf oeq, %gather3A_101, %scan3A_554 : vector<16xf32>
            %gt3A_743 = arith.cmpi sgt, %add3A_99, %scan3A_555 : vector<16xi32>
            %and3A_744 = arith.andi %eq3A_742, %gt3A_743 : vector<16xi1>
            %or3A_745 = arith.ori %gt3A_741, %and3A_744 : vector<16xi1>
            %jit3A_746 = arith.constant 0x7F800000 : f32
            %broadcast_in_dim3A_747 = vector.broadcast %jit3A_746 : f32 to vector<16xf32>
            %select_n3A_748 = arith.select %or3A_745, %gather3A_101, %broadcast_in_dim3A_747 : vector<16xi1>, vector<16xf32>
            %reduce_min3A_749 = arith.constant true
            %reduce_min3A_750 = vector.broadcast %reduce_min3A_749 : i1 to vector<16xi1>
            %reduce_min3A_751 = tpu.scan <min>, %select_n3A_748 masked %reduce_min3A_750 : vector<16xf32>, vector<16xi1> -> vector<16xf32>
            %reduce_min3A_752 = vector.extract %reduce_min3A_751[15] : f32 from vector<16xf32>
            %eq3A_753 = vector.broadcast %reduce_min3A_752 : f32 to vector<16xf32>
            %eq3A_754 = arith.cmpf oeq, %select_n3A_748, %eq3A_753 : vector<16xf32>
            %jit3A_755 = arith.constant 1073741824 : i32
            %broadcast_in_dim3A_756 = vector.broadcast %jit3A_755 : i32 to vector<16xi32>
            %select_n3A_757 = arith.select %eq3A_754, %add3A_99, %broadcast_in_dim3A_756 : vector<16xi1>, vector<16xi32>
            %reduce_min3A_758 = arith.constant true
            %reduce_min3A_759 = vector.broadcast %reduce_min3A_758 : i1 to vector<16xi1>
            %reduce_min3A_760 = arith.constant -2147483648 : i32
            %reduce_min3A_761 = vector.broadcast %reduce_min3A_760 : i32 to vector<16xi32>
            %reduce_min3A_762 = arith.xori %select_n3A_757, %reduce_min3A_761 : vector<16xi32>
            %reduce_min3A_763 = tpu.scan <min>, %reduce_min3A_762 masked %reduce_min3A_759 : vector<16xi32>, vector<16xi1> -> vector<16xi32>
            %reduce_min3A_764 = arith.xori %reduce_min3A_763, %reduce_min3A_761 : vector<16xi32>
            %reduce_min3A_765 = vector.extract %reduce_min3A_764[15] : i32 from vector<16xi32>
            %lt3A_766 = vector.broadcast %reduce_min3A_752 : f32 to vector<16xf32>
            %lt3A_767 = arith.cmpf olt, %lt3A_766, %select_n3A_738 : vector<16xf32>
            %eq3A_768 = vector.broadcast %reduce_min3A_752 : f32 to vector<16xf32>
            %eq3A_769 = arith.cmpf oeq, %eq3A_768, %select_n3A_738 : vector<16xf32>
            %lt3A_770 = vector.broadcast %reduce_min3A_765 : i32 to vector<16xi32>
            %lt3A_771 = arith.cmpi slt, %lt3A_770, %select_n3A_740 : vector<16xi32>
            %and3A_772 = arith.andi %eq3A_769, %lt3A_771 : vector<16xi1>
            %or3A_773 = arith.ori %lt3A_767, %and3A_772 : vector<16xi1>
            %broadcast_in_dim3A_774 = vector.broadcast %reduce_min3A_752 : f32 to vector<16xf32>
            %select_n3A_775 = arith.select %or3A_773, %broadcast_in_dim3A_774, %select_n3A_738 : vector<16xi1>, vector<16xf32>
            %broadcast_in_dim3A_776 = vector.broadcast %reduce_min3A_765 : i32 to vector<16xi32>
            %select_n3A_777 = arith.select %or3A_773, %broadcast_in_dim3A_776, %select_n3A_740 : vector<16xi1>, vector<16xi32>
            %gt3A_778 = arith.cmpf ogt, %gather3A_113, %scan3A_554 : vector<16xf32>
            %eq3A_779 = arith.cmpf oeq, %gather3A_113, %scan3A_554 : vector<16xf32>
            %gt3A_780 = arith.cmpi sgt, %add3A_111, %scan3A_555 : vector<16xi32>
            %and3A_781 = arith.andi %eq3A_779, %gt3A_780 : vector<16xi1>
            %or3A_782 = arith.ori %gt3A_778, %and3A_781 : vector<16xi1>
            %jit3A_783 = arith.constant 0x7F800000 : f32
            %broadcast_in_dim3A_784 = vector.broadcast %jit3A_783 : f32 to vector<16xf32>
            %select_n3A_785 = arith.select %or3A_782, %gather3A_113, %broadcast_in_dim3A_784 : vector<16xi1>, vector<16xf32>
            %reduce_min3A_786 = arith.constant true
            %reduce_min3A_787 = vector.broadcast %reduce_min3A_786 : i1 to vector<16xi1>
            %reduce_min3A_788 = tpu.scan <min>, %select_n3A_785 masked %reduce_min3A_787 : vector<16xf32>, vector<16xi1> -> vector<16xf32>
            %reduce_min3A_789 = vector.extract %reduce_min3A_788[15] : f32 from vector<16xf32>
            %eq3A_790 = vector.broadcast %reduce_min3A_789 : f32 to vector<16xf32>
            %eq3A_791 = arith.cmpf oeq, %select_n3A_785, %eq3A_790 : vector<16xf32>
            %jit3A_792 = arith.constant 1073741824 : i32
            %broadcast_in_dim3A_793 = vector.broadcast %jit3A_792 : i32 to vector<16xi32>
            %select_n3A_794 = arith.select %eq3A_791, %add3A_111, %broadcast_in_dim3A_793 : vector<16xi1>, vector<16xi32>
            %reduce_min3A_795 = arith.constant true
            %reduce_min3A_796 = vector.broadcast %reduce_min3A_795 : i1 to vector<16xi1>
            %reduce_min3A_797 = arith.constant -2147483648 : i32
            %reduce_min3A_798 = vector.broadcast %reduce_min3A_797 : i32 to vector<16xi32>
            %reduce_min3A_799 = arith.xori %select_n3A_794, %reduce_min3A_798 : vector<16xi32>
            %reduce_min3A_800 = tpu.scan <min>, %reduce_min3A_799 masked %reduce_min3A_796 : vector<16xi32>, vector<16xi1> -> vector<16xi32>
            %reduce_min3A_801 = arith.xori %reduce_min3A_800, %reduce_min3A_798 : vector<16xi32>
            %reduce_min3A_802 = vector.extract %reduce_min3A_801[15] : i32 from vector<16xi32>
            %lt3A_803 = vector.broadcast %reduce_min3A_789 : f32 to vector<16xf32>
            %lt3A_804 = arith.cmpf olt, %lt3A_803, %select_n3A_775 : vector<16xf32>
            %eq3A_805 = vector.broadcast %reduce_min3A_789 : f32 to vector<16xf32>
            %eq3A_806 = arith.cmpf oeq, %eq3A_805, %select_n3A_775 : vector<16xf32>
            %lt3A_807 = vector.broadcast %reduce_min3A_802 : i32 to vector<16xi32>
            %lt3A_808 = arith.cmpi slt, %lt3A_807, %select_n3A_777 : vector<16xi32>
            %and3A_809 = arith.andi %eq3A_806, %lt3A_808 : vector<16xi1>
            %or3A_810 = arith.ori %lt3A_804, %and3A_809 : vector<16xi1>
            %broadcast_in_dim3A_811 = vector.broadcast %reduce_min3A_789 : f32 to vector<16xf32>
            %select_n3A_812 = arith.select %or3A_810, %broadcast_in_dim3A_811, %select_n3A_775 : vector<16xi1>, vector<16xf32>
            %broadcast_in_dim3A_813 = vector.broadcast %reduce_min3A_802 : i32 to vector<16xi32>
            %select_n3A_814 = arith.select %or3A_810, %broadcast_in_dim3A_813, %select_n3A_777 : vector<16xi1>, vector<16xi32>
            %gt3A_815 = arith.cmpf ogt, %gather3A_125, %scan3A_554 : vector<16xf32>
            %eq3A_816 = arith.cmpf oeq, %gather3A_125, %scan3A_554 : vector<16xf32>
            %gt3A_817 = arith.cmpi sgt, %add3A_123, %scan3A_555 : vector<16xi32>
            %and3A_818 = arith.andi %eq3A_816, %gt3A_817 : vector<16xi1>
            %or3A_819 = arith.ori %gt3A_815, %and3A_818 : vector<16xi1>
            %jit3A_820 = arith.constant 0x7F800000 : f32
            %broadcast_in_dim3A_821 = vector.broadcast %jit3A_820 : f32 to vector<16xf32>
            %select_n3A_822 = arith.select %or3A_819, %gather3A_125, %broadcast_in_dim3A_821 : vector<16xi1>, vector<16xf32>
            %reduce_min3A_823 = arith.constant true
            %reduce_min3A_824 = vector.broadcast %reduce_min3A_823 : i1 to vector<16xi1>
            %reduce_min3A_825 = tpu.scan <min>, %select_n3A_822 masked %reduce_min3A_824 : vector<16xf32>, vector<16xi1> -> vector<16xf32>
            %reduce_min3A_826 = vector.extract %reduce_min3A_825[15] : f32 from vector<16xf32>
            %eq3A_827 = vector.broadcast %reduce_min3A_826 : f32 to vector<16xf32>
            %eq3A_828 = arith.cmpf oeq, %select_n3A_822, %eq3A_827 : vector<16xf32>
            %jit3A_829 = arith.constant 1073741824 : i32
            %broadcast_in_dim3A_830 = vector.broadcast %jit3A_829 : i32 to vector<16xi32>
            %select_n3A_831 = arith.select %eq3A_828, %add3A_123, %broadcast_in_dim3A_830 : vector<16xi1>, vector<16xi32>
            %reduce_min3A_832 = arith.constant true
            %reduce_min3A_833 = vector.broadcast %reduce_min3A_832 : i1 to vector<16xi1>
            %reduce_min3A_834 = arith.constant -2147483648 : i32
            %reduce_min3A_835 = vector.broadcast %reduce_min3A_834 : i32 to vector<16xi32>
            %reduce_min3A_836 = arith.xori %select_n3A_831, %reduce_min3A_835 : vector<16xi32>
            %reduce_min3A_837 = tpu.scan <min>, %reduce_min3A_836 masked %reduce_min3A_833 : vector<16xi32>, vector<16xi1> -> vector<16xi32>
            %reduce_min3A_838 = arith.xori %reduce_min3A_837, %reduce_min3A_835 : vector<16xi32>
            %reduce_min3A_839 = vector.extract %reduce_min3A_838[15] : i32 from vector<16xi32>
            %lt3A_840 = vector.broadcast %reduce_min3A_826 : f32 to vector<16xf32>
            %lt3A_841 = arith.cmpf olt, %lt3A_840, %select_n3A_812 : vector<16xf32>
            %eq3A_842 = vector.broadcast %reduce_min3A_826 : f32 to vector<16xf32>
            %eq3A_843 = arith.cmpf oeq, %eq3A_842, %select_n3A_812 : vector<16xf32>
            %lt3A_844 = vector.broadcast %reduce_min3A_839 : i32 to vector<16xi32>
            %lt3A_845 = arith.cmpi slt, %lt3A_844, %select_n3A_814 : vector<16xi32>
            %and3A_846 = arith.andi %eq3A_843, %lt3A_845 : vector<16xi1>
            %or3A_847 = arith.ori %lt3A_841, %and3A_846 : vector<16xi1>
            %broadcast_in_dim3A_848 = vector.broadcast %reduce_min3A_826 : f32 to vector<16xf32>
            %select_n3A_849 = arith.select %or3A_847, %broadcast_in_dim3A_848, %select_n3A_812 : vector<16xi1>, vector<16xf32>
            %broadcast_in_dim3A_850 = vector.broadcast %reduce_min3A_839 : i32 to vector<16xi32>
            %select_n3A_851 = arith.select %or3A_847, %broadcast_in_dim3A_850, %select_n3A_814 : vector<16xi1>, vector<16xi32>
            %gt3A_852 = arith.cmpf ogt, %gather3A_137, %scan3A_554 : vector<16xf32>
            %eq3A_853 = arith.cmpf oeq, %gather3A_137, %scan3A_554 : vector<16xf32>
            %gt3A_854 = arith.cmpi sgt, %add3A_135, %scan3A_555 : vector<16xi32>
            %and3A_855 = arith.andi %eq3A_853, %gt3A_854 : vector<16xi1>
            %or3A_856 = arith.ori %gt3A_852, %and3A_855 : vector<16xi1>
            %jit3A_857 = arith.constant 0x7F800000 : f32
            %broadcast_in_dim3A_858 = vector.broadcast %jit3A_857 : f32 to vector<16xf32>
            %select_n3A_859 = arith.select %or3A_856, %gather3A_137, %broadcast_in_dim3A_858 : vector<16xi1>, vector<16xf32>
            %reduce_min3A_860 = arith.constant true
            %reduce_min3A_861 = vector.broadcast %reduce_min3A_860 : i1 to vector<16xi1>
            %reduce_min3A_862 = tpu.scan <min>, %select_n3A_859 masked %reduce_min3A_861 : vector<16xf32>, vector<16xi1> -> vector<16xf32>
            %reduce_min3A_863 = vector.extract %reduce_min3A_862[15] : f32 from vector<16xf32>
            %eq3A_864 = vector.broadcast %reduce_min3A_863 : f32 to vector<16xf32>
            %eq3A_865 = arith.cmpf oeq, %select_n3A_859, %eq3A_864 : vector<16xf32>
            %jit3A_866 = arith.constant 1073741824 : i32
            %broadcast_in_dim3A_867 = vector.broadcast %jit3A_866 : i32 to vector<16xi32>
            %select_n3A_868 = arith.select %eq3A_865, %add3A_135, %broadcast_in_dim3A_867 : vector<16xi1>, vector<16xi32>
            %reduce_min3A_869 = arith.constant true
            %reduce_min3A_870 = vector.broadcast %reduce_min3A_869 : i1 to vector<16xi1>
            %reduce_min3A_871 = arith.constant -2147483648 : i32
            %reduce_min3A_872 = vector.broadcast %reduce_min3A_871 : i32 to vector<16xi32>
            %reduce_min3A_873 = arith.xori %select_n3A_868, %reduce_min3A_872 : vector<16xi32>
            %reduce_min3A_874 = tpu.scan <min>, %reduce_min3A_873 masked %reduce_min3A_870 : vector<16xi32>, vector<16xi1> -> vector<16xi32>
            %reduce_min3A_875 = arith.xori %reduce_min3A_874, %reduce_min3A_872 : vector<16xi32>
            %reduce_min3A_876 = vector.extract %reduce_min3A_875[15] : i32 from vector<16xi32>
            %lt3A_877 = vector.broadcast %reduce_min3A_863 : f32 to vector<16xf32>
            %lt3A_878 = arith.cmpf olt, %lt3A_877, %select_n3A_849 : vector<16xf32>
            %eq3A_879 = vector.broadcast %reduce_min3A_863 : f32 to vector<16xf32>
            %eq3A_880 = arith.cmpf oeq, %eq3A_879, %select_n3A_849 : vector<16xf32>
            %lt3A_881 = vector.broadcast %reduce_min3A_876 : i32 to vector<16xi32>
            %lt3A_882 = arith.cmpi slt, %lt3A_881, %select_n3A_851 : vector<16xi32>
            %and3A_883 = arith.andi %eq3A_880, %lt3A_882 : vector<16xi1>
            %or3A_884 = arith.ori %lt3A_878, %and3A_883 : vector<16xi1>
            %broadcast_in_dim3A_885 = vector.broadcast %reduce_min3A_863 : f32 to vector<16xf32>
            %select_n3A_886 = arith.select %or3A_884, %broadcast_in_dim3A_885, %select_n3A_849 : vector<16xi1>, vector<16xf32>
            %broadcast_in_dim3A_887 = vector.broadcast %reduce_min3A_876 : i32 to vector<16xi32>
            %select_n3A_888 = arith.select %or3A_884, %broadcast_in_dim3A_887, %select_n3A_851 : vector<16xi1>, vector<16xi32>
            %gt3A_889 = arith.cmpf ogt, %gather3A_149, %scan3A_554 : vector<16xf32>
            %eq3A_890 = arith.cmpf oeq, %gather3A_149, %scan3A_554 : vector<16xf32>
            %gt3A_891 = arith.cmpi sgt, %add3A_147, %scan3A_555 : vector<16xi32>
            %and3A_892 = arith.andi %eq3A_890, %gt3A_891 : vector<16xi1>
            %or3A_893 = arith.ori %gt3A_889, %and3A_892 : vector<16xi1>
            %jit3A_894 = arith.constant 0x7F800000 : f32
            %broadcast_in_dim3A_895 = vector.broadcast %jit3A_894 : f32 to vector<16xf32>
            %select_n3A_896 = arith.select %or3A_893, %gather3A_149, %broadcast_in_dim3A_895 : vector<16xi1>, vector<16xf32>
            %reduce_min3A_897 = arith.constant true
            %reduce_min3A_898 = vector.broadcast %reduce_min3A_897 : i1 to vector<16xi1>
            %reduce_min3A_899 = tpu.scan <min>, %select_n3A_896 masked %reduce_min3A_898 : vector<16xf32>, vector<16xi1> -> vector<16xf32>
            %reduce_min3A_900 = vector.extract %reduce_min3A_899[15] : f32 from vector<16xf32>
            %eq3A_901 = vector.broadcast %reduce_min3A_900 : f32 to vector<16xf32>
            %eq3A_902 = arith.cmpf oeq, %select_n3A_896, %eq3A_901 : vector<16xf32>
            %jit3A_903 = arith.constant 1073741824 : i32
            %broadcast_in_dim3A_904 = vector.broadcast %jit3A_903 : i32 to vector<16xi32>
            %select_n3A_905 = arith.select %eq3A_902, %add3A_147, %broadcast_in_dim3A_904 : vector<16xi1>, vector<16xi32>
            %reduce_min3A_906 = arith.constant true
            %reduce_min3A_907 = vector.broadcast %reduce_min3A_906 : i1 to vector<16xi1>
            %reduce_min3A_908 = arith.constant -2147483648 : i32
            %reduce_min3A_909 = vector.broadcast %reduce_min3A_908 : i32 to vector<16xi32>
            %reduce_min3A_910 = arith.xori %select_n3A_905, %reduce_min3A_909 : vector<16xi32>
            %reduce_min3A_911 = tpu.scan <min>, %reduce_min3A_910 masked %reduce_min3A_907 : vector<16xi32>, vector<16xi1> -> vector<16xi32>
            %reduce_min3A_912 = arith.xori %reduce_min3A_911, %reduce_min3A_909 : vector<16xi32>
            %reduce_min3A_913 = vector.extract %reduce_min3A_912[15] : i32 from vector<16xi32>
            %lt3A_914 = vector.broadcast %reduce_min3A_900 : f32 to vector<16xf32>
            %lt3A_915 = arith.cmpf olt, %lt3A_914, %select_n3A_886 : vector<16xf32>
            %eq3A_916 = vector.broadcast %reduce_min3A_900 : f32 to vector<16xf32>
            %eq3A_917 = arith.cmpf oeq, %eq3A_916, %select_n3A_886 : vector<16xf32>
            %lt3A_918 = vector.broadcast %reduce_min3A_913 : i32 to vector<16xi32>
            %lt3A_919 = arith.cmpi slt, %lt3A_918, %select_n3A_888 : vector<16xi32>
            %and3A_920 = arith.andi %eq3A_917, %lt3A_919 : vector<16xi1>
            %or3A_921 = arith.ori %lt3A_915, %and3A_920 : vector<16xi1>
            %broadcast_in_dim3A_922 = vector.broadcast %reduce_min3A_900 : f32 to vector<16xf32>
            %select_n3A_923 = arith.select %or3A_921, %broadcast_in_dim3A_922, %select_n3A_886 : vector<16xi1>, vector<16xf32>
            %broadcast_in_dim3A_924 = vector.broadcast %reduce_min3A_913 : i32 to vector<16xi32>
            %select_n3A_925 = arith.select %or3A_921, %broadcast_in_dim3A_924, %select_n3A_888 : vector<16xi1>, vector<16xi32>
            %gt3A_926 = arith.cmpf ogt, %gather3A_161, %scan3A_554 : vector<16xf32>
            %eq3A_927 = arith.cmpf oeq, %gather3A_161, %scan3A_554 : vector<16xf32>
            %gt3A_928 = arith.cmpi sgt, %add3A_159, %scan3A_555 : vector<16xi32>
            %and3A_929 = arith.andi %eq3A_927, %gt3A_928 : vector<16xi1>
            %or3A_930 = arith.ori %gt3A_926, %and3A_929 : vector<16xi1>
            %jit3A_931 = arith.constant 0x7F800000 : f32
            %broadcast_in_dim3A_932 = vector.broadcast %jit3A_931 : f32 to vector<16xf32>
            %select_n3A_933 = arith.select %or3A_930, %gather3A_161, %broadcast_in_dim3A_932 : vector<16xi1>, vector<16xf32>
            %reduce_min3A_934 = arith.constant true
            %reduce_min3A_935 = vector.broadcast %reduce_min3A_934 : i1 to vector<16xi1>
            %reduce_min3A_936 = tpu.scan <min>, %select_n3A_933 masked %reduce_min3A_935 : vector<16xf32>, vector<16xi1> -> vector<16xf32>
            %reduce_min3A_937 = vector.extract %reduce_min3A_936[15] : f32 from vector<16xf32>
            %eq3A_938 = vector.broadcast %reduce_min3A_937 : f32 to vector<16xf32>
            %eq3A_939 = arith.cmpf oeq, %select_n3A_933, %eq3A_938 : vector<16xf32>
            %jit3A_940 = arith.constant 1073741824 : i32
            %broadcast_in_dim3A_941 = vector.broadcast %jit3A_940 : i32 to vector<16xi32>
            %select_n3A_942 = arith.select %eq3A_939, %add3A_159, %broadcast_in_dim3A_941 : vector<16xi1>, vector<16xi32>
            %reduce_min3A_943 = arith.constant true
            %reduce_min3A_944 = vector.broadcast %reduce_min3A_943 : i1 to vector<16xi1>
            %reduce_min3A_945 = arith.constant -2147483648 : i32
            %reduce_min3A_946 = vector.broadcast %reduce_min3A_945 : i32 to vector<16xi32>
            %reduce_min3A_947 = arith.xori %select_n3A_942, %reduce_min3A_946 : vector<16xi32>
            %reduce_min3A_948 = tpu.scan <min>, %reduce_min3A_947 masked %reduce_min3A_944 : vector<16xi32>, vector<16xi1> -> vector<16xi32>
            %reduce_min3A_949 = arith.xori %reduce_min3A_948, %reduce_min3A_946 : vector<16xi32>
            %reduce_min3A_950 = vector.extract %reduce_min3A_949[15] : i32 from vector<16xi32>
            %lt3A_951 = vector.broadcast %reduce_min3A_937 : f32 to vector<16xf32>
            %lt3A_952 = arith.cmpf olt, %lt3A_951, %select_n3A_923 : vector<16xf32>
            %eq3A_953 = vector.broadcast %reduce_min3A_937 : f32 to vector<16xf32>
            %eq3A_954 = arith.cmpf oeq, %eq3A_953, %select_n3A_923 : vector<16xf32>
            %lt3A_955 = vector.broadcast %reduce_min3A_950 : i32 to vector<16xi32>
            %lt3A_956 = arith.cmpi slt, %lt3A_955, %select_n3A_925 : vector<16xi32>
            %and3A_957 = arith.andi %eq3A_954, %lt3A_956 : vector<16xi1>
            %or3A_958 = arith.ori %lt3A_952, %and3A_957 : vector<16xi1>
            %broadcast_in_dim3A_959 = vector.broadcast %reduce_min3A_937 : f32 to vector<16xf32>
            %select_n3A_960 = arith.select %or3A_958, %broadcast_in_dim3A_959, %select_n3A_923 : vector<16xi1>, vector<16xf32>
            %broadcast_in_dim3A_961 = vector.broadcast %reduce_min3A_950 : i32 to vector<16xi32>
            %select_n3A_962 = arith.select %or3A_958, %broadcast_in_dim3A_961, %select_n3A_925 : vector<16xi1>, vector<16xi32>
            %gt3A_963 = arith.cmpf ogt, %gather3A_173, %scan3A_554 : vector<16xf32>
            %eq3A_964 = arith.cmpf oeq, %gather3A_173, %scan3A_554 : vector<16xf32>
            %gt3A_965 = arith.cmpi sgt, %add3A_171, %scan3A_555 : vector<16xi32>
            %and3A_966 = arith.andi %eq3A_964, %gt3A_965 : vector<16xi1>
            %or3A_967 = arith.ori %gt3A_963, %and3A_966 : vector<16xi1>
            %jit3A_968 = arith.constant 0x7F800000 : f32
            %broadcast_in_dim3A_969 = vector.broadcast %jit3A_968 : f32 to vector<16xf32>
            %select_n3A_970 = arith.select %or3A_967, %gather3A_173, %broadcast_in_dim3A_969 : vector<16xi1>, vector<16xf32>
            %reduce_min3A_971 = arith.constant true
            %reduce_min3A_972 = vector.broadcast %reduce_min3A_971 : i1 to vector<16xi1>
            %reduce_min3A_973 = tpu.scan <min>, %select_n3A_970 masked %reduce_min3A_972 : vector<16xf32>, vector<16xi1> -> vector<16xf32>
            %reduce_min3A_974 = vector.extract %reduce_min3A_973[15] : f32 from vector<16xf32>
            %eq3A_975 = vector.broadcast %reduce_min3A_974 : f32 to vector<16xf32>
            %eq3A_976 = arith.cmpf oeq, %select_n3A_970, %eq3A_975 : vector<16xf32>
            %jit3A_977 = arith.constant 1073741824 : i32
            %broadcast_in_dim3A_978 = vector.broadcast %jit3A_977 : i32 to vector<16xi32>
            %select_n3A_979 = arith.select %eq3A_976, %add3A_171, %broadcast_in_dim3A_978 : vector<16xi1>, vector<16xi32>
            %reduce_min3A_980 = arith.constant true
            %reduce_min3A_981 = vector.broadcast %reduce_min3A_980 : i1 to vector<16xi1>
            %reduce_min3A_982 = arith.constant -2147483648 : i32
            %reduce_min3A_983 = vector.broadcast %reduce_min3A_982 : i32 to vector<16xi32>
            %reduce_min3A_984 = arith.xori %select_n3A_979, %reduce_min3A_983 : vector<16xi32>
            %reduce_min3A_985 = tpu.scan <min>, %reduce_min3A_984 masked %reduce_min3A_981 : vector<16xi32>, vector<16xi1> -> vector<16xi32>
            %reduce_min3A_986 = arith.xori %reduce_min3A_985, %reduce_min3A_983 : vector<16xi32>
            %reduce_min3A_987 = vector.extract %reduce_min3A_986[15] : i32 from vector<16xi32>
            %lt3A_988 = vector.broadcast %reduce_min3A_974 : f32 to vector<16xf32>
            %lt3A_989 = arith.cmpf olt, %lt3A_988, %select_n3A_960 : vector<16xf32>
            %eq3A_990 = vector.broadcast %reduce_min3A_974 : f32 to vector<16xf32>
            %eq3A_991 = arith.cmpf oeq, %eq3A_990, %select_n3A_960 : vector<16xf32>
            %lt3A_992 = vector.broadcast %reduce_min3A_987 : i32 to vector<16xi32>
            %lt3A_993 = arith.cmpi slt, %lt3A_992, %select_n3A_962 : vector<16xi32>
            %and3A_994 = arith.andi %eq3A_991, %lt3A_993 : vector<16xi1>
            %or3A_995 = arith.ori %lt3A_989, %and3A_994 : vector<16xi1>
            %broadcast_in_dim3A_996 = vector.broadcast %reduce_min3A_974 : f32 to vector<16xf32>
            %select_n3A_997 = arith.select %or3A_995, %broadcast_in_dim3A_996, %select_n3A_960 : vector<16xi1>, vector<16xf32>
            %broadcast_in_dim3A_998 = vector.broadcast %reduce_min3A_987 : i32 to vector<16xi32>
            %select_n3A_999 = arith.select %or3A_995, %broadcast_in_dim3A_998, %select_n3A_962 : vector<16xi1>, vector<16xi32>
            %gt3A_1000 = arith.cmpf ogt, %gather3A_185, %scan3A_554 : vector<16xf32>
            %eq3A_1001 = arith.cmpf oeq, %gather3A_185, %scan3A_554 : vector<16xf32>
            %gt3A_1002 = arith.cmpi sgt, %add3A_183, %scan3A_555 : vector<16xi32>
            %and3A_1003 = arith.andi %eq3A_1001, %gt3A_1002 : vector<16xi1>
            %or3A_1004 = arith.ori %gt3A_1000, %and3A_1003 : vector<16xi1>
            %jit3A_1005 = arith.constant 0x7F800000 : f32
            %broadcast_in_dim3A_1006 = vector.broadcast %jit3A_1005 : f32 to vector<16xf32>
            %select_n3A_1007 = arith.select %or3A_1004, %gather3A_185, %broadcast_in_dim3A_1006 : vector<16xi1>, vector<16xf32>
            %reduce_min3A_1008 = arith.constant true
            %reduce_min3A_1009 = vector.broadcast %reduce_min3A_1008 : i1 to vector<16xi1>
            %reduce_min3A_1010 = tpu.scan <min>, %select_n3A_1007 masked %reduce_min3A_1009 : vector<16xf32>, vector<16xi1> -> vector<16xf32>
            %reduce_min3A_1011 = vector.extract %reduce_min3A_1010[15] : f32 from vector<16xf32>
            %eq3A_1012 = vector.broadcast %reduce_min3A_1011 : f32 to vector<16xf32>
            %eq3A_1013 = arith.cmpf oeq, %select_n3A_1007, %eq3A_1012 : vector<16xf32>
            %jit3A_1014 = arith.constant 1073741824 : i32
            %broadcast_in_dim3A_1015 = vector.broadcast %jit3A_1014 : i32 to vector<16xi32>
            %select_n3A_1016 = arith.select %eq3A_1013, %add3A_183, %broadcast_in_dim3A_1015 : vector<16xi1>, vector<16xi32>
            %reduce_min3A_1017 = arith.constant true
            %reduce_min3A_1018 = vector.broadcast %reduce_min3A_1017 : i1 to vector<16xi1>
            %reduce_min3A_1019 = arith.constant -2147483648 : i32
            %reduce_min3A_1020 = vector.broadcast %reduce_min3A_1019 : i32 to vector<16xi32>
            %reduce_min3A_1021 = arith.xori %select_n3A_1016, %reduce_min3A_1020 : vector<16xi32>
            %reduce_min3A_1022 = tpu.scan <min>, %reduce_min3A_1021 masked %reduce_min3A_1018 : vector<16xi32>, vector<16xi1> -> vector<16xi32>
            %reduce_min3A_1023 = arith.xori %reduce_min3A_1022, %reduce_min3A_1020 : vector<16xi32>
            %reduce_min3A_1024 = vector.extract %reduce_min3A_1023[15] : i32 from vector<16xi32>
            %lt3A_1025 = vector.broadcast %reduce_min3A_1011 : f32 to vector<16xf32>
            %lt3A_1026 = arith.cmpf olt, %lt3A_1025, %select_n3A_997 : vector<16xf32>
            %eq3A_1027 = vector.broadcast %reduce_min3A_1011 : f32 to vector<16xf32>
            %eq3A_1028 = arith.cmpf oeq, %eq3A_1027, %select_n3A_997 : vector<16xf32>
            %lt3A_1029 = vector.broadcast %reduce_min3A_1024 : i32 to vector<16xi32>
            %lt3A_1030 = arith.cmpi slt, %lt3A_1029, %select_n3A_999 : vector<16xi32>
            %and3A_1031 = arith.andi %eq3A_1028, %lt3A_1030 : vector<16xi1>
            %or3A_1032 = arith.ori %lt3A_1026, %and3A_1031 : vector<16xi1>
            %broadcast_in_dim3A_1033 = vector.broadcast %reduce_min3A_1011 : f32 to vector<16xf32>
            %select_n3A_1034 = arith.select %or3A_1032, %broadcast_in_dim3A_1033, %select_n3A_997 : vector<16xi1>, vector<16xf32>
            %broadcast_in_dim3A_1035 = vector.broadcast %reduce_min3A_1024 : i32 to vector<16xi32>
            %select_n3A_1036 = arith.select %or3A_1032, %broadcast_in_dim3A_1035, %select_n3A_999 : vector<16xi1>, vector<16xi32>
            %gt3A_1037 = arith.cmpf ogt, %gather3A_197, %scan3A_554 : vector<16xf32>
            %eq3A_1038 = arith.cmpf oeq, %gather3A_197, %scan3A_554 : vector<16xf32>
            %gt3A_1039 = arith.cmpi sgt, %add3A_195, %scan3A_555 : vector<16xi32>
            %and3A_1040 = arith.andi %eq3A_1038, %gt3A_1039 : vector<16xi1>
            %or3A_1041 = arith.ori %gt3A_1037, %and3A_1040 : vector<16xi1>
            %jit3A_1042 = arith.constant 0x7F800000 : f32
            %broadcast_in_dim3A_1043 = vector.broadcast %jit3A_1042 : f32 to vector<16xf32>
            %select_n3A_1044 = arith.select %or3A_1041, %gather3A_197, %broadcast_in_dim3A_1043 : vector<16xi1>, vector<16xf32>
            %reduce_min3A_1045 = arith.constant true
            %reduce_min3A_1046 = vector.broadcast %reduce_min3A_1045 : i1 to vector<16xi1>
            %reduce_min3A_1047 = tpu.scan <min>, %select_n3A_1044 masked %reduce_min3A_1046 : vector<16xf32>, vector<16xi1> -> vector<16xf32>
            %reduce_min3A_1048 = vector.extract %reduce_min3A_1047[15] : f32 from vector<16xf32>
            %eq3A_1049 = vector.broadcast %reduce_min3A_1048 : f32 to vector<16xf32>
            %eq3A_1050 = arith.cmpf oeq, %select_n3A_1044, %eq3A_1049 : vector<16xf32>
            %jit3A_1051 = arith.constant 1073741824 : i32
            %broadcast_in_dim3A_1052 = vector.broadcast %jit3A_1051 : i32 to vector<16xi32>
            %select_n3A_1053 = arith.select %eq3A_1050, %add3A_195, %broadcast_in_dim3A_1052 : vector<16xi1>, vector<16xi32>
            %reduce_min3A_1054 = arith.constant true
            %reduce_min3A_1055 = vector.broadcast %reduce_min3A_1054 : i1 to vector<16xi1>
            %reduce_min3A_1056 = arith.constant -2147483648 : i32
            %reduce_min3A_1057 = vector.broadcast %reduce_min3A_1056 : i32 to vector<16xi32>
            %reduce_min3A_1058 = arith.xori %select_n3A_1053, %reduce_min3A_1057 : vector<16xi32>
            %reduce_min3A_1059 = tpu.scan <min>, %reduce_min3A_1058 masked %reduce_min3A_1055 : vector<16xi32>, vector<16xi1> -> vector<16xi32>
            %reduce_min3A_1060 = arith.xori %reduce_min3A_1059, %reduce_min3A_1057 : vector<16xi32>
            %reduce_min3A_1061 = vector.extract %reduce_min3A_1060[15] : i32 from vector<16xi32>
            %lt3A_1062 = vector.broadcast %reduce_min3A_1048 : f32 to vector<16xf32>
            %lt3A_1063 = arith.cmpf olt, %lt3A_1062, %select_n3A_1034 : vector<16xf32>
            %eq3A_1064 = vector.broadcast %reduce_min3A_1048 : f32 to vector<16xf32>
            %eq3A_1065 = arith.cmpf oeq, %eq3A_1064, %select_n3A_1034 : vector<16xf32>
            %lt3A_1066 = vector.broadcast %reduce_min3A_1061 : i32 to vector<16xi32>
            %lt3A_1067 = arith.cmpi slt, %lt3A_1066, %select_n3A_1036 : vector<16xi32>
            %and3A_1068 = arith.andi %eq3A_1065, %lt3A_1067 : vector<16xi1>
            %or3A_1069 = arith.ori %lt3A_1063, %and3A_1068 : vector<16xi1>
            %broadcast_in_dim3A_1070 = vector.broadcast %reduce_min3A_1048 : f32 to vector<16xf32>
            %select_n3A_1071 = arith.select %or3A_1069, %broadcast_in_dim3A_1070, %select_n3A_1034 : vector<16xi1>, vector<16xf32>
            %broadcast_in_dim3A_1072 = vector.broadcast %reduce_min3A_1061 : i32 to vector<16xi32>
            %select_n3A_1073 = arith.select %or3A_1069, %broadcast_in_dim3A_1072, %select_n3A_1036 : vector<16xi1>, vector<16xi32>
            %gt3A_1074 = arith.cmpf ogt, %gather3A_209, %scan3A_554 : vector<16xf32>
            %eq3A_1075 = arith.cmpf oeq, %gather3A_209, %scan3A_554 : vector<16xf32>
            %gt3A_1076 = arith.cmpi sgt, %add3A_207, %scan3A_555 : vector<16xi32>
            %and3A_1077 = arith.andi %eq3A_1075, %gt3A_1076 : vector<16xi1>
            %or3A_1078 = arith.ori %gt3A_1074, %and3A_1077 : vector<16xi1>
            %jit3A_1079 = arith.constant 0x7F800000 : f32
            %broadcast_in_dim3A_1080 = vector.broadcast %jit3A_1079 : f32 to vector<16xf32>
            %select_n3A_1081 = arith.select %or3A_1078, %gather3A_209, %broadcast_in_dim3A_1080 : vector<16xi1>, vector<16xf32>
            %reduce_min3A_1082 = arith.constant true
            %reduce_min3A_1083 = vector.broadcast %reduce_min3A_1082 : i1 to vector<16xi1>
            %reduce_min3A_1084 = tpu.scan <min>, %select_n3A_1081 masked %reduce_min3A_1083 : vector<16xf32>, vector<16xi1> -> vector<16xf32>
            %reduce_min3A_1085 = vector.extract %reduce_min3A_1084[15] : f32 from vector<16xf32>
            %eq3A_1086 = vector.broadcast %reduce_min3A_1085 : f32 to vector<16xf32>
            %eq3A_1087 = arith.cmpf oeq, %select_n3A_1081, %eq3A_1086 : vector<16xf32>
            %jit3A_1088 = arith.constant 1073741824 : i32
            %broadcast_in_dim3A_1089 = vector.broadcast %jit3A_1088 : i32 to vector<16xi32>
            %select_n3A_1090 = arith.select %eq3A_1087, %add3A_207, %broadcast_in_dim3A_1089 : vector<16xi1>, vector<16xi32>
            %reduce_min3A_1091 = arith.constant true
            %reduce_min3A_1092 = vector.broadcast %reduce_min3A_1091 : i1 to vector<16xi1>
            %reduce_min3A_1093 = arith.constant -2147483648 : i32
            %reduce_min3A_1094 = vector.broadcast %reduce_min3A_1093 : i32 to vector<16xi32>
            %reduce_min3A_1095 = arith.xori %select_n3A_1090, %reduce_min3A_1094 : vector<16xi32>
            %reduce_min3A_1096 = tpu.scan <min>, %reduce_min3A_1095 masked %reduce_min3A_1092 : vector<16xi32>, vector<16xi1> -> vector<16xi32>
            %reduce_min3A_1097 = arith.xori %reduce_min3A_1096, %reduce_min3A_1094 : vector<16xi32>
            %reduce_min3A_1098 = vector.extract %reduce_min3A_1097[15] : i32 from vector<16xi32>
            %lt3A_1099 = vector.broadcast %reduce_min3A_1085 : f32 to vector<16xf32>
            %lt3A_1100 = arith.cmpf olt, %lt3A_1099, %select_n3A_1071 : vector<16xf32>
            %eq3A_1101 = vector.broadcast %reduce_min3A_1085 : f32 to vector<16xf32>
            %eq3A_1102 = arith.cmpf oeq, %eq3A_1101, %select_n3A_1071 : vector<16xf32>
            %lt3A_1103 = vector.broadcast %reduce_min3A_1098 : i32 to vector<16xi32>
            %lt3A_1104 = arith.cmpi slt, %lt3A_1103, %select_n3A_1073 : vector<16xi32>
            %and3A_1105 = arith.andi %eq3A_1102, %lt3A_1104 : vector<16xi1>
            %or3A_1106 = arith.ori %lt3A_1100, %and3A_1105 : vector<16xi1>
            %broadcast_in_dim3A_1107 = vector.broadcast %reduce_min3A_1085 : f32 to vector<16xf32>
            %select_n3A_1108 = arith.select %or3A_1106, %broadcast_in_dim3A_1107, %select_n3A_1071 : vector<16xi1>, vector<16xf32>
            %broadcast_in_dim3A_1109 = vector.broadcast %reduce_min3A_1098 : i32 to vector<16xi32>
            %select_n3A_1110 = arith.select %or3A_1106, %broadcast_in_dim3A_1109, %select_n3A_1073 : vector<16xi1>, vector<16xi32>
            %gt3A_1111 = arith.cmpf ogt, %gather3A_221, %scan3A_554 : vector<16xf32>
            %eq3A_1112 = arith.cmpf oeq, %gather3A_221, %scan3A_554 : vector<16xf32>
            %gt3A_1113 = arith.cmpi sgt, %add3A_219, %scan3A_555 : vector<16xi32>
            %and3A_1114 = arith.andi %eq3A_1112, %gt3A_1113 : vector<16xi1>
            %or3A_1115 = arith.ori %gt3A_1111, %and3A_1114 : vector<16xi1>
            %jit3A_1116 = arith.constant 0x7F800000 : f32
            %broadcast_in_dim3A_1117 = vector.broadcast %jit3A_1116 : f32 to vector<16xf32>
            %select_n3A_1118 = arith.select %or3A_1115, %gather3A_221, %broadcast_in_dim3A_1117 : vector<16xi1>, vector<16xf32>
            %reduce_min3A_1119 = arith.constant true
            %reduce_min3A_1120 = vector.broadcast %reduce_min3A_1119 : i1 to vector<16xi1>
            %reduce_min3A_1121 = tpu.scan <min>, %select_n3A_1118 masked %reduce_min3A_1120 : vector<16xf32>, vector<16xi1> -> vector<16xf32>
            %reduce_min3A_1122 = vector.extract %reduce_min3A_1121[15] : f32 from vector<16xf32>
            %eq3A_1123 = vector.broadcast %reduce_min3A_1122 : f32 to vector<16xf32>
            %eq3A_1124 = arith.cmpf oeq, %select_n3A_1118, %eq3A_1123 : vector<16xf32>
            %jit3A_1125 = arith.constant 1073741824 : i32
            %broadcast_in_dim3A_1126 = vector.broadcast %jit3A_1125 : i32 to vector<16xi32>
            %select_n3A_1127 = arith.select %eq3A_1124, %add3A_219, %broadcast_in_dim3A_1126 : vector<16xi1>, vector<16xi32>
            %reduce_min3A_1128 = arith.constant true
            %reduce_min3A_1129 = vector.broadcast %reduce_min3A_1128 : i1 to vector<16xi1>
            %reduce_min3A_1130 = arith.constant -2147483648 : i32
            %reduce_min3A_1131 = vector.broadcast %reduce_min3A_1130 : i32 to vector<16xi32>
            %reduce_min3A_1132 = arith.xori %select_n3A_1127, %reduce_min3A_1131 : vector<16xi32>
            %reduce_min3A_1133 = tpu.scan <min>, %reduce_min3A_1132 masked %reduce_min3A_1129 : vector<16xi32>, vector<16xi1> -> vector<16xi32>
            %reduce_min3A_1134 = arith.xori %reduce_min3A_1133, %reduce_min3A_1131 : vector<16xi32>
            %reduce_min3A_1135 = vector.extract %reduce_min3A_1134[15] : i32 from vector<16xi32>
            %lt3A_1136 = vector.broadcast %reduce_min3A_1122 : f32 to vector<16xf32>
            %lt3A_1137 = arith.cmpf olt, %lt3A_1136, %select_n3A_1108 : vector<16xf32>
            %eq3A_1138 = vector.broadcast %reduce_min3A_1122 : f32 to vector<16xf32>
            %eq3A_1139 = arith.cmpf oeq, %eq3A_1138, %select_n3A_1108 : vector<16xf32>
            %lt3A_1140 = vector.broadcast %reduce_min3A_1135 : i32 to vector<16xi32>
            %lt3A_1141 = arith.cmpi slt, %lt3A_1140, %select_n3A_1110 : vector<16xi32>
            %and3A_1142 = arith.andi %eq3A_1139, %lt3A_1141 : vector<16xi1>
            %or3A_1143 = arith.ori %lt3A_1137, %and3A_1142 : vector<16xi1>
            %broadcast_in_dim3A_1144 = vector.broadcast %reduce_min3A_1122 : f32 to vector<16xf32>
            %select_n3A_1145 = arith.select %or3A_1143, %broadcast_in_dim3A_1144, %select_n3A_1108 : vector<16xi1>, vector<16xf32>
            %broadcast_in_dim3A_1146 = vector.broadcast %reduce_min3A_1135 : i32 to vector<16xi32>
            %select_n3A_1147 = arith.select %or3A_1143, %broadcast_in_dim3A_1146, %select_n3A_1110 : vector<16xi1>, vector<16xi32>
            %gather3A_1148 = tpu.vector_load_idx %arg7[%select_n3A_1147] : memref<16384xi32, #tpu.memory_space<vmem>>[vector<16xi32>], vector<16xi32>,
            %gather3A_1149 = tpu.vector_load_idx %arg8[%select_n3A_1147] : memref<16384xf32, #tpu.memory_space<vmem>>[vector<16xi32>], vector<16xf32>,
            %eq3A_1150 = arith.constant 0 : i32
            %eq3A_1151 = vector.broadcast %eq3A_1150 : i32 to vector<16xi32>
            %eq3A_1152 = arith.cmpi eq, %iota3A, %eq3A_1151 : vector<16xi32>
            tpu.vector_store_idx %arg11[%gather3A_1148], %gather3A_1149 masked %eq3A_1152 {add = true} : memref<1024xf32, #tpu.memory_space<vmem>>[vector<16xi32>], vector<16xf32>, vector<16xi1>
            scf.yield %select_n3A_1145, %select_n3A_1147 : vector<16xf32>, vector<16xi32>
          }
          %scan3A_552 = arith.constant 16 : i32
        } else {
        }
        %broadcast_in_dim3A_514 = arith.constant 0xFF800000 : f32
        %broadcast_in_dim3A_515 = vector.broadcast %broadcast_in_dim3A_514 : f32 to vector<16xf32>
        %broadcast_in_dim3A_516 = arith.constant 1073741824 : i32
        %broadcast_in_dim3A_517 = vector.broadcast %broadcast_in_dim3A_516 : i32 to vector<16xi32>
        %scan3A_518 = arith.constant 0 : i32
        %scan3A_519 = arith.constant 64 : i32
        %scan3A_520 = arith.addi %scan3A_518, %scan3A_519 : i32
        %scan3A_521 = arith.constant 1 : i32
        %scan3A_522:2 = scf.for %scan3A_543 = %scan3A_518 to %scan3A_520 step %scan3A_521 iter_args(%scan3A_544 = %broadcast_in_dim3A_515, %scan3A_545 = %broadcast_in_dim3A_517) -> (vector<16xf32>, vector<16xi32>)  : i32 {
          %mul3A_546 = arith.constant 16 : i32
          %mul3A_547 = arith.muli %scan3A_543, %mul3A_546 : i32
          %get3A = arith.index_cast %mul3A_547 : i32 to index
          %get3A_548 = tpu.vector_load %arg11[%get3A] {strides = array<i32>} : memref<1024xf32, #tpu.memory_space<vmem>>, vector<16xf32>,
          %mul3A_549 = arith.constant 16 : i32
          %mul3A_550 = arith.muli %scan3A_543, %mul3A_549 : i32
          %add3A_551 = vector.broadcast %mul3A_550 : i32 to vector<16xi32>
          %add3A_552 = arith.addi %iota3A, %add3A_551 : vector<16xi32>
          %gt3A = arith.cmpf ogt, %get3A_548, %scan3A_544 : vector<16xf32>
          %select_n3A_553 = arith.select %gt3A, %get3A_548, %scan3A_544 : vector<16xi1>, vector<16xf32>
          %select_n3A_554 = arith.select %gt3A, %add3A_552, %scan3A_545 : vector<16xi1>, vector<16xi32>
          scf.yield %select_n3A_553, %select_n3A_554 : vector<16xf32>, vector<16xi32>
        }
        %scan3A_523 = arith.constant 64 : i32
        %reduce_max3A_524 = arith.constant true
        %reduce_max3A_525 = vector.broadcast %reduce_max3A_524 : i1 to vector<16xi1>
        %reduce_max3A_526 = tpu.scan <max>, %scan3A_522#0 masked %reduce_max3A_525 : vector<16xf32>, vector<16xi1> -> vector<16xf32>
        %reduce_max3A_527 = vector.extract %reduce_max3A_526[15] : f32 from vector<16xf32>
        %eq3A_528 = vector.broadcast %reduce_max3A_527 : f32 to vector<16xf32>
        %eq3A_529 = arith.cmpf oeq, %scan3A_522#0, %eq3A_528 : vector<16xf32>
        %jit3A = arith.constant 1073741824 : i32
        %broadcast_in_dim3A_530 = vector.broadcast %jit3A : i32 to vector<16xi32>
        %select_n3A = arith.select %eq3A_529, %scan3A_522#1, %broadcast_in_dim3A_530 : vector<16xi1>, vector<16xi32>
        %reduce_min3A = arith.constant true
        %reduce_min3A_531 = vector.broadcast %reduce_min3A : i1 to vector<16xi1>
        %reduce_min3A_532 = arith.constant -2147483648 : i32
        %reduce_min3A_533 = vector.broadcast %reduce_min3A_532 : i32 to vector<16xi32>
        %reduce_min3A_534 = arith.xori %select_n3A, %reduce_min3A_533 : vector<16xi32>
        %reduce_min3A_535 = tpu.scan <min>, %reduce_min3A_534 masked %reduce_min3A_531 : vector<16xi32>, vector<16xi1> -> vector<16xi32>
        %reduce_min3A_536 = arith.xori %reduce_min3A_535, %reduce_min3A_533 : vector<16xi32>
        %reduce_min3A_537 = vector.extract %reduce_min3A_536[15] : i32 from vector<16xi32>
        %broadcast_in_dim3A_538 = vector.broadcast %add3A_24 : i32 to vector<16xi32>
        %broadcast_in_dim3A_539 = vector.broadcast %reduce_min3A_537 : i32 to vector<16xi32>
        %eq3A_540 = arith.constant 0 : i32
        %eq3A_541 = vector.broadcast %eq3A_540 : i32 to vector<16xi32>
        %eq3A_542 = arith.cmpi eq, %iota3A, %eq3A_541 : vector<16xi32>
        tpu.vector_store_idx %arg12[%broadcast_in_dim3A_538], %broadcast_in_dim3A_539 masked %eq3A_542 : memref<16xi32, #tpu.memory_space<vmem>>[vector<16xi32>], vector<16xi32>, vector<16xi1>
      }
      %scan3A_20 = arith.constant 4 : i32
    }
    %scan3A_10 = arith.constant 4 : i32
    "tpu.region"() ({
      %run_scoped3A = tpu.sem_alloc : memref<!tpu.dma_semaphore, #tpu.memory_space<semaphore_mem>>
      %dma_start3A = tpu.memref_slice %arg6[%mul3A_2] : memref<512xi32, #tpu.memory_space<hbm>> -> memref<16xi32, #tpu.memory_space<hbm>>
      %dma_start3A_11 = tpu.memref_slice %arg6[%mul3A_2] : memref<512xi32, #tpu.memory_space<hbm>> -> memref<16xi32, #tpu.memory_space<hbm>>
      tpu.enqueue_dma source(%arg12 : memref<16xi32, #tpu.memory_space<vmem>>) target(%dma_start3A_11 : memref<16xi32, #tpu.memory_space<hbm>>) target_semaphore(%run_scoped3A : memref<!tpu.dma_semaphore, #tpu.memory_space<semaphore_mem>>)
      %dma_wait3A = tpu.memref_slice %arg6[%mul3A_2] : memref<512xi32, #tpu.memory_space<hbm>> -> memref<16xi32, #tpu.memory_space<hbm>>
      %dma_wait3A_12 = tpu.memref_slice %arg6[%mul3A_2] : memref<512xi32, #tpu.memory_space<hbm>> -> memref<16xi32, #tpu.memory_space<hbm>>
      tpu.wait_dma2 semaphore(%run_scoped3A : memref<!tpu.dma_semaphore, #tpu.memory_space<semaphore_mem>>) src(%arg12 : memref<16xi32, #tpu.memory_space<vmem>>) dst(%dma_wait3A_12 : memref<16xi32, #tpu.memory_space<hbm>>)
      tpu.yield
    }) : () -> ()
    return
  }
}

#map = affine_map<(d0, d1) -> (0)>
#map1 = affine_map<(d0, d1) -> (0, 0)>
module attributes {stable_mosaic.version = 14 : i64} {
  func.func @sc_kernel(%arg0: i32, %arg1: i32, %arg2: memref<16384xi32, #tpu.memory_space<hbm>>, %arg3: memref<16384xf32, #tpu.memory_space<hbm>>, %arg4: memref<8192xi32, #tpu.memory_space<hbm>>, %arg5: memref<512x16384xf32, #tpu.memory_space<hbm>>, %arg6: memref<512xi32, #tpu.memory_space<hbm>>, %arg7: memref<16384xi32, #tpu.memory_space<vmem>>, %arg8: memref<16384xf32, #tpu.memory_space<vmem>>, %arg9: memref<256xi32, #tpu.memory_space<vmem>>, %arg10: memref<4x16384xf32, #tpu.memory_space<vmem>>, %arg11: memref<1024xf32, #tpu.memory_space<vmem>>, %arg12: memref<16xi32, #tpu.memory_space<vmem>>) attributes {dimension_semantics = [#tpu.dimension_semantics<core_parallel>, #tpu.dimension_semantics<subcore_parallel>], iteration_bounds = array<i64: 2, 16>, scalar_prefetch = 0 : i64, scratch_operands = 6 : i64, tpu.core_type = #tpu.core_type<sc_vector_subcore>, window_params = [{transform_indices = #map}, {transform_indices = #map}, {transform_indices = #map}, {transform_indices = #map1}, {transform_indices = #map}]} {
    %mul3A = arith.constant 2 : i32
    %mul3A_0 = arith.muli %arg1, %mul3A : i32
    %add3A = arith.addi %mul3A_0, %arg0 : i32
    %mul3A_1 = arith.constant 16 : i32
    %mul3A_2 = arith.muli %add3A, %mul3A_1 : i32
    "tpu.region"() ({
      %run_scoped3A = tpu.sem_alloc : memref<!tpu.dma_semaphore, #tpu.memory_space<semaphore_mem>>
      tpu.enqueue_dma source(%arg2 : memref<16384xi32, #tpu.memory_space<hbm>>) target(%arg7 : memref<16384xi32, #tpu.memory_space<vmem>>) target_semaphore(%run_scoped3A : memref<!tpu.dma_semaphore, #tpu.memory_space<semaphore_mem>>)
      tpu.wait_dma2 semaphore(%run_scoped3A : memref<!tpu.dma_semaphore, #tpu.memory_space<semaphore_mem>>) src(%arg2 : memref<16384xi32, #tpu.memory_space<hbm>>) dst(%arg7 : memref<16384xi32, #tpu.memory_space<vmem>>)
      tpu.yield
    }) : () -> ()
    "tpu.region"() ({
      %run_scoped3A = tpu.sem_alloc : memref<!tpu.dma_semaphore, #tpu.memory_space<semaphore_mem>>
      tpu.enqueue_dma source(%arg3 : memref<16384xf32, #tpu.memory_space<hbm>>) target(%arg8 : memref<16384xf32, #tpu.memory_space<vmem>>) target_semaphore(%run_scoped3A : memref<!tpu.dma_semaphore, #tpu.memory_space<semaphore_mem>>)
      tpu.wait_dma2 semaphore(%run_scoped3A : memref<!tpu.dma_semaphore, #tpu.memory_space<semaphore_mem>>) src(%arg3 : memref<16384xf32, #tpu.memory_space<hbm>>) dst(%arg8 : memref<16384xf32, #tpu.memory_space<vmem>>)
      tpu.yield
    }) : () -> ()
    %mul3A_3 = arith.constant 16 : i32
    %mul3A_4 = arith.muli %mul3A_2, %mul3A_3 : i32
    "tpu.region"() ({
      %run_scoped3A = tpu.sem_alloc : memref<!tpu.dma_semaphore, #tpu.memory_space<semaphore_mem>>
      %dma_start3A = tpu.memref_slice %arg4[%mul3A_4] : memref<8192xi32, #tpu.memory_space<hbm>> -> memref<256xi32, #tpu.memory_space<hbm>>
      %dma_start3A_11 = tpu.memref_slice %arg4[%mul3A_4] : memref<8192xi32, #tpu.memory_space<hbm>> -> memref<256xi32, #tpu.memory_space<hbm>>
      tpu.enqueue_dma source(%dma_start3A_11 : memref<256xi32, #tpu.memory_space<hbm>>) target(%arg9 : memref<256xi32, #tpu.memory_space<vmem>>) target_semaphore(%run_scoped3A : memref<!tpu.dma_semaphore, #tpu.memory_space<semaphore_mem>>)
      %dma_wait3A = tpu.memref_slice %arg4[%mul3A_4] : memref<8192xi32, #tpu.memory_space<hbm>> -> memref<256xi32, #tpu.memory_space<hbm>>
      %dma_wait3A_12 = tpu.memref_slice %arg4[%mul3A_4] : memref<8192xi32, #tpu.memory_space<hbm>> -> memref<256xi32, #tpu.memory_space<hbm>>
      tpu.wait_dma2 semaphore(%run_scoped3A : memref<!tpu.dma_semaphore, #tpu.memory_space<semaphore_mem>>) src(%dma_wait3A_12 : memref<256xi32, #tpu.memory_space<hbm>>) dst(%arg9 : memref<256xi32, #tpu.memory_space<vmem>>)
      tpu.yield
    }) : () -> ()
    %broadcast_in_dim3A = arith.constant 0.000000e+00 : f32
    %broadcast_in_dim3A_5 = vector.broadcast %broadcast_in_dim3A : f32 to vector<16xf32>
    %iota3A = tpu.iota {dimensions = array<i32: 0>} : vector<16xi32>
    %scan3A = arith.constant 0 : i32
    %scan3A_6 = arith.constant 0 : i32
    %scan3A_7 = arith.constant 4 : i32
    %scan3A_8 = arith.addi %scan3A_6, %scan3A_7 : i32
    %scan3A_9 = arith.constant 1 : i32
    scf.for %scan3A_11 = %scan3A_6 to %scan3A_8 step %scan3A_9  : i32 {
      %mul3A_12 = arith.constant 4 : i32
      %mul3A_13 = arith.muli %scan3A_11, %mul3A_12 : i32
      %add3A_14 = arith.addi %mul3A_2, %mul3A_13 : i32
      "tpu.region"() ({
        %run_scoped3A = tpu.sem_alloc : memref<!tpu.dma_semaphore, #tpu.memory_space<semaphore_mem>>
        %dma_start3A = arith.constant 0 : i32
        %dma_start3A_21 = tpu.memref_slice %arg5[%add3A_14, %dma_start3A] : memref<512x16384xf32, #tpu.memory_space<hbm>> -> memref<4x16384xf32, #tpu.memory_space<hbm>>
        %dma_start3A_22 = arith.constant 0 : i32
        %dma_start3A_23 = tpu.memref_slice %arg5[%add3A_14, %dma_start3A_22] : memref<512x16384xf32, #tpu.memory_space<hbm>> -> memref<4x16384xf32, #tpu.memory_space<hbm>>
        tpu.enqueue_dma source(%dma_start3A_23 : memref<4x16384xf32, #tpu.memory_space<hbm>>) target(%arg10 : memref<4x16384xf32, #tpu.memory_space<vmem>>) target_semaphore(%run_scoped3A : memref<!tpu.dma_semaphore, #tpu.memory_space<semaphore_mem>>)
        %dma_wait3A = arith.constant 0 : i32
        %dma_wait3A_24 = tpu.memref_slice %arg5[%add3A_14, %dma_wait3A] : memref<512x16384xf32, #tpu.memory_space<hbm>> -> memref<4x16384xf32, #tpu.memory_space<hbm>>
        %dma_wait3A_25 = arith.constant 0 : i32
        %dma_wait3A_26 = tpu.memref_slice %arg5[%add3A_14, %dma_wait3A_25] : memref<512x16384xf32, #tpu.memory_space<hbm>> -> memref<4x16384xf32, #tpu.memory_space<hbm>>
        tpu.wait_dma2 semaphore(%run_scoped3A : memref<!tpu.dma_semaphore, #tpu.memory_space<semaphore_mem>>) src(%dma_wait3A_26 : memref<4x16384xf32, #tpu.memory_space<hbm>>) dst(%arg10 : memref<4x16384xf32, #tpu.memory_space<vmem>>)
        tpu.yield
      }) : () -> ()
      %scan3A_15 = arith.constant 0 : i32
      %scan3A_16 = arith.constant 0 : i32
      %scan3A_17 = arith.constant 4 : i32
      %scan3A_18 = arith.addi %scan3A_16, %scan3A_17 : i32
      %scan3A_19 = arith.constant 1 : i32
      scf.for %scan3A_21 = %scan3A_16 to %scan3A_18 step %scan3A_19  : i32 {
        %mul3A_22 = arith.constant 4 : i32
        %mul3A_23 = arith.muli %scan3A_11, %mul3A_22 : i32
        %add3A_24 = arith.addi %mul3A_23, %scan3A_21 : i32
        %scan3A_25 = arith.constant 0 : i32
        %scan3A_26 = arith.constant 0 : i32
        %scan3A_27 = arith.constant 64 : i32
        %scan3A_28 = arith.addi %scan3A_26, %scan3A_27 : i32
        %scan3A_29 = arith.constant 1 : i32
        scf.for %scan3A_543 = %scan3A_26 to %scan3A_28 step %scan3A_29  : i32 {
          %mul3A_544 = arith.constant 16 : i32
          %mul3A_545 = arith.muli %scan3A_543, %mul3A_544 : i32
          %swap3A = arith.index_cast %mul3A_545 : i32 to index
          %swap3A_546 = tpu.vector_load %arg11[%swap3A] {strides = array<i32>} : memref<1024xf32, #tpu.memory_space<vmem>>, vector<16xf32>,
          tpu.vector_store %arg11[%swap3A], %broadcast_in_dim3A_5 {strides = array<i32>} : memref<1024xf32, #tpu.memory_space<vmem>>, vector<16xf32>,
        }
        %scan3A_30 = arith.constant 64 : i32
        %mul3A_31 = arith.constant 16 : i32
        %mul3A_32 = arith.muli %add3A_24, %mul3A_31 : i32
        %add3A_33 = arith.constant 0 : i32
        %add3A_34 = arith.addi %mul3A_32, %add3A_33 : i32
        %broadcast_in_dim3A_35 = vector.broadcast %add3A_34 : i32 to vector<16xi32>
        %gather3A = tpu.vector_load_idx %arg9[%broadcast_in_dim3A_35] : memref<256xi32, #tpu.memory_space<vmem>>[vector<16xi32>], vector<16xi32>,
        %mul3A_36 = arith.constant 16 : i32
        %mul3A_37 = vector.broadcast %mul3A_36 : i32 to vector<16xi32>
        %mul3A_38 = arith.muli %gather3A, %mul3A_37 : vector<16xi32>
        %add3A_39 = arith.addi %mul3A_38, %iota3A : vector<16xi32>
        %broadcast_in_dim3A_40 = vector.broadcast %scan3A_21 : i32 to vector<16xi32>
        %gather3A_41 = tpu.vector_load_idx %arg10[%broadcast_in_dim3A_40, %add3A_39] : memref<4x16384xf32, #tpu.memory_space<vmem>>[vector<16xi32>, vector<16xi32>], vector<16xf32>,
        %mul3A_42 = arith.constant 16 : i32
        %mul3A_43 = arith.muli %add3A_24, %mul3A_42 : i32
        %add3A_44 = arith.constant 1 : i32
        %add3A_45 = arith.addi %mul3A_43, %add3A_44 : i32
        %broadcast_in_dim3A_46 = vector.broadcast %add3A_45 : i32 to vector<16xi32>
        %gather3A_47 = tpu.vector_load_idx %arg9[%broadcast_in_dim3A_46] : memref<256xi32, #tpu.memory_space<vmem>>[vector<16xi32>], vector<16xi32>,
        %mul3A_48 = arith.constant 16 : i32
        %mul3A_49 = vector.broadcast %mul3A_48 : i32 to vector<16xi32>
        %mul3A_50 = arith.muli %gather3A_47, %mul3A_49 : vector<16xi32>
        %add3A_51 = arith.addi %mul3A_50, %iota3A : vector<16xi32>
        %broadcast_in_dim3A_52 = vector.broadcast %scan3A_21 : i32 to vector<16xi32>
        %gather3A_53 = tpu.vector_load_idx %arg10[%broadcast_in_dim3A_52, %add3A_51] : memref<4x16384xf32, #tpu.memory_space<vmem>>[vector<16xi32>, vector<16xi32>], vector<16xf32>,
        %mul3A_54 = arith.constant 16 : i32
        %mul3A_55 = arith.muli %add3A_24, %mul3A_54 : i32
        %add3A_56 = arith.constant 2 : i32
        %add3A_57 = arith.addi %mul3A_55, %add3A_56 : i32
        %broadcast_in_dim3A_58 = vector.broadcast %add3A_57 : i32 to vector<16xi32>
        %gather3A_59 = tpu.vector_load_idx %arg9[%broadcast_in_dim3A_58] : memref<256xi32, #tpu.memory_space<vmem>>[vector<16xi32>], vector<16xi32>,
        %mul3A_60 = arith.constant 16 : i32
        %mul3A_61 = vector.broadcast %mul3A_60 : i32 to vector<16xi32>
        %mul3A_62 = arith.muli %gather3A_59, %mul3A_61 : vector<16xi32>
        %add3A_63 = arith.addi %mul3A_62, %iota3A : vector<16xi32>
        %broadcast_in_dim3A_64 = vector.broadcast %scan3A_21 : i32 to vector<16xi32>
        %gather3A_65 = tpu.vector_load_idx %arg10[%broadcast_in_dim3A_64, %add3A_63] : memref<4x16384xf32, #tpu.memory_space<vmem>>[vector<16xi32>, vector<16xi32>], vector<16xf32>,
        %mul3A_66 = arith.constant 16 : i32
        %mul3A_67 = arith.muli %add3A_24, %mul3A_66 : i32
        %add3A_68 = arith.constant 3 : i32
        %add3A_69 = arith.addi %mul3A_67, %add3A_68 : i32
        %broadcast_in_dim3A_70 = vector.broadcast %add3A_69 : i32 to vector<16xi32>
        %gather3A_71 = tpu.vector_load_idx %arg9[%broadcast_in_dim3A_70] : memref<256xi32, #tpu.memory_space<vmem>>[vector<16xi32>], vector<16xi32>,
        %mul3A_72 = arith.constant 16 : i32
        %mul3A_73 = vector.broadcast %mul3A_72 : i32 to vector<16xi32>
        %mul3A_74 = arith.muli %gather3A_71, %mul3A_73 : vector<16xi32>
        %add3A_75 = arith.addi %mul3A_74, %iota3A : vector<16xi32>
        %broadcast_in_dim3A_76 = vector.broadcast %scan3A_21 : i32 to vector<16xi32>
        %gather3A_77 = tpu.vector_load_idx %arg10[%broadcast_in_dim3A_76, %add3A_75] : memref<4x16384xf32, #tpu.memory_space<vmem>>[vector<16xi32>, vector<16xi32>], vector<16xf32>,
        %mul3A_78 = arith.constant 16 : i32
        %mul3A_79 = arith.muli %add3A_24, %mul3A_78 : i32
        %add3A_80 = arith.constant 4 : i32
        %add3A_81 = arith.addi %mul3A_79, %add3A_80 : i32
        %broadcast_in_dim3A_82 = vector.broadcast %add3A_81 : i32 to vector<16xi32>
        %gather3A_83 = tpu.vector_load_idx %arg9[%broadcast_in_dim3A_82] : memref<256xi32, #tpu.memory_space<vmem>>[vector<16xi32>], vector<16xi32>,
        %mul3A_84 = arith.constant 16 : i32
        %mul3A_85 = vector.broadcast %mul3A_84 : i32 to vector<16xi32>
        %mul3A_86 = arith.muli %gather3A_83, %mul3A_85 : vector<16xi32>
        %add3A_87 = arith.addi %mul3A_86, %iota3A : vector<16xi32>
        %broadcast_in_dim3A_88 = vector.broadcast %scan3A_21 : i32 to vector<16xi32>
        %gather3A_89 = tpu.vector_load_idx %arg10[%broadcast_in_dim3A_88, %add3A_87] : memref<4x16384xf32, #tpu.memory_space<vmem>>[vector<16xi32>, vector<16xi32>], vector<16xf32>,
        %mul3A_90 = arith.constant 16 : i32
        %mul3A_91 = arith.muli %add3A_24, %mul3A_90 : i32
        %add3A_92 = arith.constant 5 : i32
        %add3A_93 = arith.addi %mul3A_91, %add3A_92 : i32
        %broadcast_in_dim3A_94 = vector.broadcast %add3A_93 : i32 to vector<16xi32>
        %gather3A_95 = tpu.vector_load_idx %arg9[%broadcast_in_dim3A_94] : memref<256xi32, #tpu.memory_space<vmem>>[vector<16xi32>], vector<16xi32>,
        %mul3A_96 = arith.constant 16 : i32
        %mul3A_97 = vector.broadcast %mul3A_96 : i32 to vector<16xi32>
        %mul3A_98 = arith.muli %gather3A_95, %mul3A_97 : vector<16xi32>
        %add3A_99 = arith.addi %mul3A_98, %iota3A : vector<16xi32>
        %broadcast_in_dim3A_100 = vector.broadcast %scan3A_21 : i32 to vector<16xi32>
        %gather3A_101 = tpu.vector_load_idx %arg10[%broadcast_in_dim3A_100, %add3A_99] : memref<4x16384xf32, #tpu.memory_space<vmem>>[vector<16xi32>, vector<16xi32>], vector<16xf32>,
        %mul3A_102 = arith.constant 16 : i32
        %mul3A_103 = arith.muli %add3A_24, %mul3A_102 : i32
        %add3A_104 = arith.constant 6 : i32
        %add3A_105 = arith.addi %mul3A_103, %add3A_104 : i32
        %broadcast_in_dim3A_106 = vector.broadcast %add3A_105 : i32 to vector<16xi32>
        %gather3A_107 = tpu.vector_load_idx %arg9[%broadcast_in_dim3A_106] : memref<256xi32, #tpu.memory_space<vmem>>[vector<16xi32>], vector<16xi32>,
        %mul3A_108 = arith.constant 16 : i32
        %mul3A_109 = vector.broadcast %mul3A_108 : i32 to vector<16xi32>
        %mul3A_110 = arith.muli %gather3A_107, %mul3A_109 : vector<16xi32>
        %add3A_111 = arith.addi %mul3A_110, %iota3A : vector<16xi32>
        %broadcast_in_dim3A_112 = vector.broadcast %scan3A_21 : i32 to vector<16xi32>
        %gather3A_113 = tpu.vector_load_idx %arg10[%broadcast_in_dim3A_112, %add3A_111] : memref<4x16384xf32, #tpu.memory_space<vmem>>[vector<16xi32>, vector<16xi32>], vector<16xf32>,
        %mul3A_114 = arith.constant 16 : i32
        %mul3A_115 = arith.muli %add3A_24, %mul3A_114 : i32
        %add3A_116 = arith.constant 7 : i32
        %add3A_117 = arith.addi %mul3A_115, %add3A_116 : i32
        %broadcast_in_dim3A_118 = vector.broadcast %add3A_117 : i32 to vector<16xi32>
        %gather3A_119 = tpu.vector_load_idx %arg9[%broadcast_in_dim3A_118] : memref<256xi32, #tpu.memory_space<vmem>>[vector<16xi32>], vector<16xi32>,
        %mul3A_120 = arith.constant 16 : i32
        %mul3A_121 = vector.broadcast %mul3A_120 : i32 to vector<16xi32>
        %mul3A_122 = arith.muli %gather3A_119, %mul3A_121 : vector<16xi32>
        %add3A_123 = arith.addi %mul3A_122, %iota3A : vector<16xi32>
        %broadcast_in_dim3A_124 = vector.broadcast %scan3A_21 : i32 to vector<16xi32>
        %gather3A_125 = tpu.vector_load_idx %arg10[%broadcast_in_dim3A_124, %add3A_123] : memref<4x16384xf32, #tpu.memory_space<vmem>>[vector<16xi32>, vector<16xi32>], vector<16xf32>,
        %mul3A_126 = arith.constant 16 : i32
        %mul3A_127 = arith.muli %add3A_24, %mul3A_126 : i32
        %add3A_128 = arith.constant 8 : i32
        %add3A_129 = arith.addi %mul3A_127, %add3A_128 : i32
        %broadcast_in_dim3A_130 = vector.broadcast %add3A_129 : i32 to vector<16xi32>
        %gather3A_131 = tpu.vector_load_idx %arg9[%broadcast_in_dim3A_130] : memref<256xi32, #tpu.memory_space<vmem>>[vector<16xi32>], vector<16xi32>,
        %mul3A_132 = arith.constant 16 : i32
        %mul3A_133 = vector.broadcast %mul3A_132 : i32 to vector<16xi32>
        %mul3A_134 = arith.muli %gather3A_131, %mul3A_133 : vector<16xi32>
        %add3A_135 = arith.addi %mul3A_134, %iota3A : vector<16xi32>
        %broadcast_in_dim3A_136 = vector.broadcast %scan3A_21 : i32 to vector<16xi32>
        %gather3A_137 = tpu.vector_load_idx %arg10[%broadcast_in_dim3A_136, %add3A_135] : memref<4x16384xf32, #tpu.memory_space<vmem>>[vector<16xi32>, vector<16xi32>], vector<16xf32>,
        %mul3A_138 = arith.constant 16 : i32
        %mul3A_139 = arith.muli %add3A_24, %mul3A_138 : i32
        %add3A_140 = arith.constant 9 : i32
        %add3A_141 = arith.addi %mul3A_139, %add3A_140 : i32
        %broadcast_in_dim3A_142 = vector.broadcast %add3A_141 : i32 to vector<16xi32>
        %gather3A_143 = tpu.vector_load_idx %arg9[%broadcast_in_dim3A_142] : memref<256xi32, #tpu.memory_space<vmem>>[vector<16xi32>], vector<16xi32>,
        %mul3A_144 = arith.constant 16 : i32
        %mul3A_145 = vector.broadcast %mul3A_144 : i32 to vector<16xi32>
        %mul3A_146 = arith.muli %gather3A_143, %mul3A_145 : vector<16xi32>
        %add3A_147 = arith.addi %mul3A_146, %iota3A : vector<16xi32>
        %broadcast_in_dim3A_148 = vector.broadcast %scan3A_21 : i32 to vector<16xi32>
        %gather3A_149 = tpu.vector_load_idx %arg10[%broadcast_in_dim3A_148, %add3A_147] : memref<4x16384xf32, #tpu.memory_space<vmem>>[vector<16xi32>, vector<16xi32>], vector<16xf32>,
        %mul3A_150 = arith.constant 16 : i32
        %mul3A_151 = arith.muli %add3A_24, %mul3A_150 : i32
        %add3A_152 = arith.constant 10 : i32
        %add3A_153 = arith.addi %mul3A_151, %add3A_152 : i32
        %broadcast_in_dim3A_154 = vector.broadcast %add3A_153 : i32 to vector<16xi32>
        %gather3A_155 = tpu.vector_load_idx %arg9[%broadcast_in_dim3A_154] : memref<256xi32, #tpu.memory_space<vmem>>[vector<16xi32>], vector<16xi32>,
        %mul3A_156 = arith.constant 16 : i32
        %mul3A_157 = vector.broadcast %mul3A_156 : i32 to vector<16xi32>
        %mul3A_158 = arith.muli %gather3A_155, %mul3A_157 : vector<16xi32>
        %add3A_159 = arith.addi %mul3A_158, %iota3A : vector<16xi32>
        %broadcast_in_dim3A_160 = vector.broadcast %scan3A_21 : i32 to vector<16xi32>
        %gather3A_161 = tpu.vector_load_idx %arg10[%broadcast_in_dim3A_160, %add3A_159] : memref<4x16384xf32, #tpu.memory_space<vmem>>[vector<16xi32>, vector<16xi32>], vector<16xf32>,
        %mul3A_162 = arith.constant 16 : i32
        %mul3A_163 = arith.muli %add3A_24, %mul3A_162 : i32
        %add3A_164 = arith.constant 11 : i32
        %add3A_165 = arith.addi %mul3A_163, %add3A_164 : i32
        %broadcast_in_dim3A_166 = vector.broadcast %add3A_165 : i32 to vector<16xi32>
        %gather3A_167 = tpu.vector_load_idx %arg9[%broadcast_in_dim3A_166] : memref<256xi32, #tpu.memory_space<vmem>>[vector<16xi32>], vector<16xi32>,
        %mul3A_168 = arith.constant 16 : i32
        %mul3A_169 = vector.broadcast %mul3A_168 : i32 to vector<16xi32>
        %mul3A_170 = arith.muli %gather3A_167, %mul3A_169 : vector<16xi32>
        %add3A_171 = arith.addi %mul3A_170, %iota3A : vector<16xi32>
        %broadcast_in_dim3A_172 = vector.broadcast %scan3A_21 : i32 to vector<16xi32>
        %gather3A_173 = tpu.vector_load_idx %arg10[%broadcast_in_dim3A_172, %add3A_171] : memref<4x16384xf32, #tpu.memory_space<vmem>>[vector<16xi32>, vector<16xi32>], vector<16xf32>,
        %mul3A_174 = arith.constant 16 : i32
        %mul3A_175 = arith.muli %add3A_24, %mul3A_174 : i32
        %add3A_176 = arith.constant 12 : i32
        %add3A_177 = arith.addi %mul3A_175, %add3A_176 : i32
        %broadcast_in_dim3A_178 = vector.broadcast %add3A_177 : i32 to vector<16xi32>
        %gather3A_179 = tpu.vector_load_idx %arg9[%broadcast_in_dim3A_178] : memref<256xi32, #tpu.memory_space<vmem>>[vector<16xi32>], vector<16xi32>,
        %mul3A_180 = arith.constant 16 : i32
        %mul3A_181 = vector.broadcast %mul3A_180 : i32 to vector<16xi32>
        %mul3A_182 = arith.muli %gather3A_179, %mul3A_181 : vector<16xi32>
        %add3A_183 = arith.addi %mul3A_182, %iota3A : vector<16xi32>
        %broadcast_in_dim3A_184 = vector.broadcast %scan3A_21 : i32 to vector<16xi32>
        %gather3A_185 = tpu.vector_load_idx %arg10[%broadcast_in_dim3A_184, %add3A_183] : memref<4x16384xf32, #tpu.memory_space<vmem>>[vector<16xi32>, vector<16xi32>], vector<16xf32>,
        %mul3A_186 = arith.constant 16 : i32
        %mul3A_187 = arith.muli %add3A_24, %mul3A_186 : i32
        %add3A_188 = arith.constant 13 : i32
        %add3A_189 = arith.addi %mul3A_187, %add3A_188 : i32
        %broadcast_in_dim3A_190 = vector.broadcast %add3A_189 : i32 to vector<16xi32>
        %gather3A_191 = tpu.vector_load_idx %arg9[%broadcast_in_dim3A_190] : memref<256xi32, #tpu.memory_space<vmem>>[vector<16xi32>], vector<16xi32>,
        %mul3A_192 = arith.constant 16 : i32
        %mul3A_193 = vector.broadcast %mul3A_192 : i32 to vector<16xi32>
        %mul3A_194 = arith.muli %gather3A_191, %mul3A_193 : vector<16xi32>
        %add3A_195 = arith.addi %mul3A_194, %iota3A : vector<16xi32>
        %broadcast_in_dim3A_196 = vector.broadcast %scan3A_21 : i32 to vector<16xi32>
        %gather3A_197 = tpu.vector_load_idx %arg10[%broadcast_in_dim3A_196, %add3A_195] : memref<4x16384xf32, #tpu.memory_space<vmem>>[vector<16xi32>, vector<16xi32>], vector<16xf32>,
        %mul3A_198 = arith.constant 16 : i32
        %mul3A_199 = arith.muli %add3A_24, %mul3A_198 : i32
        %add3A_200 = arith.constant 14 : i32
        %add3A_201 = arith.addi %mul3A_199, %add3A_200 : i32
        %broadcast_in_dim3A_202 = vector.broadcast %add3A_201 : i32 to vector<16xi32>
        %gather3A_203 = tpu.vector_load_idx %arg9[%broadcast_in_dim3A_202] : memref<256xi32, #tpu.memory_space<vmem>>[vector<16xi32>], vector<16xi32>,
        %mul3A_204 = arith.constant 16 : i32
        %mul3A_205 = vector.broadcast %mul3A_204 : i32 to vector<16xi32>
        %mul3A_206 = arith.muli %gather3A_203, %mul3A_205 : vector<16xi32>
        %add3A_207 = arith.addi %mul3A_206, %iota3A : vector<16xi32>
        %broadcast_in_dim3A_208 = vector.broadcast %scan3A_21 : i32 to vector<16xi32>
        %gather3A_209 = tpu.vector_load_idx %arg10[%broadcast_in_dim3A_208, %add3A_207] : memref<4x16384xf32, #tpu.memory_space<vmem>>[vector<16xi32>, vector<16xi32>], vector<16xf32>,
        %mul3A_210 = arith.constant 16 : i32
        %mul3A_211 = arith.muli %add3A_24, %mul3A_210 : i32
        %add3A_212 = arith.constant 15 : i32
        %add3A_213 = arith.addi %mul3A_211, %add3A_212 : i32
        %broadcast_in_dim3A_214 = vector.broadcast %add3A_213 : i32 to vector<16xi32>
        %gather3A_215 = tpu.vector_load_idx %arg9[%broadcast_in_dim3A_214] : memref<256xi32, #tpu.memory_space<vmem>>[vector<16xi32>], vector<16xi32>,
        %mul3A_216 = arith.constant 16 : i32
        %mul3A_217 = vector.broadcast %mul3A_216 : i32 to vector<16xi32>
        %mul3A_218 = arith.muli %gather3A_215, %mul3A_217 : vector<16xi32>
        %add3A_219 = arith.addi %mul3A_218, %iota3A : vector<16xi32>
        %broadcast_in_dim3A_220 = vector.broadcast %scan3A_21 : i32 to vector<16xi32>
        %gather3A_221 = tpu.vector_load_idx %arg10[%broadcast_in_dim3A_220, %add3A_219] : memref<4x16384xf32, #tpu.memory_space<vmem>>[vector<16xi32>, vector<16xi32>], vector<16xf32>,
        %masked_sort3A = arith.constant dense<true> : vector<16xi1>
        %masked_sort3A_222, %masked_sort3A_223, %masked_sort3A_224 = tpu.sort %gather3A_41, %gather3A_41 masked %masked_sort3A : (vector<16xf32>, vector<16xf32>, vector<16xi1>) -> (vector<16xi1>, vector<16xf32>, vector<16xf32>)
        %broadcast_in_dim3A_225 = arith.constant 0 : i32
        %broadcast_in_dim3A_226 = vector.broadcast %broadcast_in_dim3A_225 : i32 to vector<16xi32>
        %masked_sort3A_227 = arith.constant dense<true> : vector<16xi1>
        %masked_sort3A_228, %masked_sort3A_229, %masked_sort3A_230 = tpu.sort %gather3A_53, %gather3A_53 masked %masked_sort3A_227 : (vector<16xf32>, vector<16xf32>, vector<16xi1>) -> (vector<16xi1>, vector<16xf32>, vector<16xf32>)
        %rev3A = arith.constant 15 : i32
        %rev3A_231 = vector.broadcast %rev3A : i32 to vector<16xi32>
        %rev3A_232 = tpu.iota {dimensions = array<i32: 0>} : vector<16xi32>
        %rev3A_233 = arith.subi %rev3A_231, %rev3A_232 : vector<16xi32>
        %rev3A_234 = tpu.dynamic_gather %masked_sort3A_229[%rev3A_233] in [0] : vector<16xf32>, vector<16xi32> -> vector<16xf32>
        %min3A = arith.minimumf %masked_sort3A_223, %rev3A_234 : vector<16xf32>
        %masked_sort3A_235 = arith.constant dense<true> : vector<16xi1>
        %masked_sort3A_236, %masked_sort3A_237, %masked_sort3A_238 = tpu.sort %min3A, %min3A masked %masked_sort3A_235 : (vector<16xf32>, vector<16xf32>, vector<16xi1>) -> (vector<16xi1>, vector<16xf32>, vector<16xf32>)
        %masked_sort3A_239 = arith.constant dense<true> : vector<16xi1>
        %masked_sort3A_240, %masked_sort3A_241, %masked_sort3A_242 = tpu.sort %gather3A_65, %gather3A_65 masked %masked_sort3A_239 : (vector<16xf32>, vector<16xf32>, vector<16xi1>) -> (vector<16xi1>, vector<16xf32>, vector<16xf32>)
        %rev3A_243 = arith.constant 15 : i32
        %rev3A_244 = vector.broadcast %rev3A_243 : i32 to vector<16xi32>
        %rev3A_245 = tpu.iota {dimensions = array<i32: 0>} : vector<16xi32>
        %rev3A_246 = arith.subi %rev3A_244, %rev3A_245 : vector<16xi32>
        %rev3A_247 = tpu.dynamic_gather %masked_sort3A_241[%rev3A_246] in [0] : vector<16xf32>, vector<16xi32> -> vector<16xf32>
        %min3A_248 = arith.minimumf %masked_sort3A_237, %rev3A_247 : vector<16xf32>
        %masked_sort3A_249 = arith.constant dense<true> : vector<16xi1>
        %masked_sort3A_250, %masked_sort3A_251, %masked_sort3A_252 = tpu.sort %min3A_248, %min3A_248 masked %masked_sort3A_249 : (vector<16xf32>, vector<16xf32>, vector<16xi1>) -> (vector<16xi1>, vector<16xf32>, vector<16xf32>)
        %masked_sort3A_253 = arith.constant dense<true> : vector<16xi1>
        %masked_sort3A_254, %masked_sort3A_255, %masked_sort3A_256 = tpu.sort %gather3A_77, %gather3A_77 masked %masked_sort3A_253 : (vector<16xf32>, vector<16xf32>, vector<16xi1>) -> (vector<16xi1>, vector<16xf32>, vector<16xf32>)
        %rev3A_257 = arith.constant 15 : i32
        %rev3A_258 = vector.broadcast %rev3A_257 : i32 to vector<16xi32>
        %rev3A_259 = tpu.iota {dimensions = array<i32: 0>} : vector<16xi32>
        %rev3A_260 = arith.subi %rev3A_258, %rev3A_259 : vector<16xi32>
        %rev3A_261 = tpu.dynamic_gather %masked_sort3A_255[%rev3A_260] in [0] : vector<16xf32>, vector<16xi32> -> vector<16xf32>
        %min3A_262 = arith.minimumf %masked_sort3A_251, %rev3A_261 : vector<16xf32>
        %masked_sort3A_263 = arith.constant dense<true> : vector<16xi1>
        %masked_sort3A_264, %masked_sort3A_265, %masked_sort3A_266 = tpu.sort %min3A_262, %min3A_262 masked %masked_sort3A_263 : (vector<16xf32>, vector<16xf32>, vector<16xi1>) -> (vector<16xi1>, vector<16xf32>, vector<16xf32>)
        %masked_sort3A_267 = arith.constant dense<true> : vector<16xi1>
        %masked_sort3A_268, %masked_sort3A_269, %masked_sort3A_270 = tpu.sort %gather3A_89, %gather3A_89 masked %masked_sort3A_267 : (vector<16xf32>, vector<16xf32>, vector<16xi1>) -> (vector<16xi1>, vector<16xf32>, vector<16xf32>)
        %rev3A_271 = arith.constant 15 : i32
        %rev3A_272 = vector.broadcast %rev3A_271 : i32 to vector<16xi32>
        %rev3A_273 = tpu.iota {dimensions = array<i32: 0>} : vector<16xi32>
        %rev3A_274 = arith.subi %rev3A_272, %rev3A_273 : vector<16xi32>
        %rev3A_275 = tpu.dynamic_gather %masked_sort3A_269[%rev3A_274] in [0] : vector<16xf32>, vector<16xi32> -> vector<16xf32>
        %min3A_276 = arith.minimumf %masked_sort3A_265, %rev3A_275 : vector<16xf32>
        %masked_sort3A_277 = arith.constant dense<true> : vector<16xi1>
        %masked_sort3A_278, %masked_sort3A_279, %masked_sort3A_280 = tpu.sort %min3A_276, %min3A_276 masked %masked_sort3A_277 : (vector<16xf32>, vector<16xf32>, vector<16xi1>) -> (vector<16xi1>, vector<16xf32>, vector<16xf32>)
        %masked_sort3A_281 = arith.constant dense<true> : vector<16xi1>
        %masked_sort3A_282, %masked_sort3A_283, %masked_sort3A_284 = tpu.sort %gather3A_101, %gather3A_101 masked %masked_sort3A_281 : (vector<16xf32>, vector<16xf32>, vector<16xi1>) -> (vector<16xi1>, vector<16xf32>, vector<16xf32>)
        %rev3A_285 = arith.constant 15 : i32
        %rev3A_286 = vector.broadcast %rev3A_285 : i32 to vector<16xi32>
        %rev3A_287 = tpu.iota {dimensions = array<i32: 0>} : vector<16xi32>
        %rev3A_288 = arith.subi %rev3A_286, %rev3A_287 : vector<16xi32>
        %rev3A_289 = tpu.dynamic_gather %masked_sort3A_283[%rev3A_288] in [0] : vector<16xf32>, vector<16xi32> -> vector<16xf32>
        %min3A_290 = arith.minimumf %masked_sort3A_279, %rev3A_289 : vector<16xf32>
        %masked_sort3A_291 = arith.constant dense<true> : vector<16xi1>
        %masked_sort3A_292, %masked_sort3A_293, %masked_sort3A_294 = tpu.sort %min3A_290, %min3A_290 masked %masked_sort3A_291 : (vector<16xf32>, vector<16xf32>, vector<16xi1>) -> (vector<16xi1>, vector<16xf32>, vector<16xf32>)
        %masked_sort3A_295 = arith.constant dense<true> : vector<16xi1>
        %masked_sort3A_296, %masked_sort3A_297, %masked_sort3A_298 = tpu.sort %gather3A_113, %gather3A_113 masked %masked_sort3A_295 : (vector<16xf32>, vector<16xf32>, vector<16xi1>) -> (vector<16xi1>, vector<16xf32>, vector<16xf32>)
        %rev3A_299 = arith.constant 15 : i32
        %rev3A_300 = vector.broadcast %rev3A_299 : i32 to vector<16xi32>
        %rev3A_301 = tpu.iota {dimensions = array<i32: 0>} : vector<16xi32>
        %rev3A_302 = arith.subi %rev3A_300, %rev3A_301 : vector<16xi32>
        %rev3A_303 = tpu.dynamic_gather %masked_sort3A_297[%rev3A_302] in [0] : vector<16xf32>, vector<16xi32> -> vector<16xf32>
        %min3A_304 = arith.minimumf %masked_sort3A_293, %rev3A_303 : vector<16xf32>
        %masked_sort3A_305 = arith.constant dense<true> : vector<16xi1>
        %masked_sort3A_306, %masked_sort3A_307, %masked_sort3A_308 = tpu.sort %min3A_304, %min3A_304 masked %masked_sort3A_305 : (vector<16xf32>, vector<16xf32>, vector<16xi1>) -> (vector<16xi1>, vector<16xf32>, vector<16xf32>)
        %masked_sort3A_309 = arith.constant dense<true> : vector<16xi1>
        %masked_sort3A_310, %masked_sort3A_311, %masked_sort3A_312 = tpu.sort %gather3A_125, %gather3A_125 masked %masked_sort3A_309 : (vector<16xf32>, vector<16xf32>, vector<16xi1>) -> (vector<16xi1>, vector<16xf32>, vector<16xf32>)
        %rev3A_313 = arith.constant 15 : i32
        %rev3A_314 = vector.broadcast %rev3A_313 : i32 to vector<16xi32>
        %rev3A_315 = tpu.iota {dimensions = array<i32: 0>} : vector<16xi32>
        %rev3A_316 = arith.subi %rev3A_314, %rev3A_315 : vector<16xi32>
        %rev3A_317 = tpu.dynamic_gather %masked_sort3A_311[%rev3A_316] in [0] : vector<16xf32>, vector<16xi32> -> vector<16xf32>
        %min3A_318 = arith.minimumf %masked_sort3A_307, %rev3A_317 : vector<16xf32>
        %masked_sort3A_319 = arith.constant dense<true> : vector<16xi1>
        %masked_sort3A_320, %masked_sort3A_321, %masked_sort3A_322 = tpu.sort %min3A_318, %min3A_318 masked %masked_sort3A_319 : (vector<16xf32>, vector<16xf32>, vector<16xi1>) -> (vector<16xi1>, vector<16xf32>, vector<16xf32>)
        %masked_sort3A_323 = arith.constant dense<true> : vector<16xi1>
        %masked_sort3A_324, %masked_sort3A_325, %masked_sort3A_326 = tpu.sort %gather3A_137, %gather3A_137 masked %masked_sort3A_323 : (vector<16xf32>, vector<16xf32>, vector<16xi1>) -> (vector<16xi1>, vector<16xf32>, vector<16xf32>)
        %rev3A_327 = arith.constant 15 : i32
        %rev3A_328 = vector.broadcast %rev3A_327 : i32 to vector<16xi32>
        %rev3A_329 = tpu.iota {dimensions = array<i32: 0>} : vector<16xi32>
        %rev3A_330 = arith.subi %rev3A_328, %rev3A_329 : vector<16xi32>
        %rev3A_331 = tpu.dynamic_gather %masked_sort3A_325[%rev3A_330] in [0] : vector<16xf32>, vector<16xi32> -> vector<16xf32>
        %min3A_332 = arith.minimumf %masked_sort3A_321, %rev3A_331 : vector<16xf32>
        %masked_sort3A_333 = arith.constant dense<true> : vector<16xi1>
        %masked_sort3A_334, %masked_sort3A_335, %masked_sort3A_336 = tpu.sort %min3A_332, %min3A_332 masked %masked_sort3A_333 : (vector<16xf32>, vector<16xf32>, vector<16xi1>) -> (vector<16xi1>, vector<16xf32>, vector<16xf32>)
        %masked_sort3A_337 = arith.constant dense<true> : vector<16xi1>
        %masked_sort3A_338, %masked_sort3A_339, %masked_sort3A_340 = tpu.sort %gather3A_149, %gather3A_149 masked %masked_sort3A_337 : (vector<16xf32>, vector<16xf32>, vector<16xi1>) -> (vector<16xi1>, vector<16xf32>, vector<16xf32>)
        %rev3A_341 = arith.constant 15 : i32
        %rev3A_342 = vector.broadcast %rev3A_341 : i32 to vector<16xi32>
        %rev3A_343 = tpu.iota {dimensions = array<i32: 0>} : vector<16xi32>
        %rev3A_344 = arith.subi %rev3A_342, %rev3A_343 : vector<16xi32>
        %rev3A_345 = tpu.dynamic_gather %masked_sort3A_339[%rev3A_344] in [0] : vector<16xf32>, vector<16xi32> -> vector<16xf32>
        %min3A_346 = arith.minimumf %masked_sort3A_335, %rev3A_345 : vector<16xf32>
        %masked_sort3A_347 = arith.constant dense<true> : vector<16xi1>
        %masked_sort3A_348, %masked_sort3A_349, %masked_sort3A_350 = tpu.sort %min3A_346, %min3A_346 masked %masked_sort3A_347 : (vector<16xf32>, vector<16xf32>, vector<16xi1>) -> (vector<16xi1>, vector<16xf32>, vector<16xf32>)
        %masked_sort3A_351 = arith.constant dense<true> : vector<16xi1>
        %masked_sort3A_352, %masked_sort3A_353, %masked_sort3A_354 = tpu.sort %gather3A_161, %gather3A_161 masked %masked_sort3A_351 : (vector<16xf32>, vector<16xf32>, vector<16xi1>) -> (vector<16xi1>, vector<16xf32>, vector<16xf32>)
        %rev3A_355 = arith.constant 15 : i32
        %rev3A_356 = vector.broadcast %rev3A_355 : i32 to vector<16xi32>
        %rev3A_357 = tpu.iota {dimensions = array<i32: 0>} : vector<16xi32>
        %rev3A_358 = arith.subi %rev3A_356, %rev3A_357 : vector<16xi32>
        %rev3A_359 = tpu.dynamic_gather %masked_sort3A_353[%rev3A_358] in [0] : vector<16xf32>, vector<16xi32> -> vector<16xf32>
        %min3A_360 = arith.minimumf %masked_sort3A_349, %rev3A_359 : vector<16xf32>
        %masked_sort3A_361 = arith.constant dense<true> : vector<16xi1>
        %masked_sort3A_362, %masked_sort3A_363, %masked_sort3A_364 = tpu.sort %min3A_360, %min3A_360 masked %masked_sort3A_361 : (vector<16xf32>, vector<16xf32>, vector<16xi1>) -> (vector<16xi1>, vector<16xf32>, vector<16xf32>)
        %masked_sort3A_365 = arith.constant dense<true> : vector<16xi1>
        %masked_sort3A_366, %masked_sort3A_367, %masked_sort3A_368 = tpu.sort %gather3A_173, %gather3A_173 masked %masked_sort3A_365 : (vector<16xf32>, vector<16xf32>, vector<16xi1>) -> (vector<16xi1>, vector<16xf32>, vector<16xf32>)
        %rev3A_369 = arith.constant 15 : i32
        %rev3A_370 = vector.broadcast %rev3A_369 : i32 to vector<16xi32>
        %rev3A_371 = tpu.iota {dimensions = array<i32: 0>} : vector<16xi32>
        %rev3A_372 = arith.subi %rev3A_370, %rev3A_371 : vector<16xi32>
        %rev3A_373 = tpu.dynamic_gather %masked_sort3A_367[%rev3A_372] in [0] : vector<16xf32>, vector<16xi32> -> vector<16xf32>
        %min3A_374 = arith.minimumf %masked_sort3A_363, %rev3A_373 : vector<16xf32>
        %masked_sort3A_375 = arith.constant dense<true> : vector<16xi1>
        %masked_sort3A_376, %masked_sort3A_377, %masked_sort3A_378 = tpu.sort %min3A_374, %min3A_374 masked %masked_sort3A_375 : (vector<16xf32>, vector<16xf32>, vector<16xi1>) -> (vector<16xi1>, vector<16xf32>, vector<16xf32>)
        %masked_sort3A_379 = arith.constant dense<true> : vector<16xi1>
        %masked_sort3A_380, %masked_sort3A_381, %masked_sort3A_382 = tpu.sort %gather3A_185, %gather3A_185 masked %masked_sort3A_379 : (vector<16xf32>, vector<16xf32>, vector<16xi1>) -> (vector<16xi1>, vector<16xf32>, vector<16xf32>)
        %rev3A_383 = arith.constant 15 : i32
        %rev3A_384 = vector.broadcast %rev3A_383 : i32 to vector<16xi32>
        %rev3A_385 = tpu.iota {dimensions = array<i32: 0>} : vector<16xi32>
        %rev3A_386 = arith.subi %rev3A_384, %rev3A_385 : vector<16xi32>
        %rev3A_387 = tpu.dynamic_gather %masked_sort3A_381[%rev3A_386] in [0] : vector<16xf32>, vector<16xi32> -> vector<16xf32>
        %min3A_388 = arith.minimumf %masked_sort3A_377, %rev3A_387 : vector<16xf32>
        %masked_sort3A_389 = arith.constant dense<true> : vector<16xi1>
        %masked_sort3A_390, %masked_sort3A_391, %masked_sort3A_392 = tpu.sort %min3A_388, %min3A_388 masked %masked_sort3A_389 : (vector<16xf32>, vector<16xf32>, vector<16xi1>) -> (vector<16xi1>, vector<16xf32>, vector<16xf32>)
        %masked_sort3A_393 = arith.constant dense<true> : vector<16xi1>
        %masked_sort3A_394, %masked_sort3A_395, %masked_sort3A_396 = tpu.sort %gather3A_197, %gather3A_197 masked %masked_sort3A_393 : (vector<16xf32>, vector<16xf32>, vector<16xi1>) -> (vector<16xi1>, vector<16xf32>, vector<16xf32>)
        %rev3A_397 = arith.constant 15 : i32
        %rev3A_398 = vector.broadcast %rev3A_397 : i32 to vector<16xi32>
        %rev3A_399 = tpu.iota {dimensions = array<i32: 0>} : vector<16xi32>
        %rev3A_400 = arith.subi %rev3A_398, %rev3A_399 : vector<16xi32>
        %rev3A_401 = tpu.dynamic_gather %masked_sort3A_395[%rev3A_400] in [0] : vector<16xf32>, vector<16xi32> -> vector<16xf32>
        %min3A_402 = arith.minimumf %masked_sort3A_391, %rev3A_401 : vector<16xf32>
        %masked_sort3A_403 = arith.constant dense<true> : vector<16xi1>
        %masked_sort3A_404, %masked_sort3A_405, %masked_sort3A_406 = tpu.sort %min3A_402, %min3A_402 masked %masked_sort3A_403 : (vector<16xf32>, vector<16xf32>, vector<16xi1>) -> (vector<16xi1>, vector<16xf32>, vector<16xf32>)
        %masked_sort3A_407 = arith.constant dense<true> : vector<16xi1>
        %masked_sort3A_408, %masked_sort3A_409, %masked_sort3A_410 = tpu.sort %gather3A_209, %gather3A_209 masked %masked_sort3A_407 : (vector<16xf32>, vector<16xf32>, vector<16xi1>) -> (vector<16xi1>, vector<16xf32>, vector<16xf32>)
        %rev3A_411 = arith.constant 15 : i32
        %rev3A_412 = vector.broadcast %rev3A_411 : i32 to vector<16xi32>
        %rev3A_413 = tpu.iota {dimensions = array<i32: 0>} : vector<16xi32>
        %rev3A_414 = arith.subi %rev3A_412, %rev3A_413 : vector<16xi32>
        %rev3A_415 = tpu.dynamic_gather %masked_sort3A_409[%rev3A_414] in [0] : vector<16xf32>, vector<16xi32> -> vector<16xf32>
        %min3A_416 = arith.minimumf %masked_sort3A_405, %rev3A_415 : vector<16xf32>
        %masked_sort3A_417 = arith.constant dense<true> : vector<16xi1>
        %masked_sort3A_418, %masked_sort3A_419, %masked_sort3A_420 = tpu.sort %min3A_416, %min3A_416 masked %masked_sort3A_417 : (vector<16xf32>, vector<16xf32>, vector<16xi1>) -> (vector<16xi1>, vector<16xf32>, vector<16xf32>)
        %masked_sort3A_421 = arith.constant dense<true> : vector<16xi1>
        %masked_sort3A_422, %masked_sort3A_423, %masked_sort3A_424 = tpu.sort %gather3A_221, %gather3A_221 masked %masked_sort3A_421 : (vector<16xf32>, vector<16xf32>, vector<16xi1>) -> (vector<16xi1>, vector<16xf32>, vector<16xf32>)
        %rev3A_425 = arith.constant 15 : i32
        %rev3A_426 = vector.broadcast %rev3A_425 : i32 to vector<16xi32>
        %rev3A_427 = tpu.iota {dimensions = array<i32: 0>} : vector<16xi32>
        %rev3A_428 = arith.subi %rev3A_426, %rev3A_427 : vector<16xi32>
        %rev3A_429 = tpu.dynamic_gather %masked_sort3A_423[%rev3A_428] in [0] : vector<16xf32>, vector<16xi32> -> vector<16xf32>
        %min3A_430 = arith.minimumf %masked_sort3A_419, %rev3A_429 : vector<16xf32>
        %masked_sort3A_431 = arith.constant dense<true> : vector<16xi1>
        %masked_sort3A_432, %masked_sort3A_433, %masked_sort3A_434 = tpu.sort %min3A_430, %min3A_430 masked %masked_sort3A_431 : (vector<16xf32>, vector<16xf32>, vector<16xi1>) -> (vector<16xi1>, vector<16xf32>, vector<16xf32>)
        %reduce_max3A = arith.constant true
        %reduce_max3A_435 = vector.broadcast %reduce_max3A : i1 to vector<16xi1>
        %reduce_max3A_436 = tpu.scan <max>, %masked_sort3A_433 masked %reduce_max3A_435 : vector<16xf32>, vector<16xi1> -> vector<16xf32>
        %reduce_max3A_437 = vector.extract %reduce_max3A_436[15] : f32 from vector<16xf32>
        %le3A = vector.broadcast %reduce_max3A_437 : f32 to vector<16xf32>
        %le3A_438 = arith.cmpf ole, %gather3A_41, %le3A : vector<16xf32>
        %all_reduce_population_count3A = tpu.all_reduce %le3A_438 {dim = 0 : i64, kind = #tpu.reduction_kind<sum>} : vector<16xi1> -> vector<16xi32>
        %add3A_439 = arith.addi %broadcast_in_dim3A_226, %all_reduce_population_count3A : vector<16xi32>
        %le3A_440 = vector.broadcast %reduce_max3A_437 : f32 to vector<16xf32>
        %le3A_441 = arith.cmpf ole, %gather3A_53, %le3A_440 : vector<16xf32>
        %all_reduce_population_count3A_442 = tpu.all_reduce %le3A_441 {dim = 0 : i64, kind = #tpu.reduction_kind<sum>} : vector<16xi1> -> vector<16xi32>
        %add3A_443 = arith.addi %add3A_439, %all_reduce_population_count3A_442 : vector<16xi32>
        %le3A_444 = vector.broadcast %reduce_max3A_437 : f32 to vector<16xf32>
        %le3A_445 = arith.cmpf ole, %gather3A_65, %le3A_444 : vector<16xf32>
        %all_reduce_population_count3A_446 = tpu.all_reduce %le3A_445 {dim = 0 : i64, kind = #tpu.reduction_kind<sum>} : vector<16xi1> -> vector<16xi32>
        %add3A_447 = arith.addi %add3A_443, %all_reduce_population_count3A_446 : vector<16xi32>
        %le3A_448 = vector.broadcast %reduce_max3A_437 : f32 to vector<16xf32>
        %le3A_449 = arith.cmpf ole, %gather3A_77, %le3A_448 : vector<16xf32>
        %all_reduce_population_count3A_450 = tpu.all_reduce %le3A_449 {dim = 0 : i64, kind = #tpu.reduction_kind<sum>} : vector<16xi1> -> vector<16xi32>
        %add3A_451 = arith.addi %add3A_447, %all_reduce_population_count3A_450 : vector<16xi32>
        %le3A_452 = vector.broadcast %reduce_max3A_437 : f32 to vector<16xf32>
        %le3A_453 = arith.cmpf ole, %gather3A_89, %le3A_452 : vector<16xf32>
        %all_reduce_population_count3A_454 = tpu.all_reduce %le3A_453 {dim = 0 : i64, kind = #tpu.reduction_kind<sum>} : vector<16xi1> -> vector<16xi32>
        %add3A_455 = arith.addi %add3A_451, %all_reduce_population_count3A_454 : vector<16xi32>
        %le3A_456 = vector.broadcast %reduce_max3A_437 : f32 to vector<16xf32>
        %le3A_457 = arith.cmpf ole, %gather3A_101, %le3A_456 : vector<16xf32>
        %all_reduce_population_count3A_458 = tpu.all_reduce %le3A_457 {dim = 0 : i64, kind = #tpu.reduction_kind<sum>} : vector<16xi1> -> vector<16xi32>
        %add3A_459 = arith.addi %add3A_455, %all_reduce_population_count3A_458 : vector<16xi32>
        %le3A_460 = vector.broadcast %reduce_max3A_437 : f32 to vector<16xf32>
        %le3A_461 = arith.cmpf ole, %gather3A_113, %le3A_460 : vector<16xf32>
        %all_reduce_population_count3A_462 = tpu.all_reduce %le3A_461 {dim = 0 : i64, kind = #tpu.reduction_kind<sum>} : vector<16xi1> -> vector<16xi32>
        %add3A_463 = arith.addi %add3A_459, %all_reduce_population_count3A_462 : vector<16xi32>
        %le3A_464 = vector.broadcast %reduce_max3A_437 : f32 to vector<16xf32>
        %le3A_465 = arith.cmpf ole, %gather3A_125, %le3A_464 : vector<16xf32>
        %all_reduce_population_count3A_466 = tpu.all_reduce %le3A_465 {dim = 0 : i64, kind = #tpu.reduction_kind<sum>} : vector<16xi1> -> vector<16xi32>
        %add3A_467 = arith.addi %add3A_463, %all_reduce_population_count3A_466 : vector<16xi32>
        %le3A_468 = vector.broadcast %reduce_max3A_437 : f32 to vector<16xf32>
        %le3A_469 = arith.cmpf ole, %gather3A_137, %le3A_468 : vector<16xf32>
        %all_reduce_population_count3A_470 = tpu.all_reduce %le3A_469 {dim = 0 : i64, kind = #tpu.reduction_kind<sum>} : vector<16xi1> -> vector<16xi32>
        %add3A_471 = arith.addi %add3A_467, %all_reduce_population_count3A_470 : vector<16xi32>
        %le3A_472 = vector.broadcast %reduce_max3A_437 : f32 to vector<16xf32>
        %le3A_473 = arith.cmpf ole, %gather3A_149, %le3A_472 : vector<16xf32>
        %all_reduce_population_count3A_474 = tpu.all_reduce %le3A_473 {dim = 0 : i64, kind = #tpu.reduction_kind<sum>} : vector<16xi1> -> vector<16xi32>
        %add3A_475 = arith.addi %add3A_471, %all_reduce_population_count3A_474 : vector<16xi32>
        %le3A_476 = vector.broadcast %reduce_max3A_437 : f32 to vector<16xf32>
        %le3A_477 = arith.cmpf ole, %gather3A_161, %le3A_476 : vector<16xf32>
        %all_reduce_population_count3A_478 = tpu.all_reduce %le3A_477 {dim = 0 : i64, kind = #tpu.reduction_kind<sum>} : vector<16xi1> -> vector<16xi32>
        %add3A_479 = arith.addi %add3A_475, %all_reduce_population_count3A_478 : vector<16xi32>
        %le3A_480 = vector.broadcast %reduce_max3A_437 : f32 to vector<16xf32>
        %le3A_481 = arith.cmpf ole, %gather3A_173, %le3A_480 : vector<16xf32>
        %all_reduce_population_count3A_482 = tpu.all_reduce %le3A_481 {dim = 0 : i64, kind = #tpu.reduction_kind<sum>} : vector<16xi1> -> vector<16xi32>
        %add3A_483 = arith.addi %add3A_479, %all_reduce_population_count3A_482 : vector<16xi32>
        %le3A_484 = vector.broadcast %reduce_max3A_437 : f32 to vector<16xf32>
        %le3A_485 = arith.cmpf ole, %gather3A_185, %le3A_484 : vector<16xf32>
        %all_reduce_population_count3A_486 = tpu.all_reduce %le3A_485 {dim = 0 : i64, kind = #tpu.reduction_kind<sum>} : vector<16xi1> -> vector<16xi32>
        %add3A_487 = arith.addi %add3A_483, %all_reduce_population_count3A_486 : vector<16xi32>
        %le3A_488 = vector.broadcast %reduce_max3A_437 : f32 to vector<16xf32>
        %le3A_489 = arith.cmpf ole, %gather3A_197, %le3A_488 : vector<16xf32>
        %all_reduce_population_count3A_490 = tpu.all_reduce %le3A_489 {dim = 0 : i64, kind = #tpu.reduction_kind<sum>} : vector<16xi1> -> vector<16xi32>
        %add3A_491 = arith.addi %add3A_487, %all_reduce_population_count3A_490 : vector<16xi32>
        %le3A_492 = vector.broadcast %reduce_max3A_437 : f32 to vector<16xf32>
        %le3A_493 = arith.cmpf ole, %gather3A_209, %le3A_492 : vector<16xf32>
        %all_reduce_population_count3A_494 = tpu.all_reduce %le3A_493 {dim = 0 : i64, kind = #tpu.reduction_kind<sum>} : vector<16xi1> -> vector<16xi32>
        %add3A_495 = arith.addi %add3A_491, %all_reduce_population_count3A_494 : vector<16xi32>
        %le3A_496 = vector.broadcast %reduce_max3A_437 : f32 to vector<16xf32>
        %le3A_497 = arith.cmpf ole, %gather3A_221, %le3A_496 : vector<16xf32>
        %all_reduce_population_count3A_498 = tpu.all_reduce %le3A_497 {dim = 0 : i64, kind = #tpu.reduction_kind<sum>} : vector<16xi1> -> vector<16xi32>
        %add3A_499 = arith.addi %add3A_495, %all_reduce_population_count3A_498 : vector<16xi32>
        %reduce_max3A_500 = arith.constant true
        %reduce_max3A_501 = vector.broadcast %reduce_max3A_500 : i1 to vector<16xi1>
        %reduce_max3A_502 = arith.constant -2147483648 : i32
        %reduce_max3A_503 = vector.broadcast %reduce_max3A_502 : i32 to vector<16xi32>
        %reduce_max3A_504 = arith.xori %add3A_499, %reduce_max3A_503 : vector<16xi32>
        %reduce_max3A_505 = tpu.scan <max>, %reduce_max3A_504 masked %reduce_max3A_501 : vector<16xi32>, vector<16xi1> -> vector<16xi32>
        %reduce_max3A_506 = arith.xori %reduce_max3A_505, %reduce_max3A_503 : vector<16xi32>
        %reduce_max3A_507 = vector.extract %reduce_max3A_506[15] : i32 from vector<16xi32>
        %eq3A = arith.constant 16 : i32
        %eq3A_508 = arith.cmpi eq, %reduce_max3A_507, %eq3A : i32
        %convert_element_type3A = arith.extui %eq3A_508 : i1 to i32
        %cond3A = arith.constant 0 : i32
        %cond3A_509 = arith.cmpi ne, %convert_element_type3A, %cond3A : i32
        scf.if %cond3A_509 {
          %gather3A_543 = tpu.vector_load_idx %arg7[%add3A_39] : memref<16384xi32, #tpu.memory_space<vmem>>[vector<16xi32>], vector<16xi32>,
          %gather3A_544 = tpu.vector_load_idx %arg8[%add3A_39] : memref<16384xf32, #tpu.memory_space<vmem>>[vector<16xi32>], vector<16xf32>,
          %le3A_545 = vector.broadcast %reduce_max3A_437 : f32 to vector<16xf32>
          %le3A_546 = arith.cmpf ole, %gather3A_41, %le3A_545 : vector<16xf32>
          tpu.vector_store_idx %arg11[%gather3A_543], %gather3A_544 masked %le3A_546 {add = true} : memref<1024xf32, #tpu.memory_space<vmem>>[vector<16xi32>], vector<16xf32>, vector<16xi1>
          %gather3A_547 = tpu.vector_load_idx %arg7[%add3A_51] : memref<16384xi32, #tpu.memory_space<vmem>>[vector<16xi32>], vector<16xi32>,
          %gather3A_548 = tpu.vector_load_idx %arg8[%add3A_51] : memref<16384xf32, #tpu.memory_space<vmem>>[vector<16xi32>], vector<16xf32>,
          %le3A_549 = vector.broadcast %reduce_max3A_437 : f32 to vector<16xf32>
          %le3A_550 = arith.cmpf ole, %gather3A_53, %le3A_549 : vector<16xf32>
          tpu.vector_store_idx %arg11[%gather3A_547], %gather3A_548 masked %le3A_550 {add = true} : memref<1024xf32, #tpu.memory_space<vmem>>[vector<16xi32>], vector<16xf32>, vector<16xi1>
          %gather3A_551 = tpu.vector_load_idx %arg7[%add3A_63] : memref<16384xi32, #tpu.memory_space<vmem>>[vector<16xi32>], vector<16xi32>,
          %gather3A_552 = tpu.vector_load_idx %arg8[%add3A_63] : memref<16384xf32, #tpu.memory_space<vmem>>[vector<16xi32>], vector<16xf32>,
          %le3A_553 = vector.broadcast %reduce_max3A_437 : f32 to vector<16xf32>
          %le3A_554 = arith.cmpf ole, %gather3A_65, %le3A_553 : vector<16xf32>
          tpu.vector_store_idx %arg11[%gather3A_551], %gather3A_552 masked %le3A_554 {add = true} : memref<1024xf32, #tpu.memory_space<vmem>>[vector<16xi32>], vector<16xf32>, vector<16xi1>
          %gather3A_555 = tpu.vector_load_idx %arg7[%add3A_75] : memref<16384xi32, #tpu.memory_space<vmem>>[vector<16xi32>], vector<16xi32>,
          %gather3A_556 = tpu.vector_load_idx %arg8[%add3A_75] : memref<16384xf32, #tpu.memory_space<vmem>>[vector<16xi32>], vector<16xf32>,
          %le3A_557 = vector.broadcast %reduce_max3A_437 : f32 to vector<16xf32>
          %le3A_558 = arith.cmpf ole, %gather3A_77, %le3A_557 : vector<16xf32>
          tpu.vector_store_idx %arg11[%gather3A_555], %gather3A_556 masked %le3A_558 {add = true} : memref<1024xf32, #tpu.memory_space<vmem>>[vector<16xi32>], vector<16xf32>, vector<16xi1>
          %gather3A_559 = tpu.vector_load_idx %arg7[%add3A_87] : memref<16384xi32, #tpu.memory_space<vmem>>[vector<16xi32>], vector<16xi32>,
          %gather3A_560 = tpu.vector_load_idx %arg8[%add3A_87] : memref<16384xf32, #tpu.memory_space<vmem>>[vector<16xi32>], vector<16xf32>,
          %le3A_561 = vector.broadcast %reduce_max3A_437 : f32 to vector<16xf32>
          %le3A_562 = arith.cmpf ole, %gather3A_89, %le3A_561 : vector<16xf32>
          tpu.vector_store_idx %arg11[%gather3A_559], %gather3A_560 masked %le3A_562 {add = true} : memref<1024xf32, #tpu.memory_space<vmem>>[vector<16xi32>], vector<16xf32>, vector<16xi1>
          %gather3A_563 = tpu.vector_load_idx %arg7[%add3A_99] : memref<16384xi32, #tpu.memory_space<vmem>>[vector<16xi32>], vector<16xi32>,
          %gather3A_564 = tpu.vector_load_idx %arg8[%add3A_99] : memref<16384xf32, #tpu.memory_space<vmem>>[vector<16xi32>], vector<16xf32>,
          %le3A_565 = vector.broadcast %reduce_max3A_437 : f32 to vector<16xf32>
          %le3A_566 = arith.cmpf ole, %gather3A_101, %le3A_565 : vector<16xf32>
          tpu.vector_store_idx %arg11[%gather3A_563], %gather3A_564 masked %le3A_566 {add = true} : memref<1024xf32, #tpu.memory_space<vmem>>[vector<16xi32>], vector<16xf32>, vector<16xi1>
          %gather3A_567 = tpu.vector_load_idx %arg7[%add3A_111] : memref<16384xi32, #tpu.memory_space<vmem>>[vector<16xi32>], vector<16xi32>,
          %gather3A_568 = tpu.vector_load_idx %arg8[%add3A_111] : memref<16384xf32, #tpu.memory_space<vmem>>[vector<16xi32>], vector<16xf32>,
          %le3A_569 = vector.broadcast %reduce_max3A_437 : f32 to vector<16xf32>
          %le3A_570 = arith.cmpf ole, %gather3A_113, %le3A_569 : vector<16xf32>
          tpu.vector_store_idx %arg11[%gather3A_567], %gather3A_568 masked %le3A_570 {add = true} : memref<1024xf32, #tpu.memory_space<vmem>>[vector<16xi32>], vector<16xf32>, vector<16xi1>
          %gather3A_571 = tpu.vector_load_idx %arg7[%add3A_123] : memref<16384xi32, #tpu.memory_space<vmem>>[vector<16xi32>], vector<16xi32>,
          %gather3A_572 = tpu.vector_load_idx %arg8[%add3A_123] : memref<16384xf32, #tpu.memory_space<vmem>>[vector<16xi32>], vector<16xf32>,
          %le3A_573 = vector.broadcast %reduce_max3A_437 : f32 to vector<16xf32>
          %le3A_574 = arith.cmpf ole, %gather3A_125, %le3A_573 : vector<16xf32>
          tpu.vector_store_idx %arg11[%gather3A_571], %gather3A_572 masked %le3A_574 {add = true} : memref<1024xf32, #tpu.memory_space<vmem>>[vector<16xi32>], vector<16xf32>, vector<16xi1>
          %gather3A_575 = tpu.vector_load_idx %arg7[%add3A_135] : memref<16384xi32, #tpu.memory_space<vmem>>[vector<16xi32>], vector<16xi32>,
          %gather3A_576 = tpu.vector_load_idx %arg8[%add3A_135] : memref<16384xf32, #tpu.memory_space<vmem>>[vector<16xi32>], vector<16xf32>,
          %le3A_577 = vector.broadcast %reduce_max3A_437 : f32 to vector<16xf32>
          %le3A_578 = arith.cmpf ole, %gather3A_137, %le3A_577 : vector<16xf32>
          tpu.vector_store_idx %arg11[%gather3A_575], %gather3A_576 masked %le3A_578 {add = true} : memref<1024xf32, #tpu.memory_space<vmem>>[vector<16xi32>], vector<16xf32>, vector<16xi1>
          %gather3A_579 = tpu.vector_load_idx %arg7[%add3A_147] : memref<16384xi32, #tpu.memory_space<vmem>>[vector<16xi32>], vector<16xi32>,
          %gather3A_580 = tpu.vector_load_idx %arg8[%add3A_147] : memref<16384xf32, #tpu.memory_space<vmem>>[vector<16xi32>], vector<16xf32>,
          %le3A_581 = vector.broadcast %reduce_max3A_437 : f32 to vector<16xf32>
          %le3A_582 = arith.cmpf ole, %gather3A_149, %le3A_581 : vector<16xf32>
          tpu.vector_store_idx %arg11[%gather3A_579], %gather3A_580 masked %le3A_582 {add = true} : memref<1024xf32, #tpu.memory_space<vmem>>[vector<16xi32>], vector<16xf32>, vector<16xi1>
          %gather3A_583 = tpu.vector_load_idx %arg7[%add3A_159] : memref<16384xi32, #tpu.memory_space<vmem>>[vector<16xi32>], vector<16xi32>,
          %gather3A_584 = tpu.vector_load_idx %arg8[%add3A_159] : memref<16384xf32, #tpu.memory_space<vmem>>[vector<16xi32>], vector<16xf32>,
          %le3A_585 = vector.broadcast %reduce_max3A_437 : f32 to vector<16xf32>
          %le3A_586 = arith.cmpf ole, %gather3A_161, %le3A_585 : vector<16xf32>
          tpu.vector_store_idx %arg11[%gather3A_583], %gather3A_584 masked %le3A_586 {add = true} : memref<1024xf32, #tpu.memory_space<vmem>>[vector<16xi32>], vector<16xf32>, vector<16xi1>
          %gather3A_587 = tpu.vector_load_idx %arg7[%add3A_171] : memref<16384xi32, #tpu.memory_space<vmem>>[vector<16xi32>], vector<16xi32>,
          %gather3A_588 = tpu.vector_load_idx %arg8[%add3A_171] : memref<16384xf32, #tpu.memory_space<vmem>>[vector<16xi32>], vector<16xf32>,
          %le3A_589 = vector.broadcast %reduce_max3A_437 : f32 to vector<16xf32>
          %le3A_590 = arith.cmpf ole, %gather3A_173, %le3A_589 : vector<16xf32>
          tpu.vector_store_idx %arg11[%gather3A_587], %gather3A_588 masked %le3A_590 {add = true} : memref<1024xf32, #tpu.memory_space<vmem>>[vector<16xi32>], vector<16xf32>, vector<16xi1>
          %gather3A_591 = tpu.vector_load_idx %arg7[%add3A_183] : memref<16384xi32, #tpu.memory_space<vmem>>[vector<16xi32>], vector<16xi32>,
          %gather3A_592 = tpu.vector_load_idx %arg8[%add3A_183] : memref<16384xf32, #tpu.memory_space<vmem>>[vector<16xi32>], vector<16xf32>,
          %le3A_593 = vector.broadcast %reduce_max3A_437 : f32 to vector<16xf32>
          %le3A_594 = arith.cmpf ole, %gather3A_185, %le3A_593 : vector<16xf32>
          tpu.vector_store_idx %arg11[%gather3A_591], %gather3A_592 masked %le3A_594 {add = true} : memref<1024xf32, #tpu.memory_space<vmem>>[vector<16xi32>], vector<16xf32>, vector<16xi1>
          %gather3A_595 = tpu.vector_load_idx %arg7[%add3A_195] : memref<16384xi32, #tpu.memory_space<vmem>>[vector<16xi32>], vector<16xi32>,
          %gather3A_596 = tpu.vector_load_idx %arg8[%add3A_195] : memref<16384xf32, #tpu.memory_space<vmem>>[vector<16xi32>], vector<16xf32>,
          %le3A_597 = vector.broadcast %reduce_max3A_437 : f32 to vector<16xf32>
          %le3A_598 = arith.cmpf ole, %gather3A_197, %le3A_597 : vector<16xf32>
          tpu.vector_store_idx %arg11[%gather3A_595], %gather3A_596 masked %le3A_598 {add = true} : memref<1024xf32, #tpu.memory_space<vmem>>[vector<16xi32>], vector<16xf32>, vector<16xi1>
          %gather3A_599 = tpu.vector_load_idx %arg7[%add3A_207] : memref<16384xi32, #tpu.memory_space<vmem>>[vector<16xi32>], vector<16xi32>,
          %gather3A_600 = tpu.vector_load_idx %arg8[%add3A_207] : memref<16384xf32, #tpu.memory_space<vmem>>[vector<16xi32>], vector<16xf32>,
          %le3A_601 = vector.broadcast %reduce_max3A_437 : f32 to vector<16xf32>
          %le3A_602 = arith.cmpf ole, %gather3A_209, %le3A_601 : vector<16xf32>
          tpu.vector_store_idx %arg11[%gather3A_599], %gather3A_600 masked %le3A_602 {add = true} : memref<1024xf32, #tpu.memory_space<vmem>>[vector<16xi32>], vector<16xf32>, vector<16xi1>
          %gather3A_603 = tpu.vector_load_idx %arg7[%add3A_219] : memref<16384xi32, #tpu.memory_space<vmem>>[vector<16xi32>], vector<16xi32>,
          %gather3A_604 = tpu.vector_load_idx %arg8[%add3A_219] : memref<16384xf32, #tpu.memory_space<vmem>>[vector<16xi32>], vector<16xf32>,
          %le3A_605 = vector.broadcast %reduce_max3A_437 : f32 to vector<16xf32>
          %le3A_606 = arith.cmpf ole, %gather3A_221, %le3A_605 : vector<16xf32>
          tpu.vector_store_idx %arg11[%gather3A_603], %gather3A_604 masked %le3A_606 {add = true} : memref<1024xf32, #tpu.memory_space<vmem>>[vector<16xi32>], vector<16xf32>, vector<16xi1>
        } else {
        }
        %ne3A = arith.constant 16 : i32
        %ne3A_510 = arith.cmpi ne, %reduce_max3A_507, %ne3A : i32
        %convert_element_type3A_511 = arith.extui %ne3A_510 : i1 to i32
        %cond3A_512 = arith.constant 0 : i32
        %cond3A_513 = arith.cmpi ne, %convert_element_type3A_511, %cond3A_512 : i32
        scf.if %cond3A_513 {
          %broadcast_in_dim3A_543 = arith.constant 0xFF800000 : f32
          %broadcast_in_dim3A_544 = vector.broadcast %broadcast_in_dim3A_543 : f32 to vector<16xf32>
          %broadcast_in_dim3A_545 = arith.constant -1 : i32
          %broadcast_in_dim3A_546 = vector.broadcast %broadcast_in_dim3A_545 : i32 to vector<16xi32>
          %scan3A_547 = arith.constant 0 : i32
          %scan3A_548 = arith.constant 16 : i32
          %scan3A_549 = arith.addi %scan3A_547, %scan3A_548 : i32
          %scan3A_550 = arith.constant 1 : i32
          %scan3A_551:2 = scf.for %scan3A_553 = %scan3A_547 to %scan3A_549 step %scan3A_550 iter_args(%scan3A_554 = %broadcast_in_dim3A_544, %scan3A_555 = %broadcast_in_dim3A_546) -> (vector<16xf32>, vector<16xi32>)  : i32 {
            %broadcast_in_dim3A_556 = arith.constant 0x7F800000 : f32
            %broadcast_in_dim3A_557 = vector.broadcast %broadcast_in_dim3A_556 : f32 to vector<16xf32>
            %broadcast_in_dim3A_558 = arith.constant 1073741824 : i32
            %broadcast_in_dim3A_559 = vector.broadcast %broadcast_in_dim3A_558 : i32 to vector<16xi32>
            %gt3A = arith.cmpf ogt, %gather3A_41, %scan3A_554 : vector<16xf32>
            %eq3A_560 = arith.cmpf oeq, %gather3A_41, %scan3A_554 : vector<16xf32>
            %gt3A_561 = arith.cmpi sgt, %add3A_39, %scan3A_555 : vector<16xi32>
            %and3A = arith.andi %eq3A_560, %gt3A_561 : vector<16xi1>
            %or3A = arith.ori %gt3A, %and3A : vector<16xi1>
            %jit3A_562 = arith.constant 0x7F800000 : f32
            %broadcast_in_dim3A_563 = vector.broadcast %jit3A_562 : f32 to vector<16xf32>
            %select_n3A_564 = arith.select %or3A, %gather3A_41, %broadcast_in_dim3A_563 : vector<16xi1>, vector<16xf32>
            %reduce_min3A_565 = arith.constant true
            %reduce_min3A_566 = vector.broadcast %reduce_min3A_565 : i1 to vector<16xi1>
            %reduce_min3A_567 = tpu.scan <min>, %select_n3A_564 masked %reduce_min3A_566 : vector<16xf32>, vector<16xi1> -> vector<16xf32>
            %reduce_min3A_568 = vector.extract %reduce_min3A_567[15] : f32 from vector<16xf32>
            %eq3A_569 = vector.broadcast %reduce_min3A_568 : f32 to vector<16xf32>
            %eq3A_570 = arith.cmpf oeq, %select_n3A_564, %eq3A_569 : vector<16xf32>
            %jit3A_571 = arith.constant 1073741824 : i32
            %broadcast_in_dim3A_572 = vector.broadcast %jit3A_571 : i32 to vector<16xi32>
            %select_n3A_573 = arith.select %eq3A_570, %add3A_39, %broadcast_in_dim3A_572 : vector<16xi1>, vector<16xi32>
            %reduce_min3A_574 = arith.constant true
            %reduce_min3A_575 = vector.broadcast %reduce_min3A_574 : i1 to vector<16xi1>
            %reduce_min3A_576 = arith.constant -2147483648 : i32
            %reduce_min3A_577 = vector.broadcast %reduce_min3A_576 : i32 to vector<16xi32>
            %reduce_min3A_578 = arith.xori %select_n3A_573, %reduce_min3A_577 : vector<16xi32>
            %reduce_min3A_579 = tpu.scan <min>, %reduce_min3A_578 masked %reduce_min3A_575 : vector<16xi32>, vector<16xi1> -> vector<16xi32>
            %reduce_min3A_580 = arith.xori %reduce_min3A_579, %reduce_min3A_577 : vector<16xi32>
            %reduce_min3A_581 = vector.extract %reduce_min3A_580[15] : i32 from vector<16xi32>
            %lt3A = vector.broadcast %reduce_min3A_568 : f32 to vector<16xf32>
            %lt3A_582 = arith.cmpf olt, %lt3A, %broadcast_in_dim3A_557 : vector<16xf32>
            %eq3A_583 = vector.broadcast %reduce_min3A_568 : f32 to vector<16xf32>
            %eq3A_584 = arith.cmpf oeq, %eq3A_583, %broadcast_in_dim3A_557 : vector<16xf32>
            %lt3A_585 = vector.broadcast %reduce_min3A_581 : i32 to vector<16xi32>
            %lt3A_586 = arith.cmpi slt, %lt3A_585, %broadcast_in_dim3A_559 : vector<16xi32>
            %and3A_587 = arith.andi %eq3A_584, %lt3A_586 : vector<16xi1>
            %or3A_588 = arith.ori %lt3A_582, %and3A_587 : vector<16xi1>
            %broadcast_in_dim3A_589 = vector.broadcast %reduce_min3A_568 : f32 to vector<16xf32>
            %select_n3A_590 = arith.select %or3A_588, %broadcast_in_dim3A_589, %broadcast_in_dim3A_557 : vector<16xi1>, vector<16xf32>
            %broadcast_in_dim3A_591 = vector.broadcast %reduce_min3A_581 : i32 to vector<16xi32>
            %select_n3A_592 = arith.select %or3A_588, %broadcast_in_dim3A_591, %broadcast_in_dim3A_559 : vector<16xi1>, vector<16xi32>
            %gt3A_593 = arith.cmpf ogt, %gather3A_53, %scan3A_554 : vector<16xf32>
            %eq3A_594 = arith.cmpf oeq, %gather3A_53, %scan3A_554 : vector<16xf32>
            %gt3A_595 = arith.cmpi sgt, %add3A_51, %scan3A_555 : vector<16xi32>
            %and3A_596 = arith.andi %eq3A_594, %gt3A_595 : vector<16xi1>
            %or3A_597 = arith.ori %gt3A_593, %and3A_596 : vector<16xi1>
            %jit3A_598 = arith.constant 0x7F800000 : f32
            %broadcast_in_dim3A_599 = vector.broadcast %jit3A_598 : f32 to vector<16xf32>
            %select_n3A_600 = arith.select %or3A_597, %gather3A_53, %broadcast_in_dim3A_599 : vector<16xi1>, vector<16xf32>
            %reduce_min3A_601 = arith.constant true
            %reduce_min3A_602 = vector.broadcast %reduce_min3A_601 : i1 to vector<16xi1>
            %reduce_min3A_603 = tpu.scan <min>, %select_n3A_600 masked %reduce_min3A_602 : vector<16xf32>, vector<16xi1> -> vector<16xf32>
            %reduce_min3A_604 = vector.extract %reduce_min3A_603[15] : f32 from vector<16xf32>
            %eq3A_605 = vector.broadcast %reduce_min3A_604 : f32 to vector<16xf32>
            %eq3A_606 = arith.cmpf oeq, %select_n3A_600, %eq3A_605 : vector<16xf32>
            %jit3A_607 = arith.constant 1073741824 : i32
            %broadcast_in_dim3A_608 = vector.broadcast %jit3A_607 : i32 to vector<16xi32>
            %select_n3A_609 = arith.select %eq3A_606, %add3A_51, %broadcast_in_dim3A_608 : vector<16xi1>, vector<16xi32>
            %reduce_min3A_610 = arith.constant true
            %reduce_min3A_611 = vector.broadcast %reduce_min3A_610 : i1 to vector<16xi1>
            %reduce_min3A_612 = arith.constant -2147483648 : i32
            %reduce_min3A_613 = vector.broadcast %reduce_min3A_612 : i32 to vector<16xi32>
            %reduce_min3A_614 = arith.xori %select_n3A_609, %reduce_min3A_613 : vector<16xi32>
            %reduce_min3A_615 = tpu.scan <min>, %reduce_min3A_614 masked %reduce_min3A_611 : vector<16xi32>, vector<16xi1> -> vector<16xi32>
            %reduce_min3A_616 = arith.xori %reduce_min3A_615, %reduce_min3A_613 : vector<16xi32>
            %reduce_min3A_617 = vector.extract %reduce_min3A_616[15] : i32 from vector<16xi32>
            %lt3A_618 = vector.broadcast %reduce_min3A_604 : f32 to vector<16xf32>
            %lt3A_619 = arith.cmpf olt, %lt3A_618, %select_n3A_590 : vector<16xf32>
            %eq3A_620 = vector.broadcast %reduce_min3A_604 : f32 to vector<16xf32>
            %eq3A_621 = arith.cmpf oeq, %eq3A_620, %select_n3A_590 : vector<16xf32>
            %lt3A_622 = vector.broadcast %reduce_min3A_617 : i32 to vector<16xi32>
            %lt3A_623 = arith.cmpi slt, %lt3A_622, %select_n3A_592 : vector<16xi32>
            %and3A_624 = arith.andi %eq3A_621, %lt3A_623 : vector<16xi1>
            %or3A_625 = arith.ori %lt3A_619, %and3A_624 : vector<16xi1>
            %broadcast_in_dim3A_626 = vector.broadcast %reduce_min3A_604 : f32 to vector<16xf32>
            %select_n3A_627 = arith.select %or3A_625, %broadcast_in_dim3A_626, %select_n3A_590 : vector<16xi1>, vector<16xf32>
            %broadcast_in_dim3A_628 = vector.broadcast %reduce_min3A_617 : i32 to vector<16xi32>
            %select_n3A_629 = arith.select %or3A_625, %broadcast_in_dim3A_628, %select_n3A_592 : vector<16xi1>, vector<16xi32>
            %gt3A_630 = arith.cmpf ogt, %gather3A_65, %scan3A_554 : vector<16xf32>
            %eq3A_631 = arith.cmpf oeq, %gather3A_65, %scan3A_554 : vector<16xf32>
            %gt3A_632 = arith.cmpi sgt, %add3A_63, %scan3A_555 : vector<16xi32>
            %and3A_633 = arith.andi %eq3A_631, %gt3A_632 : vector<16xi1>
            %or3A_634 = arith.ori %gt3A_630, %and3A_633 : vector<16xi1>
            %jit3A_635 = arith.constant 0x7F800000 : f32
            %broadcast_in_dim3A_636 = vector.broadcast %jit3A_635 : f32 to vector<16xf32>
            %select_n3A_637 = arith.select %or3A_634, %gather3A_65, %broadcast_in_dim3A_636 : vector<16xi1>, vector<16xf32>
            %reduce_min3A_638 = arith.constant true
            %reduce_min3A_639 = vector.broadcast %reduce_min3A_638 : i1 to vector<16xi1>
            %reduce_min3A_640 = tpu.scan <min>, %select_n3A_637 masked %reduce_min3A_639 : vector<16xf32>, vector<16xi1> -> vector<16xf32>
            %reduce_min3A_641 = vector.extract %reduce_min3A_640[15] : f32 from vector<16xf32>
            %eq3A_642 = vector.broadcast %reduce_min3A_641 : f32 to vector<16xf32>
            %eq3A_643 = arith.cmpf oeq, %select_n3A_637, %eq3A_642 : vector<16xf32>
            %jit3A_644 = arith.constant 1073741824 : i32
            %broadcast_in_dim3A_645 = vector.broadcast %jit3A_644 : i32 to vector<16xi32>
            %select_n3A_646 = arith.select %eq3A_643, %add3A_63, %broadcast_in_dim3A_645 : vector<16xi1>, vector<16xi32>
            %reduce_min3A_647 = arith.constant true
            %reduce_min3A_648 = vector.broadcast %reduce_min3A_647 : i1 to vector<16xi1>
            %reduce_min3A_649 = arith.constant -2147483648 : i32
            %reduce_min3A_650 = vector.broadcast %reduce_min3A_649 : i32 to vector<16xi32>
            %reduce_min3A_651 = arith.xori %select_n3A_646, %reduce_min3A_650 : vector<16xi32>
            %reduce_min3A_652 = tpu.scan <min>, %reduce_min3A_651 masked %reduce_min3A_648 : vector<16xi32>, vector<16xi1> -> vector<16xi32>
            %reduce_min3A_653 = arith.xori %reduce_min3A_652, %reduce_min3A_650 : vector<16xi32>
            %reduce_min3A_654 = vector.extract %reduce_min3A_653[15] : i32 from vector<16xi32>
            %lt3A_655 = vector.broadcast %reduce_min3A_641 : f32 to vector<16xf32>
            %lt3A_656 = arith.cmpf olt, %lt3A_655, %select_n3A_627 : vector<16xf32>
            %eq3A_657 = vector.broadcast %reduce_min3A_641 : f32 to vector<16xf32>
            %eq3A_658 = arith.cmpf oeq, %eq3A_657, %select_n3A_627 : vector<16xf32>
            %lt3A_659 = vector.broadcast %reduce_min3A_654 : i32 to vector<16xi32>
            %lt3A_660 = arith.cmpi slt, %lt3A_659, %select_n3A_629 : vector<16xi32>
            %and3A_661 = arith.andi %eq3A_658, %lt3A_660 : vector<16xi1>
            %or3A_662 = arith.ori %lt3A_656, %and3A_661 : vector<16xi1>
            %broadcast_in_dim3A_663 = vector.broadcast %reduce_min3A_641 : f32 to vector<16xf32>
            %select_n3A_664 = arith.select %or3A_662, %broadcast_in_dim3A_663, %select_n3A_627 : vector<16xi1>, vector<16xf32>
            %broadcast_in_dim3A_665 = vector.broadcast %reduce_min3A_654 : i32 to vector<16xi32>
            %select_n3A_666 = arith.select %or3A_662, %broadcast_in_dim3A_665, %select_n3A_629 : vector<16xi1>, vector<16xi32>
            %gt3A_667 = arith.cmpf ogt, %gather3A_77, %scan3A_554 : vector<16xf32>
            %eq3A_668 = arith.cmpf oeq, %gather3A_77, %scan3A_554 : vector<16xf32>
            %gt3A_669 = arith.cmpi sgt, %add3A_75, %scan3A_555 : vector<16xi32>
            %and3A_670 = arith.andi %eq3A_668, %gt3A_669 : vector<16xi1>
            %or3A_671 = arith.ori %gt3A_667, %and3A_670 : vector<16xi1>
            %jit3A_672 = arith.constant 0x7F800000 : f32
            %broadcast_in_dim3A_673 = vector.broadcast %jit3A_672 : f32 to vector<16xf32>
            %select_n3A_674 = arith.select %or3A_671, %gather3A_77, %broadcast_in_dim3A_673 : vector<16xi1>, vector<16xf32>
            %reduce_min3A_675 = arith.constant true
            %reduce_min3A_676 = vector.broadcast %reduce_min3A_675 : i1 to vector<16xi1>
            %reduce_min3A_677 = tpu.scan <min>, %select_n3A_674 masked %reduce_min3A_676 : vector<16xf32>, vector<16xi1> -> vector<16xf32>
            %reduce_min3A_678 = vector.extract %reduce_min3A_677[15] : f32 from vector<16xf32>
            %eq3A_679 = vector.broadcast %reduce_min3A_678 : f32 to vector<16xf32>
            %eq3A_680 = arith.cmpf oeq, %select_n3A_674, %eq3A_679 : vector<16xf32>
            %jit3A_681 = arith.constant 1073741824 : i32
            %broadcast_in_dim3A_682 = vector.broadcast %jit3A_681 : i32 to vector<16xi32>
            %select_n3A_683 = arith.select %eq3A_680, %add3A_75, %broadcast_in_dim3A_682 : vector<16xi1>, vector<16xi32>
            %reduce_min3A_684 = arith.constant true
            %reduce_min3A_685 = vector.broadcast %reduce_min3A_684 : i1 to vector<16xi1>
            %reduce_min3A_686 = arith.constant -2147483648 : i32
            %reduce_min3A_687 = vector.broadcast %reduce_min3A_686 : i32 to vector<16xi32>
            %reduce_min3A_688 = arith.xori %select_n3A_683, %reduce_min3A_687 : vector<16xi32>
            %reduce_min3A_689 = tpu.scan <min>, %reduce_min3A_688 masked %reduce_min3A_685 : vector<16xi32>, vector<16xi1> -> vector<16xi32>
            %reduce_min3A_690 = arith.xori %reduce_min3A_689, %reduce_min3A_687 : vector<16xi32>
            %reduce_min3A_691 = vector.extract %reduce_min3A_690[15] : i32 from vector<16xi32>
            %lt3A_692 = vector.broadcast %reduce_min3A_678 : f32 to vector<16xf32>
            %lt3A_693 = arith.cmpf olt, %lt3A_692, %select_n3A_664 : vector<16xf32>
            %eq3A_694 = vector.broadcast %reduce_min3A_678 : f32 to vector<16xf32>
            %eq3A_695 = arith.cmpf oeq, %eq3A_694, %select_n3A_664 : vector<16xf32>
            %lt3A_696 = vector.broadcast %reduce_min3A_691 : i32 to vector<16xi32>
            %lt3A_697 = arith.cmpi slt, %lt3A_696, %select_n3A_666 : vector<16xi32>
            %and3A_698 = arith.andi %eq3A_695, %lt3A_697 : vector<16xi1>
            %or3A_699 = arith.ori %lt3A_693, %and3A_698 : vector<16xi1>
            %broadcast_in_dim3A_700 = vector.broadcast %reduce_min3A_678 : f32 to vector<16xf32>
            %select_n3A_701 = arith.select %or3A_699, %broadcast_in_dim3A_700, %select_n3A_664 : vector<16xi1>, vector<16xf32>
            %broadcast_in_dim3A_702 = vector.broadcast %reduce_min3A_691 : i32 to vector<16xi32>
            %select_n3A_703 = arith.select %or3A_699, %broadcast_in_dim3A_702, %select_n3A_666 : vector<16xi1>, vector<16xi32>
            %gt3A_704 = arith.cmpf ogt, %gather3A_89, %scan3A_554 : vector<16xf32>
            %eq3A_705 = arith.cmpf oeq, %gather3A_89, %scan3A_554 : vector<16xf32>
            %gt3A_706 = arith.cmpi sgt, %add3A_87, %scan3A_555 : vector<16xi32>
            %and3A_707 = arith.andi %eq3A_705, %gt3A_706 : vector<16xi1>
            %or3A_708 = arith.ori %gt3A_704, %and3A_707 : vector<16xi1>
            %jit3A_709 = arith.constant 0x7F800000 : f32
            %broadcast_in_dim3A_710 = vector.broadcast %jit3A_709 : f32 to vector<16xf32>
            %select_n3A_711 = arith.select %or3A_708, %gather3A_89, %broadcast_in_dim3A_710 : vector<16xi1>, vector<16xf32>
            %reduce_min3A_712 = arith.constant true
            %reduce_min3A_713 = vector.broadcast %reduce_min3A_712 : i1 to vector<16xi1>
            %reduce_min3A_714 = tpu.scan <min>, %select_n3A_711 masked %reduce_min3A_713 : vector<16xf32>, vector<16xi1> -> vector<16xf32>
            %reduce_min3A_715 = vector.extract %reduce_min3A_714[15] : f32 from vector<16xf32>
            %eq3A_716 = vector.broadcast %reduce_min3A_715 : f32 to vector<16xf32>
            %eq3A_717 = arith.cmpf oeq, %select_n3A_711, %eq3A_716 : vector<16xf32>
            %jit3A_718 = arith.constant 1073741824 : i32
            %broadcast_in_dim3A_719 = vector.broadcast %jit3A_718 : i32 to vector<16xi32>
            %select_n3A_720 = arith.select %eq3A_717, %add3A_87, %broadcast_in_dim3A_719 : vector<16xi1>, vector<16xi32>
            %reduce_min3A_721 = arith.constant true
            %reduce_min3A_722 = vector.broadcast %reduce_min3A_721 : i1 to vector<16xi1>
            %reduce_min3A_723 = arith.constant -2147483648 : i32
            %reduce_min3A_724 = vector.broadcast %reduce_min3A_723 : i32 to vector<16xi32>
            %reduce_min3A_725 = arith.xori %select_n3A_720, %reduce_min3A_724 : vector<16xi32>
            %reduce_min3A_726 = tpu.scan <min>, %reduce_min3A_725 masked %reduce_min3A_722 : vector<16xi32>, vector<16xi1> -> vector<16xi32>
            %reduce_min3A_727 = arith.xori %reduce_min3A_726, %reduce_min3A_724 : vector<16xi32>
            %reduce_min3A_728 = vector.extract %reduce_min3A_727[15] : i32 from vector<16xi32>
            %lt3A_729 = vector.broadcast %reduce_min3A_715 : f32 to vector<16xf32>
            %lt3A_730 = arith.cmpf olt, %lt3A_729, %select_n3A_701 : vector<16xf32>
            %eq3A_731 = vector.broadcast %reduce_min3A_715 : f32 to vector<16xf32>
            %eq3A_732 = arith.cmpf oeq, %eq3A_731, %select_n3A_701 : vector<16xf32>
            %lt3A_733 = vector.broadcast %reduce_min3A_728 : i32 to vector<16xi32>
            %lt3A_734 = arith.cmpi slt, %lt3A_733, %select_n3A_703 : vector<16xi32>
            %and3A_735 = arith.andi %eq3A_732, %lt3A_734 : vector<16xi1>
            %or3A_736 = arith.ori %lt3A_730, %and3A_735 : vector<16xi1>
            %broadcast_in_dim3A_737 = vector.broadcast %reduce_min3A_715 : f32 to vector<16xf32>
            %select_n3A_738 = arith.select %or3A_736, %broadcast_in_dim3A_737, %select_n3A_701 : vector<16xi1>, vector<16xf32>
            %broadcast_in_dim3A_739 = vector.broadcast %reduce_min3A_728 : i32 to vector<16xi32>
            %select_n3A_740 = arith.select %or3A_736, %broadcast_in_dim3A_739, %select_n3A_703 : vector<16xi1>, vector<16xi32>
            %gt3A_741 = arith.cmpf ogt, %gather3A_101, %scan3A_554 : vector<16xf32>
            %eq3A_742 = arith.cmpf oeq, %gather3A_101, %scan3A_554 : vector<16xf32>
            %gt3A_743 = arith.cmpi sgt, %add3A_99, %scan3A_555 : vector<16xi32>
            %and3A_744 = arith.andi %eq3A_742, %gt3A_743 : vector<16xi1>
            %or3A_745 = arith.ori %gt3A_741, %and3A_744 : vector<16xi1>
            %jit3A_746 = arith.constant 0x7F800000 : f32
            %broadcast_in_dim3A_747 = vector.broadcast %jit3A_746 : f32 to vector<16xf32>
            %select_n3A_748 = arith.select %or3A_745, %gather3A_101, %broadcast_in_dim3A_747 : vector<16xi1>, vector<16xf32>
            %reduce_min3A_749 = arith.constant true
            %reduce_min3A_750 = vector.broadcast %reduce_min3A_749 : i1 to vector<16xi1>
            %reduce_min3A_751 = tpu.scan <min>, %select_n3A_748 masked %reduce_min3A_750 : vector<16xf32>, vector<16xi1> -> vector<16xf32>
            %reduce_min3A_752 = vector.extract %reduce_min3A_751[15] : f32 from vector<16xf32>
            %eq3A_753 = vector.broadcast %reduce_min3A_752 : f32 to vector<16xf32>
            %eq3A_754 = arith.cmpf oeq, %select_n3A_748, %eq3A_753 : vector<16xf32>
            %jit3A_755 = arith.constant 1073741824 : i32
            %broadcast_in_dim3A_756 = vector.broadcast %jit3A_755 : i32 to vector<16xi32>
            %select_n3A_757 = arith.select %eq3A_754, %add3A_99, %broadcast_in_dim3A_756 : vector<16xi1>, vector<16xi32>
            %reduce_min3A_758 = arith.constant true
            %reduce_min3A_759 = vector.broadcast %reduce_min3A_758 : i1 to vector<16xi1>
            %reduce_min3A_760 = arith.constant -2147483648 : i32
            %reduce_min3A_761 = vector.broadcast %reduce_min3A_760 : i32 to vector<16xi32>
            %reduce_min3A_762 = arith.xori %select_n3A_757, %reduce_min3A_761 : vector<16xi32>
            %reduce_min3A_763 = tpu.scan <min>, %reduce_min3A_762 masked %reduce_min3A_759 : vector<16xi32>, vector<16xi1> -> vector<16xi32>
            %reduce_min3A_764 = arith.xori %reduce_min3A_763, %reduce_min3A_761 : vector<16xi32>
            %reduce_min3A_765 = vector.extract %reduce_min3A_764[15] : i32 from vector<16xi32>
            %lt3A_766 = vector.broadcast %reduce_min3A_752 : f32 to vector<16xf32>
            %lt3A_767 = arith.cmpf olt, %lt3A_766, %select_n3A_738 : vector<16xf32>
            %eq3A_768 = vector.broadcast %reduce_min3A_752 : f32 to vector<16xf32>
            %eq3A_769 = arith.cmpf oeq, %eq3A_768, %select_n3A_738 : vector<16xf32>
            %lt3A_770 = vector.broadcast %reduce_min3A_765 : i32 to vector<16xi32>
            %lt3A_771 = arith.cmpi slt, %lt3A_770, %select_n3A_740 : vector<16xi32>
            %and3A_772 = arith.andi %eq3A_769, %lt3A_771 : vector<16xi1>
            %or3A_773 = arith.ori %lt3A_767, %and3A_772 : vector<16xi1>
            %broadcast_in_dim3A_774 = vector.broadcast %reduce_min3A_752 : f32 to vector<16xf32>
            %select_n3A_775 = arith.select %or3A_773, %broadcast_in_dim3A_774, %select_n3A_738 : vector<16xi1>, vector<16xf32>
            %broadcast_in_dim3A_776 = vector.broadcast %reduce_min3A_765 : i32 to vector<16xi32>
            %select_n3A_777 = arith.select %or3A_773, %broadcast_in_dim3A_776, %select_n3A_740 : vector<16xi1>, vector<16xi32>
            %gt3A_778 = arith.cmpf ogt, %gather3A_113, %scan3A_554 : vector<16xf32>
            %eq3A_779 = arith.cmpf oeq, %gather3A_113, %scan3A_554 : vector<16xf32>
            %gt3A_780 = arith.cmpi sgt, %add3A_111, %scan3A_555 : vector<16xi32>
            %and3A_781 = arith.andi %eq3A_779, %gt3A_780 : vector<16xi1>
            %or3A_782 = arith.ori %gt3A_778, %and3A_781 : vector<16xi1>
            %jit3A_783 = arith.constant 0x7F800000 : f32
            %broadcast_in_dim3A_784 = vector.broadcast %jit3A_783 : f32 to vector<16xf32>
            %select_n3A_785 = arith.select %or3A_782, %gather3A_113, %broadcast_in_dim3A_784 : vector<16xi1>, vector<16xf32>
            %reduce_min3A_786 = arith.constant true
            %reduce_min3A_787 = vector.broadcast %reduce_min3A_786 : i1 to vector<16xi1>
            %reduce_min3A_788 = tpu.scan <min>, %select_n3A_785 masked %reduce_min3A_787 : vector<16xf32>, vector<16xi1> -> vector<16xf32>
            %reduce_min3A_789 = vector.extract %reduce_min3A_788[15] : f32 from vector<16xf32>
            %eq3A_790 = vector.broadcast %reduce_min3A_789 : f32 to vector<16xf32>
            %eq3A_791 = arith.cmpf oeq, %select_n3A_785, %eq3A_790 : vector<16xf32>
            %jit3A_792 = arith.constant 1073741824 : i32
            %broadcast_in_dim3A_793 = vector.broadcast %jit3A_792 : i32 to vector<16xi32>
            %select_n3A_794 = arith.select %eq3A_791, %add3A_111, %broadcast_in_dim3A_793 : vector<16xi1>, vector<16xi32>
            %reduce_min3A_795 = arith.constant true
            %reduce_min3A_796 = vector.broadcast %reduce_min3A_795 : i1 to vector<16xi1>
            %reduce_min3A_797 = arith.constant -2147483648 : i32
            %reduce_min3A_798 = vector.broadcast %reduce_min3A_797 : i32 to vector<16xi32>
            %reduce_min3A_799 = arith.xori %select_n3A_794, %reduce_min3A_798 : vector<16xi32>
            %reduce_min3A_800 = tpu.scan <min>, %reduce_min3A_799 masked %reduce_min3A_796 : vector<16xi32>, vector<16xi1> -> vector<16xi32>
            %reduce_min3A_801 = arith.xori %reduce_min3A_800, %reduce_min3A_798 : vector<16xi32>
            %reduce_min3A_802 = vector.extract %reduce_min3A_801[15] : i32 from vector<16xi32>
            %lt3A_803 = vector.broadcast %reduce_min3A_789 : f32 to vector<16xf32>
            %lt3A_804 = arith.cmpf olt, %lt3A_803, %select_n3A_775 : vector<16xf32>
            %eq3A_805 = vector.broadcast %reduce_min3A_789 : f32 to vector<16xf32>
            %eq3A_806 = arith.cmpf oeq, %eq3A_805, %select_n3A_775 : vector<16xf32>
            %lt3A_807 = vector.broadcast %reduce_min3A_802 : i32 to vector<16xi32>
            %lt3A_808 = arith.cmpi slt, %lt3A_807, %select_n3A_777 : vector<16xi32>
            %and3A_809 = arith.andi %eq3A_806, %lt3A_808 : vector<16xi1>
            %or3A_810 = arith.ori %lt3A_804, %and3A_809 : vector<16xi1>
            %broadcast_in_dim3A_811 = vector.broadcast %reduce_min3A_789 : f32 to vector<16xf32>
            %select_n3A_812 = arith.select %or3A_810, %broadcast_in_dim3A_811, %select_n3A_775 : vector<16xi1>, vector<16xf32>
            %broadcast_in_dim3A_813 = vector.broadcast %reduce_min3A_802 : i32 to vector<16xi32>
            %select_n3A_814 = arith.select %or3A_810, %broadcast_in_dim3A_813, %select_n3A_777 : vector<16xi1>, vector<16xi32>
            %gt3A_815 = arith.cmpf ogt, %gather3A_125, %scan3A_554 : vector<16xf32>
            %eq3A_816 = arith.cmpf oeq, %gather3A_125, %scan3A_554 : vector<16xf32>
            %gt3A_817 = arith.cmpi sgt, %add3A_123, %scan3A_555 : vector<16xi32>
            %and3A_818 = arith.andi %eq3A_816, %gt3A_817 : vector<16xi1>
            %or3A_819 = arith.ori %gt3A_815, %and3A_818 : vector<16xi1>
            %jit3A_820 = arith.constant 0x7F800000 : f32
            %broadcast_in_dim3A_821 = vector.broadcast %jit3A_820 : f32 to vector<16xf32>
            %select_n3A_822 = arith.select %or3A_819, %gather3A_125, %broadcast_in_dim3A_821 : vector<16xi1>, vector<16xf32>
            %reduce_min3A_823 = arith.constant true
            %reduce_min3A_824 = vector.broadcast %reduce_min3A_823 : i1 to vector<16xi1>
            %reduce_min3A_825 = tpu.scan <min>, %select_n3A_822 masked %reduce_min3A_824 : vector<16xf32>, vector<16xi1> -> vector<16xf32>
            %reduce_min3A_826 = vector.extract %reduce_min3A_825[15] : f32 from vector<16xf32>
            %eq3A_827 = vector.broadcast %reduce_min3A_826 : f32 to vector<16xf32>
            %eq3A_828 = arith.cmpf oeq, %select_n3A_822, %eq3A_827 : vector<16xf32>
            %jit3A_829 = arith.constant 1073741824 : i32
            %broadcast_in_dim3A_830 = vector.broadcast %jit3A_829 : i32 to vector<16xi32>
            %select_n3A_831 = arith.select %eq3A_828, %add3A_123, %broadcast_in_dim3A_830 : vector<16xi1>, vector<16xi32>
            %reduce_min3A_832 = arith.constant true
            %reduce_min3A_833 = vector.broadcast %reduce_min3A_832 : i1 to vector<16xi1>
            %reduce_min3A_834 = arith.constant -2147483648 : i32
            %reduce_min3A_835 = vector.broadcast %reduce_min3A_834 : i32 to vector<16xi32>
            %reduce_min3A_836 = arith.xori %select_n3A_831, %reduce_min3A_835 : vector<16xi32>
            %reduce_min3A_837 = tpu.scan <min>, %reduce_min3A_836 masked %reduce_min3A_833 : vector<16xi32>, vector<16xi1> -> vector<16xi32>
            %reduce_min3A_838 = arith.xori %reduce_min3A_837, %reduce_min3A_835 : vector<16xi32>
            %reduce_min3A_839 = vector.extract %reduce_min3A_838[15] : i32 from vector<16xi32>
            %lt3A_840 = vector.broadcast %reduce_min3A_826 : f32 to vector<16xf32>
            %lt3A_841 = arith.cmpf olt, %lt3A_840, %select_n3A_812 : vector<16xf32>
            %eq3A_842 = vector.broadcast %reduce_min3A_826 : f32 to vector<16xf32>
            %eq3A_843 = arith.cmpf oeq, %eq3A_842, %select_n3A_812 : vector<16xf32>
            %lt3A_844 = vector.broadcast %reduce_min3A_839 : i32 to vector<16xi32>
            %lt3A_845 = arith.cmpi slt, %lt3A_844, %select_n3A_814 : vector<16xi32>
            %and3A_846 = arith.andi %eq3A_843, %lt3A_845 : vector<16xi1>
            %or3A_847 = arith.ori %lt3A_841, %and3A_846 : vector<16xi1>
            %broadcast_in_dim3A_848 = vector.broadcast %reduce_min3A_826 : f32 to vector<16xf32>
            %select_n3A_849 = arith.select %or3A_847, %broadcast_in_dim3A_848, %select_n3A_812 : vector<16xi1>, vector<16xf32>
            %broadcast_in_dim3A_850 = vector.broadcast %reduce_min3A_839 : i32 to vector<16xi32>
            %select_n3A_851 = arith.select %or3A_847, %broadcast_in_dim3A_850, %select_n3A_814 : vector<16xi1>, vector<16xi32>
            %gt3A_852 = arith.cmpf ogt, %gather3A_137, %scan3A_554 : vector<16xf32>
            %eq3A_853 = arith.cmpf oeq, %gather3A_137, %scan3A_554 : vector<16xf32>
            %gt3A_854 = arith.cmpi sgt, %add3A_135, %scan3A_555 : vector<16xi32>
            %and3A_855 = arith.andi %eq3A_853, %gt3A_854 : vector<16xi1>
            %or3A_856 = arith.ori %gt3A_852, %and3A_855 : vector<16xi1>
            %jit3A_857 = arith.constant 0x7F800000 : f32
            %broadcast_in_dim3A_858 = vector.broadcast %jit3A_857 : f32 to vector<16xf32>
            %select_n3A_859 = arith.select %or3A_856, %gather3A_137, %broadcast_in_dim3A_858 : vector<16xi1>, vector<16xf32>
            %reduce_min3A_860 = arith.constant true
            %reduce_min3A_861 = vector.broadcast %reduce_min3A_860 : i1 to vector<16xi1>
            %reduce_min3A_862 = tpu.scan <min>, %select_n3A_859 masked %reduce_min3A_861 : vector<16xf32>, vector<16xi1> -> vector<16xf32>
            %reduce_min3A_863 = vector.extract %reduce_min3A_862[15] : f32 from vector<16xf32>
            %eq3A_864 = vector.broadcast %reduce_min3A_863 : f32 to vector<16xf32>
            %eq3A_865 = arith.cmpf oeq, %select_n3A_859, %eq3A_864 : vector<16xf32>
            %jit3A_866 = arith.constant 1073741824 : i32
            %broadcast_in_dim3A_867 = vector.broadcast %jit3A_866 : i32 to vector<16xi32>
            %select_n3A_868 = arith.select %eq3A_865, %add3A_135, %broadcast_in_dim3A_867 : vector<16xi1>, vector<16xi32>
            %reduce_min3A_869 = arith.constant true
            %reduce_min3A_870 = vector.broadcast %reduce_min3A_869 : i1 to vector<16xi1>
            %reduce_min3A_871 = arith.constant -2147483648 : i32
            %reduce_min3A_872 = vector.broadcast %reduce_min3A_871 : i32 to vector<16xi32>
            %reduce_min3A_873 = arith.xori %select_n3A_868, %reduce_min3A_872 : vector<16xi32>
            %reduce_min3A_874 = tpu.scan <min>, %reduce_min3A_873 masked %reduce_min3A_870 : vector<16xi32>, vector<16xi1> -> vector<16xi32>
            %reduce_min3A_875 = arith.xori %reduce_min3A_874, %reduce_min3A_872 : vector<16xi32>
            %reduce_min3A_876 = vector.extract %reduce_min3A_875[15] : i32 from vector<16xi32>
            %lt3A_877 = vector.broadcast %reduce_min3A_863 : f32 to vector<16xf32>
            %lt3A_878 = arith.cmpf olt, %lt3A_877, %select_n3A_849 : vector<16xf32>
            %eq3A_879 = vector.broadcast %reduce_min3A_863 : f32 to vector<16xf32>
            %eq3A_880 = arith.cmpf oeq, %eq3A_879, %select_n3A_849 : vector<16xf32>
            %lt3A_881 = vector.broadcast %reduce_min3A_876 : i32 to vector<16xi32>
            %lt3A_882 = arith.cmpi slt, %lt3A_881, %select_n3A_851 : vector<16xi32>
            %and3A_883 = arith.andi %eq3A_880, %lt3A_882 : vector<16xi1>
            %or3A_884 = arith.ori %lt3A_878, %and3A_883 : vector<16xi1>
            %broadcast_in_dim3A_885 = vector.broadcast %reduce_min3A_863 : f32 to vector<16xf32>
            %select_n3A_886 = arith.select %or3A_884, %broadcast_in_dim3A_885, %select_n3A_849 : vector<16xi1>, vector<16xf32>
            %broadcast_in_dim3A_887 = vector.broadcast %reduce_min3A_876 : i32 to vector<16xi32>
            %select_n3A_888 = arith.select %or3A_884, %broadcast_in_dim3A_887, %select_n3A_851 : vector<16xi1>, vector<16xi32>
            %gt3A_889 = arith.cmpf ogt, %gather3A_149, %scan3A_554 : vector<16xf32>
            %eq3A_890 = arith.cmpf oeq, %gather3A_149, %scan3A_554 : vector<16xf32>
            %gt3A_891 = arith.cmpi sgt, %add3A_147, %scan3A_555 : vector<16xi32>
            %and3A_892 = arith.andi %eq3A_890, %gt3A_891 : vector<16xi1>
            %or3A_893 = arith.ori %gt3A_889, %and3A_892 : vector<16xi1>
            %jit3A_894 = arith.constant 0x7F800000 : f32
            %broadcast_in_dim3A_895 = vector.broadcast %jit3A_894 : f32 to vector<16xf32>
            %select_n3A_896 = arith.select %or3A_893, %gather3A_149, %broadcast_in_dim3A_895 : vector<16xi1>, vector<16xf32>
            %reduce_min3A_897 = arith.constant true
            %reduce_min3A_898 = vector.broadcast %reduce_min3A_897 : i1 to vector<16xi1>
            %reduce_min3A_899 = tpu.scan <min>, %select_n3A_896 masked %reduce_min3A_898 : vector<16xf32>, vector<16xi1> -> vector<16xf32>
            %reduce_min3A_900 = vector.extract %reduce_min3A_899[15] : f32 from vector<16xf32>
            %eq3A_901 = vector.broadcast %reduce_min3A_900 : f32 to vector<16xf32>
            %eq3A_902 = arith.cmpf oeq, %select_n3A_896, %eq3A_901 : vector<16xf32>
            %jit3A_903 = arith.constant 1073741824 : i32
            %broadcast_in_dim3A_904 = vector.broadcast %jit3A_903 : i32 to vector<16xi32>
            %select_n3A_905 = arith.select %eq3A_902, %add3A_147, %broadcast_in_dim3A_904 : vector<16xi1>, vector<16xi32>
            %reduce_min3A_906 = arith.constant true
            %reduce_min3A_907 = vector.broadcast %reduce_min3A_906 : i1 to vector<16xi1>
            %reduce_min3A_908 = arith.constant -2147483648 : i32
            %reduce_min3A_909 = vector.broadcast %reduce_min3A_908 : i32 to vector<16xi32>
            %reduce_min3A_910 = arith.xori %select_n3A_905, %reduce_min3A_909 : vector<16xi32>
            %reduce_min3A_911 = tpu.scan <min>, %reduce_min3A_910 masked %reduce_min3A_907 : vector<16xi32>, vector<16xi1> -> vector<16xi32>
            %reduce_min3A_912 = arith.xori %reduce_min3A_911, %reduce_min3A_909 : vector<16xi32>
            %reduce_min3A_913 = vector.extract %reduce_min3A_912[15] : i32 from vector<16xi32>
            %lt3A_914 = vector.broadcast %reduce_min3A_900 : f32 to vector<16xf32>
            %lt3A_915 = arith.cmpf olt, %lt3A_914, %select_n3A_886 : vector<16xf32>
            %eq3A_916 = vector.broadcast %reduce_min3A_900 : f32 to vector<16xf32>
            %eq3A_917 = arith.cmpf oeq, %eq3A_916, %select_n3A_886 : vector<16xf32>
            %lt3A_918 = vector.broadcast %reduce_min3A_913 : i32 to vector<16xi32>
            %lt3A_919 = arith.cmpi slt, %lt3A_918, %select_n3A_888 : vector<16xi32>
            %and3A_920 = arith.andi %eq3A_917, %lt3A_919 : vector<16xi1>
            %or3A_921 = arith.ori %lt3A_915, %and3A_920 : vector<16xi1>
            %broadcast_in_dim3A_922 = vector.broadcast %reduce_min3A_900 : f32 to vector<16xf32>
            %select_n3A_923 = arith.select %or3A_921, %broadcast_in_dim3A_922, %select_n3A_886 : vector<16xi1>, vector<16xf32>
            %broadcast_in_dim3A_924 = vector.broadcast %reduce_min3A_913 : i32 to vector<16xi32>
            %select_n3A_925 = arith.select %or3A_921, %broadcast_in_dim3A_924, %select_n3A_888 : vector<16xi1>, vector<16xi32>
            %gt3A_926 = arith.cmpf ogt, %gather3A_161, %scan3A_554 : vector<16xf32>
            %eq3A_927 = arith.cmpf oeq, %gather3A_161, %scan3A_554 : vector<16xf32>
            %gt3A_928 = arith.cmpi sgt, %add3A_159, %scan3A_555 : vector<16xi32>
            %and3A_929 = arith.andi %eq3A_927, %gt3A_928 : vector<16xi1>
            %or3A_930 = arith.ori %gt3A_926, %and3A_929 : vector<16xi1>
            %jit3A_931 = arith.constant 0x7F800000 : f32
            %broadcast_in_dim3A_932 = vector.broadcast %jit3A_931 : f32 to vector<16xf32>
            %select_n3A_933 = arith.select %or3A_930, %gather3A_161, %broadcast_in_dim3A_932 : vector<16xi1>, vector<16xf32>
            %reduce_min3A_934 = arith.constant true
            %reduce_min3A_935 = vector.broadcast %reduce_min3A_934 : i1 to vector<16xi1>
            %reduce_min3A_936 = tpu.scan <min>, %select_n3A_933 masked %reduce_min3A_935 : vector<16xf32>, vector<16xi1> -> vector<16xf32>
            %reduce_min3A_937 = vector.extract %reduce_min3A_936[15] : f32 from vector<16xf32>
            %eq3A_938 = vector.broadcast %reduce_min3A_937 : f32 to vector<16xf32>
            %eq3A_939 = arith.cmpf oeq, %select_n3A_933, %eq3A_938 : vector<16xf32>
            %jit3A_940 = arith.constant 1073741824 : i32
            %broadcast_in_dim3A_941 = vector.broadcast %jit3A_940 : i32 to vector<16xi32>
            %select_n3A_942 = arith.select %eq3A_939, %add3A_159, %broadcast_in_dim3A_941 : vector<16xi1>, vector<16xi32>
            %reduce_min3A_943 = arith.constant true
            %reduce_min3A_944 = vector.broadcast %reduce_min3A_943 : i1 to vector<16xi1>
            %reduce_min3A_945 = arith.constant -2147483648 : i32
            %reduce_min3A_946 = vector.broadcast %reduce_min3A_945 : i32 to vector<16xi32>
            %reduce_min3A_947 = arith.xori %select_n3A_942, %reduce_min3A_946 : vector<16xi32>
            %reduce_min3A_948 = tpu.scan <min>, %reduce_min3A_947 masked %reduce_min3A_944 : vector<16xi32>, vector<16xi1> -> vector<16xi32>
            %reduce_min3A_949 = arith.xori %reduce_min3A_948, %reduce_min3A_946 : vector<16xi32>
            %reduce_min3A_950 = vector.extract %reduce_min3A_949[15] : i32 from vector<16xi32>
            %lt3A_951 = vector.broadcast %reduce_min3A_937 : f32 to vector<16xf32>
            %lt3A_952 = arith.cmpf olt, %lt3A_951, %select_n3A_923 : vector<16xf32>
            %eq3A_953 = vector.broadcast %reduce_min3A_937 : f32 to vector<16xf32>
            %eq3A_954 = arith.cmpf oeq, %eq3A_953, %select_n3A_923 : vector<16xf32>
            %lt3A_955 = vector.broadcast %reduce_min3A_950 : i32 to vector<16xi32>
            %lt3A_956 = arith.cmpi slt, %lt3A_955, %select_n3A_925 : vector<16xi32>
            %and3A_957 = arith.andi %eq3A_954, %lt3A_956 : vector<16xi1>
            %or3A_958 = arith.ori %lt3A_952, %and3A_957 : vector<16xi1>
            %broadcast_in_dim3A_959 = vector.broadcast %reduce_min3A_937 : f32 to vector<16xf32>
            %select_n3A_960 = arith.select %or3A_958, %broadcast_in_dim3A_959, %select_n3A_923 : vector<16xi1>, vector<16xf32>
            %broadcast_in_dim3A_961 = vector.broadcast %reduce_min3A_950 : i32 to vector<16xi32>
            %select_n3A_962 = arith.select %or3A_958, %broadcast_in_dim3A_961, %select_n3A_925 : vector<16xi1>, vector<16xi32>
            %gt3A_963 = arith.cmpf ogt, %gather3A_173, %scan3A_554 : vector<16xf32>
            %eq3A_964 = arith.cmpf oeq, %gather3A_173, %scan3A_554 : vector<16xf32>
            %gt3A_965 = arith.cmpi sgt, %add3A_171, %scan3A_555 : vector<16xi32>
            %and3A_966 = arith.andi %eq3A_964, %gt3A_965 : vector<16xi1>
            %or3A_967 = arith.ori %gt3A_963, %and3A_966 : vector<16xi1>
            %jit3A_968 = arith.constant 0x7F800000 : f32
            %broadcast_in_dim3A_969 = vector.broadcast %jit3A_968 : f32 to vector<16xf32>
            %select_n3A_970 = arith.select %or3A_967, %gather3A_173, %broadcast_in_dim3A_969 : vector<16xi1>, vector<16xf32>
            %reduce_min3A_971 = arith.constant true
            %reduce_min3A_972 = vector.broadcast %reduce_min3A_971 : i1 to vector<16xi1>
            %reduce_min3A_973 = tpu.scan <min>, %select_n3A_970 masked %reduce_min3A_972 : vector<16xf32>, vector<16xi1> -> vector<16xf32>
            %reduce_min3A_974 = vector.extract %reduce_min3A_973[15] : f32 from vector<16xf32>
            %eq3A_975 = vector.broadcast %reduce_min3A_974 : f32 to vector<16xf32>
            %eq3A_976 = arith.cmpf oeq, %select_n3A_970, %eq3A_975 : vector<16xf32>
            %jit3A_977 = arith.constant 1073741824 : i32
            %broadcast_in_dim3A_978 = vector.broadcast %jit3A_977 : i32 to vector<16xi32>
            %select_n3A_979 = arith.select %eq3A_976, %add3A_171, %broadcast_in_dim3A_978 : vector<16xi1>, vector<16xi32>
            %reduce_min3A_980 = arith.constant true
            %reduce_min3A_981 = vector.broadcast %reduce_min3A_980 : i1 to vector<16xi1>
            %reduce_min3A_982 = arith.constant -2147483648 : i32
            %reduce_min3A_983 = vector.broadcast %reduce_min3A_982 : i32 to vector<16xi32>
            %reduce_min3A_984 = arith.xori %select_n3A_979, %reduce_min3A_983 : vector<16xi32>
            %reduce_min3A_985 = tpu.scan <min>, %reduce_min3A_984 masked %reduce_min3A_981 : vector<16xi32>, vector<16xi1> -> vector<16xi32>
            %reduce_min3A_986 = arith.xori %reduce_min3A_985, %reduce_min3A_983 : vector<16xi32>
            %reduce_min3A_987 = vector.extract %reduce_min3A_986[15] : i32 from vector<16xi32>
            %lt3A_988 = vector.broadcast %reduce_min3A_974 : f32 to vector<16xf32>
            %lt3A_989 = arith.cmpf olt, %lt3A_988, %select_n3A_960 : vector<16xf32>
            %eq3A_990 = vector.broadcast %reduce_min3A_974 : f32 to vector<16xf32>
            %eq3A_991 = arith.cmpf oeq, %eq3A_990, %select_n3A_960 : vector<16xf32>
            %lt3A_992 = vector.broadcast %reduce_min3A_987 : i32 to vector<16xi32>
            %lt3A_993 = arith.cmpi slt, %lt3A_992, %select_n3A_962 : vector<16xi32>
            %and3A_994 = arith.andi %eq3A_991, %lt3A_993 : vector<16xi1>
            %or3A_995 = arith.ori %lt3A_989, %and3A_994 : vector<16xi1>
            %broadcast_in_dim3A_996 = vector.broadcast %reduce_min3A_974 : f32 to vector<16xf32>
            %select_n3A_997 = arith.select %or3A_995, %broadcast_in_dim3A_996, %select_n3A_960 : vector<16xi1>, vector<16xf32>
            %broadcast_in_dim3A_998 = vector.broadcast %reduce_min3A_987 : i32 to vector<16xi32>
            %select_n3A_999 = arith.select %or3A_995, %broadcast_in_dim3A_998, %select_n3A_962 : vector<16xi1>, vector<16xi32>
            %gt3A_1000 = arith.cmpf ogt, %gather3A_185, %scan3A_554 : vector<16xf32>
            %eq3A_1001 = arith.cmpf oeq, %gather3A_185, %scan3A_554 : vector<16xf32>
            %gt3A_1002 = arith.cmpi sgt, %add3A_183, %scan3A_555 : vector<16xi32>
            %and3A_1003 = arith.andi %eq3A_1001, %gt3A_1002 : vector<16xi1>
            %or3A_1004 = arith.ori %gt3A_1000, %and3A_1003 : vector<16xi1>
            %jit3A_1005 = arith.constant 0x7F800000 : f32
            %broadcast_in_dim3A_1006 = vector.broadcast %jit3A_1005 : f32 to vector<16xf32>
            %select_n3A_1007 = arith.select %or3A_1004, %gather3A_185, %broadcast_in_dim3A_1006 : vector<16xi1>, vector<16xf32>
            %reduce_min3A_1008 = arith.constant true
            %reduce_min3A_1009 = vector.broadcast %reduce_min3A_1008 : i1 to vector<16xi1>
            %reduce_min3A_1010 = tpu.scan <min>, %select_n3A_1007 masked %reduce_min3A_1009 : vector<16xf32>, vector<16xi1> -> vector<16xf32>
            %reduce_min3A_1011 = vector.extract %reduce_min3A_1010[15] : f32 from vector<16xf32>
            %eq3A_1012 = vector.broadcast %reduce_min3A_1011 : f32 to vector<16xf32>
            %eq3A_1013 = arith.cmpf oeq, %select_n3A_1007, %eq3A_1012 : vector<16xf32>
            %jit3A_1014 = arith.constant 1073741824 : i32
            %broadcast_in_dim3A_1015 = vector.broadcast %jit3A_1014 : i32 to vector<16xi32>
            %select_n3A_1016 = arith.select %eq3A_1013, %add3A_183, %broadcast_in_dim3A_1015 : vector<16xi1>, vector<16xi32>
            %reduce_min3A_1017 = arith.constant true
            %reduce_min3A_1018 = vector.broadcast %reduce_min3A_1017 : i1 to vector<16xi1>
            %reduce_min3A_1019 = arith.constant -2147483648 : i32
            %reduce_min3A_1020 = vector.broadcast %reduce_min3A_1019 : i32 to vector<16xi32>
            %reduce_min3A_1021 = arith.xori %select_n3A_1016, %reduce_min3A_1020 : vector<16xi32>
            %reduce_min3A_1022 = tpu.scan <min>, %reduce_min3A_1021 masked %reduce_min3A_1018 : vector<16xi32>, vector<16xi1> -> vector<16xi32>
            %reduce_min3A_1023 = arith.xori %reduce_min3A_1022, %reduce_min3A_1020 : vector<16xi32>
            %reduce_min3A_1024 = vector.extract %reduce_min3A_1023[15] : i32 from vector<16xi32>
            %lt3A_1025 = vector.broadcast %reduce_min3A_1011 : f32 to vector<16xf32>
            %lt3A_1026 = arith.cmpf olt, %lt3A_1025, %select_n3A_997 : vector<16xf32>
            %eq3A_1027 = vector.broadcast %reduce_min3A_1011 : f32 to vector<16xf32>
            %eq3A_1028 = arith.cmpf oeq, %eq3A_1027, %select_n3A_997 : vector<16xf32>
            %lt3A_1029 = vector.broadcast %reduce_min3A_1024 : i32 to vector<16xi32>
            %lt3A_1030 = arith.cmpi slt, %lt3A_1029, %select_n3A_999 : vector<16xi32>
            %and3A_1031 = arith.andi %eq3A_1028, %lt3A_1030 : vector<16xi1>
            %or3A_1032 = arith.ori %lt3A_1026, %and3A_1031 : vector<16xi1>
            %broadcast_in_dim3A_1033 = vector.broadcast %reduce_min3A_1011 : f32 to vector<16xf32>
            %select_n3A_1034 = arith.select %or3A_1032, %broadcast_in_dim3A_1033, %select_n3A_997 : vector<16xi1>, vector<16xf32>
            %broadcast_in_dim3A_1035 = vector.broadcast %reduce_min3A_1024 : i32 to vector<16xi32>
            %select_n3A_1036 = arith.select %or3A_1032, %broadcast_in_dim3A_1035, %select_n3A_999 : vector<16xi1>, vector<16xi32>
            %gt3A_1037 = arith.cmpf ogt, %gather3A_197, %scan3A_554 : vector<16xf32>
            %eq3A_1038 = arith.cmpf oeq, %gather3A_197, %scan3A_554 : vector<16xf32>
            %gt3A_1039 = arith.cmpi sgt, %add3A_195, %scan3A_555 : vector<16xi32>
            %and3A_1040 = arith.andi %eq3A_1038, %gt3A_1039 : vector<16xi1>
            %or3A_1041 = arith.ori %gt3A_1037, %and3A_1040 : vector<16xi1>
            %jit3A_1042 = arith.constant 0x7F800000 : f32
            %broadcast_in_dim3A_1043 = vector.broadcast %jit3A_1042 : f32 to vector<16xf32>
            %select_n3A_1044 = arith.select %or3A_1041, %gather3A_197, %broadcast_in_dim3A_1043 : vector<16xi1>, vector<16xf32>
            %reduce_min3A_1045 = arith.constant true
            %reduce_min3A_1046 = vector.broadcast %reduce_min3A_1045 : i1 to vector<16xi1>
            %reduce_min3A_1047 = tpu.scan <min>, %select_n3A_1044 masked %reduce_min3A_1046 : vector<16xf32>, vector<16xi1> -> vector<16xf32>
            %reduce_min3A_1048 = vector.extract %reduce_min3A_1047[15] : f32 from vector<16xf32>
            %eq3A_1049 = vector.broadcast %reduce_min3A_1048 : f32 to vector<16xf32>
            %eq3A_1050 = arith.cmpf oeq, %select_n3A_1044, %eq3A_1049 : vector<16xf32>
            %jit3A_1051 = arith.constant 1073741824 : i32
            %broadcast_in_dim3A_1052 = vector.broadcast %jit3A_1051 : i32 to vector<16xi32>
            %select_n3A_1053 = arith.select %eq3A_1050, %add3A_195, %broadcast_in_dim3A_1052 : vector<16xi1>, vector<16xi32>
            %reduce_min3A_1054 = arith.constant true
            %reduce_min3A_1055 = vector.broadcast %reduce_min3A_1054 : i1 to vector<16xi1>
            %reduce_min3A_1056 = arith.constant -2147483648 : i32
            %reduce_min3A_1057 = vector.broadcast %reduce_min3A_1056 : i32 to vector<16xi32>
            %reduce_min3A_1058 = arith.xori %select_n3A_1053, %reduce_min3A_1057 : vector<16xi32>
            %reduce_min3A_1059 = tpu.scan <min>, %reduce_min3A_1058 masked %reduce_min3A_1055 : vector<16xi32>, vector<16xi1> -> vector<16xi32>
            %reduce_min3A_1060 = arith.xori %reduce_min3A_1059, %reduce_min3A_1057 : vector<16xi32>
            %reduce_min3A_1061 = vector.extract %reduce_min3A_1060[15] : i32 from vector<16xi32>
            %lt3A_1062 = vector.broadcast %reduce_min3A_1048 : f32 to vector<16xf32>
            %lt3A_1063 = arith.cmpf olt, %lt3A_1062, %select_n3A_1034 : vector<16xf32>
            %eq3A_1064 = vector.broadcast %reduce_min3A_1048 : f32 to vector<16xf32>
            %eq3A_1065 = arith.cmpf oeq, %eq3A_1064, %select_n3A_1034 : vector<16xf32>
            %lt3A_1066 = vector.broadcast %reduce_min3A_1061 : i32 to vector<16xi32>
            %lt3A_1067 = arith.cmpi slt, %lt3A_1066, %select_n3A_1036 : vector<16xi32>
            %and3A_1068 = arith.andi %eq3A_1065, %lt3A_1067 : vector<16xi1>
            %or3A_1069 = arith.ori %lt3A_1063, %and3A_1068 : vector<16xi1>
            %broadcast_in_dim3A_1070 = vector.broadcast %reduce_min3A_1048 : f32 to vector<16xf32>
            %select_n3A_1071 = arith.select %or3A_1069, %broadcast_in_dim3A_1070, %select_n3A_1034 : vector<16xi1>, vector<16xf32>
            %broadcast_in_dim3A_1072 = vector.broadcast %reduce_min3A_1061 : i32 to vector<16xi32>
            %select_n3A_1073 = arith.select %or3A_1069, %broadcast_in_dim3A_1072, %select_n3A_1036 : vector<16xi1>, vector<16xi32>
            %gt3A_1074 = arith.cmpf ogt, %gather3A_209, %scan3A_554 : vector<16xf32>
            %eq3A_1075 = arith.cmpf oeq, %gather3A_209, %scan3A_554 : vector<16xf32>
            %gt3A_1076 = arith.cmpi sgt, %add3A_207, %scan3A_555 : vector<16xi32>
            %and3A_1077 = arith.andi %eq3A_1075, %gt3A_1076 : vector<16xi1>
            %or3A_1078 = arith.ori %gt3A_1074, %and3A_1077 : vector<16xi1>
            %jit3A_1079 = arith.constant 0x7F800000 : f32
            %broadcast_in_dim3A_1080 = vector.broadcast %jit3A_1079 : f32 to vector<16xf32>
            %select_n3A_1081 = arith.select %or3A_1078, %gather3A_209, %broadcast_in_dim3A_1080 : vector<16xi1>, vector<16xf32>
            %reduce_min3A_1082 = arith.constant true
            %reduce_min3A_1083 = vector.broadcast %reduce_min3A_1082 : i1 to vector<16xi1>
            %reduce_min3A_1084 = tpu.scan <min>, %select_n3A_1081 masked %reduce_min3A_1083 : vector<16xf32>, vector<16xi1> -> vector<16xf32>
            %reduce_min3A_1085 = vector.extract %reduce_min3A_1084[15] : f32 from vector<16xf32>
            %eq3A_1086 = vector.broadcast %reduce_min3A_1085 : f32 to vector<16xf32>
            %eq3A_1087 = arith.cmpf oeq, %select_n3A_1081, %eq3A_1086 : vector<16xf32>
            %jit3A_1088 = arith.constant 1073741824 : i32
            %broadcast_in_dim3A_1089 = vector.broadcast %jit3A_1088 : i32 to vector<16xi32>
            %select_n3A_1090 = arith.select %eq3A_1087, %add3A_207, %broadcast_in_dim3A_1089 : vector<16xi1>, vector<16xi32>
            %reduce_min3A_1091 = arith.constant true
            %reduce_min3A_1092 = vector.broadcast %reduce_min3A_1091 : i1 to vector<16xi1>
            %reduce_min3A_1093 = arith.constant -2147483648 : i32
            %reduce_min3A_1094 = vector.broadcast %reduce_min3A_1093 : i32 to vector<16xi32>
            %reduce_min3A_1095 = arith.xori %select_n3A_1090, %reduce_min3A_1094 : vector<16xi32>
            %reduce_min3A_1096 = tpu.scan <min>, %reduce_min3A_1095 masked %reduce_min3A_1092 : vector<16xi32>, vector<16xi1> -> vector<16xi32>
            %reduce_min3A_1097 = arith.xori %reduce_min3A_1096, %reduce_min3A_1094 : vector<16xi32>
            %reduce_min3A_1098 = vector.extract %reduce_min3A_1097[15] : i32 from vector<16xi32>
            %lt3A_1099 = vector.broadcast %reduce_min3A_1085 : f32 to vector<16xf32>
            %lt3A_1100 = arith.cmpf olt, %lt3A_1099, %select_n3A_1071 : vector<16xf32>
            %eq3A_1101 = vector.broadcast %reduce_min3A_1085 : f32 to vector<16xf32>
            %eq3A_1102 = arith.cmpf oeq, %eq3A_1101, %select_n3A_1071 : vector<16xf32>
            %lt3A_1103 = vector.broadcast %reduce_min3A_1098 : i32 to vector<16xi32>
            %lt3A_1104 = arith.cmpi slt, %lt3A_1103, %select_n3A_1073 : vector<16xi32>
            %and3A_1105 = arith.andi %eq3A_1102, %lt3A_1104 : vector<16xi1>
            %or3A_1106 = arith.ori %lt3A_1100, %and3A_1105 : vector<16xi1>
            %broadcast_in_dim3A_1107 = vector.broadcast %reduce_min3A_1085 : f32 to vector<16xf32>
            %select_n3A_1108 = arith.select %or3A_1106, %broadcast_in_dim3A_1107, %select_n3A_1071 : vector<16xi1>, vector<16xf32>
            %broadcast_in_dim3A_1109 = vector.broadcast %reduce_min3A_1098 : i32 to vector<16xi32>
            %select_n3A_1110 = arith.select %or3A_1106, %broadcast_in_dim3A_1109, %select_n3A_1073 : vector<16xi1>, vector<16xi32>
            %gt3A_1111 = arith.cmpf ogt, %gather3A_221, %scan3A_554 : vector<16xf32>
            %eq3A_1112 = arith.cmpf oeq, %gather3A_221, %scan3A_554 : vector<16xf32>
            %gt3A_1113 = arith.cmpi sgt, %add3A_219, %scan3A_555 : vector<16xi32>
            %and3A_1114 = arith.andi %eq3A_1112, %gt3A_1113 : vector<16xi1>
            %or3A_1115 = arith.ori %gt3A_1111, %and3A_1114 : vector<16xi1>
            %jit3A_1116 = arith.constant 0x7F800000 : f32
            %broadcast_in_dim3A_1117 = vector.broadcast %jit3A_1116 : f32 to vector<16xf32>
            %select_n3A_1118 = arith.select %or3A_1115, %gather3A_221, %broadcast_in_dim3A_1117 : vector<16xi1>, vector<16xf32>
            %reduce_min3A_1119 = arith.constant true
            %reduce_min3A_1120 = vector.broadcast %reduce_min3A_1119 : i1 to vector<16xi1>
            %reduce_min3A_1121 = tpu.scan <min>, %select_n3A_1118 masked %reduce_min3A_1120 : vector<16xf32>, vector<16xi1> -> vector<16xf32>
            %reduce_min3A_1122 = vector.extract %reduce_min3A_1121[15] : f32 from vector<16xf32>
            %eq3A_1123 = vector.broadcast %reduce_min3A_1122 : f32 to vector<16xf32>
            %eq3A_1124 = arith.cmpf oeq, %select_n3A_1118, %eq3A_1123 : vector<16xf32>
            %jit3A_1125 = arith.constant 1073741824 : i32
            %broadcast_in_dim3A_1126 = vector.broadcast %jit3A_1125 : i32 to vector<16xi32>
            %select_n3A_1127 = arith.select %eq3A_1124, %add3A_219, %broadcast_in_dim3A_1126 : vector<16xi1>, vector<16xi32>
            %reduce_min3A_1128 = arith.constant true
            %reduce_min3A_1129 = vector.broadcast %reduce_min3A_1128 : i1 to vector<16xi1>
            %reduce_min3A_1130 = arith.constant -2147483648 : i32
            %reduce_min3A_1131 = vector.broadcast %reduce_min3A_1130 : i32 to vector<16xi32>
            %reduce_min3A_1132 = arith.xori %select_n3A_1127, %reduce_min3A_1131 : vector<16xi32>
            %reduce_min3A_1133 = tpu.scan <min>, %reduce_min3A_1132 masked %reduce_min3A_1129 : vector<16xi32>, vector<16xi1> -> vector<16xi32>
            %reduce_min3A_1134 = arith.xori %reduce_min3A_1133, %reduce_min3A_1131 : vector<16xi32>
            %reduce_min3A_1135 = vector.extract %reduce_min3A_1134[15] : i32 from vector<16xi32>
            %lt3A_1136 = vector.broadcast %reduce_min3A_1122 : f32 to vector<16xf32>
            %lt3A_1137 = arith.cmpf olt, %lt3A_1136, %select_n3A_1108 : vector<16xf32>
            %eq3A_1138 = vector.broadcast %reduce_min3A_1122 : f32 to vector<16xf32>
            %eq3A_1139 = arith.cmpf oeq, %eq3A_1138, %select_n3A_1108 : vector<16xf32>
            %lt3A_1140 = vector.broadcast %reduce_min3A_1135 : i32 to vector<16xi32>
            %lt3A_1141 = arith.cmpi slt, %lt3A_1140, %select_n3A_1110 : vector<16xi32>
            %and3A_1142 = arith.andi %eq3A_1139, %lt3A_1141 : vector<16xi1>
            %or3A_1143 = arith.ori %lt3A_1137, %and3A_1142 : vector<16xi1>
            %broadcast_in_dim3A_1144 = vector.broadcast %reduce_min3A_1122 : f32 to vector<16xf32>
            %select_n3A_1145 = arith.select %or3A_1143, %broadcast_in_dim3A_1144, %select_n3A_1108 : vector<16xi1>, vector<16xf32>
            %broadcast_in_dim3A_1146 = vector.broadcast %reduce_min3A_1135 : i32 to vector<16xi32>
            %select_n3A_1147 = arith.select %or3A_1143, %broadcast_in_dim3A_1146, %select_n3A_1110 : vector<16xi1>, vector<16xi32>
            %gather3A_1148 = tpu.vector_load_idx %arg7[%select_n3A_1147] : memref<16384xi32, #tpu.memory_space<vmem>>[vector<16xi32>], vector<16xi32>,
            %gather3A_1149 = tpu.vector_load_idx %arg8[%select_n3A_1147] : memref<16384xf32, #tpu.memory_space<vmem>>[vector<16xi32>], vector<16xf32>,
            %eq3A_1150 = arith.constant 0 : i32
            %eq3A_1151 = vector.broadcast %eq3A_1150 : i32 to vector<16xi32>
            %eq3A_1152 = arith.cmpi eq, %iota3A, %eq3A_1151 : vector<16xi32>
            tpu.vector_store_idx %arg11[%gather3A_1148], %gather3A_1149 masked %eq3A_1152 {add = true} : memref<1024xf32, #tpu.memory_space<vmem>>[vector<16xi32>], vector<16xf32>, vector<16xi1>
            scf.yield %select_n3A_1145, %select_n3A_1147 : vector<16xf32>, vector<16xi32>
          }
          %scan3A_552 = arith.constant 16 : i32
        } else {
        }
        %broadcast_in_dim3A_514 = arith.constant 0xFF800000 : f32
        %broadcast_in_dim3A_515 = vector.broadcast %broadcast_in_dim3A_514 : f32 to vector<16xf32>
        %broadcast_in_dim3A_516 = arith.constant 1073741824 : i32
        %broadcast_in_dim3A_517 = vector.broadcast %broadcast_in_dim3A_516 : i32 to vector<16xi32>
        %scan3A_518 = arith.constant 0 : i32
        %scan3A_519 = arith.constant 64 : i32
        %scan3A_520 = arith.addi %scan3A_518, %scan3A_519 : i32
        %scan3A_521 = arith.constant 1 : i32
        %scan3A_522:2 = scf.for %scan3A_543 = %scan3A_518 to %scan3A_520 step %scan3A_521 iter_args(%scan3A_544 = %broadcast_in_dim3A_515, %scan3A_545 = %broadcast_in_dim3A_517) -> (vector<16xf32>, vector<16xi32>)  : i32 {
          %mul3A_546 = arith.constant 16 : i32
          %mul3A_547 = arith.muli %scan3A_543, %mul3A_546 : i32
          %get3A = arith.index_cast %mul3A_547 : i32 to index
          %get3A_548 = tpu.vector_load %arg11[%get3A] {strides = array<i32>} : memref<1024xf32, #tpu.memory_space<vmem>>, vector<16xf32>,
          %mul3A_549 = arith.constant 16 : i32
          %mul3A_550 = arith.muli %scan3A_543, %mul3A_549 : i32
          %add3A_551 = vector.broadcast %mul3A_550 : i32 to vector<16xi32>
          %add3A_552 = arith.addi %iota3A, %add3A_551 : vector<16xi32>
          %gt3A = arith.cmpf ogt, %get3A_548, %scan3A_544 : vector<16xf32>
          %select_n3A_553 = arith.select %gt3A, %get3A_548, %scan3A_544 : vector<16xi1>, vector<16xf32>
          %select_n3A_554 = arith.select %gt3A, %add3A_552, %scan3A_545 : vector<16xi1>, vector<16xi32>
          scf.yield %select_n3A_553, %select_n3A_554 : vector<16xf32>, vector<16xi32>
        }
        %scan3A_523 = arith.constant 64 : i32
        %reduce_max3A_524 = arith.constant true
        %reduce_max3A_525 = vector.broadcast %reduce_max3A_524 : i1 to vector<16xi1>
        %reduce_max3A_526 = tpu.scan <max>, %scan3A_522#0 masked %reduce_max3A_525 : vector<16xf32>, vector<16xi1> -> vector<16xf32>
        %reduce_max3A_527 = vector.extract %reduce_max3A_526[15] : f32 from vector<16xf32>
        %eq3A_528 = vector.broadcast %reduce_max3A_527 : f32 to vector<16xf32>
        %eq3A_529 = arith.cmpf oeq, %scan3A_522#0, %eq3A_528 : vector<16xf32>
        %jit3A = arith.constant 1073741824 : i32
        %broadcast_in_dim3A_530 = vector.broadcast %jit3A : i32 to vector<16xi32>
        %select_n3A = arith.select %eq3A_529, %scan3A_522#1, %broadcast_in_dim3A_530 : vector<16xi1>, vector<16xi32>
        %reduce_min3A = arith.constant true
        %reduce_min3A_531 = vector.broadcast %reduce_min3A : i1 to vector<16xi1>
        %reduce_min3A_532 = arith.constant -2147483648 : i32
        %reduce_min3A_533 = vector.broadcast %reduce_min3A_532 : i32 to vector<16xi32>
        %reduce_min3A_534 = arith.xori %select_n3A, %reduce_min3A_533 : vector<16xi32>
        %reduce_min3A_535 = tpu.scan <min>, %reduce_min3A_534 masked %reduce_min3A_531 : vector<16xi32>, vector<16xi1> -> vector<16xi32>
        %reduce_min3A_536 = arith.xori %reduce_min3A_535, %reduce_min3A_533 : vector<16xi32>
        %reduce_min3A_537 = vector.extract %reduce_min3A_536[15] : i32 from vector<16xi32>
        %broadcast_in_dim3A_538 = vector.broadcast %add3A_24 : i32 to vector<16xi32>
        %broadcast_in_dim3A_539 = vector.broadcast %reduce_min3A_537 : i32 to vector<16xi32>
        %eq3A_540 = arith.constant 0 : i32
        %eq3A_541 = vector.broadcast %eq3A_540 : i32 to vector<16xi32>
        %eq3A_542 = arith.cmpi eq, %iota3A, %eq3A_541 : vector<16xi32>
        tpu.vector_store_idx %arg12[%broadcast_in_dim3A_538], %broadcast_in_dim3A_539 masked %eq3A_542 : memref<16xi32, #tpu.memory_space<vmem>>[vector<16xi32>], vector<16xi32>, vector<16xi1>
      }
      %scan3A_20 = arith.constant 4 : i32
    }
    %scan3A_10 = arith.constant 4 : i32
    "tpu.region"() ({
      %run_scoped3A = tpu.sem_alloc : memref<!tpu.dma_semaphore, #tpu.memory_space<semaphore_mem>>
      %dma_start3A = tpu.memref_slice %arg6[%mul3A_2] : memref<512xi32, #tpu.memory_space<hbm>> -> memref<16xi32, #tpu.memory_space<hbm>>
      %dma_start3A_11 = tpu.memref_slice %arg6[%mul3A_2] : memref<512xi32, #tpu.memory_space<hbm>> -> memref<16xi32, #tpu.memory_space<hbm>>
      tpu.enqueue_dma source(%arg12 : memref<16xi32, #tpu.memory_space<vmem>>) target(%dma_start3A_11 : memref<16xi32, #tpu.memory_space<hbm>>) target_semaphore(%run_scoped3A : memref<!tpu.dma_semaphore, #tpu.memory_space<semaphore_mem>>)
      %dma_wait3A = tpu.memref_slice %arg6[%mul3A_2] : memref<512xi32, #tpu.memory_space<hbm>> -> memref<16xi32, #tpu.memory_space<hbm>>
      %dma_wait3A_12 = tpu.memref_slice %arg6[%mul3A_2] : memref<512xi32, #tpu.memory_space<hbm>> -> memref<16xi32, #tpu.memory_space<hbm>>
      tpu.wait_dma2 semaphore(%run_scoped3A : memref<!tpu.dma_semaphore, #tpu.memory_space<semaphore_mem>>) src(%arg12 : memref<16xi32, #tpu.memory_space<vmem>>) dst(%dma_wait3A_12 : memref<16xi32, #tpu.memory_space<hbm>>)
      tpu.yield
    }) : () -> ()
    return
  }
}

module attributes {stable_mosaic.version = 14 : i64} {
  func.func @_group_body(%arg0: i32, %arg1: i32, %arg2: memref<256x256xf32, #tpu.memory_space<vmem>>, %arg3: memref<4096x256xf32, #tpu.memory_space<vmem>>, %arg4: memref<256x4096xf32, #tpu.memory_space<vmem>>, %arg5: memref<256x16xi32, #tpu.memory_space<vmem>>, %arg6: memref<256x1024xf32, #tpu.memory_space<vmem>>, %arg7: memref<256x1xf32, #tpu.memory_space<vmem>>, %arg8: memref<1x16384xf32, #tpu.memory_space<vmem>>) attributes {dimension_semantics = [#tpu.dimension_semantics<arbitrary>, #tpu.dimension_semantics<arbitrary>], iteration_bounds = array<i64: 2, 4>, scalar_prefetch = 0 : i64, scratch_operands = 3 : i64, tpu.core_type = #tpu.core_type<tc>, window_params = [{transform_indices = @transform_0, window_bounds = array<i64: 256, 256>}, {transform_indices = @transform_1, window_bounds = array<i64: 4096, 256>}, {transform_indices = @transform_2, window_bounds = array<i64: 256, 4096>}, {transform_indices = @transform_3, window_bounds = array<i64: 256, 16>}]} {
    %get3A = arith.constant 0 : index
    %get3A_0 = arith.constant 0 : index
    %get3A_1 = vector.load %arg2[%get3A, %get3A_0] : memref<256x256xf32, #tpu.memory_space<vmem>>, vector<256x256xf32>
    %get3A_2 = arith.constant 0 : index
    %get3A_3 = arith.constant 0 : index
    %get3A_4 = vector.load %arg3[%get3A_2, %get3A_3] : memref<4096x256xf32, #tpu.memory_space<vmem>>, vector<4096x256xf32>
    %eq3A = arith.constant 0 : i32
    %eq3A_5 = arith.cmpi eq, %arg1, %eq3A : i32
    %convert_element_type3A = arith.extui %eq3A_5 : i1 to i32
    %cond3A = arith.constant 0 : i32
    %cond3A_6 = arith.cmpi ne, %convert_element_type3A, %cond3A : i32
    scf.if %cond3A_6 {
      %mul3A_58 = arith.mulf %get3A_1, %get3A_1 : vector<256x256xf32>
      %reduce_sum3A = arith.constant dense<0.000000e+00> : vector<256xf32>
      %reduce_sum3A_59 = vector.multi_reduction <add>, %mul3A_58, %reduce_sum3A [1] : vector<256x256xf32> to vector<256xf32>
      %broadcast_in_dim3A = vector.shape_cast %reduce_sum3A_59 : vector<256xf32> to vector<256x1xf32>
      %swap3A_60 = arith.constant 0 : index
      %swap3A_61 = arith.constant 0 : index
      %swap3A_62 = vector.load %arg7[%swap3A_60, %swap3A_61] : memref<256x1xf32, #tpu.memory_space<vmem>>, vector<256x1xf32>
      tpu.vector_store %arg7[%swap3A_60, %swap3A_61], %broadcast_in_dim3A {strides = array<i32>} : memref<256x1xf32, #tpu.memory_space<vmem>>, vector<256x1xf32>,
    } else {
    }
    %eq3A_7 = arith.constant 0 : i32
    %eq3A_8 = arith.cmpi eq, %arg0, %eq3A_7 : i32
    %convert_element_type3A_9 = arith.extui %eq3A_8 : i1 to i32
    %cond3A_10 = arith.constant 0 : i32
    %cond3A_11 = arith.cmpi ne, %convert_element_type3A_9, %cond3A_10 : i32
    scf.if %cond3A_11 {
      %mul3A_58 = arith.mulf %get3A_4, %get3A_4 : vector<4096x256xf32>
      %reduce_sum3A = arith.constant dense<0.000000e+00> : vector<4096xf32>
      %reduce_sum3A_59 = vector.multi_reduction <add>, %mul3A_58, %reduce_sum3A [1] : vector<4096x256xf32> to vector<4096xf32>
      %broadcast_in_dim3A = vector.shape_cast %reduce_sum3A_59 : vector<4096xf32> to vector<1x4096xf32>
      %mul3A_60 = arith.constant 4096 : i32
      %mul3A_61 = arith.muli %arg1, %mul3A_60 : i32
      %swap3A_62 = arith.constant 0 : index
      %swap3A_63 = arith.index_cast %mul3A_61 : i32 to index
      %swap3A_64 = vector.load %arg8[%swap3A_62, %swap3A_63] : memref<1x16384xf32, #tpu.memory_space<vmem>>, vector<1x4096xf32>
      tpu.vector_store %arg8[%swap3A_62, %swap3A_63], %broadcast_in_dim3A {strides = array<i32>} : memref<1x16384xf32, #tpu.memory_space<vmem>>, vector<1x4096xf32>,
    } else {
    }
    %get3A_12 = arith.constant 0 : index
    %get3A_13 = arith.constant 0 : index
    %get3A_14 = vector.load %arg7[%get3A_12, %get3A_13] : memref<256x1xf32, #tpu.memory_space<vmem>>, vector<256x1xf32>
    %mul3A = arith.constant 4096 : i32
    %mul3A_15 = arith.muli %arg1, %mul3A : i32
    %get3A_16 = arith.constant 0 : index
    %get3A_17 = arith.index_cast %mul3A_15 : i32 to index
    %get3A_18 = vector.load %arg8[%get3A_16, %get3A_17] : memref<1x16384xf32, #tpu.memory_space<vmem>>, vector<1x4096xf32>
    %dot_general3A = arith.constant dense<0.000000e+00> : vector<256x4096xf32>
    %dot_general3A_19 = tpu.matmul %get3A_1, %get3A_4, %dot_general3A {dimension_numbers = #tpu.dot_dimension_numbers<[1], [1], [0], [0], [0, 0, 1, 0], [], []>, transpose_lhs_hint = false} : vector<256x256xf32>, vector<4096x256xf32>, vector<256x4096xf32> -> vector<256x4096xf32>
    %add3A = vector.broadcast %get3A_14 : vector<256x1xf32> to vector<256x4096xf32>
    %add3A_20 = vector.broadcast %get3A_18 : vector<1x4096xf32> to vector<256x4096xf32>
    %add3A_21 = arith.addf %add3A, %add3A_20 : vector<256x4096xf32>
    %mul3A_22 = arith.constant 2.000000e+00 : f32
    %mul3A_23 = vector.broadcast %mul3A_22 : f32 to vector<256x4096xf32>
    %mul3A_24 = arith.mulf %mul3A_23, %dot_general3A_19 : vector<256x4096xf32>
    %sub3A = arith.subf %add3A_21, %mul3A_24 : vector<256x4096xf32>
    %max3A = arith.constant 0.000000e+00 : f32
    %max3A_25 = vector.broadcast %max3A : f32 to vector<256x4096xf32>
    %max3A_26 = arith.maximumf %sub3A, %max3A_25 : vector<256x4096xf32>
    %sqrt3A = math.sqrt %max3A_26 : vector<256x4096xf32>
    %swap3A = arith.constant 0 : index
    %swap3A_27 = arith.constant 0 : index
    %swap3A_28 = vector.load %arg4[%swap3A, %swap3A_27] : memref<256x4096xf32, #tpu.memory_space<vmem>>, vector<256x4096xf32>
    tpu.vector_store %arg4[%swap3A, %swap3A_27], %sqrt3A {strides = array<i32>} : memref<256x4096xf32, #tpu.memory_space<vmem>>, vector<256x4096xf32>,
    %roll3A = arith.constant 4095 : i32
    %roll3A_29 = tpu.dynamic_rotate %sqrt3A by %roll3A dim 1 : vector<256x4096xf32>, i32 -> vector<256x4096xf32>
    %min3A = arith.minimumf %sqrt3A, %roll3A_29 : vector<256x4096xf32>
    %roll3A_30 = arith.constant 4094 : i32
    %roll3A_31 = tpu.dynamic_rotate %min3A by %roll3A_30 dim 1 : vector<256x4096xf32>, i32 -> vector<256x4096xf32>
    %min3A_32 = arith.minimumf %min3A, %roll3A_31 : vector<256x4096xf32>
    %roll3A_33 = arith.constant 4092 : i32
    %roll3A_34 = tpu.dynamic_rotate %min3A_32 by %roll3A_33 dim 1 : vector<256x4096xf32>, i32 -> vector<256x4096xf32>
    %min3A_35 = arith.minimumf %min3A_32, %roll3A_34 : vector<256x4096xf32>
    %roll3A_36 = arith.constant 4088 : i32
    %roll3A_37 = tpu.dynamic_rotate %min3A_35 by %roll3A_36 dim 1 : vector<256x4096xf32>, i32 -> vector<256x4096xf32>
    %min3A_38 = arith.minimumf %min3A_35, %roll3A_37 : vector<256x4096xf32>
    %iota3A = tpu.iota {dimensions = array<i32: 0>} : vector<4096x256xi32>
    %iota3A_39 = tpu.iota {dimensions = array<i32: 1>} : vector<4096x256xi32>
    %mul3A_40 = arith.constant 16 : i32
    %mul3A_41 = vector.broadcast %mul3A_40 : i32 to vector<4096x256xi32>
    %mul3A_42 = arith.muli %mul3A_41, %iota3A_39 : vector<4096x256xi32>
    %eq3A_43 = arith.cmpi eq, %iota3A, %mul3A_42 : vector<4096x256xi32>
    %convert_element_type3A_44 = arith.extui %eq3A_43 : vector<4096x256xi1> to vector<4096x256xi32>
    %convert_element_type3A_45 = arith.sitofp %convert_element_type3A_44 : vector<4096x256xi32> to vector<4096x256xf32>
    %dot_general3A_46 = arith.constant dense<0.000000e+00> : vector<256x256xf32>
    %dot_general3A_47 = tpu.matmul %min3A_38, %convert_element_type3A_45, %dot_general3A_46 {dimension_numbers = #tpu.dot_dimension_numbers<[1], [0], [0], [1], [0, 0, 1, 1], [], []>, precision = #tpu.contract_precision<fp32>, transpose_lhs_hint = false} : vector<256x4096xf32>, vector<4096x256xf32>, vector<256x256xf32> -> vector<256x256xf32>
    %mul3A_48 = arith.constant 256 : i32
    %mul3A_49 = arith.muli %arg1, %mul3A_48 : i32
    %swap3A_50 = arith.constant 0 : index
    %swap3A_51 = arith.index_cast %mul3A_49 : i32 to index
    %swap3A_52 = vector.load %arg6[%swap3A_50, %swap3A_51] : memref<256x1024xf32, #tpu.memory_space<vmem>>, vector<256x256xf32>
    tpu.vector_store %arg6[%swap3A_50, %swap3A_51], %dot_general3A_47 {strides = array<i32>} : memref<256x1024xf32, #tpu.memory_space<vmem>>, vector<256x256xf32>,
    %eq3A_53 = arith.constant 3 : i32
    %eq3A_54 = arith.cmpi eq, %arg1, %eq3A_53 : i32
    %convert_element_type3A_55 = arith.extui %eq3A_54 : i1 to i32
    %cond3A_56 = arith.constant 0 : i32
    %cond3A_57 = arith.cmpi ne, %convert_element_type3A_55, %cond3A_56 : i32
    scf.if %cond3A_57 {
      %get3A_58 = arith.constant 0 : index
      %get3A_59 = arith.constant 0 : index
      %get3A_60 = vector.load %arg6[%get3A_58, %get3A_59] : memref<256x1024xf32, #tpu.memory_space<vmem>>, vector<256x1024xf32>
      %iota3A_61 = tpu.iota {dimensions = array<i32: 1>} : vector<256x1024xi32>
      %broadcast_in_dim3A = arith.constant 0xFF800000 : f32
      %broadcast_in_dim3A_62 = vector.broadcast %broadcast_in_dim3A : f32 to vector<256x1xf32>
      %broadcast_in_dim3A_63 = arith.constant -1 : i32
      %broadcast_in_dim3A_64 = vector.broadcast %broadcast_in_dim3A_63 : i32 to vector<256x1xi32>
      %gt3A = vector.broadcast %broadcast_in_dim3A_62 : vector<256x1xf32> to vector<256x1024xf32>
      %gt3A_65 = arith.cmpf ogt, %get3A_60, %gt3A : vector<256x1024xf32>
      %eq3A_66 = vector.broadcast %broadcast_in_dim3A_62 : vector<256x1xf32> to vector<256x1024xf32>
      %eq3A_67 = arith.cmpf oeq, %get3A_60, %eq3A_66 : vector<256x1024xf32>
      %gt3A_68 = vector.broadcast %broadcast_in_dim3A_64 : vector<256x1xi32> to vector<256x1024xi32>
      %gt3A_69 = arith.cmpi sgt, %iota3A_61, %gt3A_68 : vector<256x1024xi32>
      %and3A = arith.andi %eq3A_67, %gt3A_69 : vector<256x1024xi1>
      %or3A = arith.ori %gt3A_65, %and3A : vector<256x1024xi1>
      %jit3A = arith.constant 0x7F800000 : f32
      %broadcast_in_dim3A_70 = vector.broadcast %jit3A : f32 to vector<256x1024xf32>
      %select_n3A = arith.select %or3A, %get3A_60, %broadcast_in_dim3A_70 : vector<256x1024xi1>, vector<256x1024xf32>
      %reduce_min3A = arith.constant dense<0x7F800000> : vector<256xf32>
      %reduce_min3A_71 = vector.multi_reduction <minimumf>, %select_n3A, %reduce_min3A [1] : vector<256x1024xf32> to vector<256xf32>
      %broadcast_in_dim3A_72 = vector.shape_cast %reduce_min3A_71 : vector<256xf32> to vector<256x1xf32>
      %eq3A_73 = vector.broadcast %broadcast_in_dim3A_72 : vector<256x1xf32> to vector<256x1024xf32>
      %eq3A_74 = arith.cmpf oeq, %select_n3A, %eq3A_73 : vector<256x1024xf32>
      %jit3A_75 = arith.constant 1073741824 : i32
      %broadcast_in_dim3A_76 = vector.broadcast %jit3A_75 : i32 to vector<256x1024xi32>
      %select_n3A_77 = arith.select %eq3A_74, %iota3A_61, %broadcast_in_dim3A_76 : vector<256x1024xi1>, vector<256x1024xi32>
      %reduce_min3A_78 = arith.constant dense<2147483647> : vector<256xi32>
      %reduce_min3A_79 = vector.multi_reduction <minsi>, %select_n3A_77, %reduce_min3A_78 [1] : vector<256x1024xi32> to vector<256xi32>
      %broadcast_in_dim3A_80 = vector.shape_cast %reduce_min3A_79 : vector<256xi32> to vector<256x1xi32>
      %gt3A_81 = vector.broadcast %broadcast_in_dim3A_72 : vector<256x1xf32> to vector<256x1024xf32>
      %gt3A_82 = arith.cmpf ogt, %get3A_60, %gt3A_81 : vector<256x1024xf32>
      %eq3A_83 = vector.broadcast %broadcast_in_dim3A_72 : vector<256x1xf32> to vector<256x1024xf32>
      %eq3A_84 = arith.cmpf oeq, %get3A_60, %eq3A_83 : vector<256x1024xf32>
      %gt3A_85 = vector.broadcast %broadcast_in_dim3A_80 : vector<256x1xi32> to vector<256x1024xi32>
      %gt3A_86 = arith.cmpi sgt, %iota3A_61, %gt3A_85 : vector<256x1024xi32>
      %and3A_87 = arith.andi %eq3A_84, %gt3A_86 : vector<256x1024xi1>
      %or3A_88 = arith.ori %gt3A_82, %and3A_87 : vector<256x1024xi1>
      %jit3A_89 = arith.constant 0x7F800000 : f32
      %broadcast_in_dim3A_90 = vector.broadcast %jit3A_89 : f32 to vector<256x1024xf32>
      %select_n3A_91 = arith.select %or3A_88, %get3A_60, %broadcast_in_dim3A_90 : vector<256x1024xi1>, vector<256x1024xf32>
      %reduce_min3A_92 = arith.constant dense<0x7F800000> : vector<256xf32>
      %reduce_min3A_93 = vector.multi_reduction <minimumf>, %select_n3A_91, %reduce_min3A_92 [1] : vector<256x1024xf32> to vector<256xf32>
      %broadcast_in_dim3A_94 = vector.shape_cast %reduce_min3A_93 : vector<256xf32> to vector<256x1xf32>
      %eq3A_95 = vector.broadcast %broadcast_in_dim3A_94 : vector<256x1xf32> to vector<256x1024xf32>
      %eq3A_96 = arith.cmpf oeq, %select_n3A_91, %eq3A_95 : vector<256x1024xf32>
      %jit3A_97 = arith.constant 1073741824 : i32
      %broadcast_in_dim3A_98 = vector.broadcast %jit3A_97 : i32 to vector<256x1024xi32>
      %select_n3A_99 = arith.select %eq3A_96, %iota3A_61, %broadcast_in_dim3A_98 : vector<256x1024xi1>, vector<256x1024xi32>
      %reduce_min3A_100 = arith.constant dense<2147483647> : vector<256xi32>
      %reduce_min3A_101 = vector.multi_reduction <minsi>, %select_n3A_99, %reduce_min3A_100 [1] : vector<256x1024xi32> to vector<256xi32>
      %broadcast_in_dim3A_102 = vector.shape_cast %reduce_min3A_101 : vector<256xi32> to vector<256x1xi32>
      %gt3A_103 = vector.broadcast %broadcast_in_dim3A_94 : vector<256x1xf32> to vector<256x1024xf32>
      %gt3A_104 = arith.cmpf ogt, %get3A_60, %gt3A_103 : vector<256x1024xf32>
      %eq3A_105 = vector.broadcast %broadcast_in_dim3A_94 : vector<256x1xf32> to vector<256x1024xf32>
      %eq3A_106 = arith.cmpf oeq, %get3A_60, %eq3A_105 : vector<256x1024xf32>
      %gt3A_107 = vector.broadcast %broadcast_in_dim3A_102 : vector<256x1xi32> to vector<256x1024xi32>
      %gt3A_108 = arith.cmpi sgt, %iota3A_61, %gt3A_107 : vector<256x1024xi32>
      %and3A_109 = arith.andi %eq3A_106, %gt3A_108 : vector<256x1024xi1>
      %or3A_110 = arith.ori %gt3A_104, %and3A_109 : vector<256x1024xi1>
      %jit3A_111 = arith.constant 0x7F800000 : f32
      %broadcast_in_dim3A_112 = vector.broadcast %jit3A_111 : f32 to vector<256x1024xf32>
      %select_n3A_113 = arith.select %or3A_110, %get3A_60, %broadcast_in_dim3A_112 : vector<256x1024xi1>, vector<256x1024xf32>
      %reduce_min3A_114 = arith.constant dense<0x7F800000> : vector<256xf32>
      %reduce_min3A_115 = vector.multi_reduction <minimumf>, %select_n3A_113, %reduce_min3A_114 [1] : vector<256x1024xf32> to vector<256xf32>
      %broadcast_in_dim3A_116 = vector.shape_cast %reduce_min3A_115 : vector<256xf32> to vector<256x1xf32>
      %eq3A_117 = vector.broadcast %broadcast_in_dim3A_116 : vector<256x1xf32> to vector<256x1024xf32>
      %eq3A_118 = arith.cmpf oeq, %select_n3A_113, %eq3A_117 : vector<256x1024xf32>
      %jit3A_119 = arith.constant 1073741824 : i32
      %broadcast_in_dim3A_120 = vector.broadcast %jit3A_119 : i32 to vector<256x1024xi32>
      %select_n3A_121 = arith.select %eq3A_118, %iota3A_61, %broadcast_in_dim3A_120 : vector<256x1024xi1>, vector<256x1024xi32>
      %reduce_min3A_122 = arith.constant dense<2147483647> : vector<256xi32>
      %reduce_min3A_123 = vector.multi_reduction <minsi>, %select_n3A_121, %reduce_min3A_122 [1] : vector<256x1024xi32> to vector<256xi32>
      %broadcast_in_dim3A_124 = vector.shape_cast %reduce_min3A_123 : vector<256xi32> to vector<256x1xi32>
      %gt3A_125 = vector.broadcast %broadcast_in_dim3A_116 : vector<256x1xf32> to vector<256x1024xf32>
      %gt3A_126 = arith.cmpf ogt, %get3A_60, %gt3A_125 : vector<256x1024xf32>
      %eq3A_127 = vector.broadcast %broadcast_in_dim3A_116 : vector<256x1xf32> to vector<256x1024xf32>
      %eq3A_128 = arith.cmpf oeq, %get3A_60, %eq3A_127 : vector<256x1024xf32>
      %gt3A_129 = vector.broadcast %broadcast_in_dim3A_124 : vector<256x1xi32> to vector<256x1024xi32>
      %gt3A_130 = arith.cmpi sgt, %iota3A_61, %gt3A_129 : vector<256x1024xi32>
      %and3A_131 = arith.andi %eq3A_128, %gt3A_130 : vector<256x1024xi1>
      %or3A_132 = arith.ori %gt3A_126, %and3A_131 : vector<256x1024xi1>
      %jit3A_133 = arith.constant 0x7F800000 : f32
      %broadcast_in_dim3A_134 = vector.broadcast %jit3A_133 : f32 to vector<256x1024xf32>
      %select_n3A_135 = arith.select %or3A_132, %get3A_60, %broadcast_in_dim3A_134 : vector<256x1024xi1>, vector<256x1024xf32>
      %reduce_min3A_136 = arith.constant dense<0x7F800000> : vector<256xf32>
      %reduce_min3A_137 = vector.multi_reduction <minimumf>, %select_n3A_135, %reduce_min3A_136 [1] : vector<256x1024xf32> to vector<256xf32>
      %broadcast_in_dim3A_138 = vector.shape_cast %reduce_min3A_137 : vector<256xf32> to vector<256x1xf32>
      %eq3A_139 = vector.broadcast %broadcast_in_dim3A_138 : vector<256x1xf32> to vector<256x1024xf32>
      %eq3A_140 = arith.cmpf oeq, %select_n3A_135, %eq3A_139 : vector<256x1024xf32>
      %jit3A_141 = arith.constant 1073741824 : i32
      %broadcast_in_dim3A_142 = vector.broadcast %jit3A_141 : i32 to vector<256x1024xi32>
      %select_n3A_143 = arith.select %eq3A_140, %iota3A_61, %broadcast_in_dim3A_142 : vector<256x1024xi1>, vector<256x1024xi32>
      %reduce_min3A_144 = arith.constant dense<2147483647> : vector<256xi32>
      %reduce_min3A_145 = vector.multi_reduction <minsi>, %select_n3A_143, %reduce_min3A_144 [1] : vector<256x1024xi32> to vector<256xi32>
      %broadcast_in_dim3A_146 = vector.shape_cast %reduce_min3A_145 : vector<256xi32> to vector<256x1xi32>
      %gt3A_147 = vector.broadcast %broadcast_in_dim3A_138 : vector<256x1xf32> to vector<256x1024xf32>
      %gt3A_148 = arith.cmpf ogt, %get3A_60, %gt3A_147 : vector<256x1024xf32>
      %eq3A_149 = vector.broadcast %broadcast_in_dim3A_138 : vector<256x1xf32> to vector<256x1024xf32>
      %eq3A_150 = arith.cmpf oeq, %get3A_60, %eq3A_149 : vector<256x1024xf32>
      %gt3A_151 = vector.broadcast %broadcast_in_dim3A_146 : vector<256x1xi32> to vector<256x1024xi32>
      %gt3A_152 = arith.cmpi sgt, %iota3A_61, %gt3A_151 : vector<256x1024xi32>
      %and3A_153 = arith.andi %eq3A_150, %gt3A_152 : vector<256x1024xi1>
      %or3A_154 = arith.ori %gt3A_148, %and3A_153 : vector<256x1024xi1>
      %jit3A_155 = arith.constant 0x7F800000 : f32
      %broadcast_in_dim3A_156 = vector.broadcast %jit3A_155 : f32 to vector<256x1024xf32>
      %select_n3A_157 = arith.select %or3A_154, %get3A_60, %broadcast_in_dim3A_156 : vector<256x1024xi1>, vector<256x1024xf32>
      %reduce_min3A_158 = arith.constant dense<0x7F800000> : vector<256xf32>
      %reduce_min3A_159 = vector.multi_reduction <minimumf>, %select_n3A_157, %reduce_min3A_158 [1] : vector<256x1024xf32> to vector<256xf32>
      %broadcast_in_dim3A_160 = vector.shape_cast %reduce_min3A_159 : vector<256xf32> to vector<256x1xf32>
      %eq3A_161 = vector.broadcast %broadcast_in_dim3A_160 : vector<256x1xf32> to vector<256x1024xf32>
      %eq3A_162 = arith.cmpf oeq, %select_n3A_157, %eq3A_161 : vector<256x1024xf32>
      %jit3A_163 = arith.constant 1073741824 : i32
      %broadcast_in_dim3A_164 = vector.broadcast %jit3A_163 : i32 to vector<256x1024xi32>
      %select_n3A_165 = arith.select %eq3A_162, %iota3A_61, %broadcast_in_dim3A_164 : vector<256x1024xi1>, vector<256x1024xi32>
      %reduce_min3A_166 = arith.constant dense<2147483647> : vector<256xi32>
      %reduce_min3A_167 = vector.multi_reduction <minsi>, %select_n3A_165, %reduce_min3A_166 [1] : vector<256x1024xi32> to vector<256xi32>
      %broadcast_in_dim3A_168 = vector.shape_cast %reduce_min3A_167 : vector<256xi32> to vector<256x1xi32>
      %gt3A_169 = vector.broadcast %broadcast_in_dim3A_160 : vector<256x1xf32> to vector<256x1024xf32>
      %gt3A_170 = arith.cmpf ogt, %get3A_60, %gt3A_169 : vector<256x1024xf32>
      %eq3A_171 = vector.broadcast %broadcast_in_dim3A_160 : vector<256x1xf32> to vector<256x1024xf32>
      %eq3A_172 = arith.cmpf oeq, %get3A_60, %eq3A_171 : vector<256x1024xf32>
      %gt3A_173 = vector.broadcast %broadcast_in_dim3A_168 : vector<256x1xi32> to vector<256x1024xi32>
      %gt3A_174 = arith.cmpi sgt, %iota3A_61, %gt3A_173 : vector<256x1024xi32>
      %and3A_175 = arith.andi %eq3A_172, %gt3A_174 : vector<256x1024xi1>
      %or3A_176 = arith.ori %gt3A_170, %and3A_175 : vector<256x1024xi1>
      %jit3A_177 = arith.constant 0x7F800000 : f32
      %broadcast_in_dim3A_178 = vector.broadcast %jit3A_177 : f32 to vector<256x1024xf32>
      %select_n3A_179 = arith.select %or3A_176, %get3A_60, %broadcast_in_dim3A_178 : vector<256x1024xi1>, vector<256x1024xf32>
      %reduce_min3A_180 = arith.constant dense<0x7F800000> : vector<256xf32>
      %reduce_min3A_181 = vector.multi_reduction <minimumf>, %select_n3A_179, %reduce_min3A_180 [1] : vector<256x1024xf32> to vector<256xf32>
      %broadcast_in_dim3A_182 = vector.shape_cast %reduce_min3A_181 : vector<256xf32> to vector<256x1xf32>
      %eq3A_183 = vector.broadcast %broadcast_in_dim3A_182 : vector<256x1xf32> to vector<256x1024xf32>
      %eq3A_184 = arith.cmpf oeq, %select_n3A_179, %eq3A_183 : vector<256x1024xf32>
      %jit3A_185 = arith.constant 1073741824 : i32
      %broadcast_in_dim3A_186 = vector.broadcast %jit3A_185 : i32 to vector<256x1024xi32>
      %select_n3A_187 = arith.select %eq3A_184, %iota3A_61, %broadcast_in_dim3A_186 : vector<256x1024xi1>, vector<256x1024xi32>
      %reduce_min3A_188 = arith.constant dense<2147483647> : vector<256xi32>
      %reduce_min3A_189 = vector.multi_reduction <minsi>, %select_n3A_187, %reduce_min3A_188 [1] : vector<256x1024xi32> to vector<256xi32>
      %broadcast_in_dim3A_190 = vector.shape_cast %reduce_min3A_189 : vector<256xi32> to vector<256x1xi32>
      %gt3A_191 = vector.broadcast %broadcast_in_dim3A_182 : vector<256x1xf32> to vector<256x1024xf32>
      %gt3A_192 = arith.cmpf ogt, %get3A_60, %gt3A_191 : vector<256x1024xf32>
      %eq3A_193 = vector.broadcast %broadcast_in_dim3A_182 : vector<256x1xf32> to vector<256x1024xf32>
      %eq3A_194 = arith.cmpf oeq, %get3A_60, %eq3A_193 : vector<256x1024xf32>
      %gt3A_195 = vector.broadcast %broadcast_in_dim3A_190 : vector<256x1xi32> to vector<256x1024xi32>
      %gt3A_196 = arith.cmpi sgt, %iota3A_61, %gt3A_195 : vector<256x1024xi32>
      %and3A_197 = arith.andi %eq3A_194, %gt3A_196 : vector<256x1024xi1>
      %or3A_198 = arith.ori %gt3A_192, %and3A_197 : vector<256x1024xi1>
      %jit3A_199 = arith.constant 0x7F800000 : f32
      %broadcast_in_dim3A_200 = vector.broadcast %jit3A_199 : f32 to vector<256x1024xf32>
      %select_n3A_201 = arith.select %or3A_198, %get3A_60, %broadcast_in_dim3A_200 : vector<256x1024xi1>, vector<256x1024xf32>
      %reduce_min3A_202 = arith.constant dense<0x7F800000> : vector<256xf32>
      %reduce_min3A_203 = vector.multi_reduction <minimumf>, %select_n3A_201, %reduce_min3A_202 [1] : vector<256x1024xf32> to vector<256xf32>
      %broadcast_in_dim3A_204 = vector.shape_cast %reduce_min3A_203 : vector<256xf32> to vector<256x1xf32>
      %eq3A_205 = vector.broadcast %broadcast_in_dim3A_204 : vector<256x1xf32> to vector<256x1024xf32>
      %eq3A_206 = arith.cmpf oeq, %select_n3A_201, %eq3A_205 : vector<256x1024xf32>
      %jit3A_207 = arith.constant 1073741824 : i32
      %broadcast_in_dim3A_208 = vector.broadcast %jit3A_207 : i32 to vector<256x1024xi32>
      %select_n3A_209 = arith.select %eq3A_206, %iota3A_61, %broadcast_in_dim3A_208 : vector<256x1024xi1>, vector<256x1024xi32>
      %reduce_min3A_210 = arith.constant dense<2147483647> : vector<256xi32>
      %reduce_min3A_211 = vector.multi_reduction <minsi>, %select_n3A_209, %reduce_min3A_210 [1] : vector<256x1024xi32> to vector<256xi32>
      %broadcast_in_dim3A_212 = vector.shape_cast %reduce_min3A_211 : vector<256xi32> to vector<256x1xi32>
      %gt3A_213 = vector.broadcast %broadcast_in_dim3A_204 : vector<256x1xf32> to vector<256x1024xf32>
      %gt3A_214 = arith.cmpf ogt, %get3A_60, %gt3A_213 : vector<256x1024xf32>
      %eq3A_215 = vector.broadcast %broadcast_in_dim3A_204 : vector<256x1xf32> to vector<256x1024xf32>
      %eq3A_216 = arith.cmpf oeq, %get3A_60, %eq3A_215 : vector<256x1024xf32>
      %gt3A_217 = vector.broadcast %broadcast_in_dim3A_212 : vector<256x1xi32> to vector<256x1024xi32>
      %gt3A_218 = arith.cmpi sgt, %iota3A_61, %gt3A_217 : vector<256x1024xi32>
      %and3A_219 = arith.andi %eq3A_216, %gt3A_218 : vector<256x1024xi1>
      %or3A_220 = arith.ori %gt3A_214, %and3A_219 : vector<256x1024xi1>
      %jit3A_221 = arith.constant 0x7F800000 : f32
      %broadcast_in_dim3A_222 = vector.broadcast %jit3A_221 : f32 to vector<256x1024xf32>
      %select_n3A_223 = arith.select %or3A_220, %get3A_60, %broadcast_in_dim3A_222 : vector<256x1024xi1>, vector<256x1024xf32>
      %reduce_min3A_224 = arith.constant dense<0x7F800000> : vector<256xf32>
      %reduce_min3A_225 = vector.multi_reduction <minimumf>, %select_n3A_223, %reduce_min3A_224 [1] : vector<256x1024xf32> to vector<256xf32>
      %broadcast_in_dim3A_226 = vector.shape_cast %reduce_min3A_225 : vector<256xf32> to vector<256x1xf32>
      %eq3A_227 = vector.broadcast %broadcast_in_dim3A_226 : vector<256x1xf32> to vector<256x1024xf32>
      %eq3A_228 = arith.cmpf oeq, %select_n3A_223, %eq3A_227 : vector<256x1024xf32>
      %jit3A_229 = arith.constant 1073741824 : i32
      %broadcast_in_dim3A_230 = vector.broadcast %jit3A_229 : i32 to vector<256x1024xi32>
      %select_n3A_231 = arith.select %eq3A_228, %iota3A_61, %broadcast_in_dim3A_230 : vector<256x1024xi1>, vector<256x1024xi32>
      %reduce_min3A_232 = arith.constant dense<2147483647> : vector<256xi32>
      %reduce_min3A_233 = vector.multi_reduction <minsi>, %select_n3A_231, %reduce_min3A_232 [1] : vector<256x1024xi32> to vector<256xi32>
      %broadcast_in_dim3A_234 = vector.shape_cast %reduce_min3A_233 : vector<256xi32> to vector<256x1xi32>
      %gt3A_235 = vector.broadcast %broadcast_in_dim3A_226 : vector<256x1xf32> to vector<256x1024xf32>
      %gt3A_236 = arith.cmpf ogt, %get3A_60, %gt3A_235 : vector<256x1024xf32>
      %eq3A_237 = vector.broadcast %broadcast_in_dim3A_226 : vector<256x1xf32> to vector<256x1024xf32>
      %eq3A_238 = arith.cmpf oeq, %get3A_60, %eq3A_237 : vector<256x1024xf32>
      %gt3A_239 = vector.broadcast %broadcast_in_dim3A_234 : vector<256x1xi32> to vector<256x1024xi32>
      %gt3A_240 = arith.cmpi sgt, %iota3A_61, %gt3A_239 : vector<256x1024xi32>
      %and3A_241 = arith.andi %eq3A_238, %gt3A_240 : vector<256x1024xi1>
      %or3A_242 = arith.ori %gt3A_236, %and3A_241 : vector<256x1024xi1>
      %jit3A_243 = arith.constant 0x7F800000 : f32
      %broadcast_in_dim3A_244 = vector.broadcast %jit3A_243 : f32 to vector<256x1024xf32>
      %select_n3A_245 = arith.select %or3A_242, %get3A_60, %broadcast_in_dim3A_244 : vector<256x1024xi1>, vector<256x1024xf32>
      %reduce_min3A_246 = arith.constant dense<0x7F800000> : vector<256xf32>
      %reduce_min3A_247 = vector.multi_reduction <minimumf>, %select_n3A_245, %reduce_min3A_246 [1] : vector<256x1024xf32> to vector<256xf32>
      %broadcast_in_dim3A_248 = vector.shape_cast %reduce_min3A_247 : vector<256xf32> to vector<256x1xf32>
      %eq3A_249 = vector.broadcast %broadcast_in_dim3A_248 : vector<256x1xf32> to vector<256x1024xf32>
      %eq3A_250 = arith.cmpf oeq, %select_n3A_245, %eq3A_249 : vector<256x1024xf32>
      %jit3A_251 = arith.constant 1073741824 : i32
      %broadcast_in_dim3A_252 = vector.broadcast %jit3A_251 : i32 to vector<256x1024xi32>
      %select_n3A_253 = arith.select %eq3A_250, %iota3A_61, %broadcast_in_dim3A_252 : vector<256x1024xi1>, vector<256x1024xi32>
      %reduce_min3A_254 = arith.constant dense<2147483647> : vector<256xi32>
      %reduce_min3A_255 = vector.multi_reduction <minsi>, %select_n3A_253, %reduce_min3A_254 [1] : vector<256x1024xi32> to vector<256xi32>
      %broadcast_in_dim3A_256 = vector.shape_cast %reduce_min3A_255 : vector<256xi32> to vector<256x1xi32>
      %gt3A_257 = vector.broadcast %broadcast_in_dim3A_248 : vector<256x1xf32> to vector<256x1024xf32>
      %gt3A_258 = arith.cmpf ogt, %get3A_60, %gt3A_257 : vector<256x1024xf32>
      %eq3A_259 = vector.broadcast %broadcast_in_dim3A_248 : vector<256x1xf32> to vector<256x1024xf32>
      %eq3A_260 = arith.cmpf oeq, %get3A_60, %eq3A_259 : vector<256x1024xf32>
      %gt3A_261 = vector.broadcast %broadcast_in_dim3A_256 : vector<256x1xi32> to vector<256x1024xi32>
      %gt3A_262 = arith.cmpi sgt, %iota3A_61, %gt3A_261 : vector<256x1024xi32>
      %and3A_263 = arith.andi %eq3A_260, %gt3A_262 : vector<256x1024xi1>
      %or3A_264 = arith.ori %gt3A_258, %and3A_263 : vector<256x1024xi1>
      %jit3A_265 = arith.constant 0x7F800000 : f32
      %broadcast_in_dim3A_266 = vector.broadcast %jit3A_265 : f32 to vector<256x1024xf32>
      %select_n3A_267 = arith.select %or3A_264, %get3A_60, %broadcast_in_dim3A_266 : vector<256x1024xi1>, vector<256x1024xf32>
      %reduce_min3A_268 = arith.constant dense<0x7F800000> : vector<256xf32>
      %reduce_min3A_269 = vector.multi_reduction <minimumf>, %select_n3A_267, %reduce_min3A_268 [1] : vector<256x1024xf32> to vector<256xf32>
      %broadcast_in_dim3A_270 = vector.shape_cast %reduce_min3A_269 : vector<256xf32> to vector<256x1xf32>
      %eq3A_271 = vector.broadcast %broadcast_in_dim3A_270 : vector<256x1xf32> to vector<256x1024xf32>
      %eq3A_272 = arith.cmpf oeq, %select_n3A_267, %eq3A_271 : vector<256x1024xf32>
      %jit3A_273 = arith.constant 1073741824 : i32
      %broadcast_in_dim3A_274 = vector.broadcast %jit3A_273 : i32 to vector<256x1024xi32>
      %select_n3A_275 = arith.select %eq3A_272, %iota3A_61, %broadcast_in_dim3A_274 : vector<256x1024xi1>, vector<256x1024xi32>
      %reduce_min3A_276 = arith.constant dense<2147483647> : vector<256xi32>
      %reduce_min3A_277 = vector.multi_reduction <minsi>, %select_n3A_275, %reduce_min3A_276 [1] : vector<256x1024xi32> to vector<256xi32>
      %broadcast_in_dim3A_278 = vector.shape_cast %reduce_min3A_277 : vector<256xi32> to vector<256x1xi32>
      %gt3A_279 = vector.broadcast %broadcast_in_dim3A_270 : vector<256x1xf32> to vector<256x1024xf32>
      %gt3A_280 = arith.cmpf ogt, %get3A_60, %gt3A_279 : vector<256x1024xf32>
      %eq3A_281 = vector.broadcast %broadcast_in_dim3A_270 : vector<256x1xf32> to vector<256x1024xf32>
      %eq3A_282 = arith.cmpf oeq, %get3A_60, %eq3A_281 : vector<256x1024xf32>
      %gt3A_283 = vector.broadcast %broadcast_in_dim3A_278 : vector<256x1xi32> to vector<256x1024xi32>
      %gt3A_284 = arith.cmpi sgt, %iota3A_61, %gt3A_283 : vector<256x1024xi32>
      %and3A_285 = arith.andi %eq3A_282, %gt3A_284 : vector<256x1024xi1>
      %or3A_286 = arith.ori %gt3A_280, %and3A_285 : vector<256x1024xi1>
      %jit3A_287 = arith.constant 0x7F800000 : f32
      %broadcast_in_dim3A_288 = vector.broadcast %jit3A_287 : f32 to vector<256x1024xf32>
      %select_n3A_289 = arith.select %or3A_286, %get3A_60, %broadcast_in_dim3A_288 : vector<256x1024xi1>, vector<256x1024xf32>
      %reduce_min3A_290 = arith.constant dense<0x7F800000> : vector<256xf32>
      %reduce_min3A_291 = vector.multi_reduction <minimumf>, %select_n3A_289, %reduce_min3A_290 [1] : vector<256x1024xf32> to vector<256xf32>
      %broadcast_in_dim3A_292 = vector.shape_cast %reduce_min3A_291 : vector<256xf32> to vector<256x1xf32>
      %eq3A_293 = vector.broadcast %broadcast_in_dim3A_292 : vector<256x1xf32> to vector<256x1024xf32>
      %eq3A_294 = arith.cmpf oeq, %select_n3A_289, %eq3A_293 : vector<256x1024xf32>
      %jit3A_295 = arith.constant 1073741824 : i32
      %broadcast_in_dim3A_296 = vector.broadcast %jit3A_295 : i32 to vector<256x1024xi32>
      %select_n3A_297 = arith.select %eq3A_294, %iota3A_61, %broadcast_in_dim3A_296 : vector<256x1024xi1>, vector<256x1024xi32>
      %reduce_min3A_298 = arith.constant dense<2147483647> : vector<256xi32>
      %reduce_min3A_299 = vector.multi_reduction <minsi>, %select_n3A_297, %reduce_min3A_298 [1] : vector<256x1024xi32> to vector<256xi32>
      %broadcast_in_dim3A_300 = vector.shape_cast %reduce_min3A_299 : vector<256xi32> to vector<256x1xi32>
      %gt3A_301 = vector.broadcast %broadcast_in_dim3A_292 : vector<256x1xf32> to vector<256x1024xf32>
      %gt3A_302 = arith.cmpf ogt, %get3A_60, %gt3A_301 : vector<256x1024xf32>
      %eq3A_303 = vector.broadcast %broadcast_in_dim3A_292 : vector<256x1xf32> to vector<256x1024xf32>
      %eq3A_304 = arith.cmpf oeq, %get3A_60, %eq3A_303 : vector<256x1024xf32>
      %gt3A_305 = vector.broadcast %broadcast_in_dim3A_300 : vector<256x1xi32> to vector<256x1024xi32>
      %gt3A_306 = arith.cmpi sgt, %iota3A_61, %gt3A_305 : vector<256x1024xi32>
      %and3A_307 = arith.andi %eq3A_304, %gt3A_306 : vector<256x1024xi1>
      %or3A_308 = arith.ori %gt3A_302, %and3A_307 : vector<256x1024xi1>
      %jit3A_309 = arith.constant 0x7F800000 : f32
      %broadcast_in_dim3A_310 = vector.broadcast %jit3A_309 : f32 to vector<256x1024xf32>
      %select_n3A_311 = arith.select %or3A_308, %get3A_60, %broadcast_in_dim3A_310 : vector<256x1024xi1>, vector<256x1024xf32>
      %reduce_min3A_312 = arith.constant dense<0x7F800000> : vector<256xf32>
      %reduce_min3A_313 = vector.multi_reduction <minimumf>, %select_n3A_311, %reduce_min3A_312 [1] : vector<256x1024xf32> to vector<256xf32>
      %broadcast_in_dim3A_314 = vector.shape_cast %reduce_min3A_313 : vector<256xf32> to vector<256x1xf32>
      %eq3A_315 = vector.broadcast %broadcast_in_dim3A_314 : vector<256x1xf32> to vector<256x1024xf32>
      %eq3A_316 = arith.cmpf oeq, %select_n3A_311, %eq3A_315 : vector<256x1024xf32>
      %jit3A_317 = arith.constant 1073741824 : i32
      %broadcast_in_dim3A_318 = vector.broadcast %jit3A_317 : i32 to vector<256x1024xi32>
      %select_n3A_319 = arith.select %eq3A_316, %iota3A_61, %broadcast_in_dim3A_318 : vector<256x1024xi1>, vector<256x1024xi32>
      %reduce_min3A_320 = arith.constant dense<2147483647> : vector<256xi32>
      %reduce_min3A_321 = vector.multi_reduction <minsi>, %select_n3A_319, %reduce_min3A_320 [1] : vector<256x1024xi32> to vector<256xi32>
      %broadcast_in_dim3A_322 = vector.shape_cast %reduce_min3A_321 : vector<256xi32> to vector<256x1xi32>
      %gt3A_323 = vector.broadcast %broadcast_in_dim3A_314 : vector<256x1xf32> to vector<256x1024xf32>
      %gt3A_324 = arith.cmpf ogt, %get3A_60, %gt3A_323 : vector<256x1024xf32>
      %eq3A_325 = vector.broadcast %broadcast_in_dim3A_314 : vector<256x1xf32> to vector<256x1024xf32>
      %eq3A_326 = arith.cmpf oeq, %get3A_60, %eq3A_325 : vector<256x1024xf32>
      %gt3A_327 = vector.broadcast %broadcast_in_dim3A_322 : vector<256x1xi32> to vector<256x1024xi32>
      %gt3A_328 = arith.cmpi sgt, %iota3A_61, %gt3A_327 : vector<256x1024xi32>
      %and3A_329 = arith.andi %eq3A_326, %gt3A_328 : vector<256x1024xi1>
      %or3A_330 = arith.ori %gt3A_324, %and3A_329 : vector<256x1024xi1>
      %jit3A_331 = arith.constant 0x7F800000 : f32
      %broadcast_in_dim3A_332 = vector.broadcast %jit3A_331 : f32 to vector<256x1024xf32>
      %select_n3A_333 = arith.select %or3A_330, %get3A_60, %broadcast_in_dim3A_332 : vector<256x1024xi1>, vector<256x1024xf32>
      %reduce_min3A_334 = arith.constant dense<0x7F800000> : vector<256xf32>
      %reduce_min3A_335 = vector.multi_reduction <minimumf>, %select_n3A_333, %reduce_min3A_334 [1] : vector<256x1024xf32> to vector<256xf32>
      %broadcast_in_dim3A_336 = vector.shape_cast %reduce_min3A_335 : vector<256xf32> to vector<256x1xf32>
      %eq3A_337 = vector.broadcast %broadcast_in_dim3A_336 : vector<256x1xf32> to vector<256x1024xf32>
      %eq3A_338 = arith.cmpf oeq, %select_n3A_333, %eq3A_337 : vector<256x1024xf32>
      %jit3A_339 = arith.constant 1073741824 : i32
      %broadcast_in_dim3A_340 = vector.broadcast %jit3A_339 : i32 to vector<256x1024xi32>
      %select_n3A_341 = arith.select %eq3A_338, %iota3A_61, %broadcast_in_dim3A_340 : vector<256x1024xi1>, vector<256x1024xi32>
      %reduce_min3A_342 = arith.constant dense<2147483647> : vector<256xi32>
      %reduce_min3A_343 = vector.multi_reduction <minsi>, %select_n3A_341, %reduce_min3A_342 [1] : vector<256x1024xi32> to vector<256xi32>
      %broadcast_in_dim3A_344 = vector.shape_cast %reduce_min3A_343 : vector<256xi32> to vector<256x1xi32>
      %gt3A_345 = vector.broadcast %broadcast_in_dim3A_336 : vector<256x1xf32> to vector<256x1024xf32>
      %gt3A_346 = arith.cmpf ogt, %get3A_60, %gt3A_345 : vector<256x1024xf32>
      %eq3A_347 = vector.broadcast %broadcast_in_dim3A_336 : vector<256x1xf32> to vector<256x1024xf32>
      %eq3A_348 = arith.cmpf oeq, %get3A_60, %eq3A_347 : vector<256x1024xf32>
      %gt3A_349 = vector.broadcast %broadcast_in_dim3A_344 : vector<256x1xi32> to vector<256x1024xi32>
      %gt3A_350 = arith.cmpi sgt, %iota3A_61, %gt3A_349 : vector<256x1024xi32>
      %and3A_351 = arith.andi %eq3A_348, %gt3A_350 : vector<256x1024xi1>
      %or3A_352 = arith.ori %gt3A_346, %and3A_351 : vector<256x1024xi1>
      %jit3A_353 = arith.constant 0x7F800000 : f32
      %broadcast_in_dim3A_354 = vector.broadcast %jit3A_353 : f32 to vector<256x1024xf32>
      %select_n3A_355 = arith.select %or3A_352, %get3A_60, %broadcast_in_dim3A_354 : vector<256x1024xi1>, vector<256x1024xf32>
      %reduce_min3A_356 = arith.constant dense<0x7F800000> : vector<256xf32>
      %reduce_min3A_357 = vector.multi_reduction <minimumf>, %select_n3A_355, %reduce_min3A_356 [1] : vector<256x1024xf32> to vector<256xf32>
      %broadcast_in_dim3A_358 = vector.shape_cast %reduce_min3A_357 : vector<256xf32> to vector<256x1xf32>
      %eq3A_359 = vector.broadcast %broadcast_in_dim3A_358 : vector<256x1xf32> to vector<256x1024xf32>
      %eq3A_360 = arith.cmpf oeq, %select_n3A_355, %eq3A_359 : vector<256x1024xf32>
      %jit3A_361 = arith.constant 1073741824 : i32
      %broadcast_in_dim3A_362 = vector.broadcast %jit3A_361 : i32 to vector<256x1024xi32>
      %select_n3A_363 = arith.select %eq3A_360, %iota3A_61, %broadcast_in_dim3A_362 : vector<256x1024xi1>, vector<256x1024xi32>
      %reduce_min3A_364 = arith.constant dense<2147483647> : vector<256xi32>
      %reduce_min3A_365 = vector.multi_reduction <minsi>, %select_n3A_363, %reduce_min3A_364 [1] : vector<256x1024xi32> to vector<256xi32>
      %broadcast_in_dim3A_366 = vector.shape_cast %reduce_min3A_365 : vector<256xi32> to vector<256x1xi32>
      %gt3A_367 = vector.broadcast %broadcast_in_dim3A_358 : vector<256x1xf32> to vector<256x1024xf32>
      %gt3A_368 = arith.cmpf ogt, %get3A_60, %gt3A_367 : vector<256x1024xf32>
      %eq3A_369 = vector.broadcast %broadcast_in_dim3A_358 : vector<256x1xf32> to vector<256x1024xf32>
      %eq3A_370 = arith.cmpf oeq, %get3A_60, %eq3A_369 : vector<256x1024xf32>
      %gt3A_371 = vector.broadcast %broadcast_in_dim3A_366 : vector<256x1xi32> to vector<256x1024xi32>
      %gt3A_372 = arith.cmpi sgt, %iota3A_61, %gt3A_371 : vector<256x1024xi32>
      %and3A_373 = arith.andi %eq3A_370, %gt3A_372 : vector<256x1024xi1>
      %or3A_374 = arith.ori %gt3A_368, %and3A_373 : vector<256x1024xi1>
      %jit3A_375 = arith.constant 0x7F800000 : f32
      %broadcast_in_dim3A_376 = vector.broadcast %jit3A_375 : f32 to vector<256x1024xf32>
      %select_n3A_377 = arith.select %or3A_374, %get3A_60, %broadcast_in_dim3A_376 : vector<256x1024xi1>, vector<256x1024xf32>
      %reduce_min3A_378 = arith.constant dense<0x7F800000> : vector<256xf32>
      %reduce_min3A_379 = vector.multi_reduction <minimumf>, %select_n3A_377, %reduce_min3A_378 [1] : vector<256x1024xf32> to vector<256xf32>
      %broadcast_in_dim3A_380 = vector.shape_cast %reduce_min3A_379 : vector<256xf32> to vector<256x1xf32>
      %eq3A_381 = vector.broadcast %broadcast_in_dim3A_380 : vector<256x1xf32> to vector<256x1024xf32>
      %eq3A_382 = arith.cmpf oeq, %select_n3A_377, %eq3A_381 : vector<256x1024xf32>
      %jit3A_383 = arith.constant 1073741824 : i32
      %broadcast_in_dim3A_384 = vector.broadcast %jit3A_383 : i32 to vector<256x1024xi32>
      %select_n3A_385 = arith.select %eq3A_382, %iota3A_61, %broadcast_in_dim3A_384 : vector<256x1024xi1>, vector<256x1024xi32>
      %reduce_min3A_386 = arith.constant dense<2147483647> : vector<256xi32>
      %reduce_min3A_387 = vector.multi_reduction <minsi>, %select_n3A_385, %reduce_min3A_386 [1] : vector<256x1024xi32> to vector<256xi32>
      %broadcast_in_dim3A_388 = vector.shape_cast %reduce_min3A_387 : vector<256xi32> to vector<256x1xi32>
      %gt3A_389 = vector.broadcast %broadcast_in_dim3A_380 : vector<256x1xf32> to vector<256x1024xf32>
      %gt3A_390 = arith.cmpf ogt, %get3A_60, %gt3A_389 : vector<256x1024xf32>
      %eq3A_391 = vector.broadcast %broadcast_in_dim3A_380 : vector<256x1xf32> to vector<256x1024xf32>
      %eq3A_392 = arith.cmpf oeq, %get3A_60, %eq3A_391 : vector<256x1024xf32>
      %gt3A_393 = vector.broadcast %broadcast_in_dim3A_388 : vector<256x1xi32> to vector<256x1024xi32>
      %gt3A_394 = arith.cmpi sgt, %iota3A_61, %gt3A_393 : vector<256x1024xi32>
      %and3A_395 = arith.andi %eq3A_392, %gt3A_394 : vector<256x1024xi1>
      %or3A_396 = arith.ori %gt3A_390, %and3A_395 : vector<256x1024xi1>
      %jit3A_397 = arith.constant 0x7F800000 : f32
      %broadcast_in_dim3A_398 = vector.broadcast %jit3A_397 : f32 to vector<256x1024xf32>
      %select_n3A_399 = arith.select %or3A_396, %get3A_60, %broadcast_in_dim3A_398 : vector<256x1024xi1>, vector<256x1024xf32>
      %reduce_min3A_400 = arith.constant dense<0x7F800000> : vector<256xf32>
      %reduce_min3A_401 = vector.multi_reduction <minimumf>, %select_n3A_399, %reduce_min3A_400 [1] : vector<256x1024xf32> to vector<256xf32>
      %broadcast_in_dim3A_402 = vector.shape_cast %reduce_min3A_401 : vector<256xf32> to vector<256x1xf32>
      %eq3A_403 = vector.broadcast %broadcast_in_dim3A_402 : vector<256x1xf32> to vector<256x1024xf32>
      %eq3A_404 = arith.cmpf oeq, %select_n3A_399, %eq3A_403 : vector<256x1024xf32>
      %jit3A_405 = arith.constant 1073741824 : i32
      %broadcast_in_dim3A_406 = vector.broadcast %jit3A_405 : i32 to vector<256x1024xi32>
      %select_n3A_407 = arith.select %eq3A_404, %iota3A_61, %broadcast_in_dim3A_406 : vector<256x1024xi1>, vector<256x1024xi32>
      %reduce_min3A_408 = arith.constant dense<2147483647> : vector<256xi32>
      %reduce_min3A_409 = vector.multi_reduction <minsi>, %select_n3A_407, %reduce_min3A_408 [1] : vector<256x1024xi32> to vector<256xi32>
      %broadcast_in_dim3A_410 = vector.shape_cast %reduce_min3A_409 : vector<256xi32> to vector<256x1xi32>
      %concatenate3A = tpu.concatenate %broadcast_in_dim3A_80, %broadcast_in_dim3A_102, %broadcast_in_dim3A_124, %broadcast_in_dim3A_146, %broadcast_in_dim3A_168, %broadcast_in_dim3A_190, %broadcast_in_dim3A_212, %broadcast_in_dim3A_234, %broadcast_in_dim3A_256, %broadcast_in_dim3A_278, %broadcast_in_dim3A_300, %broadcast_in_dim3A_322, %broadcast_in_dim3A_344, %broadcast_in_dim3A_366, %broadcast_in_dim3A_388, %broadcast_in_dim3A_410 in 1 : vector<256x1xi32>, vector<256x1xi32>, vector<256x1xi32>, vector<256x1xi32>, vector<256x1xi32>, vector<256x1xi32>, vector<256x1xi32>, vector<256x1xi32>, vector<256x1xi32>, vector<256x1xi32>, vector<256x1xi32>, vector<256x1xi32>, vector<256x1xi32>, vector<256x1xi32>, vector<256x1xi32>, vector<256x1xi32> -> vector<256x16xi32>
      %swap3A_411 = arith.constant 0 : index
      %swap3A_412 = arith.constant 0 : index
      %swap3A_413 = vector.load %arg5[%swap3A_411, %swap3A_412] : memref<256x16xi32, #tpu.memory_space<vmem>>, vector<256x16xi32>
      tpu.vector_store %arg5[%swap3A_411, %swap3A_412], %concatenate3A {strides = array<i32>} : memref<256x16xi32, #tpu.memory_space<vmem>>, vector<256x16xi32>,
    } else {
    }
    return
  }
  func.func @transform_0(%arg0: i32, %arg1: i32) -> (i32, i32) {
    %c0_i32 = arith.constant 0 : i32
    %c0_i32_0 = arith.constant 0 : i32
    return %arg0, %c0_i32 : i32, i32
  }
  func.func @transform_1(%arg0: i32, %arg1: i32) -> (i32, i32) {
    %c0_i32 = arith.constant 0 : i32
    %c0_i32_0 = arith.constant 0 : i32
    return %arg1, %c0_i32 : i32, i32
  }
  func.func @transform_2(%arg0: i32, %arg1: i32) -> (i32, i32) {
    %c0_i32 = arith.constant 0 : i32
    return %arg0, %arg1 : i32, i32
  }
  func.func @transform_3(%arg0: i32, %arg1: i32) -> (i32, i32) {
    %c0_i32 = arith.constant 0 : i32
    %c0_i32_0 = arith.constant 0 : i32
    return %arg0, %c0_i32 : i32, i32
  }
}

</mosaic_0001>

<sc_bundles>
// kernel: kernel.6.cloned.1.call-start
scs
__scs_entry_jumppad:
0x0: {  	(pc) =	sbr.rel $0x88, $3  }
0x1: {  	(tag) =	ssettag $0x0;
	lr =	simm.s32 $0x1  }
0x2: {  	[smem:$0x3F9D] =	sst lr;
	_ =	strace $0xD0000000  }
0x3: {  	_ = 	snop  }
0x4: {  	_ = 	snop  }
0x5: {  	_ = 	snop  }
0x6: {  	_ = 	snop  }
0x7: {  	_ = 	snop  }
__scs_overlays_trampoline_lowered:
0x8: {  	[smem:$0x3FAC] =	sst s0  }
0x9: {  	[smem:$0x3FAD] =	sst s1  }
0xa: {  	[smem:$0x3FAE] =	sst s2  }
0xb: {  	[smem:$0x3FAF] =	sst s3  }
0xc: {  	[smem:$0x3FB0] =	sst s4  }
0xd: {  	[smem:$0x3FB1] =	sst s5  }
0xe: {  	[smem:$0x3FB2] =	sst s6  }
0xf: {  	[smem:$0x3FB3] =	sst s7  }
0x10: {  	[smem:$0x3FB4] =	sst s8  }
0x11: {  	[smem:$0x3FB5] =	sst s9;
	s0 =	simm.s32 @!p0 $0x0  }
0x12: {  	s1 =	sld [smem:$0x3F9B];
	s0 =	simm.s32 @p0 $0x1  }
0x13: {  	[smem:$0x3FB6] =	sst s0;
	s0 =	simm.s32 @!p1 $0x0  }
0x14: {  	s2 =	sld [smem:$0x3F9A];
	s0 =	simm.s32 @p1 $0x1  }
0x15: {  	[smem:$0x3FB7] =	sst s0;
	s0 =	simm.s32 @!p2 $0x0  }
0x16: {  	s3 =	sld [smem:$0x3FDB];
	s0 =	simm.s32 @p2 $0x1  }
0x17: {  	s4 =	simm.s32 $0x1BF5;
	[smem:$0x3FB9] =	sst s0  }
0x18: {  	s0 =	sld [smem:$0x3F9C];
	_ =	swait.ge [sflag:s4], $0x0  }
0x19: {  	s7 =	sld [smem:$0x3F9D]  }
0x1a: {  	s8 =	sadd.s32 $0xFFFFE003, lr  }
0x1b: {  	s9 =	sadd.s32 $0xFFFFFEF7, lr;
	s5 =	simm.s32 $0xFFFFFFFF;
	p2 =	slt.u32 s8, $0xFFFFF086  }
0x1c: {  	p1 =	slt.u32 s9, $0xF7A;
	s5 =	simm.s32 @!p2 $0x0  }
0x1d: {  	s5 =	simm.s32 @p1 $0x1;
	p0 =	seq.s32 s7, s2  }
0x1e: {  	s7 =	smul.u32 @!p0 $0xF7A, s2;
	p2 =	seq.s32 @!p0 s5, $0x0  }
0x1f: {  	s9 =	smul.u32 $0xF7A, s1;
	s8 =	simm.s32 @!p0 $0x1BF5;
	p2 =	por !p2, p0  }
0x20: {  	[sflag:s8] =	ssyncset.s32 @!p0 $0xFFFFF086;
	s6 =	sadd.s32 @!p0 s3, s7;
	s7 =	simm.s32 @!p0 $0x108  }
0x21: {  	s3 =	sadd.s32 s3, s9;
	s6 =	sadd.s32 @!p0 $0x88, s6;
	s7 =	simm.s32 @p2 $0x1082  }
0x22: {  	[simem:s7], [sflag:s8] =	dma.local @!p0 [hbm:s6], $0xF7A  }
0x23: {  	s9 =	sor.u32 $0xD0000000, s2;
	s6 =	simm.s32 $0x108;
	_ =	swait.ge @!p0 [sflag:s8], $0x0  }
0x24: {  	s3 =	sadd.s32 $0x88, s3;
	s6 =	simm.s32 @!p1 $0x1082;
	[sflag:s4] =	ssyncset.s32 $0xFFFFF086  }
0x25: {  	[simem:s6], [sflag:s4] =	dma.local [hbm:s3], $0xF7A  }
0x26: {  	[smem:$0x3F9D] =	sst s1;
	(tag) =	ssettag s2;
	_ =	strace s9  }
0x27: {  	s1 =	sld [smem:$0x3FAD]  }
0x28: {  	s2 =	sld [smem:$0x3FAE]  }
0x29: {  	s4 =	sld [smem:$0x3FB0]  }
0x2a: {  	p0 =	seq.s32 s5, $0x0;
	s5 =	sld [smem:$0x3FB1]  }
0x2b: {  	s6 =	sld [smem:$0x3FB2]  }
0x2c: {  	s7 =	sld [smem:$0x3FB3]  }
0x2d: {  	s3 =	simm.s32 $0x108;
	s8 =	sld [smem:$0x3FB4]  }
0x2e: {  	s3 =	simm.s32 @!p0 $0x1082;
	s9 =	sld [smem:$0x3FB5]  }
0x2f: {  	lr =	sadd.s32 s0, s3;
	s0 =	sld [smem:$0x3FAC]  }
0x30: {  	s3 =	sld [smem:$0x3FAF]  }
0x31: {  	[smem:$0x3FB8] =	sst s10  }
0x32: {  	s10 =	sld [smem:$0x3FB6];
	_ =	sdelay $0x3  }
0x33: {  	p0 =	seq.s32 s10, $0x1;
	s10 =	sld [smem:$0x3FB8];
	_ =	sdelay $0x3  }
0x34: {  	[smem:$0x3FB8] =	sst s10  }
0x35: {  	s10 =	sld [smem:$0x3FB7];
	_ =	sdelay $0x3  }
0x36: {  	p1 =	seq.s32 s10, $0x1;
	s10 =	sld [smem:$0x3FB8];
	_ =	sdelay $0x3  }
0x37: {  	[smem:$0x3FB8] =	sst s10  }
0x38: {  	s10 =	sld [smem:$0x3FB9]  }
0x39: {  	_ = 	snop;
	(pc) =	sbr.ind lr, $3  }
0x3a: {  	_ = 	snop  }
0x3b: {  	_ = 	snop  }
0x3c: {  	p2 =	seq.s32 s10, $0x1;
	s10 =	sld [smem:$0x3FB8]  }
0x3d: {  	_ =	shalt  }
0x3e: {  	_ =	shalt  }
0x3f: {  	_ =	shalt  }
0x40: {  	_ =	shalt  }
0x41: {  	_ =	shalt  }
0x42: {  	_ =	shalt  }
0x43: {  	_ =	shalt  }
0x44: {  	_ =	shalt  }
0x45: {  	_ =	shalt  }
0x46: {  	_ =	shalt  }
0x47: {  	_ =	shalt  }
0x48: {  	_ =	shalt  }
0x49: {  	_ =	shalt  }
0x4a: {  	_ =	shalt  }
0x4b: {  	_ =	shalt  }
0x4c: {  	_ =	shalt  }
0x4d: {  	_ =	shalt  }
0x4e: {  	_ =	shalt  }
0x4f: {  	_ =	shalt  }
0x50: {  	_ =	shalt  }
0x51: {  	_ =	shalt  }
0x52: {  	_ =	shalt  }
0x53: {  	_ =	shalt  }
0x54: {  	_ =	shalt  }
0x55: {  	_ =	shalt  }
0x56: {  	_ =	shalt  }
0x57: {  	_ =	shalt  }
0x58: {  	_ =	shalt  }
0x59: {  	_ =	shalt  }
0x5a: {  	_ =	shalt  }
0x5b: {  	_ =	shalt  }
0x5c: {  	_ =	shalt  }
0x5d: {  	_ =	shalt  }
0x5e: {  	_ =	shalt  }
0x5f: {  	_ =	shalt  }
0x60: {  	_ =	shalt  }
0x61: {  	_ =	shalt  }
0x62: {  	_ =	shalt  }
0x63: {  	_ =	shalt  }
0x64: {  	_ =	shalt  }
0x65: {  	_ =	shalt  }
0x66: {  	_ =	shalt  }
0x67: {  	_ =	shalt  }
0x68: {  	_ =	shalt  }
0x69: {  	_ =	shalt  }
0x6a: {  	_ =	shalt  }
0x6b: {  	_ =	shalt  }
0x6c: {  	_ =	shalt  }
0x6d: {  	_ =	shalt  }
0x6e: {  	_ =	shalt  }
0x6f: {  	_ =	shalt  }
0x70: {  	_ =	shalt  }
0x71: {  	_ =	shalt  }
0x72: {  	_ =	shalt  }
0x73: {  	_ =	shalt  }
0x74: {  	_ =	shalt  }
0x75: {  	_ =	shalt  }
0x76: {  	_ =	shalt  }
0x77: {  	_ =	shalt  }
0x78: {  	_ =	shalt  }
0x79: {  	_ =	shalt  }
0x7a: {  	_ =	shalt  }
0x7b: {  	_ =	shalt  }
0x7c: {  	_ =	shalt  }
0x7d: {  	_ =	shalt  }
0x7e: {  	_ =	shalt  }
0x7f: {  	_ =	shalt  }
0x80: {  	_ =	shalt  }
0x81: {  	_ =	shalt  }
0x82: {  	_ =	shalt  }
0x83: {  	_ =	shalt  }
0x84: {  	_ =	shalt  }
0x85: {  	_ =	shalt  }
0x86: {  	_ =	shalt  }
0x87: {  	_ =	shalt  }
.Lfunc_end0:
.L_simem_size_0:
called_computation_lowered:
.L_overlay_start_0:
0x88: {  	s2 =	sld [smem:$0x3FD9]  }
0x89: {  	s3 =	sld [smem:$0x3FFE];
	_ =	sdelay $0x1  }
0x8a: {  	s1 =	srdreg.scid  }
0x8b: {  	s0 =	sand.u32 $0x1, s1  }
0x8c: {  	s17 =	sshll.u32 s0, $0xA;
	s2 =	sadd.s32 s3, s2  }
0x8d: {  	s2 =	sadd.s32 s2, s17  }
0x8e: {  	[smem:$0x3FC4] =	sst s2  }
0x8f: {  	_ = 	snop  }
0x90: {  	s2 =	sld [smem:$0x3FC8]  }
0x91: {  	s18 =	sld [smem:$0x3FC6];
	(tm) =	ssettm $0x1  }
0x92: {  	s4 =	sld [smem:$0x3FFB];
	_ =	sdelay $0x3  }
0x93: {  	_ =	strace s4  }
0x94: {  	s4 =	sld [smem:$0x3FFC];
	_ =	sdelay $0x3  }
0x95: {  	_ =	strace s4  }
0x96: {  	s4 =	sld [smem:$0x3FFD];
	_ =	sdelay $0x3  }
0x97: {  	_ =	strace s4  }
0x98: {  	_ =	strace $0x8FFFFFFF  }
0x99: {  	s19 =	sld [smem:$0x3FDB];
	_ =	sdelay $0x1  }
0x9a: {  	s5 =	simm.s32 $_scs_section_size  }
0x9b: {  	s6 =	simm.s32 $_size__tile_overlayer_lowered;
	s7 =	simm.s32 $_tile_overlayer_lowered  }
0x9c: {  	s22 =	simm.s32 $0x1BFF;
	s21 =	sshll.u32 s7, $0x1;
	s4 =	sadd.s32 s5, s19  }
0x9d: {  	s8 =	simm.s32 $0x0;
	s20 =	sshll.u32 s6, $0x1;
	s6 =	sadd.s32 s21, s4  }
0x9e: {  	[timem:s8], [sflag:s22] =	dma.local [hbm:s6], s20  }
0x9f: {  	_ =	swait.ge [sflag:s22], s20  }
0xa0: {  	s5 =	ssub.s32 $0x0, s20;
	[sflag:s22] =	ssyncset.done $0x0  }
0xa1: {  	[sflag:s22] =	ssyncadd.s32 s5;
	_ =	sdelay $0x1  }
0xa2: {  	s23 =	simm.s32 $0x1B8B  }
0xa3: {  	_ =	swait.ge [sflag:s23], $0x1  }
0xa4: {  	[sflag:s23] =	ssyncset.done $0x0  }
0xa5: {  	s25 =	simm.s32 $0x1B8E;
	s24 =	sld [smem:$0x3FFE];
	[sflag:s23] =	ssyncadd.s32 $0xFFFFFFFF  }
0xa6: {  	s26 =	simm.s32 $execute0_lowered;
	[smem:$0x3FD2] =	sst s25  }
0xa7: {  	s6 =	sshll.u32 s26, $0x1;
	_ =	strace $0x80000046;
	[dreg:$0x1] =	wrdreg $0xFFFFFFFF  }
0xa8: {  	s28 =	simm.s32 $_size_execute0_lowered;
	s4 =	sadd.s32 s4, s6;
	[dreg:$0x0] =	wrdreg $0x0  }
0xa9: {  	s6 =	sshll.u32 s28, $0x1;
	[dreg:$0x2] =	wrdreg s4  }
0xaa: {  	[dreg:$0x3] =	wrdreg s6  }
0xab: {  	[dreg:$0x4] =	wrdreg $0xC0  }
0xac: {  	_ =	task [dreg:s8], $0x5FFFF  }
0xad: {  	[dreg:$0x1] =	wrdreg $0xFFFFFFFF  }
0xae: {  	[dreg:$0x0] =	wrdreg $0x60  }
0xaf: {  	[dreg:$0x2] =	wrdreg s2  }
0xb0: {  	[dreg:$0x3] =	wrdreg s18  }
0xb1: {  	[dreg:$0x4] =	wrdreg s24  }
0xb2: {  	[dreg:$0x5] =	wrdreg $0x9  }
0xb3: {  	_ =	task.clear_ibuf [dreg:s8], $0x6FFFF;
	_ =	strace $0x90000046  }
0xb4: {  	s29 =	simm.s32 $0x9;
	_ =	strace $0x80000048  }
0xb5: {  	_ =	swait.ge [sflag:s29], $0x1  }
0xb6: {  	[sflag:s29] =	ssyncadd.s32 $0xFFFFFFFF  }
0xb7: {  	_ =	strace $0x90000048  }
0xb8: {  	_ =	sfence  }
0xb9: {  	s30 =	sld [smem:$0x0];
	_ =	sdelay $0x2  }
0xba: {  	s31 =	sshll.u32 s1, $0xD;
	s1 =	sshrl.u32 s1, $0x2  }
0xbb: {  	s3 =	sand.u32 $0x4000, s31;
	s1 =	sadd.s32 s1, s30  }
0xbc: {  	s0 =	sor.u32 s3, s0;
	s1 =	sshll.u32 s1, $0x11  }
0xbd: {  	s0 =	sor.u32 s1, s0  }
0xbe: {  	s0 =	sadd.s32 $0x8F2B, s0  }
0xbf: {  	[sflag:s0] =	ssyncadd.remote.s32 $0x1  }
0xc0: {  	_ =	sfence.sel $0xFFFF  }
0xc1: {  	[dreg:$0x0] =	wrdreg $0xFFFFFFFF;
	(pc) =	sbr.abs _section_cstart, $3  }
0xc2: {  	[dreg:$0x1] =	wrdreg $0xFFFFFFFF  }
0xc3: {  	_ =	task.clear_ibuf [dreg:s8], $0x2FFFF;
	_ =	strace $0x9FFFFFFF  }
0xc4: {  	(tm) =	ssettm $0x7FFFFFFF  }
0xc5: {  	_ =	shalt  }
tec
execute0_lowered:
.L_overlay_start_1:
0x0: {  	(tag) =	ssettag $0x1  }
0x1: {  	s1 =	rddreg [dreg:$0x0]  }
0x2: {  	s3 =	rddreg [dreg:$0x1]  }
0x3: {  	s5 =	rddreg [dreg:$0x2]  }
0x4: {  	s0 =	rddreg [dreg:$0x3]  }
0x5: {  	s6 =	srdreg.scid;
	s2 =	stileid.u32;
	s4 =	simm.s32 $0x0  }
0x6: {  	s11 =	simm.s32 $0x8000;
	s12 =	simm.s32 $0x200;
	s13 =	simm.s32 $0x400  }
0x7: {  	s14 =	simm.s32 $0x8100;
	s15 =	simm.s32 $0x18100;
	s16 =	simm.s32 $0x18500  }
0x8: {  	s6 =	sand.u32 $0x1, s6;
	s7 =	sshll.u32 s2, $0x1;
	[smem:$0x7FF] =	sst s4  }
0x9: {  	s17 =	simm.s32 $0x0;
	s7 =	sor.u32 s6, s7;
	_ =	strace $0x80000047  }
0xa: {  	v5 =	vlaneseq.u32;
	s6 =	ssub.s32 $0x2, s6;
	s8 =	sshll.u32 s7, $0x5;
	s9 =	sshll.u32 s7, $0xF  }
0xb: {  	v0 =	vmul.u32 $0xFFFFFFFF, v5;
	s7 =	sshll.u32 s7, $0x1;
	s10 =	sshrl.u32 s6, $0x1;
	s8 =	sadd.s32 s8, s5  }
0xc: {  	s9 =	sadd.s32 s9, s5;
	s7 =	sadd.s32 s7, s5;
	s10 =	ssub.s32 s6, s10  }
0xd: {  	v13 =	vadd.s32 $0xF, v0;
	s5 =	sadd.s32 $0x101200, s8;
	s6 =	sadd.s32 $0x1200, s9;
	s7 =	sadd.s32 $0x101600, s7  }
0xe: {  	v11 =	vimm.f32 $0.0e+00;
	[tilespmem:$0x1FFF0] =	vst v13;
	s8 =	smax.u32 s10, $0x1;
	s9 =	simm.s32 $0x1;
	s10 =	simm.s32 $0x4000  }
.LBB2_1:
0xf: {  	[tilespmem:s4], [sflag:$0x1] =	stream.linear.gather [hbm4b:s1+s4], $0x4000, $0x38;
	[tilespmem:$0x18580] =	vst v63  }
0x10: {  	_ =	swait.ge [sflag:s9], $0x4000  }
0x11: {  	[sflag:s9] =	ssyncset.done $0x0  }
0x12: {  	[sflag:s9] =	ssyncadd.s32 $0xFFFFC000  }
0x13: {  	[tilespmem:s10], [sflag:$0x1] =	stream.linear.gather [hbm4b:s3+s4], $0x4000, $0x38;
	[tilespmem:$0x18580] =	vst v63  }
0x14: {  	_ =	swait.ge [sflag:s9], $0x4000  }
0x15: {  	[sflag:s9] =	ssyncset.done $0x0  }
0x16: {  	[sflag:s9] =	ssyncadd.s32 $0xFFFFC000  }
0x17: {  	[tilespmem:s11], [sflag:$0x1] =	stream.linear.gather [hbm4b:s5+s4], $0x100, $0x38;
	[tilespmem:$0x18580] =	vst v63  }
0x18: {  	_ =	swait.ge [sflag:s9], $0x100  }
0x19: {  	[sflag:s9] =	ssyncset.done $0x0  }
0x1a: {  	s18 =	simm.s32 $0x0;
	[sflag:s9] =	ssyncadd.s32 $0xFFFFFF00  }
.LBB2_2:
0x1b: {  	s19 =	sshll.u32 s18, $0xD  }
0x1c: {  	s20 =	sshll.u32 s18, $0x6;
	s19 =	sand.u32 $0x4000, s19  }
0x1d: {  	s20 =	sand.u32 $0x40, s20;
	s19 =	sadd.s32 s19, s6  }
0x1e: {  	s19 =	sadd.s32 s20, s19  }
0x1f: {  	[tilespmem:s14], [sflag:$0x1] =	stream.strided.gather [hbm4b:s19+s12], $0x10000, s13, s12, $0x38;
	[tilespmem:$0x18580] =	vst v63  }
0x20: {  	_ =	swait.ge [sflag:s9], $0x10000  }
0x21: {  	[sflag:s9] =	ssyncset.done $0x0  }
0x22: {  	s20 =	simm.s32 $0x0;
	s19 =	sshll.u32 s18, $0x2;
	[sflag:s9] =	ssyncadd.s32 $0xFFFF0000  }
.LBB2_3:
0x23: {  	s21 =	simm.s32 $0x40;
	s23 =	simm.s32 $0x0  }
.LBB2_4:
0x24: {  	p0 =	sne.s32 s21, $0xFC0;
	[tilespmem:s23+$0x18100] =	vst v11;
	s22 =	smov.u32 s21;
	s21 =	sadd.s32 $0x40, s21  }
.Ltmp0:
0x25: {  	(pc) =	sbr.rel @p0 .LBB2_4-.Ltmp0, $2  }
0x26: {  	_ =	sdelay $0x2  }
0x27: {  	s23 =	sshra.s32 s22, $0x2  }
0x28: {  	s21 =	sadd.s32 s19, s20  }
0x29: {  	s22 =	sshll.u32 s21, $0x4  }
0x2a: {  	v0 =	vmov s22  }
0x2b: {  	s24 =	sor.u32 $0x1, s22;
	v0 =	vbroadcast v0, $0x0  }
0x2c: {  	v1 =	vmov s24  }
0x2d: {  	v1 =	vbroadcast v1, $0x0;
	_ =	sdelay $0x2  }
0x2e: {  	[tilespmem:s23+$0x18100] =	vst v11  }
0x2f: {  	v0 =	vld.idx.msk [tilespmem:v0+s11+$0x0], $0xffff;
	_ =	sdelay $0x1  }
0x30: {  	v1 =	vld.idx.msk [tilespmem:v1+s11+$0x0], $0xffff;
	_ =	sdelay $0x2  }
0x31: {  	v51 =	vmov s20;
	v2 =	vshll.u32 v0, $0x4;
	v0 =	vshll.u32 v0, $0x6  }
0x32: {  	v3 =	vor.u32 v5, v2;
	v2 =	vshll.u32 v51, $0x7;
	v0 =	vand.u32 $0xFFFFFE00, v0  }
0x33: {  	v4 =	vshll.u32 v1, $0x4;
	v1 =	vshll.u32 v1, $0x6;
	v2 =	vand.u32 $0x180, v2  }
0x34: {  	[tilespmem:$0x1FF70] =	vst v3;
	v3 =	vand.u32 $0x7F, v3;
	v52 =	vor.u32 v5, v4;
	v19 =	vbroadcast v2, $0x0  }
0x35: {  	v1 =	vand.u32 $0xFFFFFE00, v1;
	v0 =	vor.u32 v3, v0;
	v2 =	vand.u32 $0x7F, v52  }
0x36: {  	v1 =	vor.u32 v2, v1;
	v0 =	vor.u32 v19, v0  }
0x37: {  	v1 =	vor.u32 v19, v1;
	_ =	sdelay $0x1  }
0x38: {  	s24 =	sor.u32 $0x2, s22  }
0x39: {  	v53 =	vmov s24  }
0x3a: {  	v54 =	vbroadcast v53, $0x0;
	v6 =	vld.idx.msk [tilespmem:v0+s14+$0x0], $0xffff  }
0x3b: {  	v7 =	vld.idx.msk [tilespmem:v1+s14+$0x0], $0xffff;
	_ =	sdelay $0x3  }
0x3c: {  	(xrf1) =	vsort.ascd.msk.f32 $0xffff, v6, v6  }
0x3d: {  	v0 =	vld.idx.msk [tilespmem:v54+s11+$0x0], $0xffff;
	(xrf1) =	vsort.ascd.msk.f32 $0xffff, v7, v7;
	_ =	sdelay $0x4  }
0x3e: {  	v55 =	vshll.u32 v0, $0x4  }
0x3f: {  	v0 =	vshll.u32 v0, $0x6;
	v1 =	vor.u32 v5, v55  }
0x40: {  	v0 =	vand.u32 $0xFFFFFE00, v0;
	[tilespmem:$0x1FF90] =	vst v1;
	v1 =	vand.u32 $0x7F, v1  }
0x41: {  	v0 =	vor.u32 v1, v0  }
0x42: {  	v0 =	vor.u32 v19, v0;
	_ =	sdelay $0x1  }
0x43: {  	s25 =	sor.u32 $0x3, s22  }
0x44: {  	v56 =	vmov s25  }
0x45: {  	v1 =	vbroadcast v56, $0x0;
	v57, _, _ =	vpop (xrf1)  }
0x46: {  	v9 =	vld.idx.msk [tilespmem:v0+s14+$0x0], $0xffff;
	v58, _, _ =	vpop (xrf1)  }
0x47: {  	v0 =	vperm.xlane v58, v13;
	_ =	sdelay $0x1  }
0x48: {  	v0 =	vmin.f32 v57, v0  }
0x49: {  	(xrf1) =	vsort.ascd.msk.f32 $0xffff, v0, v0  }
0x4a: {  	v59 =	vld.idx.msk [tilespmem:v1+s11+$0x0], $0xffff;
	(xrf1) =	vsort.ascd.msk.f32 $0xffff, v9, v9;
	_ =	sdelay $0x4  }
0x4b: {  	v1 =	vshll.u32 v59, $0x4  }
0x4c: {  	v1 =	vor.u32 v5, v1;
	v0 =	vshll.u32 v59, $0x6  }
0x4d: {  	[tilespmem:$0x1FFA0] =	vst v1;
	v1 =	vand.u32 $0x7F, v1;
	v0 =	vand.u32 $0xFFFFFE00, v0  }
0x4e: {  	v0 =	vor.u32 v1, v0  }
0x4f: {  	v0 =	vor.u32 v19, v0;
	_ =	sdelay $0x1  }
0x50: {  	s26 =	sor.u32 $0x4, s22  }
0x51: {  	v60 =	vmov s26  }
0x52: {  	v1 =	vbroadcast v60, $0x0;
	v61, _, _ =	vpop (xrf1)  }
0x53: {  	v12 =	vld.idx.msk [tilespmem:v0+s14+$0x0], $0xffff;
	v62, _, _ =	vpop (xrf1)  }
0x54: {  	v0 =	vperm.xlane v62, v13;
	_ =	sdelay $0x1  }
0x55: {  	v0 =	vmin.f32 v61, v0  }
0x56: {  	(xrf1) =	vsort.ascd.msk.f32 $0xffff, v0, v0  }
0x57: {  	v63 =	vld.idx.msk [tilespmem:v1+s11+$0x0], $0xffff;
	(xrf1) =	vsort.ascd.msk.f32 $0xffff, v12, v12;
	_ =	sdelay $0x4  }
0x58: {  	v1 =	vshll.u32 v63, $0x4  }
0x59: {  	v1 =	vor.u32 v5, v1;
	v0 =	vshll.u32 v63, $0x6  }
0x5a: {  	[tilespmem:$0x1FFB0] =	vst v1;
	v1 =	vand.u32 $0x7F, v1;
	v0 =	vand.u32 $0xFFFFFE00, v0  }
0x5b: {  	v0 =	vor.u32 v1, v0  }
0x5c: {  	v0 =	vor.u32 v19, v0;
	_ =	sdelay $0x1  }
0x5d: {  	s28 =	sor.u32 $0x5, s22  }
0x5e: {  	v32 =	vmov s28  }
0x5f: {  	v1 =	vbroadcast v32, $0x0;
	v33, _, _ =	vpop (xrf1)  }
0x60: {  	v14 =	vld.idx.msk [tilespmem:v0+s14+$0x0], $0xffff;
	v34, _, _ =	vpop (xrf1)  }
0x61: {  	v0 =	vperm.xlane v34, v13;
	_ =	sdelay $0x1  }
0x62: {  	v0 =	vmin.f32 v33, v0  }
0x63: {  	(xrf1) =	vsort.ascd.msk.f32 $0xffff, v0, v0  }
0x64: {  	v35 =	vld.idx.msk [tilespmem:v1+s11+$0x0], $0xffff;
	(xrf1) =	vsort.ascd.msk.f32 $0xffff, v14, v14;
	_ =	sdelay $0x4  }
0x65: {  	v1 =	vshll.u32 v35, $0x4  }
0x66: {  	v1 =	vor.u32 v5, v1;
	v0 =	vshll.u32 v35, $0x6  }
0x67: {  	[tilespmem:$0x1FFC0] =	vst v1;
	v1 =	vand.u32 $0x7F, v1;
	v0 =	vand.u32 $0xFFFFFE00, v0  }
0x68: {  	v0 =	vor.u32 v1, v0  }
0x69: {  	v0 =	vor.u32 v19, v0;
	_ =	sdelay $0x1  }
0x6a: {  	s29 =	sor.u32 $0x6, s22  }
0x6b: {  	v36 =	vmov s29  }
0x6c: {  	v1 =	vbroadcast v36, $0x0;
	v37, _, _ =	vpop (xrf1)  }
0x6d: {  	v10 =	vld.idx.msk [tilespmem:v0+s14+$0x0], $0xffff;
	v38, _, _ =	vpop (xrf1)  }
0x6e: {  	v0 =	vperm.xlane v38, v13;
	_ =	sdelay $0x1  }
0x6f: {  	v0 =	vmin.f32 v37, v0  }
0x70: {  	(xrf1) =	vsort.ascd.msk.f32 $0xffff, v0, v0  }
0x71: {  	v39 =	vld.idx.msk [tilespmem:v1+s11+$0x0], $0xffff;
	(xrf1) =	vsort.ascd.msk.f32 $0xffff, v10, v10;
	_ =	sdelay $0x4  }
0x72: {  	v1 =	vshll.u32 v39, $0x4  }
0x73: {  	v1 =	vor.u32 v5, v1;
	v0 =	vshll.u32 v39, $0x6  }
0x74: {  	[tilespmem:$0x1FFD0] =	vst v1;
	v1 =	vand.u32 $0x7F, v1;
	v0 =	vand.u32 $0xFFFFFE00, v0  }
0x75: {  	v0 =	vor.u32 v1, v0  }
0x76: {  	v0 =	vor.u32 v19, v0;
	_ =	sdelay $0x1  }
0x77: {  	s30 =	sor.u32 $0x7, s22  }
0x78: {  	v40 =	vmov s30  }
0x79: {  	v1 =	vbroadcast v40, $0x0;
	v41, _, _ =	vpop (xrf1)  }
0x7a: {  	v8 =	vld.idx.msk [tilespmem:v0+s14+$0x0], $0xffff;
	v42, _, _ =	vpop (xrf1)  }
0x7b: {  	v0 =	vperm.xlane v42, v13;
	_ =	sdelay $0x1  }
0x7c: {  	v0 =	vmin.f32 v41, v0  }
0x7d: {  	(xrf1) =	vsort.ascd.msk.f32 $0xffff, v0, v0  }
0x7e: {  	v43 =	vld.idx.msk [tilespmem:v1+s11+$0x0], $0xffff;
	(xrf1) =	vsort.ascd.msk.f32 $0xffff, v8, v8;
	_ =	sdelay $0x4  }
0x7f: {  	v1 =	vshll.u32 v43, $0x4  }
0x80: {  	v1 =	vor.u32 v5, v1;
	v0 =	vshll.u32 v43, $0x6  }
0x81: {  	[tilespmem:$0x1FFE0] =	vst v1;
	v1 =	vand.u32 $0x7F, v1;
	v0 =	vand.u32 $0xFFFFFE00, v0  }
0x82: {  	v0 =	vor.u32 v1, v0  }
0x83: {  	v0 =	vor.u32 v19, v0;
	_ =	sdelay $0x1  }
0x84: {  	s31 =	sor.u32 $0x8, s22  }
0x85: {  	v44 =	vmov s31  }
0x86: {  	v1 =	vbroadcast v44, $0x0;
	v45, _, _ =	vpop (xrf1)  }
0x87: {  	v15 =	vld.idx.msk [tilespmem:v0+s14+$0x0], $0xffff;
	v46, _, _ =	vpop (xrf1)  }
0x88: {  	v0 =	vperm.xlane v46, v13;
	_ =	sdelay $0x1  }
0x89: {  	v0 =	vmin.f32 v45, v0  }
0x8a: {  	(xrf1) =	vsort.ascd.msk.f32 $0xffff, v0, v0  }
0x8b: {  	v47 =	vld.idx.msk [tilespmem:v1+s11+$0x0], $0xffff;
	(xrf1) =	vsort.ascd.msk.f32 $0xffff, v15, v15;
	_ =	sdelay $0x4  }
0x8c: {  	v1 =	vshll.u32 v47, $0x4  }
0x8d: {  	v24 =	vor.u32 v5, v1;
	v0 =	vshll.u32 v47, $0x6  }
0x8e: {  	v1 =	vand.u32 $0x7F, v24;
	v0 =	vand.u32 $0xFFFFFE00, v0  }
0x8f: {  	v0 =	vor.u32 v1, v0  }
0x90: {  	v0 =	vor.u32 v19, v0;
	_ =	sdelay $0x1  }
0x91: {  	s24 =	sor.u32 $0x9, s22  }
0x92: {  	v48 =	vmov s24  }
0x93: {  	v1 =	vbroadcast v48, $0x0;
	v49, _, _ =	vpop (xrf1)  }
0x94: {  	v30 =	vld.idx.msk [tilespmem:v0+s14+$0x0], $0xffff;
	v50, _, _ =	vpop (xrf1)  }
0x95: {  	v0 =	vperm.xlane v50, v13;
	_ =	sdelay $0x1  }
0x96: {  	v0 =	vmin.f32 v49, v0  }
0x97: {  	(xrf1) =	vsort.ascd.msk.f32 $0xffff, v0, v0  }
0x98: {  	v51 =	vld.idx.msk [tilespmem:v1+s11+$0x0], $0xffff;
	(xrf1) =	vsort.ascd.msk.f32 $0xffff, v30, v30;
	_ =	sdelay $0x4  }
0x99: {  	v1 =	vshll.u32 v51, $0x4  }
0x9a: {  	v28 =	vor.u32 v5, v1;
	v0 =	vshll.u32 v51, $0x6  }
0x9b: {  	v1 =	vand.u32 $0x7F, v28;
	v0 =	vand.u32 $0xFFFFFE00, v0  }
0x9c: {  	v0 =	vor.u32 v1, v0  }
0x9d: {  	v0 =	vor.u32 v19, v0;
	_ =	sdelay $0x1  }
0x9e: {  	s25 =	sor.u32 $0xA, s22  }
0x9f: {  	[tilespmem:$0x1FF80] =	vst v52;
	v52 =	vmov s25  }
0xa0: {  	v1 =	vbroadcast v52, $0x0;
	v53, _, _ =	vpop (xrf1)  }
0xa1: {  	v33 =	vld.idx.msk [tilespmem:v0+s14+$0x0], $0xffff;
	v54, _, _ =	vpop (xrf1)  }
0xa2: {  	v0 =	vperm.xlane v54, v13;
	_ =	sdelay $0x1  }
0xa3: {  	v0 =	vmin.f32 v53, v0  }
0xa4: {  	(xrf1) =	vsort.ascd.msk.f32 $0xffff, v0, v0  }
0xa5: {  	v55 =	vld.idx.msk [tilespmem:v1+s11+$0x0], $0xffff;
	(xrf1) =	vsort.ascd.msk.f32 $0xffff, v33, v33;
	_ =	sdelay $0x4  }
0xa6: {  	v1 =	vshll.u32 v55, $0x4  }
0xa7: {  	v32 =	vor.u32 v5, v1;
	v0 =	vshll.u32 v55, $0x6  }
0xa8: {  	v1 =	vand.u32 $0x7F, v32;
	v0 =	vand.u32 $0xFFFFFE00, v0  }
0xa9: {  	v0 =	vor.u32 v1, v0  }
0xaa: {  	v0 =	vor.u32 v19, v0;
	_ =	sdelay $0x1  }
0xab: {  	s26 =	sor.u32 $0xB, s22  }
0xac: {  	v56 =	vmov s26  }
0xad: {  	v1 =	vbroadcast v56, $0x0;
	v57, _, _ =	vpop (xrf1)  }
0xae: {  	v17 =	vld.idx.msk [tilespmem:v0+s14+$0x0], $0xffff;
	v58, _, _ =	vpop (xrf1)  }
0xaf: {  	v0 =	vperm.xlane v58, v13;
	_ =	sdelay $0x1  }
0xb0: {  	v0 =	vmin.f32 v57, v0  }
0xb1: {  	(xrf1) =	vsort.ascd.msk.f32 $0xffff, v0, v0  }
0xb2: {  	v59 =	vld.idx.msk [tilespmem:v1+s11+$0x0], $0xffff;
	(xrf1) =	vsort.ascd.msk.f32 $0xffff, v17, v17;
	_ =	sdelay $0x4  }
0xb3: {  	v1 =	vshll.u32 v59, $0x4  }
0xb4: {  	v25 =	vor.u32 v5, v1;
	v0 =	vshll.u32 v59, $0x6  }
0xb5: {  	v1 =	vand.u32 $0x7F, v25;
	v0 =	vand.u32 $0xFFFFFE00, v0  }
0xb6: {  	v0 =	vor.u32 v1, v0  }
0xb7: {  	v0 =	vor.u32 v19, v0;
	_ =	sdelay $0x1  }
0xb8: {  	s28 =	sor.u32 $0xC, s22  }
0xb9: {  	v60 =	vmov s28  }
0xba: {  	v1 =	vbroadcast v60, $0x0;
	v61, _, _ =	vpop (xrf1)  }
0xbb: {  	v36 =	vld.idx.msk [tilespmem:v0+s14+$0x0], $0xffff;
	v62, _, _ =	vpop (xrf1)  }
0xbc: {  	v0 =	vperm.xlane v62, v13;
	_ =	sdelay $0x1  }
0xbd: {  	v0 =	vmin.f32 v61, v0  }
0xbe: {  	(xrf1) =	vsort.ascd.msk.f32 $0xffff, v0, v0  }
0xbf: {  	v63 =	vld.idx.msk [tilespmem:v1+s11+$0x0], $0xffff;
	(xrf1) =	vsort.ascd.msk.f32 $0xffff, v36, v36;
	_ =	sdelay $0x4  }
0xc0: {  	v1 =	vshll.u32 v63, $0x4  }
0xc1: {  	v29 =	vor.u32 v5, v1;
	v0 =	vshll.u32 v63, $0x6  }
0xc2: {  	v1 =	vand.u32 $0x7F, v29;
	v0 =	vand.u32 $0xFFFFFE00, v0  }
0xc3: {  	v0 =	vor.u32 v1, v0  }
0xc4: {  	v0 =	vor.u32 v19, v0;
	_ =	sdelay $0x1  }
0xc5: {  	s29 =	sor.u32 $0xD, s22  }
0xc6: {  	v34 =	vmov s29  }
0xc7: {  	v1 =	vbroadcast v34, $0x0;
	v35, _, _ =	vpop (xrf1)  }
0xc8: {  	v39 =	vld.idx.msk [tilespmem:v0+s14+$0x0], $0xffff;
	v41, _, _ =	vpop (xrf1)  }
0xc9: {  	v0 =	vperm.xlane v41, v13;
	_ =	sdelay $0x1  }
0xca: {  	v0 =	vmin.f32 v35, v0  }
0xcb: {  	(xrf1) =	vsort.ascd.msk.f32 $0xffff, v0, v0  }
0xcc: {  	v42 =	vld.idx.msk [tilespmem:v1+s11+$0x0], $0xffff;
	(xrf1) =	vsort.ascd.msk.f32 $0xffff, v39, v39;
	_ =	sdelay $0x4  }
0xcd: {  	v1 =	vshll.u32 v42, $0x4  }
0xce: {  	v27 =	vor.u32 v5, v1;
	v0 =	vshll.u32 v42, $0x6  }
0xcf: {  	v1 =	vand.u32 $0x7F, v27;
	v0 =	vand.u32 $0xFFFFFE00, v0  }
0xd0: {  	v0 =	vor.u32 v1, v0  }
0xd1: {  	v0 =	vor.u32 v19, v0;
	_ =	sdelay $0x1  }
0xd2: {  	s22 =	sor.u32 $0xE, s22  }
0xd3: {  	v43 =	vmov s22  }
0xd4: {  	v1 =	vbroadcast v43, $0x0;
	v44, _, _ =	vpop (xrf1)  }
0xd5: {  	v35 =	vld.idx.msk [tilespmem:v0+s14+$0x0], $0xffff;
	v45, _, _ =	vpop (xrf1)  }
0xd6: {  	v0 =	vperm.xlane v45, v13;
	_ =	sdelay $0x1  }
0xd7: {  	v0 =	vmin.f32 v44, v0  }
0xd8: {  	(xrf1) =	vsort.ascd.msk.f32 $0xffff, v0, v0  }
0xd9: {  	v46 =	vld.idx.msk [tilespmem:v1+s11+$0x0], $0xffff;
	(xrf1) =	vsort.ascd.msk.f32 $0xffff, v35, v35;
	_ =	sdelay $0x4  }
0xda: {  	v1 =	vshll.u32 v46, $0x4  }
0xdb: {  	v22 =	vor.u32 v5, v1;
	v0 =	vshll.u32 v46, $0x6  }
0xdc: {  	v1 =	vand.u32 $0x7F, v22;
	v0 =	vand.u32 $0xFFFFFE00, v0  }
0xdd: {  	v0 =	vor.u32 v1, v0  }
0xde: {  	v0 =	vor.u32 v19, v0;
	_ =	sdelay $0x3  }
0xdf: {  	s30 =	sshllo.u32 s21, $0x4;
	v47, _, _ =	vpop (xrf1)  }
0xe0: {  	v48 =	vmov s30;
	v34 =	vld.idx.msk [tilespmem:v0+s14+$0x0], $0xffff;
	v49, _, _ =	vpop (xrf1)  }
0xe1: {  	v2 =	vperm.xlane v49, v13;
	_ =	sdelay $0x1  }
0xe2: {  	v1 =	vmin.f32 v47, v2  }
0xe3: {  	(xrf1) =	vsort.ascd.msk.f32 $0xffff, v1, v1  }
0xe4: {  	v0 =	vld.idx.msk [tilespmem:v48+s11+$0x0], $0xffff;
	(xrf1) =	vsort.ascd.msk.f32 $0xffff, v34, v34;
	_ =	sdelay $0x4  }
0xe5: {  	v50 =	vshll.u32 v0, $0x4  }
0xe6: {  	v0 =	vshll.u32 v0, $0x6;
	v43 =	vor.u32 v5, v50  }
0xe7: {  	v0 =	vand.u32 $0xFFFFFE00, v0;
	v1 =	vand.u32 $0x7F, v43  }
0xe8: {  	v0 =	vor.u32 v1, v0  }
0xe9: {  	v0 =	vor.u32 v19, v0;
	_ =	sdelay $0x3  }
0xea: {  	v51, _, _ =	vpop (xrf1)  }
0xeb: {  	v37 =	vld.idx.msk [tilespmem:v0+s14+$0x0], $0xffff;
	v52, _, _ =	vpop (xrf1)  }
0xec: {  	v0 =	vperm.xlane v52, v13;
	_ =	sdelay $0x1  }
0xed: {  	v0 =	vmin.f32 v51, v0  }
0xee: {  	(xrf1) =	vsort.ascd.msk.f32 $0xffff, v0, v0  }
0xef: {  	(xrf1) =	vsort.ascd.msk.f32 $0xffff, v37, v37;
	_ =	sdelay $0xc  }
0xf0: {  	v0, _, _ =	vpop (xrf1)  }
0xf1: {  	v53, _, _ =	vpop (xrf1)  }
0xf2: {  	v1 =	vperm.xlane v53, v13;
	_ =	sdelay $0x1  }
0xf3: {  	v0 =	vmin.f32 v0, v1  }
0xf4: {  	(xrf1) =	vsort.ascd.msk.f32 $0xffff, v0, v0;
	_ =	sdelay $0xd  }
0xf5: {  	v0, _, _ =	vpop (xrf1)  }
0xf6: {  	(xrf0) =	vmax.scan.msk.f32 $0xffff, v0;
	_ =	sdelay $0x5  }
0xf7: {  	v0, _, _ =	vpop (xrf0)  }
0xf8: {  	v0 =	vbroadcast v0, $0xF;
	_ =	sdelay $0x1  }
0xf9: {  	vm15 =	vle.f32 v6, v0;
	vm13 =	vle.f32 v7, v0  }
0xfa: {  	vm14 =	vle.f32 v9, v0;
	v54 =	vmpcnt.ones.xlane vm15;
	v55 =	vmpcnt.ones.xlane vm13  }
0xfb: {  	vm1 =	vle.f32 v12, v0;
	v3 =	vmpcnt.ones.xlane vm14  }
0xfc: {  	vm2 =	vle.f32 v14, v0;
	v56 =	vmpcnt.ones.xlane vm1;
	v1 =	vadd.s32 v54, v55  }
0xfd: {  	vm3 =	vle.f32 v10, v0;
	v1 =	vadd.s32 v3, v1;
	v3 =	vmpcnt.ones.xlane vm2  }
0xfe: {  	vm4 =	vle.f32 v8, v0;
	v57 =	vmpcnt.ones.xlane vm3;
	v1 =	vadd.s32 v56, v1  }
0xff: {  	vm5 =	vle.f32 v15, v0;
	v1 =	vadd.s32 v3, v1;
	v3 =	vmpcnt.ones.xlane vm4  }
0x100: {  	vm6 =	vle.f32 v30, v0;
	v58 =	vmpcnt.ones.xlane vm5;
	v1 =	vadd.s32 v57, v1  }
0x101: {  	vm7 =	vle.f32 v33, v0;
	v1 =	vadd.s32 v3, v1;
	v3 =	vmpcnt.ones.xlane vm6  }
0x102: {  	vm8 =	vle.f32 v17, v0;
	v59 =	vmpcnt.ones.xlane vm7;
	v1 =	vadd.s32 v58, v1  }
0x103: {  	vm9 =	vle.f32 v36, v0;
	v1 =	vadd.s32 v3, v1;
	v3 =	vmpcnt.ones.xlane vm8  }
0x104: {  	vm10 =	vle.f32 v39, v0;
	v60 =	vmpcnt.ones.xlane vm9;
	v1 =	vadd.s32 v59, v1  }
0x105: {  	vm11 =	vle.f32 v35, v0;
	v1 =	vadd.s32 v3, v1;
	v3 =	vmpcnt.ones.xlane vm10  }
0x106: {  	vm12 =	vle.f32 v34, v0;
	v61 =	vmpcnt.ones.xlane vm11;
	v1 =	vadd.s32 v60, v1  }
0x107: {  	vm0 =	vle.f32 v37, v0;
	v62 =	vmpcnt.ones.xlane vm12;
	v1 =	vadd.s32 v3, v1  }
0x108: {  	v63 =	vmpcnt.ones.xlane vm0;
	v1 =	vadd.s32 v61, v1  }
0x109: {  	v0 =	vadd.s32 v62, v1  }
0x10a: {  	v0 =	vadd.s32 v63, v0  }
0x10b: {  	v0 =	vxor.u32 $0x80000000, v0  }
0x10c: {  	(xrf0) =	vmax.scan.msk.u32 $0xffff, v0;
	_ =	sdelay $0x5  }
0x10d: {  	v0, _, _ =	vpop (xrf0)  }
0x10e: {  	(v2sf) =	vpush v0, $0xF;
	_ =	sdelay $0xe  }
0x10f: {  	s31 =	spop (v2sf)  }
0x110: {  	p0 =	seq.s32 s31, $0x80000010  }
.Ltmp1:
0x111: {  	_ = 	snop;
	(pc) =	sbr.rel @!p0 .LBB2_6-.Ltmp1, $1  }
0x112: {  	_ =	sdelay $0x3  }
0x113: {  	v1 =	vld [tilespmem:$0x1FF70];
	_ =	sdelay $0x7  }
0x114: {  	v0 =	vld.idx.msk [tilespmem:v1+s4+$0x0], $0xffff  }
0x115: {  	v57 =	vld [tilespmem:$0x1FF80];
	_ =	sdelay $0x1  }
0x116: {  	v1 =	vld.idx.msk [tilespmem:v1+s10+$0x0], $0xffff;
	_ =	sdelay $0x4  }
0x117: {  	[tilespmem:v0+s15+$0x0] =	vst.idx.add.f32.msk vm15, v1  }
0x118: {  	v0 =	vld.idx.msk [tilespmem:v57+s4+$0x0], $0xffff  }
0x119: {  	v58 =	vld [tilespmem:$0x1FF90];
	_ =	sdelay $0x1  }
0x11a: {  	v1 =	vld.idx.msk [tilespmem:v57+s10+$0x0], $0xffff;
	_ =	sdelay $0x4  }
0x11b: {  	[tilespmem:v0+s15+$0x0] =	vst.idx.add.f32.msk vm13, v1  }
0x11c: {  	v0 =	vld.idx.msk [tilespmem:v58+s4+$0x0], $0xffff  }
0x11d: {  	v59 =	vld [tilespmem:$0x1FFA0];
	_ =	sdelay $0x1  }
0x11e: {  	v1 =	vld.idx.msk [tilespmem:v58+s10+$0x0], $0xffff;
	_ =	sdelay $0x4  }
0x11f: {  	[tilespmem:v0+s15+$0x0] =	vst.idx.add.f32.msk vm14, v1  }
0x120: {  	v0 =	vld.idx.msk [tilespmem:v59+s4+$0x0], $0xffff  }
0x121: {  	v60 =	vld [tilespmem:$0x1FFB0];
	_ =	sdelay $0x1  }
0x122: {  	v1 =	vld.idx.msk [tilespmem:v59+s10+$0x0], $0xffff;
	_ =	sdelay $0x4  }
0x123: {  	[tilespmem:v0+s15+$0x0] =	vst.idx.add.f32.msk vm1, v1  }
0x124: {  	v0 =	vld.idx.msk [tilespmem:v60+s4+$0x0], $0xffff  }
0x125: {  	v61 =	vld [tilespmem:$0x1FFC0];
	_ =	sdelay $0x1  }
0x126: {  	v1 =	vld.idx.msk [tilespmem:v60+s10+$0x0], $0xffff;
	_ =	sdelay $0x4  }
0x127: {  	[tilespmem:v0+s15+$0x0] =	vst.idx.add.f32.msk vm2, v1  }
0x128: {  	v0 =	vld.idx.msk [tilespmem:v61+s4+$0x0], $0xffff  }
0x129: {  	v62 =	vld [tilespmem:$0x1FFD0];
	_ =	sdelay $0x1  }
0x12a: {  	v1 =	vld.idx.msk [tilespmem:v61+s10+$0x0], $0xffff;
	_ =	sdelay $0x4  }
0x12b: {  	[tilespmem:v0+s15+$0x0] =	vst.idx.add.f32.msk vm3, v1  }
0x12c: {  	v0 =	vld.idx.msk [tilespmem:v62+s4+$0x0], $0xffff  }
0x12d: {  	v63 =	vld [tilespmem:$0x1FFE0];
	_ =	sdelay $0x1  }
0x12e: {  	v1 =	vld.idx.msk [tilespmem:v62+s10+$0x0], $0xffff;
	_ =	sdelay $0x4  }
0x12f: {  	[tilespmem:v0+s15+$0x0] =	vst.idx.add.f32.msk vm4, v1  }
0x130: {  	v0 =	vld.idx.msk [tilespmem:v63+s4+$0x0], $0xffff;
	_ =	sdelay $0x2  }
0x131: {  	v1 =	vld.idx.msk [tilespmem:v63+s10+$0x0], $0xffff;
	_ =	sdelay $0x4  }
0x132: {  	[tilespmem:v0+s15+$0x0] =	vst.idx.add.f32.msk vm5, v1  }
0x133: {  	v0 =	vld.idx.msk [tilespmem:v24+s4+$0x0], $0xffff;
	_ =	sdelay $0x2  }
0x134: {  	v1 =	vld.idx.msk [tilespmem:v24+s10+$0x0], $0xffff;
	_ =	sdelay $0x4  }
0x135: {  	[tilespmem:v0+s15+$0x0] =	vst.idx.add.f32.msk vm6, v1  }
0x136: {  	v0 =	vld.idx.msk [tilespmem:v28+s4+$0x0], $0xffff;
	_ =	sdelay $0x2  }
0x137: {  	v1 =	vld.idx.msk [tilespmem:v28+s10+$0x0], $0xffff;
	_ =	sdelay $0x4  }
0x138: {  	[tilespmem:v0+s15+$0x0] =	vst.idx.add.f32.msk vm7, v1  }
0x139: {  	v0 =	vld.idx.msk [tilespmem:v32+s4+$0x0], $0xffff;
	_ =	sdelay $0x2  }
0x13a: {  	v1 =	vld.idx.msk [tilespmem:v32+s10+$0x0], $0xffff;
	_ =	sdelay $0x4  }
0x13b: {  	[tilespmem:v0+s15+$0x0] =	vst.idx.add.f32.msk vm8, v1  }
0x13c: {  	v0 =	vld.idx.msk [tilespmem:v25+s4+$0x0], $0xffff;
	_ =	sdelay $0x2  }
0x13d: {  	v1 =	vld.idx.msk [tilespmem:v25+s10+$0x0], $0xffff;
	_ =	sdelay $0x4  }
0x13e: {  	[tilespmem:v0+s15+$0x0] =	vst.idx.add.f32.msk vm9, v1  }
0x13f: {  	v0 =	vld.idx.msk [tilespmem:v29+s4+$0x0], $0xffff;
	_ =	sdelay $0x2  }
0x140: {  	v1 =	vld.idx.msk [tilespmem:v29+s10+$0x0], $0xffff;
	_ =	sdelay $0x4  }
0x141: {  	[tilespmem:v0+s15+$0x0] =	vst.idx.add.f32.msk vm10, v1  }
0x142: {  	v0 =	vld.idx.msk [tilespmem:v27+s4+$0x0], $0xffff;
	_ =	sdelay $0x2  }
0x143: {  	v1 =	vld.idx.msk [tilespmem:v27+s10+$0x0], $0xffff;
	_ =	sdelay $0x4  }
0x144: {  	[tilespmem:v0+s15+$0x0] =	vst.idx.add.f32.msk vm11, v1  }
0x145: {  	v0 =	vld.idx.msk [tilespmem:v22+s4+$0x0], $0xffff;
	_ =	sdelay $0x2  }
0x146: {  	v1 =	vld.idx.msk [tilespmem:v22+s10+$0x0], $0xffff;
	_ =	sdelay $0x4  }
0x147: {  	[tilespmem:v0+s15+$0x0] =	vst.idx.add.f32.msk vm12, v1  }
0x148: {  	v0 =	vld.idx.msk [tilespmem:v43+s4+$0x0], $0xffff;
	_ =	sdelay $0x2  }
0x149: {  	v1 =	vld.idx.msk [tilespmem:v43+s10+$0x0], $0xffff  }
.Ltmp2:
0x14a: {  	_ = 	snop;
	(pc) =	sbr.rel .LBB2_9-.Ltmp2, $2  }
0x14b: {  	_ =	sdelay $0x2  }
0x14c: {  	[tilespmem:v0+s15+$0x0] =	vst.idx.add.f32.msk vm0, v1  }
.LBB2_6:
0x14d: {  	v0 =	vld [tilespmem:$0x1FF70];
	_ =	sdelay $0x4  }
0x14e: {  	v50 =	vxor.u32 $0x80000000, v0;
	v0 =	vld [tilespmem:$0x1FF80];
	_ =	sdelay $0x4  }
0x14f: {  	v49 =	vxor.u32 $0x80000000, v0;
	v0 =	vld [tilespmem:$0x1FF90];
	_ =	sdelay $0x4  }
0x150: {  	v48 =	vxor.u32 $0x80000000, v0;
	v0 =	vld [tilespmem:$0x1FFA0];
	_ =	sdelay $0x4  }
0x151: {  	v47 =	vxor.u32 $0x80000000, v0;
	v0 =	vld [tilespmem:$0x1FFB0];
	_ =	sdelay $0x4  }
0x152: {  	v46 =	vxor.u32 $0x80000000, v0;
	v0 =	vld [tilespmem:$0x1FFC0];
	_ =	sdelay $0x4  }
0x153: {  	v45 =	vxor.u32 $0x80000000, v0;
	v0 =	vld [tilespmem:$0x1FFD0];
	_ =	sdelay $0x4  }
0x154: {  	v44 =	vxor.u32 $0x80000000, v0;
	v0 =	vld [tilespmem:$0x1FFE0];
	_ =	sdelay $0x3  }
0x155: {  	v20 =	vld [tilespmem:$0x1FF70]  }
0x156: {  	v42 =	vxor.u32 $0x80000000, v0;
	v0 =	vxor.u32 $0x80000000, v27  }
0x157: {  	v21 =	vld [tilespmem:$0x1FFA0];
	[tilespmem:$0x1FF40] =	vst v0;
	v0 =	vxor.u32 $0x80000000, v22  }
0x158: {  	v52 =	vimm.s32 $0xFFFFFFFF;
	[tilespmem:$0x1FF50] =	vst v0;
	v0 =	vxor.u32 $0x80000000, v43  }
0x159: {  	v1 =	vimm.s32 $0x0;
	v19 =	vld [tilespmem:$0x1FF80];
	vm0 =	vgt.s32 v43, v52;
	[tilespmem:$0x1FF60] =	vst v0;
	v0 =	vimm.f32 $-Inf  }
0x15a: {  	v23 =	vld [tilespmem:$0x1FFC0];
	v1 =	vsel vm0, $0xFFFFFFFF, v1;
	vm10 =	vgt.s32 v20, v52;
	vm3 =	vgt.f32 v12, v0  }
0x15b: {  	[tilespmem:$0x1FE90] =	vst v1;
	v1 =	vld [tilespmem:$0x1FF90];
	vm9 =	veq.f32 v6, v0;
	vm13 =	veq.f32 v7, v0;
	vm14 =	vgt.f32 v6, v0  }
0x15c: {  	vm15 =	veq.f32 v12, v0;
	vm9 =	vmand vm9, vm10;
	vm10 =	vgt.s32 v21, v52  }
0x15d: {  	vm14 =	vmor vm14, vm9;
	vm10 =	vmand vm15, vm10;
	vm15 =	vgt.f32 v7, v0  }
0x15e: {  	v2 =	vnsel vm14, $0x7F800000, v6;
	vm14 =	vgt.s32 v19, v52;
	vm10 =	vmor vm3, vm10  }
0x15f: {  	vm3 =	vmand vm13, vm14;
	vm13 =	veq.f32 v10, v0;
	vm14 =	vgt.s32 v23, v52  }
0x160: {  	vm15 =	vmor vm15, vm3;
	vm3 =	vmand vm13, vm14;
	vm13 =	vgt.s32 v1, v52;
	v1 =	vld [tilespmem:$0x1FFE0];
	_ =	sdelay $0x2  }
0x161: {  	vm4 =	vgt.s32 v32, v52  }
0x162: {  	vm11 =	vgt.s32 v24, v52;
	vm1 =	veq.f32 v15, v0;
	vm5 =	vgt.f32 v14, v0;
	(xrf0) =	vmin.scan.msk.f32 $0xffff, v2  }
0x163: {  	vm6 =	veq.f32 v14, v0;
	vm7 =	vgt.f32 v33, v0;
	vm14 =	vgt.s32 v1, v52;
	v1 =	vld [tilespmem:$0x1FFB0]  }
0x164: {  	vm12 =	vgt.f32 v9, v0;
	vm0 =	veq.f32 v9, v0;
	v3 =	vnsel vm15, $0x7F800000, v7  }
0x165: {  	vm8 =	veq.f32 v33, v0;
	vm0 =	vmand vm0, vm13;
	vm13 =	veq.f32 v17, v0;
	(xrf0) =	vmin.scan.msk.f32 $0xffff, v3  }
0x166: {  	vm13 =	vmand vm13, vm4;
	vm4 =	veq.f32 v30, v0;
	vm0 =	vmor vm12, vm0  }
0x167: {  	vm11 =	vmand vm4, vm11;
	v16 =	vnsel vm0, $0x7F800000, v9;
	vm0 =	vgt.f32 v30, v0  }
0x168: {  	vm12 =	vgt.s32 v28, v52;
	vm0 =	vmor vm0, vm11;
	vm11 =	vgt.s32 v1, v52;
	v1, _, _ =	vpop (xrf0)  }
0x169: {  	vm9 =	vgt.f32 v15, v0;
	vm8 =	vmand vm8, vm12;
	v11 =	vbroadcast v1, $0xF  }
0x16a: {  	v4 =	vnsel vm0, $0x7F800000, v30;
	vm0 =	vmor vm7, vm8;
	vm8 =	veq.f32 v36, v0;
	(xrf0) =	vmin.scan.msk.f32 $0xffff, v16  }
0x16b: {  	vm14 =	vmand vm1, vm14;
	v55 =	vnsel vm0, $0x7F800000, v33;
	vm0 =	veq.f32 v2, v11;
	v2, _, _ =	vpop (xrf0)  }
0x16c: {  	vm7 =	vmor vm9, vm14;
	vm9 =	vgt.s32 v25, v52;
	(xrf0) =	vmin.scan.msk.f32 $0xffff, v4;
	v5 =	vbroadcast v2, $0xF  }
0x16d: {  	v53 =	vnsel vm10, $0x7F800000, v12;
	vm8 =	vmand vm8, vm9;
	vm6 =	vmand vm6, vm11;
	(xrf0) =	vmin.scan.msk.f32 $0xffff, v55  }
0x16e: {  	(xrf0) =	vmin.scan.msk.f32 $0xffff, v53;
	v13 =	vnsel vm0, $0xC0000000, v50;
	vm0 =	vmor vm5, vm6;
	vm6 =	veq.f32 v3, v5  }
0x16f: {  	v54 =	vnsel vm0, $0x7F800000, v14;
	(xrf0) =	vmin.scan.msk.u32 $0xffff, v13;
	v2 =	vnsel vm6, $0xC0000000, v49;
	vm6 =	vgt.f32 v36, v0  }
0x170: {  	v18 =	vld [tilespmem:$0x1FFD0];
	vm0 =	veq.f32 v39, v0;
	v3, _, _ =	vpop (xrf0);
	vm6 =	vmor vm6, vm8;
	vm8 =	vgt.s32 v29, v52  }
0x171: {  	vm10 =	vgt.f32 v39, v0;
	v13 =	vbroadcast v3, $0xF;
	(xrf0) =	vmin.scan.msk.u32 $0xffff, v2;
	vm0 =	vmand vm0, vm8  }
0x172: {  	v56, _, _ =	vpop (xrf0);
	v51 =	vnsel vm6, $0x7F800000, v36;
	(xrf0) =	vmin.scan.msk.f32 $0xffff, v54;
	vm0 =	vmor vm10, vm0  }
0x173: {  	v1, _, _ =	vpop (xrf0);
	vm8 =	veq.f32 v16, v13;
	vm10 =	vgt.f32 v10, v0;
	(xrf0) =	vmin.scan.msk.f32 $0xffff, v51;
	v61 =	vnsel vm0, $0x7F800000, v39  }
0x174: {  	v3, _, _ =	vpop (xrf0);
	v57 =	vnsel vm8, $0xC0000000, v48;
	vm0 =	vmor vm10, vm3;
	(xrf0) =	vmin.scan.msk.f32 $0xffff, v61  }
0x175: {  	vm2 =	vgt.f32 v17, v0;
	vm4 =	vgt.s32 v18, v52;
	v16, _, _ =	vpop (xrf0);
	v58 =	vnsel vm0, $0x7F800000, v10;
	(xrf0) =	vmin.scan.msk.u32 $0xffff, v57  }
0x176: {  	vm1 =	vgt.f32 v37, v0;
	vm9 =	vgt.s32 v27, v52;
	vm5 =	vgt.f32 v35, v0;
	(xrf0) =	vmin.scan.msk.f32 $0xffff, v58  }
0x177: {  	vm6 =	veq.f32 v35, v0;
	(v2sf) =	vpush v16, $0xF;
	v16 =	vbroadcast v3, $0xF;
	v3, _, _ =	vpop (xrf0)  }
0x178: {  	vm3 =	veq.f32 v8, v0;
	vm0 =	vmand vm6, vm9;
	(v2sf) =	vpush v3, $0xF;
	v3, _, _ =	vpop (xrf0)  }
0x179: {  	vm6 =	vgt.f32 v8, v0;
	vm3 =	vmand vm3, vm4;
	vm4 =	veq.f32 v37, v0;
	v62, _, _ =	vpop (xrf0)  }
0x17a: {  	[tilespmem:$0x1FEA0] =	vst v1;
	vm0 =	vmor vm5, vm0;
	vm3 =	vmor vm6, vm3;
	vm6 =	vgt.f32 v34, v0;
	v1, _, _ =	vpop (xrf0)  }
0x17b: {  	v59 =	vbroadcast v3, $0xF;
	v3 =	vnsel vm0, $0x7F800000, v35;
	vm0 =	veq.f32 v34, v0;
	v0, _, _ =	vpop (xrf0)  }
0x17c: {  	v57 =	vnsel vm7, $0x7F800000, v15;
	vm5 =	veq.f32 v53, v16;
	(v2sf) =	vpush v0, $0xF;
	v0, _, _ =	vpop (xrf0)  }
0x17d: {  	(xrf0) =	vmin.scan.msk.f32 $0xffff, v57;
	v53 =	vnsel vm5, $0xC0000000, v47;
	v63 =	vbroadcast v0, $0xF;
	v0 =	vld [tilespmem:$0x1FE90]  }
0x17e: {  	v60 =	vnsel vm3, $0x7F800000, v8;
	(xrf0) =	vmin.scan.msk.u32 $0xffff, v53  }
0x17f: {  	vm3 =	vgt.s32 v22, v52;
	(xrf0) =	vmin.scan.msk.f32 $0xffff, v60;
	vm5 =	veq.f32 v54, v59  }
0x180: {  	vm0 =	vmand vm0, vm3;
	v53 =	vnsel vm5, $0xC0000000, v46  }
0x181: {  	vm0 =	vmor vm6, vm0  }
0x182: {  	(xrf0) =	vmin.scan.msk.f32 $0xffff, v3;
	v52 =	vnsel vm0, $0x7F800000, v34;
	vm0 =	vnez.u8 v0  }
0x183: {  	(xrf0) =	vmin.scan.msk.u32 $0xffff, v53;
	v53, _, _ =	vpop (xrf0);
	vm0 =	vmand vm4, vm0  }
0x184: {  	vm2 =	vmor vm2, vm13;
	(xrf0) =	vmin.scan.msk.f32 $0xffff, v52;
	v54, _, _ =	vpop (xrf0);
	vm0 =	vmor vm1, vm0;
	vm1 =	veq.f32 v58, v63  }
0x185: {  	v2 =	vnsel vm2, $0x7F800000, v17;
	(v2sf) =	vpush v54, $0xF;
	v54, _, _ =	vpop (xrf0);
	v0 =	vnsel vm1, $0xC0000000, v45  }
0x186: {  	[tilespmem:$0x1FEB0] =	vst v1;
	(xrf0) =	vmin.scan.msk.f32 $0xffff, v2;
	v1 =	vbroadcast v54, $0xF;
	v58 =	vnsel vm0, $0x7F800000, v37  }
0x187: {  	(xrf0) =	vmin.scan.msk.f32 $0xffff, v58  }
0x188: {  	vm0 =	veq.f32 v60, v1;
	(xrf0) =	vmin.scan.msk.u32 $0xffff, v0;
	v0, _, _ =	vpop (xrf0)  }
0x189: {  	v60 =	vnsel vm0, $0xC0000000, v44;
	v54, _, _ =	vpop (xrf0)  }
0x18a: {  	s22 =	spop (v2sf);
	[tilespmem:$0x1FEC0] =	vst v0;
	v0, _, _ =	vpop (xrf0);
	(xrf0) =	vmin.scan.msk.u32 $0xffff, v60  }
0x18b: {  	s22 =	sxor.u32 $0x80000000, s22;
	vm1 =	vlt.f32 v11, $+Inf;
	vm0 =	vgt.f32 v11, $+Inf  }
0x18c: {  	vm0 =	vmor vm0, vm1;
	vm1 =	veq.f32 v11, $+Inf;
	[tilespmem:$0x1FED0] =	vst v0;
	v0 =	vmov s22;
	v60, _, _ =	vpop (xrf0)  }
0x18d: {  	(v2sf) =	vpush v54, $0xF;
	v54 =	vbroadcast v53, $0xF;
	vm2 =	vlt.s32 v0, $0x40000000;
	v53, _, _ =	vpop (xrf0)  }
0x18e: {  	[tilespmem:$0x1FEE0] =	vst v53;
	vm1 =	vmand vm1, vm2;
	v53 =	vbroadcast v56, $0xF;
	v56, _, _ =	vpop (xrf0)  }
0x18f: {  	s24 =	spop (v2sf);
	vm2 =	veq.f32 v57, v54;
	vm0 =	vmor vm0, vm1;
	(v2sf) =	vpush v56, $0xF  }
0x190: {  	s22 =	sxor.u32 $0x80000000, s24;
	v56 =	vnsel vm2, $0xC0000000, v42;
	v11 =	vnsel vm0, $0x7F800000, v11;
	vm2 =	veq.f32 v4, v53;
	v4, _, _ =	vpop (xrf0)  }
0x191: {  	s23 =	spop (v2sf);
	v0 =	vnsel vm0, $0x40000000, v0;
	(xrf0) =	vmin.scan.msk.u32 $0xffff, v56;
	v56 =	vmov s22;
	(v2sf) =	vpush v4, $0xF;
	v4 =	vld [tilespmem:$0x1FEA0]  }
0x192: {  	vm0 =	veq.f32 v5, v11;
	vm1 =	vlt.s32 v56, v0  }
0x193: {  	vm3 =	vlt.f32 v5, v11;
	vm0 =	vmand vm0, vm1  }
0x194: {  	v41 =	vxor.u32 $0x80000000, v24;
	v40 =	vxor.u32 $0x80000000, v28;
	vm0 =	vmor vm3, vm0  }
0x195: {  	v38 =	vxor.u32 $0x80000000, v32;
	s23 =	sxor.u32 $0x80000000, s23;
	v56 =	vnsel vm2, $0xC0000000, v41;
	v5 =	vsel vm0, v5, v11  }
0x196: {  	(xrf0) =	vmin.scan.msk.u32 $0xffff, v56;
	v0 =	vsel vm0, s22, v0;
	v11 =	vmov s23;
	v4 =	vbroadcast v4, $0xF  }
0x197: {  	vm0 =	vlt.s32 v11, v0;
	vm1 =	vlt.f32 v13, v5;
	vm2 =	veq.f32 v13, v5  }
0x198: {  	s25 =	spop (v2sf);
	v11 =	vbroadcast v60, $0xF;
	vm0 =	vmand vm2, vm0;
	v60, _, _ =	vpop (xrf0);
	vm2 =	veq.f32 v55, v4  }
0x199: {  	s22 =	sxor.u32 $0x80000000, s25;
	vm0 =	vmor vm1, vm0;
	(v2sf) =	vpush v60, $0xF;
	v57 =	vnsel vm2, $0xC0000000, v40  }
0x19a: {  	v5 =	vsel vm0, v13, v5;
	v0 =	vsel vm0, s23, v0;
	v13 =	vmov s22;
	(xrf0) =	vmin.scan.msk.u32 $0xffff, v57  }
0x19b: {  	vm0 =	vlt.s32 v13, v0;
	vm1 =	veq.f32 v16, v5;
	vm3 =	vlt.f32 v16, v5  }
0x19c: {  	v13 =	vbroadcast v62, $0xF;
	vm2 =	veq.f32 v2, v11;
	v2, _, _ =	vpop (xrf0);
	vm0 =	vmand vm1, vm0;
	s26 =	spop (v2sf)  }
0x19d: {  	(v2sf) =	vpush v2, $0xF;
	v2 =	vnsel vm2, $0xC0000000, v38;
	vm0 =	vmor vm3, vm0;
	s23 =	sxor.u32 $0x80000000, s26  }
0x19e: {  	(xrf0) =	vmin.scan.msk.u32 $0xffff, v2;
	v2 =	vsel vm0, v16, v5;
	v0 =	vsel vm0, s22, v0;
	v5 =	vmov s23  }
0x19f: {  	vm0 =	vlt.s32 v5, v0;
	vm2 =	veq.f32 v59, v2  }
0x1a0: {  	v31 =	vxor.u32 $0x80000000, v25;
	v5 =	vld [tilespmem:$0x1FEB0];
	vm0 =	vmand vm2, vm0;
	vm2 =	veq.f32 v51, v13;
	s28 =	spop (v2sf);
	v16, _, _ =	vpop (xrf0)  }
0x1a1: {  	s22 =	sxor.u32 $0x80000000, s28;
	(v2sf) =	vpush v16, $0xF;
	v16 =	vnsel vm2, $0xC0000000, v31  }
0x1a2: {  	vm1 =	vlt.f32 v59, v2;
	(xrf0) =	vmin.scan.msk.u32 $0xffff, v16;
	v16 =	vmov s22  }
0x1a3: {  	vm0 =	vmor vm1, vm0  }
0x1a4: {  	v26 =	vxor.u32 $0x80000000, v29;
	v2 =	vsel vm0, v59, v2;
	v0 =	vsel vm0, s23, v0  }
0x1a5: {  	vm0 =	veq.f32 v63, v2;
	s29 =	spop (v2sf);
	v5 =	vbroadcast v5, $0xF;
	vm1 =	vlt.s32 v16, v0;
	v16, _, _ =	vpop (xrf0)  }
0x1a6: {  	vm3 =	vlt.f32 v63, v2;
	s23 =	sxor.u32 $0x80000000, s29;
	vm0 =	vmand vm0, vm1;
	(v2sf) =	vpush v16, $0xF;
	v16 =	vld [tilespmem:$0x1FEC0]  }
0x1a7: {  	v60 =	vmov s23;
	vm2 =	veq.f32 v61, v5;
	vm0 =	vmor vm3, vm0  }
0x1a8: {  	v59 =	vnsel vm2, $0xC0000000, v26;
	v2 =	vsel vm0, v63, v2;
	v0 =	vsel vm0, s22, v0  }
0x1a9: {  	(xrf0) =	vmin.scan.msk.u32 $0xffff, v59;
	vm0 =	vlt.s32 v60, v0;
	vm2 =	veq.f32 v1, v2  }
0x1aa: {  	s30 =	spop (v2sf);
	vm1 =	vlt.f32 v1, v2;
	vm0 =	vmand vm2, vm0  }
0x1ab: {  	s22 =	sxor.u32 $0x80000000, s30;
	vm0 =	vmor vm1, vm0;
	v16 =	vbroadcast v16, $0xF  }
0x1ac: {  	v62 =	vld [tilespmem:$0x1FF40];
	v1 =	vsel vm0, v1, v2;
	v2 =	vmov s22  }
0x1ad: {  	vm2 =	veq.f32 v3, v16;
	v3 =	vld [tilespmem:$0x1FED0]  }
0x1ae: {  	v61, _, _ =	vpop (xrf0);
	v0 =	vsel vm0, s23, v0  }
0x1af: {  	(v2sf) =	vpush v61, $0xF;
	vm0 =	vlt.s32 v2, v0;
	v2, _, _ =	vpop (xrf0)  }
0x1b0: {  	s31 =	spop (v2sf);
	(v2sf) =	vpush v2, $0xF;
	v2 =	vld [tilespmem:$0x1FF50];
	_ =	sdelay $0x1  }
0x1b1: {  	v51 =	vnsel vm2, $0xC0000000, v62;
	v3 =	vbroadcast v3, $0xF  }
0x1b2: {  	(xrf0) =	vmin.scan.msk.u32 $0xffff, v51  }
0x1b3: {  	vm2 =	veq.f32 v52, v3  }
0x1b4: {  	s23 =	sxor.u32 $0x80000000, s31;
	vm1 =	veq.f32 v54, v1;
	v2 =	vnsel vm2, $0xC0000000, v2  }
0x1b5: {  	vm3 =	vlt.f32 v54, v1;
	vm0 =	vmand vm1, vm0;
	(xrf0) =	vmin.scan.msk.u32 $0xffff, v2;
	v2 =	vmov s23  }
0x1b6: {  	v63 =	vld [tilespmem:$0x1FEE0];
	vm0 =	vmor vm3, vm0  }
0x1b7: {  	v0 =	vsel vm0, s22, v0  }
0x1b8: {  	v1 =	vsel vm0, v54, v1;
	vm0 =	vlt.s32 v2, v0;
	v2, _, _ =	vpop (xrf0)  }
0x1b9: {  	s24 =	spop (v2sf);
	(v2sf) =	vpush v2, $0xF;
	v2 =	vld [tilespmem:$0x1FF60];
	_ =	sdelay $0x1  }
0x1ba: {  	v51 =	vbroadcast v63, $0xF;
	_ =	sdelay $0x1  }
0x1bb: {  	vm1 =	veq.f32 v53, v1;
	vm2 =	veq.f32 v58, v51  }
0x1bc: {  	vm3 =	vlt.f32 v53, v1;
	s22 =	sxor.u32 $0x80000000, s24;
	vm0 =	vmand vm1, vm0;
	v2 =	vnsel vm2, $0xC0000000, v2  }
0x1bd: {  	vm0 =	vmor vm3, vm0;
	(xrf0) =	vmin.scan.msk.u32 $0xffff, v2;
	v2 =	vmov s22  }
0x1be: {  	v1 =	vsel vm0, v53, v1;
	v0 =	vsel vm0, s23, v0  }
0x1bf: {  	s25 =	spop (v2sf);
	vm0 =	veq.f32 v4, v1;
	vm1 =	vlt.s32 v2, v0  }
0x1c0: {  	s23 =	sxor.u32 $0x80000000, s25;
	vm2 =	vlt.f32 v4, v1;
	vm0 =	vmand vm0, vm1;
	v2, _, _ =	vpop (xrf0)  }
0x1c1: {  	vm0 =	vmor vm2, vm0;
	(v2sf) =	vpush v2, $0xF;
	v2 =	vmov s23  }
0x1c2: {  	v1 =	vsel vm0, v4, v1;
	v0 =	vsel vm0, s22, v0  }
0x1c3: {  	vm0 =	veq.f32 v11, v1;
	vm1 =	vlt.s32 v2, v0  }
0x1c4: {  	s26 =	spop (v2sf);
	vm2 =	vlt.f32 v11, v1;
	vm0 =	vmand vm0, vm1;
	v2, _, _ =	vpop (xrf0)  }
0x1c5: {  	s22 =	sxor.u32 $0x80000000, s26;
	vm0 =	vmor vm2, vm0;
	(v2sf) =	vpush v2, $0xF  }
0x1c6: {  	v1 =	vsel vm0, v11, v1;
	v0 =	vsel vm0, s23, v0;
	v2 =	vmov s22  }
0x1c7: {  	vm0 =	vlt.s32 v2, v0;
	vm1 =	veq.f32 v13, v1  }
0x1c8: {  	s28 =	spop (v2sf);
	vm2 =	vlt.f32 v13, v1;
	vm0 =	vmand vm1, vm0  }
0x1c9: {  	s23 =	sxor.u32 $0x80000000, s28;
	vm0 =	vmor vm2, vm0  }
0x1ca: {  	v2 =	vmov s23;
	v1 =	vsel vm0, v13, v1;
	v0 =	vsel vm0, s22, v0  }
0x1cb: {  	vm0 =	vlt.s32 v2, v0;
	vm1 =	veq.f32 v5, v1  }
0x1cc: {  	s29 =	spop (v2sf);
	vm2 =	vlt.f32 v5, v1;
	vm0 =	vmand vm1, vm0  }
0x1cd: {  	s22 =	sxor.u32 $0x80000000, s29;
	vm0 =	vmor vm2, vm0  }
0x1ce: {  	v2 =	vmov s22;
	v1 =	vsel vm0, v5, v1;
	v0 =	vsel vm0, s23, v0  }
0x1cf: {  	vm0 =	vlt.s32 v2, v0;
	vm1 =	veq.f32 v16, v1  }
0x1d0: {  	vm2 =	vlt.f32 v16, v1;
	vm0 =	vmand vm1, vm0;
	s30 =	spop (v2sf)  }
0x1d1: {  	vm0 =	vmor vm2, vm0;
	s23 =	sxor.u32 $0x80000000, s30  }
0x1d2: {  	v1 =	vsel vm0, v16, v1;
	v0 =	vsel vm0, s22, v0;
	v2 =	vmov s23  }
0x1d3: {  	vm0 =	veq.f32 v3, v1;
	vm1 =	vlt.s32 v2, v0  }
0x1d4: {  	vm2 =	vlt.f32 v3, v1;
	s31 =	spop (v2sf);
	vm0 =	vmand vm0, vm1  }
0x1d5: {  	vm0 =	vmor vm2, vm0;
	s22 =	sxor.u32 $0x80000000, s31  }
0x1d6: {  	v1 =	vsel vm0, v3, v1;
	v0 =	vsel vm0, s23, v0;
	v2 =	vmov s22  }
0x1d7: {  	vm0 =	veq.f32 v51, v1;
	vm1 =	vlt.s32 v2, v0  }
0x1d8: {  	vm2 =	vlt.f32 v51, v1;
	vm0 =	vmand vm0, vm1  }
0x1d9: {  	vm0 =	vmor vm2, vm0  }
0x1da: {  	v53 =	vsel vm0, v51, v1;
	v54 =	vsel vm0, s22, v0  }
0x1db: {  	v0 =	vimm.s32 $0x0;
	vm0 =	vgt.f32 v12, v53;
	vm1 =	vgt.f32 v14, v53  }
0x1dc: {  	vm2 =	veq.f32 v6, v53;
	vm3 =	vgt.s32 v20, v54;
	v0 =	vsel vm1, $0xFFFFFFFF, v0  }
0x1dd: {  	vm5 =	vgt.s32 v21, v54;
	vm1 =	vgt.s32 v43, v54;
	[tilespmem:$0x1FEF0] =	vst v0;
	v0 =	vimm.s32 $0x0  }
0x1de: {  	vm14 =	vgt.f32 v6, v53;
	vm2 =	vmand vm2, vm3;
	v0 =	vsel vm1, $0xFFFFFFFF, v0  }
0x1df: {  	vm3 =	veq.f32 v12, v53;
	vm1 =	veq.f32 v14, v53;
	[tilespmem:$0x1FF00] =	vst v0;
	v0 =	vimm.s32 $0x0  }
0x1e0: {  	vm2 =	vmor vm14, vm2;
	vm3 =	vmand vm3, vm5;
	v0 =	vsel vm1, $0xFFFFFFFF, v0  }
0x1e1: {  	vm5 =	vgt.s32 v19, v54;
	vm1 =	vgt.f32 v33, v53;
	[tilespmem:$0x1FF10] =	vst v0;
	v0 =	vimm.s32 $0x0  }
0x1e2: {  	vm14 =	vmor vm0, vm3;
	v0 =	vsel vm1, $0xFFFFFFFF, v0;
	vm1 =	veq.f32 v7, v53  }
0x1e3: {  	vm3 =	vgt.s32 v23, v54;
	vm0 =	vmand vm1, vm5;
	vm1 =	veq.f32 v10, v53  }
0x1e4: {  	v1 =	vimm.s32 $0x0;
	vm5 =	vmand vm1, vm3;
	vm1 =	vgt.f32 v37, v53  }
0x1e5: {  	v1 =	vsel vm1, $0xFFFFFFFF, v1  }
0x1e6: {  	[tilespmem:$0x1FF30] =	vst v1;
	v1 =	vld [tilespmem:$0x1FF90]  }
0x1e7: {  	vm9 =	veq.f32 v15, v53;
	vm8 =	vgt.s32 v32, v54  }
0x1e8: {  	vm6 =	vgt.f32 v17, v53;
	vm12 =	vgt.f32 v9, v53;
	vm13 =	vgt.s32 v24, v54  }
0x1e9: {  	vm10 =	veq.f32 v33, v53;
	vm11 =	vgt.f32 v15, v53;
	vm15 =	vgt.s32 v28, v54  }
0x1ea: {  	vm7 =	vgt.s32 v18, v54;
	v51 =	vld.idx.msk [tilespmem:v54+s4+$0x0], $0xffff;
	[tilespmem:$0x1FF20] =	vst v0;
	v0 =	vnsel vm2, $0x7F800000, v6;
	vm2 =	vgt.f32 v7, v53  }
0x1eb: {  	s22 =	simm.s32 $0xE;
	v52 =	vld.idx.msk [tilespmem:v54+s10+$0x0], $0xffff;
	vm2 =	vmor vm2, vm0;
	vm0 =	veq.f32 v9, v53;
	(xrf0) =	vmin.scan.msk.f32 $0xffff, v0;
	vm1 =	vgt.s32 v1, v54  }
.LBB2_7:
0x1ec: {  	v2 =	vld [tilespmem:$0x1FFE0];
	_ =	sdelay $0x4  }
0x1ed: {  	v1 =	vnsel vm2, $0x7F800000, v7;
	vm2 =	vgt.s32 v2, v54;
	v2 =	vld [tilespmem:$0x1FFB0];
	v3, _, _ =	vpop (xrf0)  }
0x1ee: {  	v60 =	vbroadcast v3, $0xF;
	v3 =	vld [tilespmem:$0x1FF20]  }
0x1ef: {  	vm3 =	veq.f32 v17, v53;
	vm0 =	vmand vm0, vm1;
	vm1 =	vmand vm9, vm2  }
0x1f0: {  	vm2 =	vmand vm3, vm8;
	vm8 =	vmor vm11, vm1;
	vm1 =	veq.f32 v30, v53  }
0x1f1: {  	vm0 =	vmor vm12, vm0;
	vm9 =	vgt.f32 v30, v53;
	vm1 =	vmand vm1, vm13  }
0x1f2: {  	(xrf0) =	vmin.scan.msk.f32 $0xffff, v1;
	vm3 =	vgt.s32 v2, v54;
	v2 =	vnsel vm0, $0x7F800000, v9;
	vm0 =	vmor vm9, vm1  }
0x1f3: {  	v58 =	vnsel vm0, $0x7F800000, v30;
	vm0 =	vnez.u8 v3;
	v3 =	vld [tilespmem:$0x1FF10];
	_ =	sdelay $0x3  }
0x1f4: {  	vm1 =	vmand vm10, vm15  }
0x1f5: {  	(xrf0) =	vmin.scan.msk.f32 $0xffff, v2;
	vm0 =	vmor vm0, vm1;
	vm1 =	vnez.u8 v3;
	v3, _, _ =	vpop (xrf0)  }
0x1f6: {  	(xrf0) =	vmin.scan.msk.f32 $0xffff, v58;
	v55 =	vnsel vm0, $0x7F800000, v33;
	v59 =	vbroadcast v3, $0xF;
	v3 =	vld [tilespmem:$0x1FEF0]  }
0x1f7: {  	vm4 =	veq.f32 v36, v53;
	vm0 =	veq.f32 v0, v60;
	v0 =	vnsel vm14, $0x7F800000, v12;
	(xrf0) =	vmin.scan.msk.f32 $0xffff, v55  }
0x1f8: {  	vm2 =	vmor vm6, vm2;
	vm6 =	vgt.s32 v25, v54;
	v4 =	vnsel vm0, $0xC0000000, v50;
	(xrf0) =	vmin.scan.msk.f32 $0xffff, v0  }
0x1f9: {  	vm4 =	vmand vm4, vm6;
	vm1 =	vmand vm1, vm3;
	(xrf0) =	vmin.scan.msk.u32 $0xffff, v4;
	vm3 =	veq.f32 v1, v59  }
0x1fa: {  	vm9 =	vmmov vm7;
	v1 =	vnsel vm3, $0xC0000000, v49;
	vm3 =	vgt.f32 v36, v53  }
0x1fb: {  	vm7 =	vgt.f32 v39, v53;
	v4, _, _ =	vpop (xrf0);
	vm3 =	vmor vm3, vm4;
	vm0 =	vnez.u8 v3  }
0x1fc: {  	v19, _, _ =	vpop (xrf0);
	vm4 =	vgt.s32 v29, v54;
	(xrf0) =	vmin.scan.msk.u32 $0xffff, v1;
	vm0 =	vmor vm0, vm1;
	vm1 =	veq.f32 v39, v53  }
0x1fd: {  	v61 =	vbroadcast v4, $0xF;
	v16, _, _ =	vpop (xrf0);
	v3 =	vnsel vm0, $0x7F800000, v14;
	vm1 =	vmand vm1, vm4  }
0x1fe: {  	[tilespmem:v51+s15+$0x0] =	vst.idx.add.f32.msk $0x1, v52;
	v56 =	vnsel vm3, $0x7F800000, v36;
	v1, _, _ =	vpop (xrf0);
	vm1 =	vmor vm7, vm1;
	(xrf0) =	vmin.scan.msk.f32 $0xffff, v3  }
0x1ff: {  	vm4 =	veq.f32 v2, v61;
	v2, _, _ =	vpop (xrf0);
	vm7 =	vgt.f32 v10, v53;
	v51 =	vnsel vm1, $0x7F800000, v39;
	(xrf0) =	vmin.scan.msk.f32 $0xffff, v56  }
0x200: {  	vm6 =	vgt.s32 v27, v54;
	v4 =	vnsel vm4, $0xC0000000, v48;
	vm1 =	vmor vm7, vm5;
	(xrf0) =	vmin.scan.msk.f32 $0xffff, v51  }
0x201: {  	vm3 =	veq.f32 v35, v53;
	v62 =	vbroadcast v1, $0xF;
	v5 =	vnsel vm1, $0x7F800000, v10;
	(xrf0) =	vmin.scan.msk.u32 $0xffff, v4  }
0x202: {  	vm0 =	vgt.f32 v35, v53;
	vm1 =	vmand vm3, vm6;
	v1, _, _ =	vpop (xrf0);
	(xrf0) =	vmin.scan.msk.f32 $0xffff, v5  }
0x203: {  	(v2sf) =	vpush v2, $0xF;
	vm0 =	vmor vm0, vm1;
	vm1 =	veq.f32 v0, v62  }
0x204: {  	(v2sf) =	vpush v1, $0xF;
	v0 =	vnsel vm1, $0xC0000000, v47;
	v1, _, _ =	vpop (xrf0)  }
0x205: {  	v18 =	vnsel vm8, $0x7F800000, v15;
	v11, _, _ =	vpop (xrf0)  }
0x206: {  	(xrf0) =	vmin.scan.msk.f32 $0xffff, v18;
	v4, _, _ =	vpop (xrf0)  }
0x207: {  	(xrf0) =	vmin.scan.msk.u32 $0xffff, v0;
	v0, _, _ =	vpop (xrf0)  }
0x208: {  	vm4 =	vgt.f32 v8, v53;
	vm3 =	veq.f32 v8, v53;
	(v2sf) =	vpush v0, $0xF;
	v0, _, _ =	vpop (xrf0)  }
0x209: {  	vm3 =	vmand vm3, vm9;
	v2 =	vbroadcast v1, $0xF;
	v1 =	vbroadcast v0, $0xF;
	v0 =	vld [tilespmem:$0x1FF00]  }
0x20a: {  	vm1 =	vmor vm4, vm3;
	v57 =	vnsel vm0, $0x7F800000, v35  }
0x20b: {  	vm0 =	veq.f32 v34, v53;
	v63 =	vnsel vm1, $0x7F800000, v8;
	vm1 =	vgt.s32 v22, v54  }
0x20c: {  	vm5 =	vgt.f32 v34, v53;
	vm0 =	vmand vm0, vm1  }
0x20d: {  	vm0 =	vmor vm5, vm0  }
0x20e: {  	vm3 =	veq.f32 v37, v53;
	v53 =	vnsel vm0, $0x7F800000, v34;
	vm0 =	vnez.u8 v0;
	v0 =	vld [tilespmem:$0x1FF30];
	_ =	sdelay $0x1  }
0x20f: {  	(xrf0) =	vmin.scan.msk.f32 $0xffff, v63  }
0x210: {  	vm4 =	veq.f32 v3, v2  }
0x211: {  	(xrf0) =	vmin.scan.msk.f32 $0xffff, v57;
	v13 =	vnsel vm4, $0xC0000000, v46  }
0x212: {  	v21 =	vnsel vm2, $0x7F800000, v17;
	(xrf0) =	vmin.scan.msk.u32 $0xffff, v13;
	vm1 =	vmand vm3, vm0;
	vm2 =	vnez.u8 v0  }
0x213: {  	v3, _, _ =	vpop (xrf0);
	(xrf0) =	vmin.scan.msk.f32 $0xffff, v53;
	vm1 =	vmor vm2, vm1  }
0x214: {  	v0, _, _ =	vpop (xrf0);
	(xrf0) =	vmin.scan.msk.f32 $0xffff, v21;
	vm2 =	veq.f32 v5, v1;
	v52 =	vnsel vm1, $0x7F800000, v37  }
0x215: {  	(v2sf) =	vpush v0, $0xF;
	v0, _, _ =	vpop (xrf0);
	v5 =	vnsel vm2, $0xC0000000, v45;
	(xrf0) =	vmin.scan.msk.f32 $0xffff, v52  }
0x216: {  	v0 =	vbroadcast v0, $0xF;
	(xrf0) =	vmin.scan.msk.u32 $0xffff, v5  }
0x217: {  	v13, _, _ =	vpop (xrf0)  }
0x218: {  	s23 =	spop (v2sf);
	vm1 =	veq.f32 v63, v0;
	v5, _, _ =	vpop (xrf0)  }
0x219: {  	s23 =	sxor.u32 $0x80000000, s23;
	vm0 =	vlt.f32 v60, $+Inf;
	v54 =	vnsel vm1, $0xC0000000, v44;
	(v2sf) =	vpush v5, $0xF;
	v5, _, _ =	vpop (xrf0)  }
0x21a: {  	v20 =	vmov s23;
	v63 =	vbroadcast v3, $0xF;
	vm1 =	vgt.f32 v60, $+Inf;
	(xrf0) =	vmin.scan.msk.u32 $0xffff, v54;
	v23, _, _ =	vpop (xrf0)  }
0x21b: {  	vm2 =	vlt.s32 v20, $0x40000000;
	vm0 =	vmor vm1, vm0;
	vm1 =	veq.f32 v60, $+Inf;
	v3, _, _ =	vpop (xrf0)  }
0x21c: {  	s30 =	spop (v2sf);
	v54 =	vbroadcast v19, $0xF;
	vm1 =	vmand vm1, vm2;
	vm2 =	veq.f32 v18, v63;
	v18, _, _ =	vpop (xrf0)  }
0x21d: {  	s23 =	sxor.u32 $0x80000000, s30;
	vm0 =	vmor vm0, vm1;
	v19 =	vnsel vm2, $0xC0000000, v42;
	(v2sf) =	vpush v18, $0xF  }
0x21e: {  	v20 =	vnsel vm0, $0x40000000, v20;
	(xrf0) =	vmin.scan.msk.u32 $0xffff, v19;
	v18 =	vnsel vm0, $0x7F800000, v60;
	v60 =	vmov s23  }
0x21f: {  	vm0 =	vlt.f32 v59, v18;
	vm1 =	veq.f32 v59, v18;
	vm2 =	vlt.s32 v60, v20  }
0x220: {  	s24 =	spop (v2sf);
	vm1 =	vmand vm1, vm2;
	vm2 =	veq.f32 v58, v54;
	v58 =	vbroadcast v16, $0xF;
	v16, _, _ =	vpop (xrf0)  }
0x221: {  	s24 =	sxor.u32 $0x80000000, s24;
	vm0 =	vmor vm0, vm1;
	v19 =	vnsel vm2, $0xC0000000, v41;
	(v2sf) =	vpush v16, $0xF  }
0x222: {  	v16 =	vsel vm0, v59, v18;
	v18 =	vsel vm0, s23, v20;
	v20 =	vmov s24;
	(xrf0) =	vmin.scan.msk.u32 $0xffff, v19  }
0x223: {  	v60 =	vbroadcast v23, $0xF;
	vm1 =	veq.f32 v61, v16;
	vm2 =	vlt.s32 v20, v18  }
0x224: {  	vm0 =	vlt.f32 v61, v16;
	s31 =	spop (v2sf);
	vm1 =	vmand vm1, vm2;
	vm2 =	veq.f32 v55, v58;
	v19, _, _ =	vpop (xrf0)  }
0x225: {  	s23 =	sxor.u32 $0x80000000, s31;
	vm0 =	vmor vm0, vm1;
	v20 =	vnsel vm2, $0xC0000000, v40;
	(v2sf) =	vpush v19, $0xF  }
0x226: {  	v19 =	vmov s23;
	v16 =	vsel vm0, v61, v16;
	v18 =	vsel vm0, s24, v18;
	(xrf0) =	vmin.scan.msk.u32 $0xffff, v20  }
0x227: {  	vm2 =	veq.f32 v21, v60;
	vm0 =	veq.f32 v62, v16;
	vm1 =	vlt.s32 v19, v18  }
0x228: {  	v61 =	vbroadcast v11, $0xF;
	vm3 =	vlt.f32 v62, v16;
	vm0 =	vmand vm0, vm1;
	s25 =	spop (v2sf);
	v20, _, _ =	vpop (xrf0)  }
0x229: {  	v19 =	vnsel vm2, $0xC0000000, v38;
	vm0 =	vmor vm3, vm0;
	s24 =	sxor.u32 $0x80000000, s25;
	(v2sf) =	vpush v20, $0xF  }
0x22a: {  	(xrf0) =	vmin.scan.msk.u32 $0xffff, v19;
	v11 =	vsel vm0, v62, v16;
	v16 =	vsel vm0, s23, v18;
	v18 =	vmov s24  }
0x22b: {  	v62 =	vbroadcast v4, $0xF;
	vm1 =	veq.f32 v2, v11;
	vm2 =	vlt.s32 v18, v16  }
0x22c: {  	vm0 =	vlt.f32 v2, v11;
	vm1 =	vmand vm1, vm2;
	vm2 =	veq.f32 v56, v61;
	v4, _, _ =	vpop (xrf0);
	s26 =	spop (v2sf)  }
0x22d: {  	vm0 =	vmor vm0, vm1;
	v18 =	vnsel vm2, $0xC0000000, v31;
	(v2sf) =	vpush v4, $0xF;
	s23 =	sxor.u32 $0x80000000, s26  }
0x22e: {  	v4 =	vsel vm0, v2, v11;
	v11 =	vsel vm0, s24, v16;
	(xrf0) =	vmin.scan.msk.u32 $0xffff, v18;
	v16 =	vmov s23  }
0x22f: {  	vm1 =	veq.f32 v1, v4;
	vm2 =	vlt.s32 v16, v11  }
0x230: {  	v2, _, _ =	vpop (xrf0);
	vm0 =	vlt.f32 v1, v4;
	s28 =	spop (v2sf);
	vm1 =	vmand vm1, vm2  }
0x231: {  	(v2sf) =	vpush v2, $0xF;
	vm2 =	veq.f32 v51, v62;
	s24 =	sxor.u32 $0x80000000, s28;
	vm0 =	vmor vm0, vm1  }
0x232: {  	v4 =	vsel vm0, v1, v4;
	v11 =	vsel vm0, s23, v11;
	v1 =	vmov s24  }
0x233: {  	v16 =	vnsel vm2, $0xC0000000, v26;
	vm1 =	veq.f32 v0, v4;
	vm2 =	vlt.s32 v1, v11  }
0x234: {  	vm0 =	vlt.f32 v0, v4;
	v1 =	vbroadcast v5, $0xF;
	s29 =	spop (v2sf);
	v5, _, _ =	vpop (xrf0);
	vm1 =	vmand vm1, vm2  }
0x235: {  	v2 =	vbroadcast v13, $0xF;
	v13 =	vld [tilespmem:$0x1FF40];
	s23 =	sxor.u32 $0x80000000, s29;
	(v2sf) =	vpush v5, $0xF;
	vm0 =	vmor vm0, vm1  }
0x236: {  	v5 =	vmov s23;
	v0 =	vsel vm0, v0, v4;
	v4 =	vsel vm0, s24, v11  }
0x237: {  	(xrf0) =	vmin.scan.msk.u32 $0xffff, v16;
	vm1 =	vlt.s32 v5, v4;
	v5 =	vld [tilespmem:$0x1FF50];
	_ =	sdelay $0x1  }
0x238: {  	vm2 =	veq.f32 v57, v2  }
0x239: {  	v13 =	vnsel vm2, $0xC0000000, v13;
	vm0 =	veq.f32 v63, v0  }
0x23a: {  	vm2 =	veq.f32 v53, v1;
	vm3 =	vlt.f32 v63, v0;
	s30 =	spop (v2sf);
	vm0 =	vmand vm0, vm1  }
0x23b: {  	(xrf0) =	vmin.scan.msk.u32 $0xffff, v13;
	s24 =	sxor.u32 $0x80000000, s30;
	vm0 =	vmor vm3, vm0;
	v5 =	vnsel vm2, $0xC0000000, v5  }
0x23c: {  	v11, _, _ =	vpop (xrf0);
	v4 =	vsel vm0, s23, v4;
	(xrf0) =	vmin.scan.msk.u32 $0xffff, v5;
	v5 =	vmov s24  }
0x23d: {  	vm1 =	vlt.s32 v5, v4;
	v5 =	vld [tilespmem:$0x1FF60]  }
0x23e: {  	(v2sf) =	vpush v11, $0xF  }
0x23f: {  	v3 =	vbroadcast v3, $0xF;
	v0 =	vsel vm0, v63, v0  }
0x240: {  	vm0 =	veq.f32 v54, v0  }
0x241: {  	vm3 =	vlt.f32 v54, v0;
	s31 =	spop (v2sf);
	vm2 =	veq.f32 v52, v3;
	v11, _, _ =	vpop (xrf0);
	vm0 =	vmand vm0, vm1  }
0x242: {  	s23 =	sxor.u32 $0x80000000, s31;
	(v2sf) =	vpush v11, $0xF;
	vm0 =	vmor vm3, vm0;
	v5 =	vnsel vm2, $0xC0000000, v5  }
0x243: {  	v11 =	vmov s23;
	v0 =	vsel vm0, v54, v0;
	v4 =	vsel vm0, s24, v4;
	(xrf0) =	vmin.scan.msk.u32 $0xffff, v5  }
0x244: {  	vm0 =	veq.f32 v58, v0;
	vm1 =	vlt.s32 v11, v4  }
0x245: {  	s25 =	spop (v2sf);
	vm2 =	vlt.f32 v58, v0;
	vm0 =	vmand vm0, vm1;
	v5, _, _ =	vpop (xrf0)  }
0x246: {  	s24 =	sxor.u32 $0x80000000, s25;
	vm0 =	vmor vm2, vm0;
	(v2sf) =	vpush v5, $0xF  }
0x247: {  	v11 =	vmov s24;
	v0 =	vsel vm0, v58, v0;
	v4 =	vsel vm0, s23, v4  }
0x248: {  	vm0 =	veq.f32 v60, v0;
	vm1 =	vlt.s32 v11, v4  }
0x249: {  	s26 =	spop (v2sf);
	vm2 =	vlt.f32 v60, v0;
	vm0 =	vmand vm0, vm1;
	v5, _, _ =	vpop (xrf0)  }
0x24a: {  	s23 =	sxor.u32 $0x80000000, s26;
	vm0 =	vmor vm2, vm0;
	(v2sf) =	vpush v5, $0xF  }
0x24b: {  	v0 =	vsel vm0, v60, v0;
	v4 =	vsel vm0, s24, v4;
	v5 =	vmov s23  }
0x24c: {  	vm0 =	veq.f32 v61, v0;
	vm1 =	vlt.s32 v5, v4  }
0x24d: {  	s28 =	spop (v2sf);
	vm2 =	vlt.f32 v61, v0;
	vm0 =	vmand vm0, vm1  }
0x24e: {  	s24 =	sxor.u32 $0x80000000, s28;
	vm0 =	vmor vm2, vm0  }
0x24f: {  	v5 =	vmov s24;
	v0 =	vsel vm0, v61, v0;
	v4 =	vsel vm0, s23, v4  }
0x250: {  	vm0 =	veq.f32 v62, v0;
	vm1 =	vlt.s32 v5, v4  }
0x251: {  	s29 =	spop (v2sf);
	vm2 =	vlt.f32 v62, v0;
	vm0 =	vmand vm0, vm1  }
0x252: {  	s23 =	sxor.u32 $0x80000000, s29;
	vm0 =	vmor vm2, vm0  }
0x253: {  	v5 =	vmov s23;
	v0 =	vsel vm0, v62, v0;
	v4 =	vsel vm0, s24, v4  }
0x254: {  	vm0 =	veq.f32 v2, v0;
	vm1 =	vlt.s32 v5, v4  }
0x255: {  	vm2 =	vlt.f32 v2, v0;
	vm0 =	vmand vm0, vm1;
	s30 =	spop (v2sf)  }
0x256: {  	vm0 =	vmor vm2, vm0;
	s24 =	sxor.u32 $0x80000000, s30  }
0x257: {  	v0 =	vsel vm0, v2, v0;
	v2 =	vsel vm0, s23, v4;
	v4 =	vmov s24  }
0x258: {  	vm0 =	veq.f32 v1, v0;
	vm1 =	vlt.s32 v4, v2  }
0x259: {  	vm2 =	vlt.f32 v1, v0;
	s31 =	spop (v2sf);
	vm0 =	vmand vm0, vm1  }
0x25a: {  	vm0 =	vmor vm2, vm0;
	s23 =	sxor.u32 $0x80000000, s31  }
0x25b: {  	v0 =	vsel vm0, v1, v0;
	v1 =	vsel vm0, s24, v2;
	v2 =	vmov s23  }
0x25c: {  	vm0 =	veq.f32 v3, v0;
	vm1 =	vlt.s32 v2, v1  }
0x25d: {  	vm2 =	vlt.f32 v3, v0;
	vm0 =	vmand vm0, vm1  }
0x25e: {  	vm0 =	vmor vm2, vm0  }
0x25f: {  	v53 =	vsel vm0, v3, v0  }
0x260: {  	v54 =	vsel vm0, s23, v1;
	v0 =	vimm.s32 $0x0;
	vm0 =	vgt.f32 v14, v53  }
0x261: {  	v0 =	vsel vm0, $0xFFFFFFFF, v0  }
0x262: {  	vm0 =	vgt.s32 v43, v54;
	[tilespmem:$0x1FEF0] =	vst v0;
	v0 =	vimm.s32 $0x0  }
0x263: {  	v0 =	vsel vm0, $0xFFFFFFFF, v0  }
0x264: {  	vm0 =	veq.f32 v14, v53;
	[tilespmem:$0x1FF00] =	vst v0;
	v0 =	vimm.s32 $0x0  }
0x265: {  	v0 =	vsel vm0, $0xFFFFFFFF, v0  }
0x266: {  	vm0 =	vgt.f32 v33, v53;
	[tilespmem:$0x1FF10] =	vst v0;
	v0 =	vimm.s32 $0x0  }
0x267: {  	v0 =	vsel vm0, $0xFFFFFFFF, v0  }
0x268: {  	[tilespmem:$0x1FF20] =	vst v0;
	v0 =	vld [tilespmem:$0x1FFA0];
	_ =	sdelay $0x4  }
0x269: {  	vm1 =	vgt.s32 v0, v54;
	v0 =	vld [tilespmem:$0x1FF80];
	_ =	sdelay $0x4  }
0x26a: {  	vm4 =	vgt.s32 v0, v54;
	v0 =	vld [tilespmem:$0x1FF70];
	_ =	sdelay $0x2  }
0x26b: {  	v1 =	vld [tilespmem:$0x1FF90];
	_ =	sdelay $0x1  }
0x26c: {  	vm6 =	vgt.f32 v37, v53;
	vm15 =	vgt.s32 v0, v54;
	v0 =	vimm.s32 $0x0  }
0x26d: {  	vm14 =	veq.f32 v6, v53;
	v0 =	vsel vm6, $0xFFFFFFFF, v0  }
0x26e: {  	vm6 =	vgt.f32 v6, v53;
	vm14 =	vmand vm14, vm15;
	vm15 =	veq.f32 v12, v53  }
0x26f: {  	vm6 =	vmor vm6, vm14;
	vm14 =	vmand vm15, vm1;
	vm1 =	vgt.s32 v1, v54;
	v1 =	vld [tilespmem:$0x1FFC0];
	_ =	sdelay $0x3  }
0x270: {  	vm9 =	veq.f32 v15, v53;
	vm8 =	vgt.s32 v32, v54;
	vm2 =	veq.f32 v7, v53  }
0x271: {  	p0 =	sne.s32 s22, $0x1;
	vm3 =	vgt.f32 v12, v53;
	vm2 =	vmand vm2, vm4;
	vm4 =	vgt.s32 v1, v54;
	v1 =	vld [tilespmem:$0x1FFD0]  }
.Ltmp3:
0x272: {  	vm7 =	vgt.f32 v17, v53;
	vm12 =	vgt.f32 v9, v53;
	vm13 =	vgt.s32 v24, v54;
	(pc) =	sbr.rel @p0 .LBB2_7-.Ltmp3, $4  }
0x273: {  	vm10 =	veq.f32 v33, v53;
	vm11 =	vgt.f32 v15, v53;
	vm5 =	vgt.f32 v7, v53  }
0x274: {  	vm0 =	veq.f32 v9, v53;
	vm2 =	vmor vm5, vm2;
	vm15 =	vgt.s32 v28, v54  }
0x275: {  	v51 =	vld.idx.msk [tilespmem:v54+s4+$0x0], $0xffff;
	[tilespmem:$0x1FF30] =	vst v0;
	v0 =	vnsel vm6, $0x7F800000, v6;
	vm14 =	vmor vm3, vm14;
	vm3 =	veq.f32 v10, v53  }
0x276: {  	s22 =	sadd.s32 $0xFFFFFFFF, s22;
	v52 =	vld.idx.msk [tilespmem:v54+s10+$0x0], $0xffff;
	vm6 =	vmmov vm7;
	(xrf0) =	vmin.scan.msk.f32 $0xffff, v0;
	vm5 =	vmand vm3, vm4;
	vm7 =	vgt.s32 v1, v54  }
0x277: {  	v2 =	vld [tilespmem:$0x1FFE0]  }
0x278: {  	v3 =	vld [tilespmem:$0x1FF20];
	_ =	sdelay $0x3  }
0x279: {  	vm0 =	vmand vm0, vm1;
	vm4 =	vgt.s32 v2, v54  }
0x27a: {  	vm1 =	vmand vm9, vm4;
	vm9 =	vmand vm10, vm15;
	vm10 =	vnez.u8 v3;
	v3 =	vld [tilespmem:$0x1FFB0];
	_ =	sdelay $0x2  }
0x27b: {  	v1 =	vnsel vm2, $0x7F800000, v7  }
0x27c: {  	v7 =	vld [tilespmem:$0x1FEF0];
	(xrf0) =	vmin.scan.msk.f32 $0xffff, v1;
	vm0 =	vmor vm12, vm0;
	vm4 =	veq.f32 v30, v53  }
0x27d: {  	vm2 =	vmand vm4, vm13;
	vm4 =	vgt.f32 v30, v53;
	vm12 =	vgt.s32 v3, v54;
	v3 =	vld [tilespmem:$0x1FF10]  }
0x27e: {  	v4 =	vnsel vm0, $0x7F800000, v9;
	v59, _, _ =	vpop (xrf0);
	vm2 =	vmor vm4, vm2  }
0x27f: {  	(xrf0) =	vmin.scan.msk.f32 $0xffff, v4;
	v11 =	vbroadcast v59, $0xF;
	vm0 =	vmor vm10, vm9;
	v6 =	vnsel vm2, $0x7F800000, v30  }
0x280: {  	vm3 =	veq.f32 v17, v53;
	v5 =	vnsel vm14, $0x7F800000, v12;
	v60 =	vnsel vm0, $0x7F800000, v33;
	(xrf0) =	vmin.scan.msk.f32 $0xffff, v6  }
0x281: {  	vm8 =	vmand vm3, vm8;
	vm14 =	vnez.u8 v7;
	vm15 =	veq.f32 v0, v11;
	(xrf0) =	vmin.scan.msk.f32 $0xffff, v60  }
0x282: {  	vm10 =	veq.f32 v36, v53;
	v0 =	vnsel vm15, $0xC0000000, v50;
	(xrf0) =	vmin.scan.msk.f32 $0xffff, v5;
	vm13 =	vnez.u8 v3;
	v3, _, _ =	vpop (xrf0)  }
0x283: {  	vm4 =	veq.f32 v8, v53;
	vm15 =	vgt.f32 v39, v53;
	(xrf0) =	vmin.scan.msk.u32 $0xffff, v0;
	v7 =	vbroadcast v3, $0xF  }
0x284: {  	vm0 =	vmand vm13, vm12;
	vm12 =	vgt.f32 v36, v53;
	vm13 =	veq.f32 v39, v53  }
0x285: {  	v62, _, _ =	vpop (xrf0);
	vm2 =	vmor vm14, vm0;
	vm0 =	vmor vm11, vm1;
	vm9 =	veq.f32 v1, v7  }
0x286: {  	vm11 =	vgt.s32 v25, v54;
	v13 =	vnsel vm2, $0x7F800000, v14;
	v14, _, _ =	vpop (xrf0);
	v61 =	vnsel vm9, $0xC0000000, v49  }
0x287: {  	vm14 =	vgt.s32 v29, v54;
	v9 =	vbroadcast v62, $0xF;
	vm2 =	vmand vm10, vm11;
	v16, _, _ =	vpop (xrf0);
	(xrf0) =	vmin.scan.msk.u32 $0xffff, v61  }
0x288: {  	vm10 =	vgt.f32 v10, v53;
	vm1 =	vmor vm12, vm2;
	vm2 =	vmand vm13, vm14;
	v30, _, _ =	vpop (xrf0)  }
0x289: {  	v15 =	vnsel vm0, $0x7F800000, v15;
	v63 =	vnsel vm1, $0x7F800000, v36;
	vm9 =	vmor vm15, vm2;
	(xrf0) =	vmin.scan.msk.f32 $0xffff, v13;
	v12, _, _ =	vpop (xrf0)  }
0x28a: {  	vm12 =	veq.f32 v4, v9;
	v3 =	vnsel vm9, $0x7F800000, v39;
	(xrf0) =	vmin.scan.msk.f32 $0xffff, v63;
	(v2sf) =	vpush v12, $0xF  }
0x28b: {  	vm0 =	vmand vm4, vm7;
	vm11 =	vmor vm10, vm5;
	v4 =	vnsel vm12, $0xC0000000, v48;
	(xrf0) =	vmin.scan.msk.f32 $0xffff, v3  }
0x28c: {  	vm7 =	vgt.f32 v8, v53;
	v18 =	vnsel vm11, $0x7F800000, v10;
	v10 =	vbroadcast v30, $0xF;
	(xrf0) =	vmin.scan.msk.u32 $0xffff, v4  }
0x28d: {  	vm13 =	vgt.s32 v27, v54;
	vm14 =	veq.f32 v35, v53;
	vm0 =	vmor vm7, vm0;
	v32, _, _ =	vpop (xrf0);
	(xrf0) =	vmin.scan.msk.f32 $0xffff, v18  }
0x28e: {  	vm10 =	vgt.s32 v22, v54;
	vm1 =	vmand vm14, vm13;
	vm5 =	veq.f32 v5, v10  }
0x28f: {  	v21 =	vld [tilespmem:$0x1FF00];
	vm15 =	vgt.f32 v35, v53;
	v5 =	vnsel vm5, $0xC0000000, v47;
	v4, _, _ =	vpop (xrf0);
	(xrf0) =	vmin.scan.msk.f32 $0xffff, v15;
	(v2sf) =	vpush v32, $0xF  }
0x290: {  	v8 =	vnsel vm0, $0x7F800000, v8;
	vm12 =	vgt.f32 v34, v53;
	v36 =	vld [tilespmem:$0x1FF30];
	v12 =	vbroadcast v4, $0xF;
	(xrf0) =	vmin.scan.msk.u32 $0xffff, v5;
	v19, _, _ =	vpop (xrf0)  }
0x291: {  	vm13 =	veq.f32 v37, v53;
	vm1 =	vmor vm15, vm1;
	vm9 =	veq.f32 v34, v53;
	(xrf0) =	vmin.scan.msk.f32 $0xffff, v8;
	v20, _, _ =	vpop (xrf0)  }
0x292: {  	vm0 =	vmand vm9, vm10;
	v4 =	vnsel vm1, $0x7F800000, v35;
	vm11 =	veq.f32 v13, v12;
	v5, _, _ =	vpop (xrf0)  }
0x293: {  	vm0 =	vmor vm12, vm0;
	(xrf0) =	vmin.scan.msk.f32 $0xffff, v4;
	v33 =	vnsel vm11, $0xC0000000, v46;
	(v2sf) =	vpush v5, $0xF;
	v13, _, _ =	vpop (xrf0)  }
0x294: {  	vm14 =	vnez.u8 v21;
	v5 =	vnsel vm0, $0x7F800000, v34;
	(xrf0) =	vmin.scan.msk.u32 $0xffff, v33;
	v34 =	vbroadcast v13, $0xF  }
0x295: {  	vm8 =	vmor vm6, vm8;
	vm15 =	vnez.u8 v36;
	vm0 =	vmand vm13, vm14;
	v13, _, _ =	vpop (xrf0)  }
0x296: {  	v35 =	vnsel vm8, $0x7F800000, v17;
	vm0 =	vmor vm15, vm0;
	(xrf0) =	vmin.scan.msk.f32 $0xffff, v5;
	v39, _, _ =	vpop (xrf0);
	vm4 =	veq.f32 v18, v34  }
0x297: {  	v37 =	vnsel vm0, $0x7F800000, v37;
	(xrf0) =	vmin.scan.msk.f32 $0xffff, v35;
	(v2sf) =	vpush v39, $0xF;
	v43 =	vnsel vm4, $0xC0000000, v45;
	v45, _, _ =	vpop (xrf0)  }
0x298: {  	(xrf0) =	vmin.scan.msk.f32 $0xffff, v37;
	v18 =	vbroadcast v45, $0xF  }
0x299: {  	(xrf0) =	vmin.scan.msk.u32 $0xffff, v43;
	v46, _, _ =	vpop (xrf0);
	s22 =	spop (v2sf)  }
0x29a: {  	vm6 =	vlt.f32 v11, $+Inf;
	s22 =	sxor.u32 $0x80000000, s22;
	vm5 =	veq.f32 v8, v18;
	v8, _, _ =	vpop (xrf0)  }
0x29b: {  	vm7 =	vgt.f32 v11, $+Inf;
	v47 =	vmov s22;
	(v2sf) =	vpush v8, $0xF  }
0x29c: {  	vm8 =	veq.f32 v11, $+Inf;
	vm0 =	vmor vm7, vm6;
	v24, _, _ =	vpop (xrf0);
	vm9 =	vlt.s32 v47, $0x40000000  }
0x29d: {  	v13 =	vbroadcast v13, $0xF;
	v23 =	vnsel vm5, $0xC0000000, v44;
	v48, _, _ =	vpop (xrf0);
	vm1 =	vmand vm8, vm9  }
0x29e: {  	(xrf0) =	vmin.scan.msk.u32 $0xffff, v23;
	v49, _, _ =	vpop (xrf0);
	s24 =	spop (v2sf);
	vm0 =	vmor vm0, vm1  }
0x29f: {  	vm10 =	veq.f32 v15, v13;
	v8 =	vbroadcast v14, $0xF;
	v14, _, _ =	vpop (xrf0);
	s22 =	sxor.u32 $0x80000000, s24;
	v11 =	vnsel vm0, $0x7F800000, v11  }
0x2a0: {  	(v2sf) =	vpush v14, $0xF;
	v14 =	vnsel vm0, $0x40000000, v47;
	v50 =	vmov s22  }
0x2a1: {  	v15 =	vnsel vm10, $0xC0000000, v42;
	vm12 =	veq.f32 v7, v11;
	vm13 =	vlt.s32 v50, v14  }
0x2a2: {  	(xrf0) =	vmin.scan.msk.u32 $0xffff, v15;
	vm14 =	veq.f32 v6, v8;
	vm11 =	vlt.f32 v7, v11;
	vm1 =	vmand vm12, vm13;
	s23 =	spop (v2sf)  }
0x2a3: {  	v6 =	vbroadcast v16, $0xF;
	v53 =	vnsel vm14, $0xC0000000, v41;
	vm0 =	vmor vm11, vm1;
	s23 =	sxor.u32 $0x80000000, s23  }
0x2a4: {  	v15, _, _ =	vpop (xrf0);
	v7 =	vsel vm0, v7, v11;
	v11 =	vsel vm0, s22, v14;
	v14 =	vmov s23  }
0x2a5: {  	(v2sf) =	vpush v15, $0xF;
	vm4 =	veq.f32 v9, v7;
	vm5 =	vlt.s32 v14, v11  }
0x2a6: {  	vm6 =	veq.f32 v60, v6;
	(xrf0) =	vmin.scan.msk.u32 $0xffff, v53;
	vm15 =	vlt.f32 v9, v7;
	vm1 =	vmand vm4, vm5;
	s25 =	spop (v2sf)  }
0x2a7: {  	v54 =	vbroadcast v48, $0xF;
	v15 =	vnsel vm6, $0xC0000000, v40;
	vm0 =	vmor vm15, vm1;
	s22 =	sxor.u32 $0x80000000, s25  }
0x2a8: {  	v14, _, _ =	vpop (xrf0);
	v7 =	vsel vm0, v9, v7;
	v9 =	vsel vm0, s23, v11;
	v11 =	vmov s22  }
0x2a9: {  	(xrf0) =	vmin.scan.msk.u32 $0xffff, v15;
	(v2sf) =	vpush v14, $0xF;
	vm7 =	veq.f32 v10, v7;
	vm8 =	vlt.s32 v11, v9  }
0x2aa: {  	vm10 =	vlt.f32 v10, v7;
	vm0 =	vmand vm7, vm8;
	s26 =	spop (v2sf)  }
0x2ab: {  	vm9 =	veq.f32 v35, v54;
	vm0 =	vmor vm10, vm0;
	s23 =	sxor.u32 $0x80000000, s26  }
0x2ac: {  	v15 =	vbroadcast v19, $0xF;
	v14, _, _ =	vpop (xrf0);
	v7 =	vsel vm0, v10, v7;
	v10 =	vmov s23  }
0x2ad: {  	v11 =	vnsel vm9, $0xC0000000, v38;
	(v2sf) =	vpush v14, $0xF;
	v9 =	vsel vm0, s22, v9  }
0x2ae: {  	v55 =	vbroadcast v20, $0xF;
	(xrf0) =	vmin.scan.msk.u32 $0xffff, v11;
	vm12 =	veq.f32 v12, v7;
	vm13 =	vlt.s32 v10, v9  }
0x2af: {  	vm14 =	veq.f32 v63, v15;
	vm11 =	vlt.f32 v12, v7;
	vm1 =	vmand vm12, vm13;
	s28 =	spop (v2sf);
	v10, _, _ =	vpop (xrf0)  }
0x2b0: {  	v11 =	vnsel vm14, $0xC0000000, v31;
	vm0 =	vmor vm11, vm1;
	s22 =	sxor.u32 $0x80000000, s28;
	(v2sf) =	vpush v10, $0xF  }
0x2b1: {  	v7 =	vsel vm0, v12, v7;
	v9 =	vsel vm0, s23, v9;
	v10 =	vmov s22  }
0x2b2: {  	(xrf0) =	vmin.scan.msk.u32 $0xffff, v11;
	vm4 =	veq.f32 v34, v7;
	vm5 =	vlt.s32 v10, v9  }
0x2b3: {  	vm6 =	veq.f32 v3, v55;
	vm15 =	vlt.f32 v34, v7;
	vm1 =	vmand vm4, vm5  }
0x2b4: {  	v3 =	vnsel vm6, $0xC0000000, v26;
	s29 =	spop (v2sf);
	v10, _, _ =	vpop (xrf0);
	vm0 =	vmor vm15, vm1  }
0x2b5: {  	s23 =	sxor.u32 $0x80000000, s29;
	(xrf0) =	vmin.scan.msk.u32 $0xffff, v3;
	v3 =	vbroadcast v24, $0xF;
	(v2sf) =	vpush v10, $0xF;
	v10 =	vbroadcast v46, $0xF  }
0x2b6: {  	v7 =	vsel vm0, v34, v7;
	v9 =	vsel vm0, s22, v9;
	v11 =	vmov s23  }
0x2b7: {  	vm7 =	vlt.f32 v18, v7;
	vm8 =	veq.f32 v18, v7;
	vm9 =	vlt.s32 v11, v9;
	v11 =	vld [tilespmem:$0x1FF40]  }
0x2b8: {  	vm13 =	veq.f32 v5, v3;
	v5 =	vld [tilespmem:$0x1FF50];
	vm1 =	vmand vm8, vm9;
	vm10 =	veq.f32 v4, v10;
	s30 =	spop (v2sf);
	v4, _, _ =	vpop (xrf0)  }
0x2b9: {  	vm0 =	vmor vm7, vm1;
	s22 =	sxor.u32 $0x80000000, s30;
	(v2sf) =	vpush v4, $0xF  }
0x2ba: {  	v4 =	vsel vm0, v18, v7;
	v7 =	vsel vm0, s23, v9;
	v9 =	vmov s22  }
0x2bb: {  	vm11 =	veq.f32 v13, v4;
	vm12 =	vlt.s32 v9, v7  }
0x2bc: {  	vm14 =	vlt.f32 v13, v4;
	s31 =	spop (v2sf);
	v11 =	vnsel vm10, $0xC0000000, v11;
	vm0 =	vmand vm11, vm12  }
0x2bd: {  	v5 =	vnsel vm13, $0xC0000000, v5;
	s23 =	sxor.u32 $0x80000000, s31;
	(xrf0) =	vmin.scan.msk.u32 $0xffff, v11;
	vm0 =	vmor vm14, vm0  }
0x2be: {  	v9, _, _ =	vpop (xrf0);
	(xrf0) =	vmin.scan.msk.u32 $0xffff, v5;
	v5 =	vsel vm0, s22, v7;
	v7 =	vmov s23  }
0x2bf: {  	v4 =	vsel vm0, v13, v4;
	vm4 =	vlt.s32 v7, v5;
	v7 =	vld [tilespmem:$0x1FF60]  }
0x2c0: {  	(v2sf) =	vpush v9, $0xF;
	vm15 =	veq.f32 v8, v4  }
0x2c1: {  	v11 =	vbroadcast v49, $0xF;
	vm6 =	vlt.f32 v8, v4;
	vm0 =	vmand vm15, vm4  }
0x2c2: {  	s24 =	spop (v2sf);
	vm0 =	vmor vm6, vm0  }
0x2c3: {  	vm5 =	veq.f32 v37, v11;
	s22 =	sxor.u32 $0x80000000, s24;
	v57 =	vsel vm0, v8, v4;
	v4 =	vsel vm0, s23, v5;
	v56, _, _ =	vpop (xrf0)  }
0x2c4: {  	v5 =	vmov s22;
	v7 =	vnsel vm5, $0xC0000000, v7;
	(v2sf) =	vpush v56, $0xF  }
0x2c5: {  	(xrf0) =	vmin.scan.msk.u32 $0xffff, v7  }
0x2c6: {  	vm7 =	veq.f32 v6, v57;
	vm8 =	vlt.s32 v5, v4;
	s25 =	spop (v2sf)  }
0x2c7: {  	vm9 =	vlt.f32 v6, v57;
	vm0 =	vmand vm7, vm8;
	v5, _, _ =	vpop (xrf0);
	s23 =	sxor.u32 $0x80000000, s25  }
0x2c8: {  	vm0 =	vmor vm9, vm0;
	(v2sf) =	vpush v5, $0xF;
	v5 =	vmov s23  }
0x2c9: {  	v1 =	vsel vm0, v6, v57;
	v4 =	vsel vm0, s22, v4  }
0x2ca: {  	vm10 =	veq.f32 v54, v1;
	vm11 =	vlt.s32 v5, v4  }
0x2cb: {  	vm12 =	vlt.f32 v54, v1;
	s26 =	spop (v2sf);
	vm0 =	vmand vm10, vm11;
	v5, _, _ =	vpop (xrf0)  }
0x2cc: {  	s22 =	sxor.u32 $0x80000000, s26;
	vm0 =	vmor vm12, vm0;
	(v2sf) =	vpush v5, $0xF  }
0x2cd: {  	v1 =	vsel vm0, v54, v1;
	v58 =	vsel vm0, s23, v4;
	v4 =	vmov s22  }
0x2ce: {  	vm13 =	veq.f32 v15, v1;
	vm14 =	vlt.s32 v4, v58  }
0x2cf: {  	vm15 =	vlt.f32 v15, v1;
	vm0 =	vmand vm13, vm14;
	s28 =	spop (v2sf)  }
0x2d0: {  	vm0 =	vmor vm15, vm0;
	s23 =	sxor.u32 $0x80000000, s28  }
0x2d1: {  	v1 =	vsel vm0, v15, v1;
	v2 =	vsel vm0, s22, v58;
	v4 =	vmov s23  }
0x2d2: {  	vm4 =	veq.f32 v55, v1;
	vm5 =	vlt.s32 v4, v2  }
0x2d3: {  	vm6 =	vlt.f32 v55, v1;
	vm0 =	vmand vm4, vm5;
	s29 =	spop (v2sf)  }
0x2d4: {  	vm0 =	vmor vm6, vm0;
	s22 =	sxor.u32 $0x80000000, s29  }
0x2d5: {  	v0 =	vsel vm0, v55, v1;
	v59 =	vsel vm0, s23, v2;
	v60 =	vmov s22  }
0x2d6: {  	vm7 =	veq.f32 v10, v0;
	vm8 =	vlt.s32 v60, v59  }
0x2d7: {  	vm9 =	vlt.f32 v10, v0;
	s30 =	spop (v2sf);
	vm0 =	vmand vm7, vm8  }
0x2d8: {  	s23 =	sxor.u32 $0x80000000, s30;
	vm0 =	vmor vm9, vm0  }
0x2d9: {  	v61 =	vmov s23;
	v0 =	vsel vm0, v10, v0;
	v1 =	vsel vm0, s22, v59  }
0x2da: {  	vm10 =	veq.f32 v3, v0;
	vm11 =	vlt.s32 v61, v1  }
0x2db: {  	vm12 =	vlt.f32 v3, v0;
	s31 =	spop (v2sf);
	vm0 =	vmand vm10, vm11  }
0x2dc: {  	vm0 =	vmor vm12, vm0;
	s22 =	sxor.u32 $0x80000000, s31  }
0x2dd: {  	v0 =	vsel vm0, v3, v0;
	v1 =	vsel vm0, s23, v1;
	v62 =	vmov s22  }
0x2de: {  	vm13 =	veq.f32 v11, v0;
	vm14 =	vlt.s32 v62, v1  }
0x2df: {  	vm15 =	vlt.f32 v11, v0;
	vm0 =	vmand vm13, vm14  }
0x2e0: {  	vm0 =	vmor vm15, vm0  }
0x2e1: {  	v63 =	vsel vm0, s22, v1;
	_ =	sdelay $0x3  }
0x2e2: {  	[tilespmem:v51+s15+$0x0] =	vst.idx.add.f32.msk $0x1, v52  }
0x2e3: {  	v1 =	vld.idx.msk [tilespmem:v63+s4+$0x0], $0xffff;
	_ =	sdelay $0x2  }
0x2e4: {  	v0 =	vld.idx.msk [tilespmem:v63+s10+$0x0], $0xffff;
	_ =	sdelay $0x3  }
0x2e5: {  	v13 =	vld [tilespmem:$0x1FFF0]  }
0x2e6: {  	v5 =	vlaneseq.u32;
	v11 =	vimm.f32 $0.0e+00;
	[tilespmem:v1+s15+$0x0] =	vst.idx.add.f32.msk $0x1, v0  }
.LBB2_9:
0x2e7: {  	s22 =	simm.s32 $0x18100  }
0x2e8: {  	v1 =	vld [tilespmem:s22+$0x0];
	_ =	sdelay $0x3  }
0x2e9: {  	v2 =	vimm.f32 $-Inf;
	s23 =	simm.s32 $0x0  }
0x2ea: {  	v0 =	vimm.s32 $0x40000000;
	s22 =	simm.s32 $0x10;
	v3 =	vor.u32 s23, v5;
	s23 =	simm.s32 $0x18110;
	vm0 =	vgt.f32 v1, v2  }
.LBB2_10:
0x2eb: {  	p0 =	sne.s32 s22, $0x3F0;
	v2 =	vsel vm0, v1, v2;
	v1 =	vld [tilespmem:s23+$0x0];
	v0 =	vsel vm0, v3, v0;
	s24 =	smov.u32 s22;
	s22 =	sadd.s32 $0x10, s22  }
.Ltmp4:
0x2ec: {  	(pc) =	sbr.rel @p0 .LBB2_10-.Ltmp4, $2  }
0x2ed: {  	_ =	sdelay $0x2  }
0x2ee: {  	s23 =	sadd.s32 $0x10, s23;
	v3 =	vor.u32 s24, v5;
	vm0 =	vgt.f32 v1, v2  }
0x2ef: {  	v1 =	vsel vm0, v1, v2  }
0x2f0: {  	(xrf0) =	vmax.scan.msk.f32 $0xffff, v1;
	_ =	sdelay $0x5  }
0x2f1: {  	v61, _, _ =	vpop (xrf0)  }
0x2f2: {  	v2 =	vbroadcast v61, $0xF  }
0x2f3: {  	v0 =	vsel vm0, v3, v0  }
0x2f4: {  	v0 =	vxor.u32 $0x80000000, v0;
	vm15 =	veq.f32 v1, v2  }
0x2f5: {  	v0 =	vnsel vm15, $0xC0000000, v0  }
0x2f6: {  	(xrf0) =	vmin.scan.msk.u32 $0xffff, v0;
	_ =	sdelay $0x5  }
0x2f7: {  	v0, _, _ =	vpop (xrf0)  }
0x2f8: {  	(v2sf) =	vpush v0, $0xF;
	_ =	sdelay $0xb  }
0x2f9: {  	s20 =	sadd.s32 $0x1, s20  }
0x2fa: {  	v62 =	vmov s21;
	p0 =	sne.s32 s20, $0x4  }
.Ltmp5:
0x2fb: {  	_ = 	snop;
	(pc) =	sbr.rel @p0 .LBB2_3-.Ltmp5, $4  }
0x2fc: {  	s31 =	spop (v2sf)  }
0x2fd: {  	s21 =	sxor.u32 $0x80000000, s31  }
0x2fe: {  	v63 =	vmov s21  }
0x2ff: {  	[tilespmem:v62+s16+$0x0] =	vst.idx.msk $0x1, v63  }
0x300: {  	s18 =	sadd.s32 $0x1, s18  }
0x301: {  	p0 =	sne.s32 s18, $0x4  }
.Ltmp6:
0x302: {  	_ = 	snop;
	(pc) =	sbr.rel @p0 .LBB2_2-.Ltmp6, $1  }
0x303: {  	_ =	sdelay $0x3  }
0x304: {  	s17 =	sadd.s32 $0x1, s17  }
0x305: {  	p0 =	sne.s32 s17, s8  }
.Ltmp7:
0x306: {  	_ = 	snop;
	(pc) =	sbr.rel @p0 .LBB2_1-.Ltmp7, $4  }
0x307: {  	[hbm4b:s7+s4] =	stream.linear.scatter [tilespmem:s16], [sflag:$0x1], $0x10, $0x38;
	[tilespmem:$0x18580] =	vst v63  }
0x308: {  	_ =	swait.ge [sflag:s9], $0x10  }
0x309: {  	[sflag:s9] =	ssyncset.done $0x0  }
0x30a: {  	[sflag:s9] =	ssyncadd.s32 $0xFFFFFFF0  }
0x30b: {  	_ =	sfence.sel $0x180000  }
0x30c: {  	[bflag:$0x0] =	sbarrier.arrive $0xFFFF  }
0x30d: {  	p0 =	sne.s32 s2, $0x0;
	_ =	strace $0x90000047  }
0x30e: {  	s0 =	sadd.s32 @!p0 $0x100000, s0;
	[bflag:$0x2] =	sbarrier.arrive $0xFFFF  }
0x30f: {  	[sflag:s0] =	ssyncadd.tile.s32 @!p0 $0x1;
	_ =	shalt  }
.Lfunc_end2:
_tile_overlayer_lowered:
.L_overlay_start_2:
0x310: {  	(tag) =	ssettag $0x2  }
0x311: {  	s0 =	rddreg [dreg:$0x0];
	s2 =	stileid.u32  }
0x312: {  	s1 =	rddreg [dreg:$0x1];
	p0 =	sne.s32 s2, $0x0  }
0x313: {  	s3 =	rddreg [dreg:$0x2];
	[bflag:$0x3] =	sbarrier.arrive $0xFFFF;
	s2 =	simm.s32 @!p0 $0x1C01  }
0x314: {  	[timem:s3], [sflag:s2] =	dma.local @!p0 [hbm:s0], s1  }
0x315: {  	s0 =	simm.s32 @!p0 $0x1  }
0x316: {  	_ =	swait.ge @!p0 [sflag:s0], s1  }
0x317: {  	s1 =	ssub.s32 @!p0 $0x0, s1;
	[sflag:s0] =	ssyncset.done @!p0 $0x0  }
0x318: {  	[sflag:s0] =	ssyncadd.s32 @!p0 s1  }
0x319: {  	[bflag:$0x3] =	sbarrier.arrive $0xFFFF  }
0x31a: {  	_ =	shalt  }

// kernel: kernel.9.cloned.1.call-start
scs
__scs_entry_jumppad:
0x0: {  	(pc) =	sbr.rel $0x88, $3  }
0x1: {  	(tag) =	ssettag $0x0;
	lr =	simm.s32 $0x1  }
0x2: {  	[smem:$0x3F9D] =	sst lr;
	_ =	strace $0xD0000000  }
0x3: {  	_ = 	snop  }
0x4: {  	_ = 	snop  }
0x5: {  	_ = 	snop  }
0x6: {  	_ = 	snop  }
0x7: {  	_ = 	snop  }
__scs_overlays_trampoline_lowered:
0x8: {  	[smem:$0x3FAC] =	sst s0  }
0x9: {  	[smem:$0x3FAD] =	sst s1  }
0xa: {  	[smem:$0x3FAE] =	sst s2  }
0xb: {  	[smem:$0x3FAF] =	sst s3  }
0xc: {  	[smem:$0x3FB0] =	sst s4  }
0xd: {  	[smem:$0x3FB1] =	sst s5  }
0xe: {  	[smem:$0x3FB2] =	sst s6  }
0xf: {  	[smem:$0x3FB3] =	sst s7  }
0x10: {  	[smem:$0x3FB4] =	sst s8  }
0x11: {  	[smem:$0x3FB5] =	sst s9;
	s0 =	simm.s32 @!p0 $0x0  }
0x12: {  	s1 =	sld [smem:$0x3F9B];
	s0 =	simm.s32 @p0 $0x1  }
0x13: {  	[smem:$0x3FB6] =	sst s0;
	s0 =	simm.s32 @!p1 $0x0  }
0x14: {  	s2 =	sld [smem:$0x3F9A];
	s0 =	simm.s32 @p1 $0x1  }
0x15: {  	[smem:$0x3FB7] =	sst s0;
	s0 =	simm.s32 @!p2 $0x0  }
0x16: {  	s3 =	sld [smem:$0x3FDB];
	s0 =	simm.s32 @p2 $0x1  }
0x17: {  	s4 =	simm.s32 $0x1BF5;
	[smem:$0x3FB9] =	sst s0  }
0x18: {  	s0 =	sld [smem:$0x3F9C];
	_ =	swait.ge [sflag:s4], $0x0  }
0x19: {  	s7 =	sld [smem:$0x3F9D]  }
0x1a: {  	s8 =	sadd.s32 $0xFFFFE003, lr  }
0x1b: {  	s9 =	sadd.s32 $0xFFFFFEF7, lr;
	s5 =	simm.s32 $0xFFFFFFFF;
	p2 =	slt.u32 s8, $0xFFFFF086  }
0x1c: {  	p1 =	slt.u32 s9, $0xF7A;
	s5 =	simm.s32 @!p2 $0x0  }
0x1d: {  	s5 =	simm.s32 @p1 $0x1;
	p0 =	seq.s32 s7, s2  }
0x1e: {  	s7 =	smul.u32 @!p0 $0xF7A, s2;
	p2 =	seq.s32 @!p0 s5, $0x0  }
0x1f: {  	s9 =	smul.u32 $0xF7A, s1;
	s8 =	simm.s32 @!p0 $0x1BF5;
	p2 =	por !p2, p0  }
0x20: {  	[sflag:s8] =	ssyncset.s32 @!p0 $0xFFFFF086;
	s6 =	sadd.s32 @!p0 s3, s7;
	s7 =	simm.s32 @!p0 $0x108  }
0x21: {  	s3 =	sadd.s32 s3, s9;
	s6 =	sadd.s32 @!p0 $0x88, s6;
	s7 =	simm.s32 @p2 $0x1082  }
0x22: {  	[simem:s7], [sflag:s8] =	dma.local @!p0 [hbm:s6], $0xF7A  }
0x23: {  	s9 =	sor.u32 $0xD0000000, s2;
	s6 =	simm.s32 $0x108;
	_ =	swait.ge @!p0 [sflag:s8], $0x0  }
0x24: {  	s3 =	sadd.s32 $0x88, s3;
	s6 =	simm.s32 @!p1 $0x1082;
	[sflag:s4] =	ssyncset.s32 $0xFFFFF086  }
0x25: {  	[simem:s6], [sflag:s4] =	dma.local [hbm:s3], $0xF7A  }
0x26: {  	[smem:$0x3F9D] =	sst s1;
	(tag) =	ssettag s2;
	_ =	strace s9  }
0x27: {  	s1 =	sld [smem:$0x3FAD]  }
0x28: {  	s2 =	sld [smem:$0x3FAE]  }
0x29: {  	s4 =	sld [smem:$0x3FB0]  }
0x2a: {  	p0 =	seq.s32 s5, $0x0;
	s5 =	sld [smem:$0x3FB1]  }
0x2b: {  	s6 =	sld [smem:$0x3FB2]  }
0x2c: {  	s7 =	sld [smem:$0x3FB3]  }
0x2d: {  	s3 =	simm.s32 $0x108;
	s8 =	sld [smem:$0x3FB4]  }
0x2e: {  	s3 =	simm.s32 @!p0 $0x1082;
	s9 =	sld [smem:$0x3FB5]  }
0x2f: {  	lr =	sadd.s32 s0, s3;
	s0 =	sld [smem:$0x3FAC]  }
0x30: {  	s3 =	sld [smem:$0x3FAF]  }
0x31: {  	[smem:$0x3FB8] =	sst s10  }
0x32: {  	s10 =	sld [smem:$0x3FB6];
	_ =	sdelay $0x3  }
0x33: {  	p0 =	seq.s32 s10, $0x1;
	s10 =	sld [smem:$0x3FB8];
	_ =	sdelay $0x3  }
0x34: {  	[smem:$0x3FB8] =	sst s10  }
0x35: {  	s10 =	sld [smem:$0x3FB7];
	_ =	sdelay $0x3  }
0x36: {  	p1 =	seq.s32 s10, $0x1;
	s10 =	sld [smem:$0x3FB8];
	_ =	sdelay $0x3  }
0x37: {  	[smem:$0x3FB8] =	sst s10  }
0x38: {  	s10 =	sld [smem:$0x3FB9]  }
0x39: {  	_ = 	snop;
	(pc) =	sbr.ind lr, $3  }
0x3a: {  	_ = 	snop  }
0x3b: {  	_ = 	snop  }
0x3c: {  	p2 =	seq.s32 s10, $0x1;
	s10 =	sld [smem:$0x3FB8]  }
0x3d: {  	_ =	shalt  }
0x3e: {  	_ =	shalt  }
0x3f: {  	_ =	shalt  }
0x40: {  	_ =	shalt  }
0x41: {  	_ =	shalt  }
0x42: {  	_ =	shalt  }
0x43: {  	_ =	shalt  }
0x44: {  	_ =	shalt  }
0x45: {  	_ =	shalt  }
0x46: {  	_ =	shalt  }
0x47: {  	_ =	shalt  }
0x48: {  	_ =	shalt  }
0x49: {  	_ =	shalt  }
0x4a: {  	_ =	shalt  }
0x4b: {  	_ =	shalt  }
0x4c: {  	_ =	shalt  }
0x4d: {  	_ =	shalt  }
0x4e: {  	_ =	shalt  }
0x4f: {  	_ =	shalt  }
0x50: {  	_ =	shalt  }
0x51: {  	_ =	shalt  }
0x52: {  	_ =	shalt  }
0x53: {  	_ =	shalt  }
0x54: {  	_ =	shalt  }
0x55: {  	_ =	shalt  }
0x56: {  	_ =	shalt  }
0x57: {  	_ =	shalt  }
0x58: {  	_ =	shalt  }
0x59: {  	_ =	shalt  }
0x5a: {  	_ =	shalt  }
0x5b: {  	_ =	shalt  }
0x5c: {  	_ =	shalt  }
0x5d: {  	_ =	shalt  }
0x5e: {  	_ =	shalt  }
0x5f: {  	_ =	shalt  }
0x60: {  	_ =	shalt  }
0x61: {  	_ =	shalt  }
0x62: {  	_ =	shalt  }
0x63: {  	_ =	shalt  }
0x64: {  	_ =	shalt  }
0x65: {  	_ =	shalt  }
0x66: {  	_ =	shalt  }
0x67: {  	_ =	shalt  }
0x68: {  	_ =	shalt  }
0x69: {  	_ =	shalt  }
0x6a: {  	_ =	shalt  }
0x6b: {  	_ =	shalt  }
0x6c: {  	_ =	shalt  }
0x6d: {  	_ =	shalt  }
0x6e: {  	_ =	shalt  }
0x6f: {  	_ =	shalt  }
0x70: {  	_ =	shalt  }
0x71: {  	_ =	shalt  }
0x72: {  	_ =	shalt  }
0x73: {  	_ =	shalt  }
0x74: {  	_ =	shalt  }
0x75: {  	_ =	shalt  }
0x76: {  	_ =	shalt  }
0x77: {  	_ =	shalt  }
0x78: {  	_ =	shalt  }
0x79: {  	_ =	shalt  }
0x7a: {  	_ =	shalt  }
0x7b: {  	_ =	shalt  }
0x7c: {  	_ =	shalt  }
0x7d: {  	_ =	shalt  }
0x7e: {  	_ =	shalt  }
0x7f: {  	_ =	shalt  }
0x80: {  	_ =	shalt  }
0x81: {  	_ =	shalt  }
0x82: {  	_ =	shalt  }
0x83: {  	_ =	shalt  }
0x84: {  	_ =	shalt  }
0x85: {  	_ =	shalt  }
0x86: {  	_ =	shalt  }
0x87: {  	_ =	shalt  }
.Lfunc_end0:
.L_simem_size_0:
called_computation.1_lowered:
.L_overlay_start_0:
0x88: {  	s2 =	sld [smem:$0x3FD9]  }
0x89: {  	s3 =	sld [smem:$0x3FFE];
	_ =	sdelay $0x1  }
0x8a: {  	s1 =	srdreg.scid  }
0x8b: {  	s0 =	sand.u32 $0x1, s1  }
0x8c: {  	s17 =	sshll.u32 s0, $0xA;
	s2 =	sadd.s32 s3, s2  }
0x8d: {  	s2 =	sadd.s32 s2, s17  }
0x8e: {  	[smem:$0x3FC4] =	sst s2  }
0x8f: {  	_ = 	snop  }
0x90: {  	s18 =	sld [smem:$0x3FC8]  }
0x91: {  	s4 =	sld [smem:$0x3FC6];
	(tm) =	ssettm $0x1  }
0x92: {  	s19 =	sld [smem:$0x3FFB];
	_ =	sdelay $0x3  }
0x93: {  	_ =	strace s19  }
0x94: {  	s2 =	sld [smem:$0x3FFC];
	_ =	sdelay $0x3  }
0x95: {  	_ =	strace s2  }
0x96: {  	s2 =	sld [smem:$0x3FFD];
	_ =	sdelay $0x3  }
0x97: {  	_ =	strace s2  }
0x98: {  	_ =	strace $0x8FFFFFFF  }
0x99: {  	s20 =	sld [smem:$0x3FDB];
	_ =	sdelay $0x1  }
0x9a: {  	s5 =	simm.s32 $_scs_section_size  }
0x9b: {  	s6 =	simm.s32 $_size__tile_overlayer_lowered;
	s7 =	simm.s32 $_tile_overlayer_lowered  }
0x9c: {  	s8 =	simm.s32 $0x1BFF;
	s21 =	sshll.u32 s7, $0x1;
	s5 =	sadd.s32 s5, s20  }
0x9d: {  	s22 =	simm.s32 $0x0;
	s6 =	sshll.u32 s6, $0x1;
	s7 =	sadd.s32 s21, s5  }
0x9e: {  	[timem:s22], [sflag:s8] =	dma.local [hbm:s7], s6  }
0x9f: {  	_ =	swait.ge [sflag:s8], s6  }
0xa0: {  	s6 =	ssub.s32 $0x0, s6;
	[sflag:s8] =	ssyncset.done $0x0  }
0xa1: {  	[sflag:s8] =	ssyncadd.s32 s6;
	_ =	sdelay $0x1  }
0xa2: {  	s23 =	simm.s32 $0x1B8B  }
0xa3: {  	_ =	swait.ge [sflag:s23], $0x1  }
0xa4: {  	[sflag:s23] =	ssyncset.done $0x0  }
0xa5: {  	[sflag:s23] =	ssyncadd.s32 $0xFFFFFFFF  }
0xa6: {  	s6 =	sld [smem:$0x0]  }
0xa7: {  	s7 =	sand.u32 $0xFFFFFFFE, s1  }
0xa8: {  	p0 =	sne.s32 s1, s7  }
0xa9: {  	s7 =	sshll.u32 @p0 s7, $0xE  }
0xaa: {  	s7 =	sadd.s32 @p0 $0x11B8D, s7;
	s8 =	sshll.u32 @p0 s6, $0x11  }
0xab: {  	s7 =	sor.u32 @p0 s8, s7  }
0xac: {  	[sflag:s7] =	ssyncadd.remote.s32 @p0 $0x1;
	_ =	sdelay $0x1  }
0xad: {  	s7 =	simm.s32 @p0 $0x1B8D  }
0xae: {  	_ =	swait.eq @p0 [sflag:s7], $0x1  }
0xaf: {  	[sflag:s7] =	ssyncadd.s32 @p0 $0xFFFFFFFF  }
0xb0: {  	s8 =	sshll.u32 @!p0 s1, $0xE  }
0xb1: {  	s8 =	sor.u32 @!p0 $0x4000, s8;
	s7 =	simm.s32 @!p0 $0x1B8D  }
0xb2: {  	s6 =	sshll.u32 @!p0 s6, $0x11;
	s8 =	sadd.s32 @!p0 $0x11B8D, s8;
	_ =	swait.eq @!p0 [sflag:s7], $0x1  }
0xb3: {  	s6 =	sor.u32 @!p0 s6, s8;
	[sflag:s7] =	ssyncadd.s32 @!p0 $0xFFFFFFFF  }
0xb4: {  	s25 =	simm.s32 $0x1B8E;
	s24 =	sld [smem:$0x3FFE];
	[sflag:s6] =	ssyncadd.remote.s32 @!p0 $0x1  }
0xb5: {  	s26 =	simm.s32 $execute0_lowered;
	[smem:$0x3FD2] =	sst s25  }
0xb6: {  	s7 =	sshll.u32 s26, $0x1;
	_ =	strace $0x80000049;
	[dreg:$0x1] =	wrdreg $0xFFFFFFFF  }
0xb7: {  	s28 =	simm.s32 $_size_execute0_lowered;
	s5 =	sadd.s32 s5, s7;
	[dreg:$0x0] =	wrdreg $0x0  }
0xb8: {  	s7 =	sshll.u32 s28, $0x1;
	[dreg:$0x2] =	wrdreg s5  }
0xb9: {  	[dreg:$0x3] =	wrdreg s7  }
0xba: {  	[dreg:$0x4] =	wrdreg $0xC0  }
0xbb: {  	_ =	task [dreg:s22], $0x5FFFF  }
0xbc: {  	[dreg:$0x1] =	wrdreg $0xFFFFFFFF  }
0xbd: {  	[dreg:$0x0] =	wrdreg $0x60  }
0xbe: {  	[dreg:$0x2] =	wrdreg s18  }
0xbf: {  	[dreg:$0x3] =	wrdreg s4  }
0xc0: {  	[dreg:$0x4] =	wrdreg s24  }
0xc1: {  	[dreg:$0x5] =	wrdreg $0xA  }
0xc2: {  	_ =	task.clear_ibuf [dreg:s22], $0x6FFFF;
	_ =	strace $0x90000049  }
0xc3: {  	s29 =	simm.s32 $0xA;
	_ =	strace $0x8000004B  }
0xc4: {  	_ =	swait.ge [sflag:s29], $0x1  }
0xc5: {  	[sflag:s29] =	ssyncadd.s32 $0xFFFFFFFF  }
0xc6: {  	_ =	strace $0x9000004B  }
0xc7: {  	_ =	sfence  }
0xc8: {  	s30 =	sld [smem:$0x0];
	_ =	sdelay $0x2  }
0xc9: {  	s31 =	sshll.u32 s1, $0xD;
	s1 =	sshrl.u32 s1, $0x2  }
0xca: {  	s4 =	sand.u32 $0x4000, s31;
	s1 =	sadd.s32 s1, s30  }
0xcb: {  	s0 =	sor.u32 s4, s0;
	s1 =	sshll.u32 s1, $0x11  }
0xcc: {  	s0 =	sor.u32 s1, s0  }
0xcd: {  	s0 =	sadd.s32 $0x8F2B, s0  }
0xce: {  	[sflag:s0] =	ssyncadd.remote.s32 $0x1  }
0xcf: {  	_ =	sfence.sel $0xFFFF  }
0xd0: {  	[dreg:$0x0] =	wrdreg $0xFFFFFFFF;
	(pc) =	sbr.abs _section_cstart, $3  }
0xd1: {  	[dreg:$0x1] =	wrdreg $0xFFFFFFFF  }
0xd2: {  	_ =	task.clear_ibuf [dreg:s22], $0x2FFFF;
	_ =	strace $0x9FFFFFFF  }
0xd3: {  	(tm) =	ssettm $0x7FFFFFFF  }
tec
execute0_lowered:
.L_overlay_start_1:
0x0: {  	(tag) =	ssettag $0x1  }
0x1: {  	s1 =	rddreg [dreg:$0x0]  }
0x2: {  	s3 =	rddreg [dreg:$0x1]  }
0x3: {  	s5 =	rddreg [dreg:$0x2]  }
0x4: {  	s0 =	rddreg [dreg:$0x3]  }
0x5: {  	s6 =	srdreg.scid;
	s2 =	stileid.u32;
	s4 =	simm.s32 $0x0  }
0x6: {  	s11 =	simm.s32 $0x8000;
	s12 =	simm.s32 $0x200;
	s13 =	simm.s32 $0x400  }
0x7: {  	s14 =	simm.s32 $0x8100;
	s15 =	simm.s32 $0x18100;
	s16 =	simm.s32 $0x18500  }
0x8: {  	s6 =	sand.u32 $0x1, s6;
	s7 =	sshll.u32 s2, $0x1;
	[smem:$0x7FF] =	sst s4  }
0x9: {  	s17 =	simm.s32 $0x0;
	s7 =	sor.u32 s6, s7;
	_ =	strace $0x8000004A  }
0xa: {  	v5 =	vlaneseq.u32;
	s6 =	ssub.s32 $0x2, s6;
	s8 =	sshll.u32 s7, $0x5;
	s9 =	sshll.u32 s7, $0xF  }
0xb: {  	v0 =	vmul.u32 $0xFFFFFFFF, v5;
	s7 =	sshll.u32 s7, $0x1;
	s10 =	sshrl.u32 s6, $0x1;
	s8 =	sadd.s32 s8, s5  }
0xc: {  	s9 =	sadd.s32 s9, s5;
	s7 =	sadd.s32 s7, s5;
	s5 =	sadd.s32 $0x201800, s8  }
0xd: {  	v13 =	vadd.s32 $0xF, v0;
	s10 =	ssub.s32 s6, s10;
	s6 =	sadd.s32 $0x101800, s9;
	s7 =	sadd.s32 $0x201C00, s7  }
0xe: {  	v11 =	vimm.f32 $0.0e+00;
	[tilespmem:$0x1FFF0] =	vst v13;
	s8 =	smax.u32 s10, $0x1;
	s9 =	simm.s32 $0x1;
	s10 =	simm.s32 $0x4000  }
.LBB2_1:
0xf: {  	[tilespmem:s4], [sflag:$0x1] =	stream.linear.gather [hbm4b:s1+s4], $0x4000, $0x38;
	[tilespmem:$0x18580] =	vst v63  }
0x10: {  	_ =	swait.ge [sflag:s9], $0x4000  }
0x11: {  	[sflag:s9] =	ssyncset.done $0x0  }
0x12: {  	[sflag:s9] =	ssyncadd.s32 $0xFFFFC000  }
0x13: {  	[tilespmem:s10], [sflag:$0x1] =	stream.linear.gather [hbm4b:s3+s4], $0x4000, $0x38;
	[tilespmem:$0x18580] =	vst v63  }
0x14: {  	_ =	swait.ge [sflag:s9], $0x4000  }
0x15: {  	[sflag:s9] =	ssyncset.done $0x0  }
0x16: {  	[sflag:s9] =	ssyncadd.s32 $0xFFFFC000  }
0x17: {  	[tilespmem:s11], [sflag:$0x1] =	stream.linear.gather [hbm4b:s5+s4], $0x100, $0x38;
	[tilespmem:$0x18580] =	vst v63  }
0x18: {  	_ =	swait.ge [sflag:s9], $0x100  }
0x19: {  	[sflag:s9] =	ssyncset.done $0x0  }
0x1a: {  	s18 =	simm.s32 $0x0;
	[sflag:s9] =	ssyncadd.s32 $0xFFFFFF00  }
.LBB2_2:
0x1b: {  	s19 =	sshll.u32 s18, $0xD  }
0x1c: {  	s20 =	sshll.u32 s18, $0x6;
	s19 =	sand.u32 $0x4000, s19  }
0x1d: {  	s20 =	sand.u32 $0x40, s20;
	s19 =	sadd.s32 s19, s6  }
0x1e: {  	s19 =	sadd.s32 s20, s19  }
0x1f: {  	[tilespmem:s14], [sflag:$0x1] =	stream.strided.gather [hbm4b:s19+s12], $0x10000, s13, s12, $0x38;
	[tilespmem:$0x18580] =	vst v63  }
0x20: {  	_ =	swait.ge [sflag:s9], $0x10000  }
0x21: {  	[sflag:s9] =	ssyncset.done $0x0  }
0x22: {  	s20 =	simm.s32 $0x0;
	s19 =	sshll.u32 s18, $0x2;
	[sflag:s9] =	ssyncadd.s32 $0xFFFF0000  }
.LBB2_3:
0x23: {  	s21 =	simm.s32 $0x40;
	s23 =	simm.s32 $0x0  }
.LBB2_4:
0x24: {  	p0 =	sne.s32 s21, $0xFC0;
	[tilespmem:s23+$0x18100] =	vst v11;
	s22 =	smov.u32 s21;
	s21 =	sadd.s32 $0x40, s21  }
.Ltmp0:
0x25: {  	(pc) =	sbr.rel @p0 .LBB2_4-.Ltmp0, $2  }
0x26: {  	_ =	sdelay $0x2  }
0x27: {  	s23 =	sshra.s32 s22, $0x2  }
0x28: {  	s21 =	sadd.s32 s19, s20  }
0x29: {  	s22 =	sshll.u32 s21, $0x4  }
0x2a: {  	v0 =	vmov s22  }
0x2b: {  	s24 =	sor.u32 $0x1, s22;
	v0 =	vbroadcast v0, $0x0  }
0x2c: {  	v1 =	vmov s24  }
0x2d: {  	v1 =	vbroadcast v1, $0x0;
	_ =	sdelay $0x2  }
0x2e: {  	[tilespmem:s23+$0x18100] =	vst v11  }
0x2f: {  	v0 =	vld.idx.msk [tilespmem:v0+s11+$0x0], $0xffff;
	_ =	sdelay $0x1  }
0x30: {  	v1 =	vld.idx.msk [tilespmem:v1+s11+$0x0], $0xffff;
	_ =	sdelay $0x2  }
0x31: {  	v51 =	vmov s20;
	v2 =	vshll.u32 v0, $0x4;
	v0 =	vshll.u32 v0, $0x6  }
0x32: {  	v3 =	vor.u32 v5, v2;
	v2 =	vshll.u32 v51, $0x7;
	v0 =	vand.u32 $0xFFFFFE00, v0  }
0x33: {  	v4 =	vshll.u32 v1, $0x4;
	v1 =	vshll.u32 v1, $0x6;
	v2 =	vand.u32 $0x180, v2  }
0x34: {  	[tilespmem:$0x1FF70] =	vst v3;
	v3 =	vand.u32 $0x7F, v3;
	v52 =	vor.u32 v5, v4;
	v19 =	vbroadcast v2, $0x0  }
0x35: {  	v1 =	vand.u32 $0xFFFFFE00, v1;
	v0 =	vor.u32 v3, v0;
	v2 =	vand.u32 $0x7F, v52  }
0x36: {  	v1 =	vor.u32 v2, v1;
	v0 =	vor.u32 v19, v0  }
0x37: {  	v1 =	vor.u32 v19, v1;
	_ =	sdelay $0x1  }
0x38: {  	s24 =	sor.u32 $0x2, s22  }
0x39: {  	v53 =	vmov s24  }
0x3a: {  	v54 =	vbroadcast v53, $0x0;
	v6 =	vld.idx.msk [tilespmem:v0+s14+$0x0], $0xffff  }
0x3b: {  	v7 =	vld.idx.msk [tilespmem:v1+s14+$0x0], $0xffff;
	_ =	sdelay $0x3  }
0x3c: {  	(xrf1) =	vsort.ascd.msk.f32 $0xffff, v6, v6  }
0x3d: {  	v0 =	vld.idx.msk [tilespmem:v54+s11+$0x0], $0xffff;
	(xrf1) =	vsort.ascd.msk.f32 $0xffff, v7, v7;
	_ =	sdelay $0x4  }
0x3e: {  	v55 =	vshll.u32 v0, $0x4  }
0x3f: {  	v0 =	vshll.u32 v0, $0x6;
	v1 =	vor.u32 v5, v55  }
0x40: {  	v0 =	vand.u32 $0xFFFFFE00, v0;
	[tilespmem:$0x1FF90] =	vst v1;
	v1 =	vand.u32 $0x7F, v1  }
0x41: {  	v0 =	vor.u32 v1, v0  }
0x42: {  	v0 =	vor.u32 v19, v0;
	_ =	sdelay $0x1  }
0x43: {  	s25 =	sor.u32 $0x3, s22  }
0x44: {  	v56 =	vmov s25  }
0x45: {  	v1 =	vbroadcast v56, $0x0;
	v57, _, _ =	vpop (xrf1)  }
0x46: {  	v9 =	vld.idx.msk [tilespmem:v0+s14+$0x0], $0xffff;
	v58, _, _ =	vpop (xrf1)  }
0x47: {  	v0 =	vperm.xlane v58, v13;
	_ =	sdelay $0x1  }
0x48: {  	v0 =	vmin.f32 v57, v0  }
0x49: {  	(xrf1) =	vsort.ascd.msk.f32 $0xffff, v0, v0  }
0x4a: {  	v59 =	vld.idx.msk [tilespmem:v1+s11+$0x0], $0xffff;
	(xrf1) =	vsort.ascd.msk.f32 $0xffff, v9, v9;
	_ =	sdelay $0x4  }
0x4b: {  	v1 =	vshll.u32 v59, $0x4  }
0x4c: {  	v1 =	vor.u32 v5, v1;
	v0 =	vshll.u32 v59, $0x6  }
0x4d: {  	[tilespmem:$0x1FFA0] =	vst v1;
	v1 =	vand.u32 $0x7F, v1;
	v0 =	vand.u32 $0xFFFFFE00, v0  }
0x4e: {  	v0 =	vor.u32 v1, v0  }
0x4f: {  	v0 =	vor.u32 v19, v0;
	_ =	sdelay $0x1  }
0x50: {  	s26 =	sor.u32 $0x4, s22  }
0x51: {  	v60 =	vmov s26  }
0x52: {  	v1 =	vbroadcast v60, $0x0;
	v61, _, _ =	vpop (xrf1)  }
0x53: {  	v12 =	vld.idx.msk [tilespmem:v0+s14+$0x0], $0xffff;
	v62, _, _ =	vpop (xrf1)  }
0x54: {  	v0 =	vperm.xlane v62, v13;
	_ =	sdelay $0x1  }
0x55: {  	v0 =	vmin.f32 v61, v0  }
0x56: {  	(xrf1) =	vsort.ascd.msk.f32 $0xffff, v0, v0  }
0x57: {  	v63 =	vld.idx.msk [tilespmem:v1+s11+$0x0], $0xffff;
	(xrf1) =	vsort.ascd.msk.f32 $0xffff, v12, v12;
	_ =	sdelay $0x4  }
0x58: {  	v1 =	vshll.u32 v63, $0x4  }
0x59: {  	v1 =	vor.u32 v5, v1;
	v0 =	vshll.u32 v63, $0x6  }
0x5a: {  	[tilespmem:$0x1FFB0] =	vst v1;
	v1 =	vand.u32 $0x7F, v1;
	v0 =	vand.u32 $0xFFFFFE00, v0  }
0x5b: {  	v0 =	vor.u32 v1, v0  }
0x5c: {  	v0 =	vor.u32 v19, v0;
	_ =	sdelay $0x1  }
0x5d: {  	s28 =	sor.u32 $0x5, s22  }
0x5e: {  	v32 =	vmov s28  }
0x5f: {  	v1 =	vbroadcast v32, $0x0;
	v33, _, _ =	vpop (xrf1)  }
0x60: {  	v14 =	vld.idx.msk [tilespmem:v0+s14+$0x0], $0xffff;
	v34, _, _ =	vpop (xrf1)  }
0x61: {  	v0 =	vperm.xlane v34, v13;
	_ =	sdelay $0x1  }
0x62: {  	v0 =	vmin.f32 v33, v0  }
0x63: {  	(xrf1) =	vsort.ascd.msk.f32 $0xffff, v0, v0  }
0x64: {  	v35 =	vld.idx.msk [tilespmem:v1+s11+$0x0], $0xffff;
	(xrf1) =	vsort.ascd.msk.f32 $0xffff, v14, v14;
	_ =	sdelay $0x4  }
0x65: {  	v1 =	vshll.u32 v35, $0x4  }
0x66: {  	v1 =	vor.u32 v5, v1;
	v0 =	vshll.u32 v35, $0x6  }
0x67: {  	[tilespmem:$0x1FFC0] =	vst v1;
	v1 =	vand.u32 $0x7F, v1;
	v0 =	vand.u32 $0xFFFFFE00, v0  }
0x68: {  	v0 =	vor.u32 v1, v0  }
0x69: {  	v0 =	vor.u32 v19, v0;
	_ =	sdelay $0x1  }
0x6a: {  	s29 =	sor.u32 $0x6, s22  }
0x6b: {  	v36 =	vmov s29  }
0x6c: {  	v1 =	vbroadcast v36, $0x0;
	v37, _, _ =	vpop (xrf1)  }
0x6d: {  	v10 =	vld.idx.msk [tilespmem:v0+s14+$0x0], $0xffff;
	v38, _, _ =	vpop (xrf1)  }
0x6e: {  	v0 =	vperm.xlane v38, v13;
	_ =	sdelay $0x1  }
0x6f: {  	v0 =	vmin.f32 v37, v0  }
0x70: {  	(xrf1) =	vsort.ascd.msk.f32 $0xffff, v0, v0  }
0x71: {  	v39 =	vld.idx.msk [tilespmem:v1+s11+$0x0], $0xffff;
	(xrf1) =	vsort.ascd.msk.f32 $0xffff, v10, v10;
	_ =	sdelay $0x4  }
0x72: {  	v1 =	vshll.u32 v39, $0x4  }
0x73: {  	v1 =	vor.u32 v5, v1;
	v0 =	vshll.u32 v39, $0x6  }
0x74: {  	[tilespmem:$0x1FFD0] =	vst v1;
	v1 =	vand.u32 $0x7F, v1;
	v0 =	vand.u32 $0xFFFFFE00, v0  }
0x75: {  	v0 =	vor.u32 v1, v0  }
0x76: {  	v0 =	vor.u32 v19, v0;
	_ =	sdelay $0x1  }
0x77: {  	s30 =	sor.u32 $0x7, s22  }
0x78: {  	v40 =	vmov s30  }
0x79: {  	v1 =	vbroadcast v40, $0x0;
	v41, _, _ =	vpop (xrf1)  }
0x7a: {  	v8 =	vld.idx.msk [tilespmem:v0+s14+$0x0], $0xffff;
	v42, _, _ =	vpop (xrf1)  }
0x7b: {  	v0 =	vperm.xlane v42, v13;
	_ =	sdelay $0x1  }
0x7c: {  	v0 =	vmin.f32 v41, v0  }
0x7d: {  	(xrf1) =	vsort.ascd.msk.f32 $0xffff, v0, v0  }
0x7e: {  	v43 =	vld.idx.msk [tilespmem:v1+s11+$0x0], $0xffff;
	(xrf1) =	vsort.ascd.msk.f32 $0xffff, v8, v8;
	_ =	sdelay $0x4  }
0x7f: {  	v1 =	vshll.u32 v43, $0x4  }
0x80: {  	v1 =	vor.u32 v5, v1;
	v0 =	vshll.u32 v43, $0x6  }
0x81: {  	[tilespmem:$0x1FFE0] =	vst v1;
	v1 =	vand.u32 $0x7F, v1;
	v0 =	vand.u32 $0xFFFFFE00, v0  }
0x82: {  	v0 =	vor.u32 v1, v0  }
0x83: {  	v0 =	vor.u32 v19, v0;
	_ =	sdelay $0x1  }
0x84: {  	s31 =	sor.u32 $0x8, s22  }
0x85: {  	v44 =	vmov s31  }
0x86: {  	v1 =	vbroadcast v44, $0x0;
	v45, _, _ =	vpop (xrf1)  }
0x87: {  	v15 =	vld.idx.msk [tilespmem:v0+s14+$0x0], $0xffff;
	v46, _, _ =	vpop (xrf1)  }
0x88: {  	v0 =	vperm.xlane v46, v13;
	_ =	sdelay $0x1  }
0x89: {  	v0 =	vmin.f32 v45, v0  }
0x8a: {  	(xrf1) =	vsort.ascd.msk.f32 $0xffff, v0, v0  }
0x8b: {  	v47 =	vld.idx.msk [tilespmem:v1+s11+$0x0], $0xffff;
	(xrf1) =	vsort.ascd.msk.f32 $0xffff, v15, v15;
	_ =	sdelay $0x4  }
0x8c: {  	v1 =	vshll.u32 v47, $0x4  }
0x8d: {  	v24 =	vor.u32 v5, v1;
	v0 =	vshll.u32 v47, $0x6  }
0x8e: {  	v1 =	vand.u32 $0x7F, v24;
	v0 =	vand.u32 $0xFFFFFE00, v0  }
0x8f: {  	v0 =	vor.u32 v1, v0  }
0x90: {  	v0 =	vor.u32 v19, v0;
	_ =	sdelay $0x1  }
0x91: {  	s24 =	sor.u32 $0x9, s22  }
0x92: {  	v48 =	vmov s24  }
0x93: {  	v1 =	vbroadcast v48, $0x0;
	v49, _, _ =	vpop (xrf1)  }
0x94: {  	v30 =	vld.idx.msk [tilespmem:v0+s14+$0x0], $0xffff;
	v50, _, _ =	vpop (xrf1)  }
0x95: {  	v0 =	vperm.xlane v50, v13;
	_ =	sdelay $0x1  }
0x96: {  	v0 =	vmin.f32 v49, v0  }
0x97: {  	(xrf1) =	vsort.ascd.msk.f32 $0xffff, v0, v0  }
0x98: {  	v51 =	vld.idx.msk [tilespmem:v1+s11+$0x0], $0xffff;
	(xrf1) =	vsort.ascd.msk.f32 $0xffff, v30, v30;
	_ =	sdelay $0x4  }
0x99: {  	v1 =	vshll.u32 v51, $0x4  }
0x9a: {  	v28 =	vor.u32 v5, v1;
	v0 =	vshll.u32 v51, $0x6  }
0x9b: {  	v1 =	vand.u32 $0x7F, v28;
	v0 =	vand.u32 $0xFFFFFE00, v0  }
0x9c: {  	v0 =	vor.u32 v1, v0  }
0x9d: {  	v0 =	vor.u32 v19, v0;
	_ =	sdelay $0x1  }
0x9e: {  	s25 =	sor.u32 $0xA, s22  }
0x9f: {  	[tilespmem:$0x1FF80] =	vst v52;
	v52 =	vmov s25  }
0xa0: {  	v1 =	vbroadcast v52, $0x0;
	v53, _, _ =	vpop (xrf1)  }
0xa1: {  	v33 =	vld.idx.msk [tilespmem:v0+s14+$0x0], $0xffff;
	v54, _, _ =	vpop (xrf1)  }
0xa2: {  	v0 =	vperm.xlane v54, v13;
	_ =	sdelay $0x1  }
0xa3: {  	v0 =	vmin.f32 v53, v0  }
0xa4: {  	(xrf1) =	vsort.ascd.msk.f32 $0xffff, v0, v0  }
0xa5: {  	v55 =	vld.idx.msk [tilespmem:v1+s11+$0x0], $0xffff;
	(xrf1) =	vsort.ascd.msk.f32 $0xffff, v33, v33;
	_ =	sdelay $0x4  }
0xa6: {  	v1 =	vshll.u32 v55, $0x4  }
0xa7: {  	v32 =	vor.u32 v5, v1;
	v0 =	vshll.u32 v55, $0x6  }
0xa8: {  	v1 =	vand.u32 $0x7F, v32;
	v0 =	vand.u32 $0xFFFFFE00, v0  }
0xa9: {  	v0 =	vor.u32 v1, v0  }
0xaa: {  	v0 =	vor.u32 v19, v0;
	_ =	sdelay $0x1  }
0xab: {  	s26 =	sor.u32 $0xB, s22  }
0xac: {  	v56 =	vmov s26  }
0xad: {  	v1 =	vbroadcast v56, $0x0;
	v57, _, _ =	vpop (xrf1)  }
0xae: {  	v17 =	vld.idx.msk [tilespmem:v0+s14+$0x0], $0xffff;
	v58, _, _ =	vpop (xrf1)  }
0xaf: {  	v0 =	vperm.xlane v58, v13;
	_ =	sdelay $0x1  }
0xb0: {  	v0 =	vmin.f32 v57, v0  }
0xb1: {  	(xrf1) =	vsort.ascd.msk.f32 $0xffff, v0, v0  }
0xb2: {  	v59 =	vld.idx.msk [tilespmem:v1+s11+$0x0], $0xffff;
	(xrf1) =	vsort.ascd.msk.f32 $0xffff, v17, v17;
	_ =	sdelay $0x4  }
0xb3: {  	v1 =	vshll.u32 v59, $0x4  }
0xb4: {  	v25 =	vor.u32 v5, v1;
	v0 =	vshll.u32 v59, $0x6  }
0xb5: {  	v1 =	vand.u32 $0x7F, v25;
	v0 =	vand.u32 $0xFFFFFE00, v0  }
0xb6: {  	v0 =	vor.u32 v1, v0  }
0xb7: {  	v0 =	vor.u32 v19, v0;
	_ =	sdelay $0x1  }
0xb8: {  	s28 =	sor.u32 $0xC, s22  }
0xb9: {  	v60 =	vmov s28  }
0xba: {  	v1 =	vbroadcast v60, $0x0;
	v61, _, _ =	vpop (xrf1)  }
0xbb: {  	v36 =	vld.idx.msk [tilespmem:v0+s14+$0x0], $0xffff;
	v62, _, _ =	vpop (xrf1)  }
0xbc: {  	v0 =	vperm.xlane v62, v13;
	_ =	sdelay $0x1  }
0xbd: {  	v0 =	vmin.f32 v61, v0  }
0xbe: {  	(xrf1) =	vsort.ascd.msk.f32 $0xffff, v0, v0  }
0xbf: {  	v63 =	vld.idx.msk [tilespmem:v1+s11+$0x0], $0xffff;
	(xrf1) =	vsort.ascd.msk.f32 $0xffff, v36, v36;
	_ =	sdelay $0x4  }
0xc0: {  	v1 =	vshll.u32 v63, $0x4  }
0xc1: {  	v29 =	vor.u32 v5, v1;
	v0 =	vshll.u32 v63, $0x6  }
0xc2: {  	v1 =	vand.u32 $0x7F, v29;
	v0 =	vand.u32 $0xFFFFFE00, v0  }
0xc3: {  	v0 =	vor.u32 v1, v0  }
0xc4: {  	v0 =	vor.u32 v19, v0;
	_ =	sdelay $0x1  }
0xc5: {  	s29 =	sor.u32 $0xD, s22  }
0xc6: {  	v34 =	vmov s29  }
0xc7: {  	v1 =	vbroadcast v34, $0x0;
	v35, _, _ =	vpop (xrf1)  }
0xc8: {  	v39 =	vld.idx.msk [tilespmem:v0+s14+$0x0], $0xffff;
	v41, _, _ =	vpop (xrf1)  }
0xc9: {  	v0 =	vperm.xlane v41, v13;
	_ =	sdelay $0x1  }
0xca: {  	v0 =	vmin.f32 v35, v0  }
0xcb: {  	(xrf1) =	vsort.ascd.msk.f32 $0xffff, v0, v0  }
0xcc: {  	v42 =	vld.idx.msk [tilespmem:v1+s11+$0x0], $0xffff;
	(xrf1) =	vsort.ascd.msk.f32 $0xffff, v39, v39;
	_ =	sdelay $0x4  }
0xcd: {  	v1 =	vshll.u32 v42, $0x4  }
0xce: {  	v27 =	vor.u32 v5, v1;
	v0 =	vshll.u32 v42, $0x6  }
0xcf: {  	v1 =	vand.u32 $0x7F, v27;
	v0 =	vand.u32 $0xFFFFFE00, v0  }
0xd0: {  	v0 =	vor.u32 v1, v0  }
0xd1: {  	v0 =	vor.u32 v19, v0;
	_ =	sdelay $0x1  }
0xd2: {  	s22 =	sor.u32 $0xE, s22  }
0xd3: {  	v43 =	vmov s22  }
0xd4: {  	v1 =	vbroadcast v43, $0x0;
	v44, _, _ =	vpop (xrf1)  }
0xd5: {  	v35 =	vld.idx.msk [tilespmem:v0+s14+$0x0], $0xffff;
	v45, _, _ =	vpop (xrf1)  }
0xd6: {  	v0 =	vperm.xlane v45, v13;
	_ =	sdelay $0x1  }
0xd7: {  	v0 =	vmin.f32 v44, v0  }
0xd8: {  	(xrf1) =	vsort.ascd.msk.f32 $0xffff, v0, v0  }
0xd9: {  	v46 =	vld.idx.msk [tilespmem:v1+s11+$0x0], $0xffff;
	(xrf1) =	vsort.ascd.msk.f32 $0xffff, v35, v35;
	_ =	sdelay $0x4  }
0xda: {  	v1 =	vshll.u32 v46, $0x4  }
0xdb: {  	v22 =	vor.u32 v5, v1;
	v0 =	vshll.u32 v46, $0x6  }
0xdc: {  	v1 =	vand.u32 $0x7F, v22;
	v0 =	vand.u32 $0xFFFFFE00, v0  }
0xdd: {  	v0 =	vor.u32 v1, v0  }
0xde: {  	v0 =	vor.u32 v19, v0;
	_ =	sdelay $0x3  }
0xdf: {  	s30 =	sshllo.u32 s21, $0x4;
	v47, _, _ =	vpop (xrf1)  }
0xe0: {  	v48 =	vmov s30;
	v34 =	vld.idx.msk [tilespmem:v0+s14+$0x0], $0xffff;
	v49, _, _ =	vpop (xrf1)  }
0xe1: {  	v2 =	vperm.xlane v49, v13;
	_ =	sdelay $0x1  }
0xe2: {  	v1 =	vmin.f32 v47, v2  }
0xe3: {  	(xrf1) =	vsort.ascd.msk.f32 $0xffff, v1, v1  }
0xe4: {  	v0 =	vld.idx.msk [tilespmem:v48+s11+$0x0], $0xffff;
	(xrf1) =	vsort.ascd.msk.f32 $0xffff, v34, v34;
	_ =	sdelay $0x4  }
0xe5: {  	v50 =	vshll.u32 v0, $0x4  }
0xe6: {  	v0 =	vshll.u32 v0, $0x6;
	v43 =	vor.u32 v5, v50  }
0xe7: {  	v0 =	vand.u32 $0xFFFFFE00, v0;
	v1 =	vand.u32 $0x7F, v43  }
0xe8: {  	v0 =	vor.u32 v1, v0  }
0xe9: {  	v0 =	vor.u32 v19, v0;
	_ =	sdelay $0x3  }
0xea: {  	v51, _, _ =	vpop (xrf1)  }
0xeb: {  	v37 =	vld.idx.msk [tilespmem:v0+s14+$0x0], $0xffff;
	v52, _, _ =	vpop (xrf1)  }
0xec: {  	v0 =	vperm.xlane v52, v13;
	_ =	sdelay $0x1  }
0xed: {  	v0 =	vmin.f32 v51, v0  }
0xee: {  	(xrf1) =	vsort.ascd.msk.f32 $0xffff, v0, v0  }
0xef: {  	(xrf1) =	vsort.ascd.msk.f32 $0xffff, v37, v37;
	_ =	sdelay $0xc  }
0xf0: {  	v0, _, _ =	vpop (xrf1)  }
0xf1: {  	v53, _, _ =	vpop (xrf1)  }
0xf2: {  	v1 =	vperm.xlane v53, v13;
	_ =	sdelay $0x1  }
0xf3: {  	v0 =	vmin.f32 v0, v1  }
0xf4: {  	(xrf1) =	vsort.ascd.msk.f32 $0xffff, v0, v0;
	_ =	sdelay $0xd  }
0xf5: {  	v0, _, _ =	vpop (xrf1)  }
0xf6: {  	(xrf0) =	vmax.scan.msk.f32 $0xffff, v0;
	_ =	sdelay $0x5  }
0xf7: {  	v0, _, _ =	vpop (xrf0)  }
0xf8: {  	v0 =	vbroadcast v0, $0xF;
	_ =	sdelay $0x1  }
0xf9: {  	vm15 =	vle.f32 v6, v0;
	vm13 =	vle.f32 v7, v0  }
0xfa: {  	vm14 =	vle.f32 v9, v0;
	v54 =	vmpcnt.ones.xlane vm15;
	v55 =	vmpcnt.ones.xlane vm13  }
0xfb: {  	vm1 =	vle.f32 v12, v0;
	v3 =	vmpcnt.ones.xlane vm14  }
0xfc: {  	vm2 =	vle.f32 v14, v0;
	v56 =	vmpcnt.ones.xlane vm1;
	v1 =	vadd.s32 v54, v55  }
0xfd: {  	vm3 =	vle.f32 v10, v0;
	v1 =	vadd.s32 v3, v1;
	v3 =	vmpcnt.ones.xlane vm2  }
0xfe: {  	vm4 =	vle.f32 v8, v0;
	v57 =	vmpcnt.ones.xlane vm3;
	v1 =	vadd.s32 v56, v1  }
0xff: {  	vm5 =	vle.f32 v15, v0;
	v1 =	vadd.s32 v3, v1;
	v3 =	vmpcnt.ones.xlane vm4  }
0x100: {  	vm6 =	vle.f32 v30, v0;
	v58 =	vmpcnt.ones.xlane vm5;
	v1 =	vadd.s32 v57, v1  }
0x101: {  	vm7 =	vle.f32 v33, v0;
	v1 =	vadd.s32 v3, v1;
	v3 =	vmpcnt.ones.xlane vm6  }
0x102: {  	vm8 =	vle.f32 v17, v0;
	v59 =	vmpcnt.ones.xlane vm7;
	v1 =	vadd.s32 v58, v1  }
0x103: {  	vm9 =	vle.f32 v36, v0;
	v1 =	vadd.s32 v3, v1;
	v3 =	vmpcnt.ones.xlane vm8  }
0x104: {  	vm10 =	vle.f32 v39, v0;
	v60 =	vmpcnt.ones.xlane vm9;
	v1 =	vadd.s32 v59, v1  }
0x105: {  	vm11 =	vle.f32 v35, v0;
	v1 =	vadd.s32 v3, v1;
	v3 =	vmpcnt.ones.xlane vm10  }
0x106: {  	vm12 =	vle.f32 v34, v0;
	v61 =	vmpcnt.ones.xlane vm11;
	v1 =	vadd.s32 v60, v1  }
0x107: {  	vm0 =	vle.f32 v37, v0;
	v62 =	vmpcnt.ones.xlane vm12;
	v1 =	vadd.s32 v3, v1  }
0x108: {  	v63 =	vmpcnt.ones.xlane vm0;
	v1 =	vadd.s32 v61, v1  }
0x109: {  	v0 =	vadd.s32 v62, v1  }
0x10a: {  	v0 =	vadd.s32 v63, v0  }
0x10b: {  	v0 =	vxor.u32 $0x80000000, v0  }
0x10c: {  	(xrf0) =	vmax.scan.msk.u32 $0xffff, v0;
	_ =	sdelay $0x5  }
0x10d: {  	v0, _, _ =	vpop (xrf0)  }
0x10e: {  	(v2sf) =	vpush v0, $0xF;
	_ =	sdelay $0xe  }
0x10f: {  	s31 =	spop (v2sf)  }
0x110: {  	p0 =	seq.s32 s31, $0x80000010  }
.Ltmp1:
0x111: {  	_ = 	snop;
	(pc) =	sbr.rel @!p0 .LBB2_6-.Ltmp1, $1  }
0x112: {  	_ =	sdelay $0x3  }
0x113: {  	v1 =	vld [tilespmem:$0x1FF70];
	_ =	sdelay $0x7  }
0x114: {  	v0 =	vld.idx.msk [tilespmem:v1+s4+$0x0], $0xffff  }
0x115: {  	v57 =	vld [tilespmem:$0x1FF80];
	_ =	sdelay $0x1  }
0x116: {  	v1 =	vld.idx.msk [tilespmem:v1+s10+$0x0], $0xffff;
	_ =	sdelay $0x4  }
0x117: {  	[tilespmem:v0+s15+$0x0] =	vst.idx.add.f32.msk vm15, v1  }
0x118: {  	v0 =	vld.idx.msk [tilespmem:v57+s4+$0x0], $0xffff  }
0x119: {  	v58 =	vld [tilespmem:$0x1FF90];
	_ =	sdelay $0x1  }
0x11a: {  	v1 =	vld.idx.msk [tilespmem:v57+s10+$0x0], $0xffff;
	_ =	sdelay $0x4  }
0x11b: {  	[tilespmem:v0+s15+$0x0] =	vst.idx.add.f32.msk vm13, v1  }
0x11c: {  	v0 =	vld.idx.msk [tilespmem:v58+s4+$0x0], $0xffff  }
0x11d: {  	v59 =	vld [tilespmem:$0x1FFA0];
	_ =	sdelay $0x1  }
0x11e: {  	v1 =	vld.idx.msk [tilespmem:v58+s10+$0x0], $0xffff;
	_ =	sdelay $0x4  }
0x11f: {  	[tilespmem:v0+s15+$0x0] =	vst.idx.add.f32.msk vm14, v1  }
0x120: {  	v0 =	vld.idx.msk [tilespmem:v59+s4+$0x0], $0xffff  }
0x121: {  	v60 =	vld [tilespmem:$0x1FFB0];
	_ =	sdelay $0x1  }
0x122: {  	v1 =	vld.idx.msk [tilespmem:v59+s10+$0x0], $0xffff;
	_ =	sdelay $0x4  }
0x123: {  	[tilespmem:v0+s15+$0x0] =	vst.idx.add.f32.msk vm1, v1  }
0x124: {  	v0 =	vld.idx.msk [tilespmem:v60+s4+$0x0], $0xffff  }
0x125: {  	v61 =	vld [tilespmem:$0x1FFC0];
	_ =	sdelay $0x1  }
0x126: {  	v1 =	vld.idx.msk [tilespmem:v60+s10+$0x0], $0xffff;
	_ =	sdelay $0x4  }
0x127: {  	[tilespmem:v0+s15+$0x0] =	vst.idx.add.f32.msk vm2, v1  }
0x128: {  	v0 =	vld.idx.msk [tilespmem:v61+s4+$0x0], $0xffff  }
0x129: {  	v62 =	vld [tilespmem:$0x1FFD0];
	_ =	sdelay $0x1  }
0x12a: {  	v1 =	vld.idx.msk [tilespmem:v61+s10+$0x0], $0xffff;
	_ =	sdelay $0x4  }
0x12b: {  	[tilespmem:v0+s15+$0x0] =	vst.idx.add.f32.msk vm3, v1  }
0x12c: {  	v0 =	vld.idx.msk [tilespmem:v62+s4+$0x0], $0xffff  }
0x12d: {  	v63 =	vld [tilespmem:$0x1FFE0];
	_ =	sdelay $0x1  }
0x12e: {  	v1 =	vld.idx.msk [tilespmem:v62+s10+$0x0], $0xffff;
	_ =	sdelay $0x4  }
0x12f: {  	[tilespmem:v0+s15+$0x0] =	vst.idx.add.f32.msk vm4, v1  }
0x130: {  	v0 =	vld.idx.msk [tilespmem:v63+s4+$0x0], $0xffff;
	_ =	sdelay $0x2  }
0x131: {  	v1 =	vld.idx.msk [tilespmem:v63+s10+$0x0], $0xffff;
	_ =	sdelay $0x4  }
0x132: {  	[tilespmem:v0+s15+$0x0] =	vst.idx.add.f32.msk vm5, v1  }
0x133: {  	v0 =	vld.idx.msk [tilespmem:v24+s4+$0x0], $0xffff;
	_ =	sdelay $0x2  }
0x134: {  	v1 =	vld.idx.msk [tilespmem:v24+s10+$0x0], $0xffff;
	_ =	sdelay $0x4  }
0x135: {  	[tilespmem:v0+s15+$0x0] =	vst.idx.add.f32.msk vm6, v1  }
0x136: {  	v0 =	vld.idx.msk [tilespmem:v28+s4+$0x0], $0xffff;
	_ =	sdelay $0x2  }
0x137: {  	v1 =	vld.idx.msk [tilespmem:v28+s10+$0x0], $0xffff;
	_ =	sdelay $0x4  }
0x138: {  	[tilespmem:v0+s15+$0x0] =	vst.idx.add.f32.msk vm7, v1  }
0x139: {  	v0 =	vld.idx.msk [tilespmem:v32+s4+$0x0], $0xffff;
	_ =	sdelay $0x2  }
0x13a: {  	v1 =	vld.idx.msk [tilespmem:v32+s10+$0x0], $0xffff;
	_ =	sdelay $0x4  }
0x13b: {  	[tilespmem:v0+s15+$0x0] =	vst.idx.add.f32.msk vm8, v1  }
0x13c: {  	v0 =	vld.idx.msk [tilespmem:v25+s4+$0x0], $0xffff;
	_ =	sdelay $0x2  }
0x13d: {  	v1 =	vld.idx.msk [tilespmem:v25+s10+$0x0], $0xffff;
	_ =	sdelay $0x4  }
0x13e: {  	[tilespmem:v0+s15+$0x0] =	vst.idx.add.f32.msk vm9, v1  }
0x13f: {  	v0 =	vld.idx.msk [tilespmem:v29+s4+$0x0], $0xffff;
	_ =	sdelay $0x2  }
0x140: {  	v1 =	vld.idx.msk [tilespmem:v29+s10+$0x0], $0xffff;
	_ =	sdelay $0x4  }
0x141: {  	[tilespmem:v0+s15+$0x0] =	vst.idx.add.f32.msk vm10, v1  }
0x142: {  	v0 =	vld.idx.msk [tilespmem:v27+s4+$0x0], $0xffff;
	_ =	sdelay $0x2  }
0x143: {  	v1 =	vld.idx.msk [tilespmem:v27+s10+$0x0], $0xffff;
	_ =	sdelay $0x4  }
0x144: {  	[tilespmem:v0+s15+$0x0] =	vst.idx.add.f32.msk vm11, v1  }
0x145: {  	v0 =	vld.idx.msk [tilespmem:v22+s4+$0x0], $0xffff;
	_ =	sdelay $0x2  }
0x146: {  	v1 =	vld.idx.msk [tilespmem:v22+s10+$0x0], $0xffff;
	_ =	sdelay $0x4  }
0x147: {  	[tilespmem:v0+s15+$0x0] =	vst.idx.add.f32.msk vm12, v1  }
0x148: {  	v0 =	vld.idx.msk [tilespmem:v43+s4+$0x0], $0xffff;
	_ =	sdelay $0x2  }
0x149: {  	v1 =	vld.idx.msk [tilespmem:v43+s10+$0x0], $0xffff  }
.Ltmp2:
0x14a: {  	_ = 	snop;
	(pc) =	sbr.rel .LBB2_9-.Ltmp2, $2  }
0x14b: {  	_ =	sdelay $0x2  }
0x14c: {  	[tilespmem:v0+s15+$0x0] =	vst.idx.add.f32.msk vm0, v1  }
.LBB2_6:
0x14d: {  	v0 =	vld [tilespmem:$0x1FF70];
	_ =	sdelay $0x4  }
0x14e: {  	v50 =	vxor.u32 $0x80000000, v0;
	v0 =	vld [tilespmem:$0x1FF80];
	_ =	sdelay $0x4  }
0x14f: {  	v49 =	vxor.u32 $0x80000000, v0;
	v0 =	vld [tilespmem:$0x1FF90];
	_ =	sdelay $0x4  }
0x150: {  	v48 =	vxor.u32 $0x80000000, v0;
	v0 =	vld [tilespmem:$0x1FFA0];
	_ =	sdelay $0x4  }
0x151: {  	v47 =	vxor.u32 $0x80000000, v0;
	v0 =	vld [tilespmem:$0x1FFB0];
	_ =	sdelay $0x4  }
0x152: {  	v46 =	vxor.u32 $0x80000000, v0;
	v0 =	vld [tilespmem:$0x1FFC0];
	_ =	sdelay $0x4  }
0x153: {  	v45 =	vxor.u32 $0x80000000, v0;
	v0 =	vld [tilespmem:$0x1FFD0];
	_ =	sdelay $0x4  }
0x154: {  	v44 =	vxor.u32 $0x80000000, v0;
	v0 =	vld [tilespmem:$0x1FFE0];
	_ =	sdelay $0x3  }
0x155: {  	v20 =	vld [tilespmem:$0x1FF70]  }
0x156: {  	v42 =	vxor.u32 $0x80000000, v0;
	v0 =	vxor.u32 $0x80000000, v27  }
0x157: {  	v21 =	vld [tilespmem:$0x1FFA0];
	[tilespmem:$0x1FF40] =	vst v0;
	v0 =	vxor.u32 $0x80000000, v22  }
0x158: {  	v52 =	vimm.s32 $0xFFFFFFFF;
	[tilespmem:$0x1FF50] =	vst v0;
	v0 =	vxor.u32 $0x80000000, v43  }
0x159: {  	v1 =	vimm.s32 $0x0;
	v19 =	vld [tilespmem:$0x1FF80];
	vm0 =	vgt.s32 v43, v52;
	[tilespmem:$0x1FF60] =	vst v0;
	v0 =	vimm.f32 $-Inf  }
0x15a: {  	v23 =	vld [tilespmem:$0x1FFC0];
	v1 =	vsel vm0, $0xFFFFFFFF, v1;
	vm10 =	vgt.s32 v20, v52;
	vm3 =	vgt.f32 v12, v0  }
0x15b: {  	[tilespmem:$0x1FE90] =	vst v1;
	v1 =	vld [tilespmem:$0x1FF90];
	vm9 =	veq.f32 v6, v0;
	vm13 =	veq.f32 v7, v0;
	vm14 =	vgt.f32 v6, v0  }
0x15c: {  	vm15 =	veq.f32 v12, v0;
	vm9 =	vmand vm9, vm10;
	vm10 =	vgt.s32 v21, v52  }
0x15d: {  	vm14 =	vmor vm14, vm9;
	vm10 =	vmand vm15, vm10;
	vm15 =	vgt.f32 v7, v0  }
0x15e: {  	v2 =	vnsel vm14, $0x7F800000, v6;
	vm14 =	vgt.s32 v19, v52;
	vm10 =	vmor vm3, vm10  }
0x15f: {  	vm3 =	vmand vm13, vm14;
	vm13 =	veq.f32 v10, v0;
	vm14 =	vgt.s32 v23, v52  }
0x160: {  	vm15 =	vmor vm15, vm3;
	vm3 =	vmand vm13, vm14;
	vm13 =	vgt.s32 v1, v52;
	v1 =	vld [tilespmem:$0x1FFE0];
	_ =	sdelay $0x2  }
0x161: {  	vm4 =	vgt.s32 v32, v52  }
0x162: {  	vm11 =	vgt.s32 v24, v52;
	vm1 =	veq.f32 v15, v0;
	vm5 =	vgt.f32 v14, v0;
	(xrf0) =	vmin.scan.msk.f32 $0xffff, v2  }
0x163: {  	vm6 =	veq.f32 v14, v0;
	vm7 =	vgt.f32 v33, v0;
	vm14 =	vgt.s32 v1, v52;
	v1 =	vld [tilespmem:$0x1FFB0]  }
0x164: {  	vm12 =	vgt.f32 v9, v0;
	vm0 =	veq.f32 v9, v0;
	v3 =	vnsel vm15, $0x7F800000, v7  }
0x165: {  	vm8 =	veq.f32 v33, v0;
	vm0 =	vmand vm0, vm13;
	vm13 =	veq.f32 v17, v0;
	(xrf0) =	vmin.scan.msk.f32 $0xffff, v3  }
0x166: {  	vm13 =	vmand vm13, vm4;
	vm4 =	veq.f32 v30, v0;
	vm0 =	vmor vm12, vm0  }
0x167: {  	vm11 =	vmand vm4, vm11;
	v16 =	vnsel vm0, $0x7F800000, v9;
	vm0 =	vgt.f32 v30, v0  }
0x168: {  	vm12 =	vgt.s32 v28, v52;
	vm0 =	vmor vm0, vm11;
	vm11 =	vgt.s32 v1, v52;
	v1, _, _ =	vpop (xrf0)  }
0x169: {  	vm9 =	vgt.f32 v15, v0;
	vm8 =	vmand vm8, vm12;
	v11 =	vbroadcast v1, $0xF  }
0x16a: {  	v4 =	vnsel vm0, $0x7F800000, v30;
	vm0 =	vmor vm7, vm8;
	vm8 =	veq.f32 v36, v0;
	(xrf0) =	vmin.scan.msk.f32 $0xffff, v16  }
0x16b: {  	vm14 =	vmand vm1, vm14;
	v55 =	vnsel vm0, $0x7F800000, v33;
	vm0 =	veq.f32 v2, v11;
	v2, _, _ =	vpop (xrf0)  }
0x16c: {  	vm7 =	vmor vm9, vm14;
	vm9 =	vgt.s32 v25, v52;
	(xrf0) =	vmin.scan.msk.f32 $0xffff, v4;
	v5 =	vbroadcast v2, $0xF  }
0x16d: {  	v53 =	vnsel vm10, $0x7F800000, v12;
	vm8 =	vmand vm8, vm9;
	vm6 =	vmand vm6, vm11;
	(xrf0) =	vmin.scan.msk.f32 $0xffff, v55  }
0x16e: {  	(xrf0) =	vmin.scan.msk.f32 $0xffff, v53;
	v13 =	vnsel vm0, $0xC0000000, v50;
	vm0 =	vmor vm5, vm6;
	vm6 =	veq.f32 v3, v5  }
0x16f: {  	v54 =	vnsel vm0, $0x7F800000, v14;
	(xrf0) =	vmin.scan.msk.u32 $0xffff, v13;
	v2 =	vnsel vm6, $0xC0000000, v49;
	vm6 =	vgt.f32 v36, v0  }
0x170: {  	v18 =	vld [tilespmem:$0x1FFD0];
	vm0 =	veq.f32 v39, v0;
	v3, _, _ =	vpop (xrf0);
	vm6 =	vmor vm6, vm8;
	vm8 =	vgt.s32 v29, v52  }
0x171: {  	vm10 =	vgt.f32 v39, v0;
	v13 =	vbroadcast v3, $0xF;
	(xrf0) =	vmin.scan.msk.u32 $0xffff, v2;
	vm0 =	vmand vm0, vm8  }
0x172: {  	v56, _, _ =	vpop (xrf0);
	v51 =	vnsel vm6, $0x7F800000, v36;
	(xrf0) =	vmin.scan.msk.f32 $0xffff, v54;
	vm0 =	vmor vm10, vm0  }
0x173: {  	v1, _, _ =	vpop (xrf0);
	vm8 =	veq.f32 v16, v13;
	vm10 =	vgt.f32 v10, v0;
	(xrf0) =	vmin.scan.msk.f32 $0xffff, v51;
	v61 =	vnsel vm0, $0x7F800000, v39  }
0x174: {  	v3, _, _ =	vpop (xrf0);
	v57 =	vnsel vm8, $0xC0000000, v48;
	vm0 =	vmor vm10, vm3;
	(xrf0) =	vmin.scan.msk.f32 $0xffff, v61  }
0x175: {  	vm2 =	vgt.f32 v17, v0;
	vm4 =	vgt.s32 v18, v52;
	v16, _, _ =	vpop (xrf0);
	v58 =	vnsel vm0, $0x7F800000, v10;
	(xrf0) =	vmin.scan.msk.u32 $0xffff, v57  }
0x176: {  	vm1 =	vgt.f32 v37, v0;
	vm9 =	vgt.s32 v27, v52;
	vm5 =	vgt.f32 v35, v0;
	(xrf0) =	vmin.scan.msk.f32 $0xffff, v58  }
0x177: {  	vm6 =	veq.f32 v35, v0;
	(v2sf) =	vpush v16, $0xF;
	v16 =	vbroadcast v3, $0xF;
	v3, _, _ =	vpop (xrf0)  }
0x178: {  	vm3 =	veq.f32 v8, v0;
	vm0 =	vmand vm6, vm9;
	(v2sf) =	vpush v3, $0xF;
	v3, _, _ =	vpop (xrf0)  }
0x179: {  	vm6 =	vgt.f32 v8, v0;
	vm3 =	vmand vm3, vm4;
	vm4 =	veq.f32 v37, v0;
	v62, _, _ =	vpop (xrf0)  }
0x17a: {  	[tilespmem:$0x1FEA0] =	vst v1;
	vm0 =	vmor vm5, vm0;
	vm3 =	vmor vm6, vm3;
	vm6 =	vgt.f32 v34, v0;
	v1, _, _ =	vpop (xrf0)  }
0x17b: {  	v59 =	vbroadcast v3, $0xF;
	v3 =	vnsel vm0, $0x7F800000, v35;
	vm0 =	veq.f32 v34, v0;
	v0, _, _ =	vpop (xrf0)  }
0x17c: {  	v57 =	vnsel vm7, $0x7F800000, v15;
	vm5 =	veq.f32 v53, v16;
	(v2sf) =	vpush v0, $0xF;
	v0, _, _ =	vpop (xrf0)  }
0x17d: {  	(xrf0) =	vmin.scan.msk.f32 $0xffff, v57;
	v53 =	vnsel vm5, $0xC0000000, v47;
	v63 =	vbroadcast v0, $0xF;
	v0 =	vld [tilespmem:$0x1FE90]  }
0x17e: {  	v60 =	vnsel vm3, $0x7F800000, v8;
	(xrf0) =	vmin.scan.msk.u32 $0xffff, v53  }
0x17f: {  	vm3 =	vgt.s32 v22, v52;
	(xrf0) =	vmin.scan.msk.f32 $0xffff, v60;
	vm5 =	veq.f32 v54, v59  }
0x180: {  	vm0 =	vmand vm0, vm3;
	v53 =	vnsel vm5, $0xC0000000, v46  }
0x181: {  	vm0 =	vmor vm6, vm0  }
0x182: {  	(xrf0) =	vmin.scan.msk.f32 $0xffff, v3;
	v52 =	vnsel vm0, $0x7F800000, v34;
	vm0 =	vnez.u8 v0  }
0x183: {  	(xrf0) =	vmin.scan.msk.u32 $0xffff, v53;
	v53, _, _ =	vpop (xrf0);
	vm0 =	vmand vm4, vm0  }
0x184: {  	vm2 =	vmor vm2, vm13;
	(xrf0) =	vmin.scan.msk.f32 $0xffff, v52;
	v54, _, _ =	vpop (xrf0);
	vm0 =	vmor vm1, vm0;
	vm1 =	veq.f32 v58, v63  }
0x185: {  	v2 =	vnsel vm2, $0x7F800000, v17;
	(v2sf) =	vpush v54, $0xF;
	v54, _, _ =	vpop (xrf0);
	v0 =	vnsel vm1, $0xC0000000, v45  }
0x186: {  	[tilespmem:$0x1FEB0] =	vst v1;
	(xrf0) =	vmin.scan.msk.f32 $0xffff, v2;
	v1 =	vbroadcast v54, $0xF;
	v58 =	vnsel vm0, $0x7F800000, v37  }
0x187: {  	(xrf0) =	vmin.scan.msk.f32 $0xffff, v58  }
0x188: {  	vm0 =	veq.f32 v60, v1;
	(xrf0) =	vmin.scan.msk.u32 $0xffff, v0;
	v0, _, _ =	vpop (xrf0)  }
0x189: {  	v60 =	vnsel vm0, $0xC0000000, v44;
	v54, _, _ =	vpop (xrf0)  }
0x18a: {  	s22 =	spop (v2sf);
	[tilespmem:$0x1FEC0] =	vst v0;
	v0, _, _ =	vpop (xrf0);
	(xrf0) =	vmin.scan.msk.u32 $0xffff, v60  }
0x18b: {  	s22 =	sxor.u32 $0x80000000, s22;
	vm1 =	vlt.f32 v11, $+Inf;
	vm0 =	vgt.f32 v11, $+Inf  }
0x18c: {  	vm0 =	vmor vm0, vm1;
	vm1 =	veq.f32 v11, $+Inf;
	[tilespmem:$0x1FED0] =	vst v0;
	v0 =	vmov s22;
	v60, _, _ =	vpop (xrf0)  }
0x18d: {  	(v2sf) =	vpush v54, $0xF;
	v54 =	vbroadcast v53, $0xF;
	vm2 =	vlt.s32 v0, $0x40000000;
	v53, _, _ =	vpop (xrf0)  }
0x18e: {  	[tilespmem:$0x1FEE0] =	vst v53;
	vm1 =	vmand vm1, vm2;
	v53 =	vbroadcast v56, $0xF;
	v56, _, _ =	vpop (xrf0)  }
0x18f: {  	s24 =	spop (v2sf);
	vm2 =	veq.f32 v57, v54;
	vm0 =	vmor vm0, vm1;
	(v2sf) =	vpush v56, $0xF  }
0x190: {  	s22 =	sxor.u32 $0x80000000, s24;
	v56 =	vnsel vm2, $0xC0000000, v42;
	v11 =	vnsel vm0, $0x7F800000, v11;
	vm2 =	veq.f32 v4, v53;
	v4, _, _ =	vpop (xrf0)  }
0x191: {  	s23 =	spop (v2sf);
	v0 =	vnsel vm0, $0x40000000, v0;
	(xrf0) =	vmin.scan.msk.u32 $0xffff, v56;
	v56 =	vmov s22;
	(v2sf) =	vpush v4, $0xF;
	v4 =	vld [tilespmem:$0x1FEA0]  }
0x192: {  	vm0 =	veq.f32 v5, v11;
	vm1 =	vlt.s32 v56, v0  }
0x193: {  	vm3 =	vlt.f32 v5, v11;
	vm0 =	vmand vm0, vm1  }
0x194: {  	v41 =	vxor.u32 $0x80000000, v24;
	v40 =	vxor.u32 $0x80000000, v28;
	vm0 =	vmor vm3, vm0  }
0x195: {  	v38 =	vxor.u32 $0x80000000, v32;
	s23 =	sxor.u32 $0x80000000, s23;
	v56 =	vnsel vm2, $0xC0000000, v41;
	v5 =	vsel vm0, v5, v11  }
0x196: {  	(xrf0) =	vmin.scan.msk.u32 $0xffff, v56;
	v0 =	vsel vm0, s22, v0;
	v11 =	vmov s23;
	v4 =	vbroadcast v4, $0xF  }
0x197: {  	vm0 =	vlt.s32 v11, v0;
	vm1 =	vlt.f32 v13, v5;
	vm2 =	veq.f32 v13, v5  }
0x198: {  	s25 =	spop (v2sf);
	v11 =	vbroadcast v60, $0xF;
	vm0 =	vmand vm2, vm0;
	v60, _, _ =	vpop (xrf0);
	vm2 =	veq.f32 v55, v4  }
0x199: {  	s22 =	sxor.u32 $0x80000000, s25;
	vm0 =	vmor vm1, vm0;
	(v2sf) =	vpush v60, $0xF;
	v57 =	vnsel vm2, $0xC0000000, v40  }
0x19a: {  	v5 =	vsel vm0, v13, v5;
	v0 =	vsel vm0, s23, v0;
	v13 =	vmov s22;
	(xrf0) =	vmin.scan.msk.u32 $0xffff, v57  }
0x19b: {  	vm0 =	vlt.s32 v13, v0;
	vm1 =	veq.f32 v16, v5;
	vm3 =	vlt.f32 v16, v5  }
0x19c: {  	v13 =	vbroadcast v62, $0xF;
	vm2 =	veq.f32 v2, v11;
	v2, _, _ =	vpop (xrf0);
	vm0 =	vmand vm1, vm0;
	s26 =	spop (v2sf)  }
0x19d: {  	(v2sf) =	vpush v2, $0xF;
	v2 =	vnsel vm2, $0xC0000000, v38;
	vm0 =	vmor vm3, vm0;
	s23 =	sxor.u32 $0x80000000, s26  }
0x19e: {  	(xrf0) =	vmin.scan.msk.u32 $0xffff, v2;
	v2 =	vsel vm0, v16, v5;
	v0 =	vsel vm0, s22, v0;
	v5 =	vmov s23  }
0x19f: {  	vm0 =	vlt.s32 v5, v0;
	vm2 =	veq.f32 v59, v2  }
0x1a0: {  	v31 =	vxor.u32 $0x80000000, v25;
	v5 =	vld [tilespmem:$0x1FEB0];
	vm0 =	vmand vm2, vm0;
	vm2 =	veq.f32 v51, v13;
	s28 =	spop (v2sf);
	v16, _, _ =	vpop (xrf0)  }
0x1a1: {  	s22 =	sxor.u32 $0x80000000, s28;
	(v2sf) =	vpush v16, $0xF;
	v16 =	vnsel vm2, $0xC0000000, v31  }
0x1a2: {  	vm1 =	vlt.f32 v59, v2;
	(xrf0) =	vmin.scan.msk.u32 $0xffff, v16;
	v16 =	vmov s22  }
0x1a3: {  	vm0 =	vmor vm1, vm0  }
0x1a4: {  	v26 =	vxor.u32 $0x80000000, v29;
	v2 =	vsel vm0, v59, v2;
	v0 =	vsel vm0, s23, v0  }
0x1a5: {  	vm0 =	veq.f32 v63, v2;
	s29 =	spop (v2sf);
	v5 =	vbroadcast v5, $0xF;
	vm1 =	vlt.s32 v16, v0;
	v16, _, _ =	vpop (xrf0)  }
0x1a6: {  	vm3 =	vlt.f32 v63, v2;
	s23 =	sxor.u32 $0x80000000, s29;
	vm0 =	vmand vm0, vm1;
	(v2sf) =	vpush v16, $0xF;
	v16 =	vld [tilespmem:$0x1FEC0]  }
0x1a7: {  	v60 =	vmov s23;
	vm2 =	veq.f32 v61, v5;
	vm0 =	vmor vm3, vm0  }
0x1a8: {  	v59 =	vnsel vm2, $0xC0000000, v26;
	v2 =	vsel vm0, v63, v2;
	v0 =	vsel vm0, s22, v0  }
0x1a9: {  	(xrf0) =	vmin.scan.msk.u32 $0xffff, v59;
	vm0 =	vlt.s32 v60, v0;
	vm2 =	veq.f32 v1, v2  }
0x1aa: {  	s30 =	spop (v2sf);
	vm1 =	vlt.f32 v1, v2;
	vm0 =	vmand vm2, vm0  }
0x1ab: {  	s22 =	sxor.u32 $0x80000000, s30;
	vm0 =	vmor vm1, vm0;
	v16 =	vbroadcast v16, $0xF  }
0x1ac: {  	v62 =	vld [tilespmem:$0x1FF40];
	v1 =	vsel vm0, v1, v2;
	v2 =	vmov s22  }
0x1ad: {  	vm2 =	veq.f32 v3, v16;
	v3 =	vld [tilespmem:$0x1FED0]  }
0x1ae: {  	v61, _, _ =	vpop (xrf0);
	v0 =	vsel vm0, s23, v0  }
0x1af: {  	(v2sf) =	vpush v61, $0xF;
	vm0 =	vlt.s32 v2, v0;
	v2, _, _ =	vpop (xrf0)  }
0x1b0: {  	s31 =	spop (v2sf);
	(v2sf) =	vpush v2, $0xF;
	v2 =	vld [tilespmem:$0x1FF50];
	_ =	sdelay $0x1  }
0x1b1: {  	v51 =	vnsel vm2, $0xC0000000, v62;
	v3 =	vbroadcast v3, $0xF  }
0x1b2: {  	(xrf0) =	vmin.scan.msk.u32 $0xffff, v51  }
0x1b3: {  	vm2 =	veq.f32 v52, v3  }
0x1b4: {  	s23 =	sxor.u32 $0x80000000, s31;
	vm1 =	veq.f32 v54, v1;
	v2 =	vnsel vm2, $0xC0000000, v2  }
0x1b5: {  	vm3 =	vlt.f32 v54, v1;
	vm0 =	vmand vm1, vm0;
	(xrf0) =	vmin.scan.msk.u32 $0xffff, v2;
	v2 =	vmov s23  }
0x1b6: {  	v63 =	vld [tilespmem:$0x1FEE0];
	vm0 =	vmor vm3, vm0  }
0x1b7: {  	v0 =	vsel vm0, s22, v0  }
0x1b8: {  	v1 =	vsel vm0, v54, v1;
	vm0 =	vlt.s32 v2, v0;
	v2, _, _ =	vpop (xrf0)  }
0x1b9: {  	s24 =	spop (v2sf);
	(v2sf) =	vpush v2, $0xF;
	v2 =	vld [tilespmem:$0x1FF60];
	_ =	sdelay $0x1  }
0x1ba: {  	v51 =	vbroadcast v63, $0xF;
	_ =	sdelay $0x1  }
0x1bb: {  	vm1 =	veq.f32 v53, v1;
	vm2 =	veq.f32 v58, v51  }
0x1bc: {  	vm3 =	vlt.f32 v53, v1;
	s22 =	sxor.u32 $0x80000000, s24;
	vm0 =	vmand vm1, vm0;
	v2 =	vnsel vm2, $0xC0000000, v2  }
0x1bd: {  	vm0 =	vmor vm3, vm0;
	(xrf0) =	vmin.scan.msk.u32 $0xffff, v2;
	v2 =	vmov s22  }
0x1be: {  	v1 =	vsel vm0, v53, v1;
	v0 =	vsel vm0, s23, v0  }
0x1bf: {  	s25 =	spop (v2sf);
	vm0 =	veq.f32 v4, v1;
	vm1 =	vlt.s32 v2, v0  }
0x1c0: {  	s23 =	sxor.u32 $0x80000000, s25;
	vm2 =	vlt.f32 v4, v1;
	vm0 =	vmand vm0, vm1;
	v2, _, _ =	vpop (xrf0)  }
0x1c1: {  	vm0 =	vmor vm2, vm0;
	(v2sf) =	vpush v2, $0xF;
	v2 =	vmov s23  }
0x1c2: {  	v1 =	vsel vm0, v4, v1;
	v0 =	vsel vm0, s22, v0  }
0x1c3: {  	vm0 =	veq.f32 v11, v1;
	vm1 =	vlt.s32 v2, v0  }
0x1c4: {  	s26 =	spop (v2sf);
	vm2 =	vlt.f32 v11, v1;
	vm0 =	vmand vm0, vm1;
	v2, _, _ =	vpop (xrf0)  }
0x1c5: {  	s22 =	sxor.u32 $0x80000000, s26;
	vm0 =	vmor vm2, vm0;
	(v2sf) =	vpush v2, $0xF  }
0x1c6: {  	v1 =	vsel vm0, v11, v1;
	v0 =	vsel vm0, s23, v0;
	v2 =	vmov s22  }
0x1c7: {  	vm0 =	vlt.s32 v2, v0;
	vm1 =	veq.f32 v13, v1  }
0x1c8: {  	s28 =	spop (v2sf);
	vm2 =	vlt.f32 v13, v1;
	vm0 =	vmand vm1, vm0  }
0x1c9: {  	s23 =	sxor.u32 $0x80000000, s28;
	vm0 =	vmor vm2, vm0  }
0x1ca: {  	v2 =	vmov s23;
	v1 =	vsel vm0, v13, v1;
	v0 =	vsel vm0, s22, v0  }
0x1cb: {  	vm0 =	vlt.s32 v2, v0;
	vm1 =	veq.f32 v5, v1  }
0x1cc: {  	s29 =	spop (v2sf);
	vm2 =	vlt.f32 v5, v1;
	vm0 =	vmand vm1, vm0  }
0x1cd: {  	s22 =	sxor.u32 $0x80000000, s29;
	vm0 =	vmor vm2, vm0  }
0x1ce: {  	v2 =	vmov s22;
	v1 =	vsel vm0, v5, v1;
	v0 =	vsel vm0, s23, v0  }
0x1cf: {  	vm0 =	vlt.s32 v2, v0;
	vm1 =	veq.f32 v16, v1  }
0x1d0: {  	vm2 =	vlt.f32 v16, v1;
	vm0 =	vmand vm1, vm0;
	s30 =	spop (v2sf)  }
0x1d1: {  	vm0 =	vmor vm2, vm0;
	s23 =	sxor.u32 $0x80000000, s30  }
0x1d2: {  	v1 =	vsel vm0, v16, v1;
	v0 =	vsel vm0, s22, v0;
	v2 =	vmov s23  }
0x1d3: {  	vm0 =	veq.f32 v3, v1;
	vm1 =	vlt.s32 v2, v0  }
0x1d4: {  	vm2 =	vlt.f32 v3, v1;
	s31 =	spop (v2sf);
	vm0 =	vmand vm0, vm1  }
0x1d5: {  	vm0 =	vmor vm2, vm0;
	s22 =	sxor.u32 $0x80000000, s31  }
0x1d6: {  	v1 =	vsel vm0, v3, v1;
	v0 =	vsel vm0, s23, v0;
	v2 =	vmov s22  }
0x1d7: {  	vm0 =	veq.f32 v51, v1;
	vm1 =	vlt.s32 v2, v0  }
0x1d8: {  	vm2 =	vlt.f32 v51, v1;
	vm0 =	vmand vm0, vm1  }
0x1d9: {  	vm0 =	vmor vm2, vm0  }
0x1da: {  	v53 =	vsel vm0, v51, v1;
	v54 =	vsel vm0, s22, v0  }
0x1db: {  	v0 =	vimm.s32 $0x0;
	vm0 =	vgt.f32 v12, v53;
	vm1 =	vgt.f32 v14, v53  }
0x1dc: {  	vm2 =	veq.f32 v6, v53;
	vm3 =	vgt.s32 v20, v54;
	v0 =	vsel vm1, $0xFFFFFFFF, v0  }
0x1dd: {  	vm5 =	vgt.s32 v21, v54;
	vm1 =	vgt.s32 v43, v54;
	[tilespmem:$0x1FEF0] =	vst v0;
	v0 =	vimm.s32 $0x0  }
0x1de: {  	vm14 =	vgt.f32 v6, v53;
	vm2 =	vmand vm2, vm3;
	v0 =	vsel vm1, $0xFFFFFFFF, v0  }
0x1df: {  	vm3 =	veq.f32 v12, v53;
	vm1 =	veq.f32 v14, v53;
	[tilespmem:$0x1FF00] =	vst v0;
	v0 =	vimm.s32 $0x0  }
0x1e0: {  	vm2 =	vmor vm14, vm2;
	vm3 =	vmand vm3, vm5;
	v0 =	vsel vm1, $0xFFFFFFFF, v0  }
0x1e1: {  	vm5 =	vgt.s32 v19, v54;
	vm1 =	vgt.f32 v33, v53;
	[tilespmem:$0x1FF10] =	vst v0;
	v0 =	vimm.s32 $0x0  }
0x1e2: {  	vm14 =	vmor vm0, vm3;
	v0 =	vsel vm1, $0xFFFFFFFF, v0;
	vm1 =	veq.f32 v7, v53  }
0x1e3: {  	vm3 =	vgt.s32 v23, v54;
	vm0 =	vmand vm1, vm5;
	vm1 =	veq.f32 v10, v53  }
0x1e4: {  	v1 =	vimm.s32 $0x0;
	vm5 =	vmand vm1, vm3;
	vm1 =	vgt.f32 v37, v53  }
0x1e5: {  	v1 =	vsel vm1, $0xFFFFFFFF, v1  }
0x1e6: {  	[tilespmem:$0x1FF30] =	vst v1;
	v1 =	vld [tilespmem:$0x1FF90]  }
0x1e7: {  	vm9 =	veq.f32 v15, v53;
	vm8 =	vgt.s32 v32, v54  }
0x1e8: {  	vm6 =	vgt.f32 v17, v53;
	vm12 =	vgt.f32 v9, v53;
	vm13 =	vgt.s32 v24, v54  }
0x1e9: {  	vm10 =	veq.f32 v33, v53;
	vm11 =	vgt.f32 v15, v53;
	vm15 =	vgt.s32 v28, v54  }
0x1ea: {  	vm7 =	vgt.s32 v18, v54;
	v51 =	vld.idx.msk [tilespmem:v54+s4+$0x0], $0xffff;
	[tilespmem:$0x1FF20] =	vst v0;
	v0 =	vnsel vm2, $0x7F800000, v6;
	vm2 =	vgt.f32 v7, v53  }
0x1eb: {  	s22 =	simm.s32 $0xE;
	v52 =	vld.idx.msk [tilespmem:v54+s10+$0x0], $0xffff;
	vm2 =	vmor vm2, vm0;
	vm0 =	veq.f32 v9, v53;
	(xrf0) =	vmin.scan.msk.f32 $0xffff, v0;
	vm1 =	vgt.s32 v1, v54  }
.LBB2_7:
0x1ec: {  	v2 =	vld [tilespmem:$0x1FFE0];
	_ =	sdelay $0x4  }
0x1ed: {  	v1 =	vnsel vm2, $0x7F800000, v7;
	vm2 =	vgt.s32 v2, v54;
	v2 =	vld [tilespmem:$0x1FFB0];
	v3, _, _ =	vpop (xrf0)  }
0x1ee: {  	v60 =	vbroadcast v3, $0xF;
	v3 =	vld [tilespmem:$0x1FF20]  }
0x1ef: {  	vm3 =	veq.f32 v17, v53;
	vm0 =	vmand vm0, vm1;
	vm1 =	vmand vm9, vm2  }
0x1f0: {  	vm2 =	vmand vm3, vm8;
	vm8 =	vmor vm11, vm1;
	vm1 =	veq.f32 v30, v53  }
0x1f1: {  	vm0 =	vmor vm12, vm0;
	vm9 =	vgt.f32 v30, v53;
	vm1 =	vmand vm1, vm13  }
0x1f2: {  	(xrf0) =	vmin.scan.msk.f32 $0xffff, v1;
	vm3 =	vgt.s32 v2, v54;
	v2 =	vnsel vm0, $0x7F800000, v9;
	vm0 =	vmor vm9, vm1  }
0x1f3: {  	v58 =	vnsel vm0, $0x7F800000, v30;
	vm0 =	vnez.u8 v3;
	v3 =	vld [tilespmem:$0x1FF10];
	_ =	sdelay $0x3  }
0x1f4: {  	vm1 =	vmand vm10, vm15  }
0x1f5: {  	(xrf0) =	vmin.scan.msk.f32 $0xffff, v2;
	vm0 =	vmor vm0, vm1;
	vm1 =	vnez.u8 v3;
	v3, _, _ =	vpop (xrf0)  }
0x1f6: {  	(xrf0) =	vmin.scan.msk.f32 $0xffff, v58;
	v55 =	vnsel vm0, $0x7F800000, v33;
	v59 =	vbroadcast v3, $0xF;
	v3 =	vld [tilespmem:$0x1FEF0]  }
0x1f7: {  	vm4 =	veq.f32 v36, v53;
	vm0 =	veq.f32 v0, v60;
	v0 =	vnsel vm14, $0x7F800000, v12;
	(xrf0) =	vmin.scan.msk.f32 $0xffff, v55  }
0x1f8: {  	vm2 =	vmor vm6, vm2;
	vm6 =	vgt.s32 v25, v54;
	v4 =	vnsel vm0, $0xC0000000, v50;
	(xrf0) =	vmin.scan.msk.f32 $0xffff, v0  }
0x1f9: {  	vm4 =	vmand vm4, vm6;
	vm1 =	vmand vm1, vm3;
	(xrf0) =	vmin.scan.msk.u32 $0xffff, v4;
	vm3 =	veq.f32 v1, v59  }
0x1fa: {  	vm9 =	vmmov vm7;
	v1 =	vnsel vm3, $0xC0000000, v49;
	vm3 =	vgt.f32 v36, v53  }
0x1fb: {  	vm7 =	vgt.f32 v39, v53;
	v4, _, _ =	vpop (xrf0);
	vm3 =	vmor vm3, vm4;
	vm0 =	vnez.u8 v3  }
0x1fc: {  	v19, _, _ =	vpop (xrf0);
	vm4 =	vgt.s32 v29, v54;
	(xrf0) =	vmin.scan.msk.u32 $0xffff, v1;
	vm0 =	vmor vm0, vm1;
	vm1 =	veq.f32 v39, v53  }
0x1fd: {  	v61 =	vbroadcast v4, $0xF;
	v16, _, _ =	vpop (xrf0);
	v3 =	vnsel vm0, $0x7F800000, v14;
	vm1 =	vmand vm1, vm4  }
0x1fe: {  	[tilespmem:v51+s15+$0x0] =	vst.idx.add.f32.msk $0x1, v52;
	v56 =	vnsel vm3, $0x7F800000, v36;
	v1, _, _ =	vpop (xrf0);
	vm1 =	vmor vm7, vm1;
	(xrf0) =	vmin.scan.msk.f32 $0xffff, v3  }
0x1ff: {  	vm4 =	veq.f32 v2, v61;
	v2, _, _ =	vpop (xrf0);
	vm7 =	vgt.f32 v10, v53;
	v51 =	vnsel vm1, $0x7F800000, v39;
	(xrf0) =	vmin.scan.msk.f32 $0xffff, v56  }
0x200: {  	vm6 =	vgt.s32 v27, v54;
	v4 =	vnsel vm4, $0xC0000000, v48;
	vm1 =	vmor vm7, vm5;
	(xrf0) =	vmin.scan.msk.f32 $0xffff, v51  }
0x201: {  	vm3 =	veq.f32 v35, v53;
	v62 =	vbroadcast v1, $0xF;
	v5 =	vnsel vm1, $0x7F800000, v10;
	(xrf0) =	vmin.scan.msk.u32 $0xffff, v4  }
0x202: {  	vm0 =	vgt.f32 v35, v53;
	vm1 =	vmand vm3, vm6;
	v1, _, _ =	vpop (xrf0);
	(xrf0) =	vmin.scan.msk.f32 $0xffff, v5  }
0x203: {  	(v2sf) =	vpush v2, $0xF;
	vm0 =	vmor vm0, vm1;
	vm1 =	veq.f32 v0, v62  }
0x204: {  	(v2sf) =	vpush v1, $0xF;
	v0 =	vnsel vm1, $0xC0000000, v47;
	v1, _, _ =	vpop (xrf0)  }
0x205: {  	v18 =	vnsel vm8, $0x7F800000, v15;
	v11, _, _ =	vpop (xrf0)  }
0x206: {  	(xrf0) =	vmin.scan.msk.f32 $0xffff, v18;
	v4, _, _ =	vpop (xrf0)  }
0x207: {  	(xrf0) =	vmin.scan.msk.u32 $0xffff, v0;
	v0, _, _ =	vpop (xrf0)  }
0x208: {  	vm4 =	vgt.f32 v8, v53;
	vm3 =	veq.f32 v8, v53;
	(v2sf) =	vpush v0, $0xF;
	v0, _, _ =	vpop (xrf0)  }
0x209: {  	vm3 =	vmand vm3, vm9;
	v2 =	vbroadcast v1, $0xF;
	v1 =	vbroadcast v0, $0xF;
	v0 =	vld [tilespmem:$0x1FF00]  }
0x20a: {  	vm1 =	vmor vm4, vm3;
	v57 =	vnsel vm0, $0x7F800000, v35  }
0x20b: {  	vm0 =	veq.f32 v34, v53;
	v63 =	vnsel vm1, $0x7F800000, v8;
	vm1 =	vgt.s32 v22, v54  }
0x20c: {  	vm5 =	vgt.f32 v34, v53;
	vm0 =	vmand vm0, vm1  }
0x20d: {  	vm0 =	vmor vm5, vm0  }
0x20e: {  	vm3 =	veq.f32 v37, v53;
	v53 =	vnsel vm0, $0x7F800000, v34;
	vm0 =	vnez.u8 v0;
	v0 =	vld [tilespmem:$0x1FF30];
	_ =	sdelay $0x1  }
0x20f: {  	(xrf0) =	vmin.scan.msk.f32 $0xffff, v63  }
0x210: {  	vm4 =	veq.f32 v3, v2  }
0x211: {  	(xrf0) =	vmin.scan.msk.f32 $0xffff, v57;
	v13 =	vnsel vm4, $0xC0000000, v46  }
0x212: {  	v21 =	vnsel vm2, $0x7F800000, v17;
	(xrf0) =	vmin.scan.msk.u32 $0xffff, v13;
	vm1 =	vmand vm3, vm0;
	vm2 =	vnez.u8 v0  }
0x213: {  	v3, _, _ =	vpop (xrf0);
	(xrf0) =	vmin.scan.msk.f32 $0xffff, v53;
	vm1 =	vmor vm2, vm1  }
0x214: {  	v0, _, _ =	vpop (xrf0);
	(xrf0) =	vmin.scan.msk.f32 $0xffff, v21;
	vm2 =	veq.f32 v5, v1;
	v52 =	vnsel vm1, $0x7F800000, v37  }
0x215: {  	(v2sf) =	vpush v0, $0xF;
	v0, _, _ =	vpop (xrf0);
	v5 =	vnsel vm2, $0xC0000000, v45;
	(xrf0) =	vmin.scan.msk.f32 $0xffff, v52  }
0x216: {  	v0 =	vbroadcast v0, $0xF;
	(xrf0) =	vmin.scan.msk.u32 $0xffff, v5  }
0x217: {  	v13, _, _ =	vpop (xrf0)  }
0x218: {  	s23 =	spop (v2sf);
	vm1 =	veq.f32 v63, v0;
	v5, _, _ =	vpop (xrf0)  }
0x219: {  	s23 =	sxor.u32 $0x80000000, s23;
	vm0 =	vlt.f32 v60, $+Inf;
	v54 =	vnsel vm1, $0xC0000000, v44;
	(v2sf) =	vpush v5, $0xF;
	v5, _, _ =	vpop (xrf0)  }
0x21a: {  	v20 =	vmov s23;
	v63 =	vbroadcast v3, $0xF;
	vm1 =	vgt.f32 v60, $+Inf;
	(xrf0) =	vmin.scan.msk.u32 $0xffff, v54;
	v23, _, _ =	vpop (xrf0)  }
0x21b: {  	vm2 =	vlt.s32 v20, $0x40000000;
	vm0 =	vmor vm1, vm0;
	vm1 =	veq.f32 v60, $+Inf;
	v3, _, _ =	vpop (xrf0)  }
0x21c: {  	s30 =	spop (v2sf);
	v54 =	vbroadcast v19, $0xF;
	vm1 =	vmand vm1, vm2;
	vm2 =	veq.f32 v18, v63;
	v18, _, _ =	vpop (xrf0)  }
0x21d: {  	s23 =	sxor.u32 $0x80000000, s30;
	vm0 =	vmor vm0, vm1;
	v19 =	vnsel vm2, $0xC0000000, v42;
	(v2sf) =	vpush v18, $0xF  }
0x21e: {  	v20 =	vnsel vm0, $0x40000000, v20;
	(xrf0) =	vmin.scan.msk.u32 $0xffff, v19;
	v18 =	vnsel vm0, $0x7F800000, v60;
	v60 =	vmov s23  }
0x21f: {  	vm0 =	vlt.f32 v59, v18;
	vm1 =	veq.f32 v59, v18;
	vm2 =	vlt.s32 v60, v20  }
0x220: {  	s24 =	spop (v2sf);
	vm1 =	vmand vm1, vm2;
	vm2 =	veq.f32 v58, v54;
	v58 =	vbroadcast v16, $0xF;
	v16, _, _ =	vpop (xrf0)  }
0x221: {  	s24 =	sxor.u32 $0x80000000, s24;
	vm0 =	vmor vm0, vm1;
	v19 =	vnsel vm2, $0xC0000000, v41;
	(v2sf) =	vpush v16, $0xF  }
0x222: {  	v16 =	vsel vm0, v59, v18;
	v18 =	vsel vm0, s23, v20;
	v20 =	vmov s24;
	(xrf0) =	vmin.scan.msk.u32 $0xffff, v19  }
0x223: {  	v60 =	vbroadcast v23, $0xF;
	vm1 =	veq.f32 v61, v16;
	vm2 =	vlt.s32 v20, v18  }
0x224: {  	vm0 =	vlt.f32 v61, v16;
	s31 =	spop (v2sf);
	vm1 =	vmand vm1, vm2;
	vm2 =	veq.f32 v55, v58;
	v19, _, _ =	vpop (xrf0)  }
0x225: {  	s23 =	sxor.u32 $0x80000000, s31;
	vm0 =	vmor vm0, vm1;
	v20 =	vnsel vm2, $0xC0000000, v40;
	(v2sf) =	vpush v19, $0xF  }
0x226: {  	v19 =	vmov s23;
	v16 =	vsel vm0, v61, v16;
	v18 =	vsel vm0, s24, v18;
	(xrf0) =	vmin.scan.msk.u32 $0xffff, v20  }
0x227: {  	vm2 =	veq.f32 v21, v60;
	vm0 =	veq.f32 v62, v16;
	vm1 =	vlt.s32 v19, v18  }
0x228: {  	v61 =	vbroadcast v11, $0xF;
	vm3 =	vlt.f32 v62, v16;
	vm0 =	vmand vm0, vm1;
	s25 =	spop (v2sf);
	v20, _, _ =	vpop (xrf0)  }
0x229: {  	v19 =	vnsel vm2, $0xC0000000, v38;
	vm0 =	vmor vm3, vm0;
	s24 =	sxor.u32 $0x80000000, s25;
	(v2sf) =	vpush v20, $0xF  }
0x22a: {  	(xrf0) =	vmin.scan.msk.u32 $0xffff, v19;
	v11 =	vsel vm0, v62, v16;
	v16 =	vsel vm0, s23, v18;
	v18 =	vmov s24  }
0x22b: {  	v62 =	vbroadcast v4, $0xF;
	vm1 =	veq.f32 v2, v11;
	vm2 =	vlt.s32 v18, v16  }
0x22c: {  	vm0 =	vlt.f32 v2, v11;
	vm1 =	vmand vm1, vm2;
	vm2 =	veq.f32 v56, v61;
	v4, _, _ =	vpop (xrf0);
	s26 =	spop (v2sf)  }
0x22d: {  	vm0 =	vmor vm0, vm1;
	v18 =	vnsel vm2, $0xC0000000, v31;
	(v2sf) =	vpush v4, $0xF;
	s23 =	sxor.u32 $0x80000000, s26  }
0x22e: {  	v4 =	vsel vm0, v2, v11;
	v11 =	vsel vm0, s24, v16;
	(xrf0) =	vmin.scan.msk.u32 $0xffff, v18;
	v16 =	vmov s23  }
0x22f: {  	vm1 =	veq.f32 v1, v4;
	vm2 =	vlt.s32 v16, v11  }
0x230: {  	v2, _, _ =	vpop (xrf0);
	vm0 =	vlt.f32 v1, v4;
	s28 =	spop (v2sf);
	vm1 =	vmand vm1, vm2  }
0x231: {  	(v2sf) =	vpush v2, $0xF;
	vm2 =	veq.f32 v51, v62;
	s24 =	sxor.u32 $0x80000000, s28;
	vm0 =	vmor vm0, vm1  }
0x232: {  	v4 =	vsel vm0, v1, v4;
	v11 =	vsel vm0, s23, v11;
	v1 =	vmov s24  }
0x233: {  	v16 =	vnsel vm2, $0xC0000000, v26;
	vm1 =	veq.f32 v0, v4;
	vm2 =	vlt.s32 v1, v11  }
0x234: {  	vm0 =	vlt.f32 v0, v4;
	v1 =	vbroadcast v5, $0xF;
	s29 =	spop (v2sf);
	v5, _, _ =	vpop (xrf0);
	vm1 =	vmand vm1, vm2  }
0x235: {  	v2 =	vbroadcast v13, $0xF;
	v13 =	vld [tilespmem:$0x1FF40];
	s23 =	sxor.u32 $0x80000000, s29;
	(v2sf) =	vpush v5, $0xF;
	vm0 =	vmor vm0, vm1  }
0x236: {  	v5 =	vmov s23;
	v0 =	vsel vm0, v0, v4;
	v4 =	vsel vm0, s24, v11  }
0x237: {  	(xrf0) =	vmin.scan.msk.u32 $0xffff, v16;
	vm1 =	vlt.s32 v5, v4;
	v5 =	vld [tilespmem:$0x1FF50];
	_ =	sdelay $0x1  }
0x238: {  	vm2 =	veq.f32 v57, v2  }
0x239: {  	v13 =	vnsel vm2, $0xC0000000, v13;
	vm0 =	veq.f32 v63, v0  }
0x23a: {  	vm2 =	veq.f32 v53, v1;
	vm3 =	vlt.f32 v63, v0;
	s30 =	spop (v2sf);
	vm0 =	vmand vm0, vm1  }
0x23b: {  	(xrf0) =	vmin.scan.msk.u32 $0xffff, v13;
	s24 =	sxor.u32 $0x80000000, s30;
	vm0 =	vmor vm3, vm0;
	v5 =	vnsel vm2, $0xC0000000, v5  }
0x23c: {  	v11, _, _ =	vpop (xrf0);
	v4 =	vsel vm0, s23, v4;
	(xrf0) =	vmin.scan.msk.u32 $0xffff, v5;
	v5 =	vmov s24  }
0x23d: {  	vm1 =	vlt.s32 v5, v4;
	v5 =	vld [tilespmem:$0x1FF60]  }
0x23e: {  	(v2sf) =	vpush v11, $0xF  }
0x23f: {  	v3 =	vbroadcast v3, $0xF;
	v0 =	vsel vm0, v63, v0  }
0x240: {  	vm0 =	veq.f32 v54, v0  }
0x241: {  	vm3 =	vlt.f32 v54, v0;
	s31 =	spop (v2sf);
	vm2 =	veq.f32 v52, v3;
	v11, _, _ =	vpop (xrf0);
	vm0 =	vmand vm0, vm1  }
0x242: {  	s23 =	sxor.u32 $0x80000000, s31;
	(v2sf) =	vpush v11, $0xF;
	vm0 =	vmor vm3, vm0;
	v5 =	vnsel vm2, $0xC0000000, v5  }
0x243: {  	v11 =	vmov s23;
	v0 =	vsel vm0, v54, v0;
	v4 =	vsel vm0, s24, v4;
	(xrf0) =	vmin.scan.msk.u32 $0xffff, v5  }
0x244: {  	vm0 =	veq.f32 v58, v0;
	vm1 =	vlt.s32 v11, v4  }
0x245: {  	s25 =	spop (v2sf);
	vm2 =	vlt.f32 v58, v0;
	vm0 =	vmand vm0, vm1;
	v5, _, _ =	vpop (xrf0)  }
0x246: {  	s24 =	sxor.u32 $0x80000000, s25;
	vm0 =	vmor vm2, vm0;
	(v2sf) =	vpush v5, $0xF  }
0x247: {  	v11 =	vmov s24;
	v0 =	vsel vm0, v58, v0;
	v4 =	vsel vm0, s23, v4  }
0x248: {  	vm0 =	veq.f32 v60, v0;
	vm1 =	vlt.s32 v11, v4  }
0x249: {  	s26 =	spop (v2sf);
	vm2 =	vlt.f32 v60, v0;
	vm0 =	vmand vm0, vm1;
	v5, _, _ =	vpop (xrf0)  }
0x24a: {  	s23 =	sxor.u32 $0x80000000, s26;
	vm0 =	vmor vm2, vm0;
	(v2sf) =	vpush v5, $0xF  }
0x24b: {  	v0 =	vsel vm0, v60, v0;
	v4 =	vsel vm0, s24, v4;
	v5 =	vmov s23  }
0x24c: {  	vm0 =	veq.f32 v61, v0;
	vm1 =	vlt.s32 v5, v4  }
0x24d: {  	s28 =	spop (v2sf);
	vm2 =	vlt.f32 v61, v0;
	vm0 =	vmand vm0, vm1  }
0x24e: {  	s24 =	sxor.u32 $0x80000000, s28;
	vm0 =	vmor vm2, vm0  }
0x24f: {  	v5 =	vmov s24;
	v0 =	vsel vm0, v61, v0;
	v4 =	vsel vm0, s23, v4  }
0x250: {  	vm0 =	veq.f32 v62, v0;
	vm1 =	vlt.s32 v5, v4  }
0x251: {  	s29 =	spop (v2sf);
	vm2 =	vlt.f32 v62, v0;
	vm0 =	vmand vm0, vm1  }
0x252: {  	s23 =	sxor.u32 $0x80000000, s29;
	vm0 =	vmor vm2, vm0  }
0x253: {  	v5 =	vmov s23;
	v0 =	vsel vm0, v62, v0;
	v4 =	vsel vm0, s24, v4  }
0x254: {  	vm0 =	veq.f32 v2, v0;
	vm1 =	vlt.s32 v5, v4  }
0x255: {  	vm2 =	vlt.f32 v2, v0;
	vm0 =	vmand vm0, vm1;
	s30 =	spop (v2sf)  }
0x256: {  	vm0 =	vmor vm2, vm0;
	s24 =	sxor.u32 $0x80000000, s30  }
0x257: {  	v0 =	vsel vm0, v2, v0;
	v2 =	vsel vm0, s23, v4;
	v4 =	vmov s24  }
0x258: {  	vm0 =	veq.f32 v1, v0;
	vm1 =	vlt.s32 v4, v2  }
0x259: {  	vm2 =	vlt.f32 v1, v0;
	s31 =	spop (v2sf);
	vm0 =	vmand vm0, vm1  }
0x25a: {  	vm0 =	vmor vm2, vm0;
	s23 =	sxor.u32 $0x80000000, s31  }
0x25b: {  	v0 =	vsel vm0, v1, v0;
	v1 =	vsel vm0, s24, v2;
	v2 =	vmov s23  }
0x25c: {  	vm0 =	veq.f32 v3, v0;
	vm1 =	vlt.s32 v2, v1  }
0x25d: {  	vm2 =	vlt.f32 v3, v0;
	vm0 =	vmand vm0, vm1  }
0x25e: {  	vm0 =	vmor vm2, vm0  }
0x25f: {  	v53 =	vsel vm0, v3, v0  }
0x260: {  	v54 =	vsel vm0, s23, v1;
	v0 =	vimm.s32 $0x0;
	vm0 =	vgt.f32 v14, v53  }
0x261: {  	v0 =	vsel vm0, $0xFFFFFFFF, v0  }
0x262: {  	vm0 =	vgt.s32 v43, v54;
	[tilespmem:$0x1FEF0] =	vst v0;
	v0 =	vimm.s32 $0x0  }
0x263: {  	v0 =	vsel vm0, $0xFFFFFFFF, v0  }
0x264: {  	vm0 =	veq.f32 v14, v53;
	[tilespmem:$0x1FF00] =	vst v0;
	v0 =	vimm.s32 $0x0  }
0x265: {  	v0 =	vsel vm0, $0xFFFFFFFF, v0  }
0x266: {  	vm0 =	vgt.f32 v33, v53;
	[tilespmem:$0x1FF10] =	vst v0;
	v0 =	vimm.s32 $0x0  }
0x267: {  	v0 =	vsel vm0, $0xFFFFFFFF, v0  }
0x268: {  	[tilespmem:$0x1FF20] =	vst v0;
	v0 =	vld [tilespmem:$0x1FFA0];
	_ =	sdelay $0x4  }
0x269: {  	vm1 =	vgt.s32 v0, v54;
	v0 =	vld [tilespmem:$0x1FF80];
	_ =	sdelay $0x4  }
0x26a: {  	vm4 =	vgt.s32 v0, v54;
	v0 =	vld [tilespmem:$0x1FF70];
	_ =	sdelay $0x2  }
0x26b: {  	v1 =	vld [tilespmem:$0x1FF90];
	_ =	sdelay $0x1  }
0x26c: {  	vm6 =	vgt.f32 v37, v53;
	vm15 =	vgt.s32 v0, v54;
	v0 =	vimm.s32 $0x0  }
0x26d: {  	vm14 =	veq.f32 v6, v53;
	v0 =	vsel vm6, $0xFFFFFFFF, v0  }
0x26e: {  	vm6 =	vgt.f32 v6, v53;
	vm14 =	vmand vm14, vm15;
	vm15 =	veq.f32 v12, v53  }
0x26f: {  	vm6 =	vmor vm6, vm14;
	vm14 =	vmand vm15, vm1;
	vm1 =	vgt.s32 v1, v54;
	v1 =	vld [tilespmem:$0x1FFC0];
	_ =	sdelay $0x3  }
0x270: {  	vm9 =	veq.f32 v15, v53;
	vm8 =	vgt.s32 v32, v54;
	vm2 =	veq.f32 v7, v53  }
0x271: {  	p0 =	sne.s32 s22, $0x1;
	vm3 =	vgt.f32 v12, v53;
	vm2 =	vmand vm2, vm4;
	vm4 =	vgt.s32 v1, v54;
	v1 =	vld [tilespmem:$0x1FFD0]  }
.Ltmp3:
0x272: {  	vm7 =	vgt.f32 v17, v53;
	vm12 =	vgt.f32 v9, v53;
	vm13 =	vgt.s32 v24, v54;
	(pc) =	sbr.rel @p0 .LBB2_7-.Ltmp3, $4  }
0x273: {  	vm10 =	veq.f32 v33, v53;
	vm11 =	vgt.f32 v15, v53;
	vm5 =	vgt.f32 v7, v53  }
0x274: {  	vm0 =	veq.f32 v9, v53;
	vm2 =	vmor vm5, vm2;
	vm15 =	vgt.s32 v28, v54  }
0x275: {  	v51 =	vld.idx.msk [tilespmem:v54+s4+$0x0], $0xffff;
	[tilespmem:$0x1FF30] =	vst v0;
	v0 =	vnsel vm6, $0x7F800000, v6;
	vm14 =	vmor vm3, vm14;
	vm3 =	veq.f32 v10, v53  }
0x276: {  	s22 =	sadd.s32 $0xFFFFFFFF, s22;
	v52 =	vld.idx.msk [tilespmem:v54+s10+$0x0], $0xffff;
	vm6 =	vmmov vm7;
	(xrf0) =	vmin.scan.msk.f32 $0xffff, v0;
	vm5 =	vmand vm3, vm4;
	vm7 =	vgt.s32 v1, v54  }
0x277: {  	v2 =	vld [tilespmem:$0x1FFE0]  }
0x278: {  	v3 =	vld [tilespmem:$0x1FF20];
	_ =	sdelay $0x3  }
0x279: {  	vm0 =	vmand vm0, vm1;
	vm4 =	vgt.s32 v2, v54  }
0x27a: {  	vm1 =	vmand vm9, vm4;
	vm9 =	vmand vm10, vm15;
	vm10 =	vnez.u8 v3;
	v3 =	vld [tilespmem:$0x1FFB0];
	_ =	sdelay $0x2  }
0x27b: {  	v1 =	vnsel vm2, $0x7F800000, v7  }
0x27c: {  	v7 =	vld [tilespmem:$0x1FEF0];
	(xrf0) =	vmin.scan.msk.f32 $0xffff, v1;
	vm0 =	vmor vm12, vm0;
	vm4 =	veq.f32 v30, v53  }
0x27d: {  	vm2 =	vmand vm4, vm13;
	vm4 =	vgt.f32 v30, v53;
	vm12 =	vgt.s32 v3, v54;
	v3 =	vld [tilespmem:$0x1FF10]  }
0x27e: {  	v4 =	vnsel vm0, $0x7F800000, v9;
	v59, _, _ =	vpop (xrf0);
	vm2 =	vmor vm4, vm2  }
0x27f: {  	(xrf0) =	vmin.scan.msk.f32 $0xffff, v4;
	v11 =	vbroadcast v59, $0xF;
	vm0 =	vmor vm10, vm9;
	v6 =	vnsel vm2, $0x7F800000, v30  }
0x280: {  	vm3 =	veq.f32 v17, v53;
	v5 =	vnsel vm14, $0x7F800000, v12;
	v60 =	vnsel vm0, $0x7F800000, v33;
	(xrf0) =	vmin.scan.msk.f32 $0xffff, v6  }
0x281: {  	vm8 =	vmand vm3, vm8;
	vm14 =	vnez.u8 v7;
	vm15 =	veq.f32 v0, v11;
	(xrf0) =	vmin.scan.msk.f32 $0xffff, v60  }
0x282: {  	vm10 =	veq.f32 v36, v53;
	v0 =	vnsel vm15, $0xC0000000, v50;
	(xrf0) =	vmin.scan.msk.f32 $0xffff, v5;
	vm13 =	vnez.u8 v3;
	v3, _, _ =	vpop (xrf0)  }
0x283: {  	vm4 =	veq.f32 v8, v53;
	vm15 =	vgt.f32 v39, v53;
	(xrf0) =	vmin.scan.msk.u32 $0xffff, v0;
	v7 =	vbroadcast v3, $0xF  }
0x284: {  	vm0 =	vmand vm13, vm12;
	vm12 =	vgt.f32 v36, v53;
	vm13 =	veq.f32 v39, v53  }
0x285: {  	v62, _, _ =	vpop (xrf0);
	vm2 =	vmor vm14, vm0;
	vm0 =	vmor vm11, vm1;
	vm9 =	veq.f32 v1, v7  }
0x286: {  	vm11 =	vgt.s32 v25, v54;
	v13 =	vnsel vm2, $0x7F800000, v14;
	v14, _, _ =	vpop (xrf0);
	v61 =	vnsel vm9, $0xC0000000, v49  }
0x287: {  	vm14 =	vgt.s32 v29, v54;
	v9 =	vbroadcast v62, $0xF;
	vm2 =	vmand vm10, vm11;
	v16, _, _ =	vpop (xrf0);
	(xrf0) =	vmin.scan.msk.u32 $0xffff, v61  }
0x288: {  	vm10 =	vgt.f32 v10, v53;
	vm1 =	vmor vm12, vm2;
	vm2 =	vmand vm13, vm14;
	v30, _, _ =	vpop (xrf0)  }
0x289: {  	v15 =	vnsel vm0, $0x7F800000, v15;
	v63 =	vnsel vm1, $0x7F800000, v36;
	vm9 =	vmor vm15, vm2;
	(xrf0) =	vmin.scan.msk.f32 $0xffff, v13;
	v12, _, _ =	vpop (xrf0)  }
0x28a: {  	vm12 =	veq.f32 v4, v9;
	v3 =	vnsel vm9, $0x7F800000, v39;
	(xrf0) =	vmin.scan.msk.f32 $0xffff, v63;
	(v2sf) =	vpush v12, $0xF  }
0x28b: {  	vm0 =	vmand vm4, vm7;
	vm11 =	vmor vm10, vm5;
	v4 =	vnsel vm12, $0xC0000000, v48;
	(xrf0) =	vmin.scan.msk.f32 $0xffff, v3  }
0x28c: {  	vm7 =	vgt.f32 v8, v53;
	v18 =	vnsel vm11, $0x7F800000, v10;
	v10 =	vbroadcast v30, $0xF;
	(xrf0) =	vmin.scan.msk.u32 $0xffff, v4  }
0x28d: {  	vm13 =	vgt.s32 v27, v54;
	vm14 =	veq.f32 v35, v53;
	vm0 =	vmor vm7, vm0;
	v32, _, _ =	vpop (xrf0);
	(xrf0) =	vmin.scan.msk.f32 $0xffff, v18  }
0x28e: {  	vm10 =	vgt.s32 v22, v54;
	vm1 =	vmand vm14, vm13;
	vm5 =	veq.f32 v5, v10  }
0x28f: {  	v21 =	vld [tilespmem:$0x1FF00];
	vm15 =	vgt.f32 v35, v53;
	v5 =	vnsel vm5, $0xC0000000, v47;
	v4, _, _ =	vpop (xrf0);
	(xrf0) =	vmin.scan.msk.f32 $0xffff, v15;
	(v2sf) =	vpush v32, $0xF  }
0x290: {  	v8 =	vnsel vm0, $0x7F800000, v8;
	vm12 =	vgt.f32 v34, v53;
	v36 =	vld [tilespmem:$0x1FF30];
	v12 =	vbroadcast v4, $0xF;
	(xrf0) =	vmin.scan.msk.u32 $0xffff, v5;
	v19, _, _ =	vpop (xrf0)  }
0x291: {  	vm13 =	veq.f32 v37, v53;
	vm1 =	vmor vm15, vm1;
	vm9 =	veq.f32 v34, v53;
	(xrf0) =	vmin.scan.msk.f32 $0xffff, v8;
	v20, _, _ =	vpop (xrf0)  }
0x292: {  	vm0 =	vmand vm9, vm10;
	v4 =	vnsel vm1, $0x7F800000, v35;
	vm11 =	veq.f32 v13, v12;
	v5, _, _ =	vpop (xrf0)  }
0x293: {  	vm0 =	vmor vm12, vm0;
	(xrf0) =	vmin.scan.msk.f32 $0xffff, v4;
	v33 =	vnsel vm11, $0xC0000000, v46;
	(v2sf) =	vpush v5, $0xF;
	v13, _, _ =	vpop (xrf0)  }
0x294: {  	vm14 =	vnez.u8 v21;
	v5 =	vnsel vm0, $0x7F800000, v34;
	(xrf0) =	vmin.scan.msk.u32 $0xffff, v33;
	v34 =	vbroadcast v13, $0xF  }
0x295: {  	vm8 =	vmor vm6, vm8;
	vm15 =	vnez.u8 v36;
	vm0 =	vmand vm13, vm14;
	v13, _, _ =	vpop (xrf0)  }
0x296: {  	v35 =	vnsel vm8, $0x7F800000, v17;
	vm0 =	vmor vm15, vm0;
	(xrf0) =	vmin.scan.msk.f32 $0xffff, v5;
	v39, _, _ =	vpop (xrf0);
	vm4 =	veq.f32 v18, v34  }
0x297: {  	v37 =	vnsel vm0, $0x7F800000, v37;
	(xrf0) =	vmin.scan.msk.f32 $0xffff, v35;
	(v2sf) =	vpush v39, $0xF;
	v43 =	vnsel vm4, $0xC0000000, v45;
	v45, _, _ =	vpop (xrf0)  }
0x298: {  	(xrf0) =	vmin.scan.msk.f32 $0xffff, v37;
	v18 =	vbroadcast v45, $0xF  }
0x299: {  	(xrf0) =	vmin.scan.msk.u32 $0xffff, v43;
	v46, _, _ =	vpop (xrf0);
	s22 =	spop (v2sf)  }
0x29a: {  	vm6 =	vlt.f32 v11, $+Inf;
	s22 =	sxor.u32 $0x80000000, s22;
	vm5 =	veq.f32 v8, v18;
	v8, _, _ =	vpop (xrf0)  }
0x29b: {  	vm7 =	vgt.f32 v11, $+Inf;
	v47 =	vmov s22;
	(v2sf) =	vpush v8, $0xF  }
0x29c: {  	vm8 =	veq.f32 v11, $+Inf;
	vm0 =	vmor vm7, vm6;
	v24, _, _ =	vpop (xrf0);
	vm9 =	vlt.s32 v47, $0x40000000  }
0x29d: {  	v13 =	vbroadcast v13, $0xF;
	v23 =	vnsel vm5, $0xC0000000, v44;
	v48, _, _ =	vpop (xrf0);
	vm1 =	vmand vm8, vm9  }
0x29e: {  	(xrf0) =	vmin.scan.msk.u32 $0xffff, v23;
	v49, _, _ =	vpop (xrf0);
	s24 =	spop (v2sf);
	vm0 =	vmor vm0, vm1  }
0x29f: {  	vm10 =	veq.f32 v15, v13;
	v8 =	vbroadcast v14, $0xF;
	v14, _, _ =	vpop (xrf0);
	s22 =	sxor.u32 $0x80000000, s24;
	v11 =	vnsel vm0, $0x7F800000, v11  }
0x2a0: {  	(v2sf) =	vpush v14, $0xF;
	v14 =	vnsel vm0, $0x40000000, v47;
	v50 =	vmov s22  }
0x2a1: {  	v15 =	vnsel vm10, $0xC0000000, v42;
	vm12 =	veq.f32 v7, v11;
	vm13 =	vlt.s32 v50, v14  }
0x2a2: {  	(xrf0) =	vmin.scan.msk.u32 $0xffff, v15;
	vm14 =	veq.f32 v6, v8;
	vm11 =	vlt.f32 v7, v11;
	vm1 =	vmand vm12, vm13;
	s23 =	spop (v2sf)  }
0x2a3: {  	v6 =	vbroadcast v16, $0xF;
	v53 =	vnsel vm14, $0xC0000000, v41;
	vm0 =	vmor vm11, vm1;
	s23 =	sxor.u32 $0x80000000, s23  }
0x2a4: {  	v15, _, _ =	vpop (xrf0);
	v7 =	vsel vm0, v7, v11;
	v11 =	vsel vm0, s22, v14;
	v14 =	vmov s23  }
0x2a5: {  	(v2sf) =	vpush v15, $0xF;
	vm4 =	veq.f32 v9, v7;
	vm5 =	vlt.s32 v14, v11  }
0x2a6: {  	vm6 =	veq.f32 v60, v6;
	(xrf0) =	vmin.scan.msk.u32 $0xffff, v53;
	vm15 =	vlt.f32 v9, v7;
	vm1 =	vmand vm4, vm5;
	s25 =	spop (v2sf)  }
0x2a7: {  	v54 =	vbroadcast v48, $0xF;
	v15 =	vnsel vm6, $0xC0000000, v40;
	vm0 =	vmor vm15, vm1;
	s22 =	sxor.u32 $0x80000000, s25  }
0x2a8: {  	v14, _, _ =	vpop (xrf0);
	v7 =	vsel vm0, v9, v7;
	v9 =	vsel vm0, s23, v11;
	v11 =	vmov s22  }
0x2a9: {  	(xrf0) =	vmin.scan.msk.u32 $0xffff, v15;
	(v2sf) =	vpush v14, $0xF;
	vm7 =	veq.f32 v10, v7;
	vm8 =	vlt.s32 v11, v9  }
0x2aa: {  	vm10 =	vlt.f32 v10, v7;
	vm0 =	vmand vm7, vm8;
	s26 =	spop (v2sf)  }
0x2ab: {  	vm9 =	veq.f32 v35, v54;
	vm0 =	vmor vm10, vm0;
	s23 =	sxor.u32 $0x80000000, s26  }
0x2ac: {  	v15 =	vbroadcast v19, $0xF;
	v14, _, _ =	vpop (xrf0);
	v7 =	vsel vm0, v10, v7;
	v10 =	vmov s23  }
0x2ad: {  	v11 =	vnsel vm9, $0xC0000000, v38;
	(v2sf) =	vpush v14, $0xF;
	v9 =	vsel vm0, s22, v9  }
0x2ae: {  	v55 =	vbroadcast v20, $0xF;
	(xrf0) =	vmin.scan.msk.u32 $0xffff, v11;
	vm12 =	veq.f32 v12, v7;
	vm13 =	vlt.s32 v10, v9  }
0x2af: {  	vm14 =	veq.f32 v63, v15;
	vm11 =	vlt.f32 v12, v7;
	vm1 =	vmand vm12, vm13;
	s28 =	spop (v2sf);
	v10, _, _ =	vpop (xrf0)  }
0x2b0: {  	v11 =	vnsel vm14, $0xC0000000, v31;
	vm0 =	vmor vm11, vm1;
	s22 =	sxor.u32 $0x80000000, s28;
	(v2sf) =	vpush v10, $0xF  }
0x2b1: {  	v7 =	vsel vm0, v12, v7;
	v9 =	vsel vm0, s23, v9;
	v10 =	vmov s22  }
0x2b2: {  	(xrf0) =	vmin.scan.msk.u32 $0xffff, v11;
	vm4 =	veq.f32 v34, v7;
	vm5 =	vlt.s32 v10, v9  }
0x2b3: {  	vm6 =	veq.f32 v3, v55;
	vm15 =	vlt.f32 v34, v7;
	vm1 =	vmand vm4, vm5  }
0x2b4: {  	v3 =	vnsel vm6, $0xC0000000, v26;
	s29 =	spop (v2sf);
	v10, _, _ =	vpop (xrf0);
	vm0 =	vmor vm15, vm1  }
0x2b5: {  	s23 =	sxor.u32 $0x80000000, s29;
	(xrf0) =	vmin.scan.msk.u32 $0xffff, v3;
	v3 =	vbroadcast v24, $0xF;
	(v2sf) =	vpush v10, $0xF;
	v10 =	vbroadcast v46, $0xF  }
0x2b6: {  	v7 =	vsel vm0, v34, v7;
	v9 =	vsel vm0, s22, v9;
	v11 =	vmov s23  }
0x2b7: {  	vm7 =	vlt.f32 v18, v7;
	vm8 =	veq.f32 v18, v7;
	vm9 =	vlt.s32 v11, v9;
	v11 =	vld [tilespmem:$0x1FF40]  }
0x2b8: {  	vm13 =	veq.f32 v5, v3;
	v5 =	vld [tilespmem:$0x1FF50];
	vm1 =	vmand vm8, vm9;
	vm10 =	veq.f32 v4, v10;
	s30 =	spop (v2sf);
	v4, _, _ =	vpop (xrf0)  }
0x2b9: {  	vm0 =	vmor vm7, vm1;
	s22 =	sxor.u32 $0x80000000, s30;
	(v2sf) =	vpush v4, $0xF  }
0x2ba: {  	v4 =	vsel vm0, v18, v7;
	v7 =	vsel vm0, s23, v9;
	v9 =	vmov s22  }
0x2bb: {  	vm11 =	veq.f32 v13, v4;
	vm12 =	vlt.s32 v9, v7  }
0x2bc: {  	vm14 =	vlt.f32 v13, v4;
	s31 =	spop (v2sf);
	v11 =	vnsel vm10, $0xC0000000, v11;
	vm0 =	vmand vm11, vm12  }
0x2bd: {  	v5 =	vnsel vm13, $0xC0000000, v5;
	s23 =	sxor.u32 $0x80000000, s31;
	(xrf0) =	vmin.scan.msk.u32 $0xffff, v11;
	vm0 =	vmor vm14, vm0  }
0x2be: {  	v9, _, _ =	vpop (xrf0);
	(xrf0) =	vmin.scan.msk.u32 $0xffff, v5;
	v5 =	vsel vm0, s22, v7;
	v7 =	vmov s23  }
0x2bf: {  	v4 =	vsel vm0, v13, v4;
	vm4 =	vlt.s32 v7, v5;
	v7 =	vld [tilespmem:$0x1FF60]  }
0x2c0: {  	(v2sf) =	vpush v9, $0xF;
	vm15 =	veq.f32 v8, v4  }
0x2c1: {  	v11 =	vbroadcast v49, $0xF;
	vm6 =	vlt.f32 v8, v4;
	vm0 =	vmand vm15, vm4  }
0x2c2: {  	s24 =	spop (v2sf);
	vm0 =	vmor vm6, vm0  }
0x2c3: {  	vm5 =	veq.f32 v37, v11;
	s22 =	sxor.u32 $0x80000000, s24;
	v57 =	vsel vm0, v8, v4;
	v4 =	vsel vm0, s23, v5;
	v56, _, _ =	vpop (xrf0)  }
0x2c4: {  	v5 =	vmov s22;
	v7 =	vnsel vm5, $0xC0000000, v7;
	(v2sf) =	vpush v56, $0xF  }
0x2c5: {  	(xrf0) =	vmin.scan.msk.u32 $0xffff, v7  }
0x2c6: {  	vm7 =	veq.f32 v6, v57;
	vm8 =	vlt.s32 v5, v4;
	s25 =	spop (v2sf)  }
0x2c7: {  	vm9 =	vlt.f32 v6, v57;
	vm0 =	vmand vm7, vm8;
	v5, _, _ =	vpop (xrf0);
	s23 =	sxor.u32 $0x80000000, s25  }
0x2c8: {  	vm0 =	vmor vm9, vm0;
	(v2sf) =	vpush v5, $0xF;
	v5 =	vmov s23  }
0x2c9: {  	v1 =	vsel vm0, v6, v57;
	v4 =	vsel vm0, s22, v4  }
0x2ca: {  	vm10 =	veq.f32 v54, v1;
	vm11 =	vlt.s32 v5, v4  }
0x2cb: {  	vm12 =	vlt.f32 v54, v1;
	s26 =	spop (v2sf);
	vm0 =	vmand vm10, vm11;
	v5, _, _ =	vpop (xrf0)  }
0x2cc: {  	s22 =	sxor.u32 $0x80000000, s26;
	vm0 =	vmor vm12, vm0;
	(v2sf) =	vpush v5, $0xF  }
0x2cd: {  	v1 =	vsel vm0, v54, v1;
	v58 =	vsel vm0, s23, v4;
	v4 =	vmov s22  }
0x2ce: {  	vm13 =	veq.f32 v15, v1;
	vm14 =	vlt.s32 v4, v58  }
0x2cf: {  	vm15 =	vlt.f32 v15, v1;
	vm0 =	vmand vm13, vm14;
	s28 =	spop (v2sf)  }
0x2d0: {  	vm0 =	vmor vm15, vm0;
	s23 =	sxor.u32 $0x80000000, s28  }
0x2d1: {  	v1 =	vsel vm0, v15, v1;
	v2 =	vsel vm0, s22, v58;
	v4 =	vmov s23  }
0x2d2: {  	vm4 =	veq.f32 v55, v1;
	vm5 =	vlt.s32 v4, v2  }
0x2d3: {  	vm6 =	vlt.f32 v55, v1;
	vm0 =	vmand vm4, vm5;
	s29 =	spop (v2sf)  }
0x2d4: {  	vm0 =	vmor vm6, vm0;
	s22 =	sxor.u32 $0x80000000, s29  }
0x2d5: {  	v0 =	vsel vm0, v55, v1;
	v59 =	vsel vm0, s23, v2;
	v60 =	vmov s22  }
0x2d6: {  	vm7 =	veq.f32 v10, v0;
	vm8 =	vlt.s32 v60, v59  }
0x2d7: {  	vm9 =	vlt.f32 v10, v0;
	s30 =	spop (v2sf);
	vm0 =	vmand vm7, vm8  }
0x2d8: {  	s23 =	sxor.u32 $0x80000000, s30;
	vm0 =	vmor vm9, vm0  }
0x2d9: {  	v61 =	vmov s23;
	v0 =	vsel vm0, v10, v0;
	v1 =	vsel vm0, s22, v59  }
0x2da: {  	vm10 =	veq.f32 v3, v0;
	vm11 =	vlt.s32 v61, v1  }
0x2db: {  	vm12 =	vlt.f32 v3, v0;
	s31 =	spop (v2sf);
	vm0 =	vmand vm10, vm11  }
0x2dc: {  	vm0 =	vmor vm12, vm0;
	s22 =	sxor.u32 $0x80000000, s31  }
0x2dd: {  	v0 =	vsel vm0, v3, v0;
	v1 =	vsel vm0, s23, v1;
	v62 =	vmov s22  }
0x2de: {  	vm13 =	veq.f32 v11, v0;
	vm14 =	vlt.s32 v62, v1  }
0x2df: {  	vm15 =	vlt.f32 v11, v0;
	vm0 =	vmand vm13, vm14  }
0x2e0: {  	vm0 =	vmor vm15, vm0  }
0x2e1: {  	v63 =	vsel vm0, s22, v1;
	_ =	sdelay $0x3  }
0x2e2: {  	[tilespmem:v51+s15+$0x0] =	vst.idx.add.f32.msk $0x1, v52  }
0x2e3: {  	v1 =	vld.idx.msk [tilespmem:v63+s4+$0x0], $0xffff;
	_ =	sdelay $0x2  }
0x2e4: {  	v0 =	vld.idx.msk [tilespmem:v63+s10+$0x0], $0xffff;
	_ =	sdelay $0x3  }
0x2e5: {  	v13 =	vld [tilespmem:$0x1FFF0]  }
0x2e6: {  	v5 =	vlaneseq.u32;
	v11 =	vimm.f32 $0.0e+00;
	[tilespmem:v1+s15+$0x0] =	vst.idx.add.f32.msk $0x1, v0  }
.LBB2_9:
0x2e7: {  	s22 =	simm.s32 $0x18100  }
0x2e8: {  	v1 =	vld [tilespmem:s22+$0x0];
	_ =	sdelay $0x3  }
0x2e9: {  	v2 =	vimm.f32 $-Inf;
	s23 =	simm.s32 $0x0  }
0x2ea: {  	v0 =	vimm.s32 $0x40000000;
	s22 =	simm.s32 $0x10;
	v3 =	vor.u32 s23, v5;
	s23 =	simm.s32 $0x18110;
	vm0 =	vgt.f32 v1, v2  }
.LBB2_10:
0x2eb: {  	p0 =	sne.s32 s22, $0x3F0;
	v2 =	vsel vm0, v1, v2;
	v1 =	vld [tilespmem:s23+$0x0];
	v0 =	vsel vm0, v3, v0;
	s24 =	smov.u32 s22;
	s22 =	sadd.s32 $0x10, s22  }
.Ltmp4:
0x2ec: {  	(pc) =	sbr.rel @p0 .LBB2_10-.Ltmp4, $2  }
0x2ed: {  	_ =	sdelay $0x2  }
0x2ee: {  	s23 =	sadd.s32 $0x10, s23;
	v3 =	vor.u32 s24, v5;
	vm0 =	vgt.f32 v1, v2  }
0x2ef: {  	v1 =	vsel vm0, v1, v2  }
0x2f0: {  	(xrf0) =	vmax.scan.msk.f32 $0xffff, v1;
	_ =	sdelay $0x5  }
0x2f1: {  	v61, _, _ =	vpop (xrf0)  }
0x2f2: {  	v2 =	vbroadcast v61, $0xF  }
0x2f3: {  	v0 =	vsel vm0, v3, v0  }
0x2f4: {  	v0 =	vxor.u32 $0x80000000, v0;
	vm15 =	veq.f32 v1, v2  }
0x2f5: {  	v0 =	vnsel vm15, $0xC0000000, v0  }
0x2f6: {  	(xrf0) =	vmin.scan.msk.u32 $0xffff, v0;
	_ =	sdelay $0x5  }
0x2f7: {  	v0, _, _ =	vpop (xrf0)  }
0x2f8: {  	(v2sf) =	vpush v0, $0xF;
	_ =	sdelay $0xb  }
0x2f9: {  	s20 =	sadd.s32 $0x1, s20  }
0x2fa: {  	v62 =	vmov s21;
	p0 =	sne.s32 s20, $0x4  }
.Ltmp5:
0x2fb: {  	_ = 	snop;
	(pc) =	sbr.rel @p0 .LBB2_3-.Ltmp5, $4  }
0x2fc: {  	s31 =	spop (v2sf)  }
0x2fd: {  	s21 =	sxor.u32 $0x80000000, s31  }
0x2fe: {  	v63 =	vmov s21  }
0x2ff: {  	[tilespmem:v62+s16+$0x0] =	vst.idx.msk $0x1, v63  }
0x300: {  	s18 =	sadd.s32 $0x1, s18  }
0x301: {  	p0 =	sne.s32 s18, $0x4  }
.Ltmp6:
0x302: {  	_ = 	snop;
	(pc) =	sbr.rel @p0 .LBB2_2-.Ltmp6, $1  }
0x303: {  	_ =	sdelay $0x3  }
0x304: {  	s17 =	sadd.s32 $0x1, s17  }
0x305: {  	p0 =	sne.s32 s17, s8  }
.Ltmp7:
0x306: {  	_ = 	snop;
	(pc) =	sbr.rel @p0 .LBB2_1-.Ltmp7, $4  }
0x307: {  	[hbm4b:s7+s4] =	stream.linear.scatter [tilespmem:s16], [sflag:$0x1], $0x10, $0x38;
	[tilespmem:$0x18580] =	vst v63  }
0x308: {  	_ =	swait.ge [sflag:s9], $0x10  }
0x309: {  	[sflag:s9] =	ssyncset.done $0x0  }
0x30a: {  	[sflag:s9] =	ssyncadd.s32 $0xFFFFFFF0  }
0x30b: {  	_ =	sfence.sel $0x180000  }
0x30c: {  	[bflag:$0x0] =	sbarrier.arrive $0xFFFF  }
0x30d: {  	p0 =	sne.s32 s2, $0x0;
	_ =	strace $0x9000004A  }
0x30e: {  	s0 =	sadd.s32 @!p0 $0x100000, s0;
	[bflag:$0x2] =	sbarrier.arrive $0xFFFF  }
0x30f: {  	[sflag:s0] =	ssyncadd.tile.s32 @!p0 $0x1;
	_ =	shalt  }
.Lfunc_end2:
_tile_overlayer_lowered:
.L_overlay_start_2:
0x310: {  	(tag) =	ssettag $0x2  }
0x311: {  	s0 =	rddreg [dreg:$0x0];
	s2 =	stileid.u32  }
0x312: {  	s1 =	rddreg [dreg:$0x1];
	p0 =	sne.s32 s2, $0x0  }
0x313: {  	s3 =	rddreg [dreg:$0x2];
	[bflag:$0x3] =	sbarrier.arrive $0xFFFF;
	s2 =	simm.s32 @!p0 $0x1C01  }
0x314: {  	[timem:s3], [sflag:s2] =	dma.local @!p0 [hbm:s0], s1  }
0x315: {  	s0 =	simm.s32 @!p0 $0x1  }
0x316: {  	_ =	swait.ge @!p0 [sflag:s0], s1  }
0x317: {  	s1 =	ssub.s32 @!p0 $0x0, s1;
	[sflag:s0] =	ssyncset.done @!p0 $0x0  }
0x318: {  	[sflag:s0] =	ssyncadd.s32 @!p0 s1  }
0x319: {  	[bflag:$0x3] =	sbarrier.arrive $0xFFFF  }
0x31a: {  	_ =	shalt  }

</sc_bundles>
